<compile_context>
chip_gen: v7x
topology: tpu7x:2x2x1
jax: 0.10.2.dev20260603
libtpu: 0.0.44.dev20260713+nightly
codegen_flags: <defaults>
</compile_context>

<pallas_src>
import functools

import jax
import jax.numpy as jnp
from jax import lax
from jax.experimental import pallas as pl
from jax.experimental.pallas import tpu as pltpu
from jax.experimental.pallas import tpu_sc as plsc

F32 = jnp.float32

_NSUB = 16
_CH = 80
_GJ = 5
_SUP = _CH * _GJ
_GJS = 2
_SUPS = _CH * _GJS


def _lnrelu(x):
    m = jnp.mean(x, axis=-1, keepdims=True)
    xc = x - m
    v = jnp.mean(xc * xc, axis=-1, keepdims=True)
    return jnp.maximum(xc * lax.rsqrt(v + 1e-5), 0.0)


def _cmean(wt):
    return wt



def _mlpv_body(x_ref, w1t_ref, w2t_ref, o_ref):
    h = _lnrelu(jnp.dot(x_ref[...], w1t_ref[...], preferred_element_type=F32))
    o_ref[...] = _lnrelu(jnp.dot(h, w2t_ref[...], preferred_element_type=F32))


def _mlpv(x, w1t, w2t, blk):
    n, d = x.shape
    grid = n // blk
    return pl.pallas_call(
        _mlpv_body,
        grid=(grid,),
        in_specs=[
            pl.BlockSpec((blk, d), lambda i: (i, 0)),
            pl.BlockSpec(w1t.shape, lambda i: (0, 0)),
            pl.BlockSpec(w2t.shape, lambda i: (0, 0)),
        ],
        out_specs=pl.BlockSpec((blk, w2t.shape[1]), lambda i: (i, 0)),
        out_shape=jax.ShapeDtypeStruct((n, w2t.shape[1]), F32),
        compiler_params=pltpu.CompilerParams(dimension_semantics=("parallel",)),
    )(x, w1t, w2t)



def _gather_sc(hidden, idxp, idxc):
    n, d = hidden.shape
    e = idxp.shape[0]
    per_tile = e // _NSUB
    nit = per_tile // _SUP
    mesh = plsc.VectorSubcoreMesh(core_axis_name="c", subcore_axis_name="s")

    def body(hid_ref, ip_ref, ic_ref, ep_ref, ec_ref,
             i0, i1, i2, i3, i4, rows_v, sem_i, sem_g):
        cid = lax.axis_index("c")
        sid = lax.axis_index("s")
        idx_bufs = (i0, i1, i2, i3, i4)

        def run(idx_hbm, out_hbm):
            def step(i, carry):
                b0 = sid * per_tile + i * _SUP
                cps = [
                    pltpu.async_copy(idx_hbm.at[pl.ds(b0 + j * _CH, _CH)],
                                     idx_bufs[j], sem_i)
                    for j in range(_GJ)
                ]
                for c in cps:
                    c.wait()
                cps = [
                    pltpu.async_copy(hid_ref.at[idx_bufs[j]],
                                     rows_v.at[pl.ds(j * _CH, _CH)], sem_g)
                    for j in range(_GJ)
                ]
                for c in cps:
                    c.wait()
                pltpu.sync_copy(rows_v, out_hbm.at[pl.ds(b0, _SUP)])
                return carry

            lax.fori_loop(0, nit, step, 0)

        @pl.when(cid == 0)
        def _():
            run(ip_ref, ep_ref)

        @pl.when(cid == 1)
        def _():
            run(ic_ref, ec_ref)

    return pl.kernel(
        body,
        out_type=[
            jax.ShapeDtypeStruct((e, d), F32),
            jax.ShapeDtypeStruct((e, d), F32),
        ],
        mesh=mesh,
        scratch_types=[pltpu.VMEM((_CH,), jnp.int32)] * _GJ + [
            pltpu.VMEM((_SUP, d), F32),
            pltpu.SemaphoreType.DMA,
            pltpu.SemaphoreType.DMA,
        ],
    )(hidden, idxp, idxc)



def _edge_body(ep_ref, ec_ref, ip_ref, ic_ref,
               vw_ref, vz_ref, cvp_ref, cvc_ref,
               ap_ref, bp_ref, w2tp_ref,
               ac_ref, bc_ref, w2tc_ref,
               sp_ref, sc_ref):
    vw = vw_ref[...]
    vz = vz_ref[...]
    ipv = ip_ref[...]
    icv = ic_ref[...]
    k = ipv * lax.rsqrt(ipv * ipv * vw + 1e-5)
    qp = k * lax.rsqrt(k * k * vz + 1e-5)
    k = icv * lax.rsqrt(icv * icv * vw + 1e-5)
    qc = k * lax.rsqrt(k * k * vz + 1e-5)
    ep = ep_ref[...]
    ec = ec_ref[...]
    h = (jnp.dot(ec, ap_ref[...], preferred_element_type=F32)
         + jnp.dot(ep, bp_ref[...], preferred_element_type=F32)
         + qp * cvp_ref[...])
    sp_ref[...] = _lnrelu(jnp.dot(_lnrelu(h), w2tp_ref[...],
                                  preferred_element_type=F32))
    h = (jnp.dot(ep, ac_ref[...], preferred_element_type=F32)
         + jnp.dot(ec, bc_ref[...], preferred_element_type=F32)
         + qc * cvc_ref[...])
    sc_ref[...] = _lnrelu(jnp.dot(_lnrelu(h), w2tc_ref[...],
                                  preferred_element_type=F32))


def _edges_tc(ep, ec, indp, indc, vw, vz, cvp, cvc, ap, bp, w2tp,
              ac, bc, w2tc, blk):
    e, d = ep.shape
    grid = e // blk
    full = lambda a: pl.BlockSpec(a.shape, lambda i: (0, 0))
    return pl.pallas_call(
        _edge_body,
        grid=(grid,),
        in_specs=[
            pl.BlockSpec((blk, d), lambda i: (i, 0)),
            pl.BlockSpec((blk, d), lambda i: (i, 0)),
            pl.BlockSpec((blk, 1), lambda i: (i, 0)),
            pl.BlockSpec((blk, 1), lambda i: (i, 0)),
            full(vw), full(vz), full(cvp), full(cvc),
            full(ap), full(bp), full(w2tp),
            full(ac), full(bc), full(w2tc),
        ],
        out_specs=[
            pl.BlockSpec((blk, d), lambda i: (i, 0)),
            pl.BlockSpec((blk, d), lambda i: (i, 0)),
        ],
        out_shape=[
            jax.ShapeDtypeStruct((e, d), F32),
            jax.ShapeDtypeStruct((e, d), F32),
        ],
        compiler_params=pltpu.CompilerParams(dimension_semantics=("parallel",)),
    )(ep, ec, indp, indc, vw, vz, cvp, cvc, ap, bp, w2tp, ac, bc, w2tc)



def _scatter_sc(sp, sc, idxp, idxc, z_rows, ones_rows):
    e, d = sp.shape
    npad = z_rows.shape[0]
    per_tile = e // _NSUB
    nit = per_tile // _CH
    nit2 = nit // 2
    nrows = npad // _NSUB
    mesh = plsc.VectorSubcoreMesh(core_axis_name="c", subcore_axis_name="s")

    def body(sp_ref, sc_ref, ip_ref, ic_ref, z_ref, ones_ref,
             sump_ref, cntp_ref, sumc_ref, cntc_ref,
             ia, ib, ra, rb, ones_v, acc_sh,
             sem_i0, sem_i1, sem_r0, sem_r1):
        cid = lax.axis_index("c")
        sid = lax.axis_index("s")
        r0 = sid * nrows
        ibufs = (ia, ib)
        rbufs = (ra, rb)
        sem_i = (sem_i0, sem_i1)
        sem_r = (sem_r0, sem_r1)

        def zero_acc():
            pltpu.sync_copy(z_ref.at[pl.ds(r0, nrows)], acc_sh.at[pl.ds(r0, nrows)])

        def run(s_hbm, idx_hbm, sum_hbm, cnt_hbm):
            base = sid * per_tile

            def fire(i, p, with_rows):
                pltpu.async_copy(idx_hbm.at[pl.ds(base + i * _CH, _CH)],
                                 ibufs[p], sem_i[p])
                if with_rows:
                    pltpu.async_copy(s_hbm.at[pl.ds(base + i * _CH, _CH)],
                                     rbufs[p], sem_r[p])

            def wait(p, with_rows):
                pltpu.make_async_copy(idx_hbm.at[pl.ds(base, _CH)],
                                      ibufs[p], sem_i[p]).wait()
                if with_rows:
                    pltpu.make_async_copy(s_hbm.at[pl.ds(base, _CH)],
                                          rbufs[p], sem_r[p]).wait()

            def ring(with_rows, scat):
                fire(0, 0, with_rows)

                def step(t, carry):
                    i0 = 2 * t
                    wait(0, with_rows)
                    fire(i0 + 1, 1, with_rows)
                    scat(0)
                    wait(1, with_rows)

                    @pl.when(i0 + 2 < 2 * nit2)
                    def _():
                        fire(i0 + 2, 0, with_rows)

                    scat(1)
                    return carry

                lax.fori_loop(0, nit2, step, 0)
                if nit % 2:
                    fire(nit - 1, 0, with_rows)
                    wait(0, with_rows)
                    scat(0)

            zero_acc()
            pltpu.sync_copy(ones_ref, ones_v)
            plsc.subcore_barrier()
            ring(True,
                 lambda p: pltpu.sync_copy(rbufs[p], acc_sh.at[ibufs[p]],
                                           add=True))
            plsc.subcore_barrier()
            pltpu.sync_copy(acc_sh.at[pl.ds(r0, nrows)], sum_hbm.at[pl.ds(r0, nrows)])
            plsc.subcore_barrier()

            zero_acc()
            plsc.subcore_barrier()
            ring(False,
                 lambda p: pltpu.sync_copy(ones_v, acc_sh.at[ibufs[p]],
                                           add=True))
            plsc.subcore_barrier()
            pltpu.sync_copy(acc_sh.at[pl.ds(r0, nrows)], cnt_hbm.at[pl.ds(r0, nrows)])

        @pl.when(cid == 0)
        def _():
            run(sp_ref, ip_ref, sump_ref, cntp_ref)

        @pl.when(cid == 1)
        def _():
            run(sc_ref, ic_ref, sumc_ref, cntc_ref)

    return pl.kernel(
        body,
        out_type=[
            jax.ShapeDtypeStruct((npad, d), F32),
            jax.ShapeDtypeStruct((npad, d), F32),
            jax.ShapeDtypeStruct((npad, d), F32),
            jax.ShapeDtypeStruct((npad, d), F32),
        ],
        mesh=mesh,
        scratch_types=[
            pltpu.VMEM((_CH,), jnp.int32),
            pltpu.VMEM((_CH,), jnp.int32),
            pltpu.VMEM((_CH, d), F32),
            pltpu.VMEM((_CH, d), F32),
            pltpu.VMEM((_CH, d), F32),
            pltpu.VMEM_SHARED((npad, d), F32),
            pltpu.SemaphoreType.DMA,
            pltpu.SemaphoreType.DMA,
            pltpu.SemaphoreType.DMA,
            pltpu.SemaphoreType.DMA,
        ],
    )(sp, sc, idxp, idxc, z_rows, ones_rows)



def _final_body(hid_ref, sp1_ref, sp2_ref, cp1_ref, cp2_ref,
                sc1_ref, sc2_ref, cc1_ref, cc2_ref,
                pm_ref, cm_ref, st_ref, et_ref,
                aa_ref, ba_ref, ca_ref, w2ta_ref, o_ref):
    hid = hid_ref[...]
    cnt_p = cp1_ref[...][:, :1] + cp2_ref[...][:, :1]
    cnt_c = cc1_ref[...][:, :1] + cc2_ref[...][:, :1]
    s_p = (sp1_ref[...] + sp2_ref[...]) / jnp.maximum(cnt_p, 1.0)
    s_c = (sc1_ref[...] + sc2_ref[...]) / jnp.maximum(cnt_c, 1.0)
    s_p = s_p + pm_ref[...] * st_ref[...]
    s_c = s_c + cm_ref[...] * et_ref[...]
    h = (jnp.dot(hid, aa_ref[...], preferred_element_type=F32)
         + jnp.dot(s_p, ba_ref[...], preferred_element_type=F32)
         + jnp.dot(s_c, ca_ref[...], preferred_element_type=F32))
    h = _lnrelu(jnp.dot(_lnrelu(h), w2ta_ref[...], preferred_element_type=F32))
    o_ref[...] = jnp.maximum(hid + h, 0.0)


def _final_tc(hidden, sums, pm, cm, st, et, aa, ba, ca, w2ta, blk):
    n, d = hidden.shape
    grid = n // blk
    full = lambda a: pl.BlockSpec(a.shape, lambda i: (0, 0))
    row = lambda w: pl.BlockSpec((blk, w), lambda i: (i, 0))
    return pl.pallas_call(
        _final_body,
        grid=(grid,),
        in_specs=[row(d)] + [row(d)] * 8 + [
            row(1), row(1), full(st), full(et),
            full(aa), full(ba), full(ca), full(w2ta),
        ],
        out_specs=row(d),
        out_shape=jax.ShapeDtypeStruct((n, d), F32),
        compiler_params=pltpu.CompilerParams(dimension_semantics=("parallel",)),
    )(hidden, *sums, pm, cm, st, et, aa, ba, ca, w2ta)



def kernel(batch_token, edge_p_node, edge_c_node, edge_p_indicate,
           edge_c_indicate, p_mask, c_mask, start_token, end_token, params):
    n, d = batch_token.shape
    e = edge_p_node.shape[0]
    pV, pE, pp, pc, pa = (params["V"], params["E"], params["p"], params["c"],
                          params["aggr"])

    hidden = _mlpv(batch_token, _cmean(pV["W1"].T), _cmean(pV["W2"].T),
                   blk=1000)

    split = (e // 2 // 12800) * 12800
    npad = ((n + 8 * _NSUB - 1) // (8 * _NSUB)) * 8 * _NSUB
    z_rows = jnp.zeros((npad, d), F32)
    ones_rows = jnp.ones((_CH, d), F32)
    w1pt = _cmean(pp["W1"].T)
    w1ct = _cmean(pc["W1"].T)
    w2tp = _cmean(pp["W2"].T)
    w2tc = _cmean(pc["W2"].T)
    indp = edge_p_indicate.reshape(e, 1)
    indc = edge_c_indicate.reshape(e, 1)

    w = pE["W1"][:, 0]
    wc = w - jnp.mean(w)
    vw = jnp.mean(wc * wc).reshape(1, 1)
    ur = jnp.maximum(wc, 0.0)
    z = ur @ pE["W2"].T
    zc = z - jnp.mean(z)
    vz = jnp.mean(zc * zc).reshape(1, 1)
    zr = jnp.maximum(zc, 0.0)
    cvp = (zr @ w1pt[2 * d:]).reshape(1, 256)
    cvc = (zr @ w1ct[2 * d:]).reshape(1, 256)

    sums = [None] * 8
    for k, (lo, hi) in enumerate(((0, split), (split, e))):
        idxp = edge_p_node[lo:hi]
        idxc = edge_c_node[lo:hi]
        ep, ec = _gather_sc(hidden, idxp, idxc)
        sp, sc = _edges_tc(
            ep, ec, indp[lo:hi], indc[lo:hi],
            vw, vz, cvp, cvc,
            w1pt[:d], w1pt[d:2 * d], w2tp,
            w1ct[:d], w1ct[d:2 * d], w2tc,
            blk=2560,
        )
        sump, cntp, sumc, cntc = _scatter_sc(sp, sc, idxp, idxc,
                                             z_rows, ones_rows)
        sums[0 + k], sums[2 + k] = sump, cntp
        sums[4 + k], sums[6 + k] = sumc, cntc

    w1at = _cmean(pa["W1"].T)
    return _final_tc(
        hidden, sums,
        p_mask.reshape(n, 1), c_mask.reshape(n, 1),
        start_token.reshape(1, d), end_token.reshape(1, d),
        w1at[:d], w1at[d:2 * d], w1at[2 * d:], _cmean(pa["W2"].T),
        blk=1000,
    )

# --- scband reference (transcript-rebuilt; emitter-appended) ---
"""Pipeline reference for scband-gnn-net-77094662963450 (READ-ONLY COPY).

The authoritative reference and input builder live on the scoring server;
editing this copy changes nothing except your own understanding.
"""

import jax, jax.numpy as jnp
import numpy as np

N = 10000
E = 320000
D = 128

def _mlp_params(key, in_dim):
    k1, k2 = jax.random.split(key)
    return {
        "W1": jax.random.uniform(k1, (256, in_dim), minval=-0.01, maxval=0.01, dtype=jnp.float32),
        "b1": jnp.zeros((256,), jnp.float32),
        "g1": jnp.ones((256,), jnp.float32),
        "be1": jnp.zeros((256,), jnp.float32),
        "W2": jax.random.uniform(k2, (128, 256), minval=-0.01, maxval=0.01, dtype=jnp.float32),
        "b2": jnp.zeros((128,), jnp.float32),
        "g2": jnp.ones((128,), jnp.float32),
        "be2": jnp.zeros((128,), jnp.float32),
    }

def _ln(x, g, b):
    m = jnp.mean(x, axis=-1, keepdims=True)
    v = jnp.var(x, axis=-1, keepdims=True)
    return (x - m) / jnp.sqrt(v + 1e-5) * g + b

def _mlp(p, x):
    h = x @ p["W1"].T + p["b1"]
    h = jax.nn.relu(_ln(h, p["g1"], p["be1"]))
    h = h @ p["W2"].T + p["b2"]
    h = jax.nn.relu(_ln(h, p["g2"], p["be2"]))
    return h  # Dropout(p=0.5) is identity in eval mode

def setup_inputs(seed: int = 0):
    key = jax.random.key(seed)
    ks = jax.random.split(key, 16)
    params = {
        "V": _mlp_params(ks[0], D),
        "E": _mlp_params(ks[1], 1),
        "p": _mlp_params(ks[2], 3 * D),
        "c": _mlp_params(ks[3], 3 * D),
        "aggr": _mlp_params(ks[4], 3 * D),
    }
    return {
        "batch_token": jax.random.normal(ks[5], (N, D), dtype=jnp.float32),
        "edge_p_node": jax.random.randint(ks[6], (E,), 0, N, dtype=jnp.int32),
        "edge_c_node": jax.random.randint(ks[7], (E,), 0, N, dtype=jnp.int32),
        "edge_p_indicate": jax.random.uniform(ks[8], (E,), dtype=jnp.float32),
        "edge_c_indicate": jax.random.uniform(ks[9], (E,), dtype=jnp.float32),
        "p_mask": jax.random.uniform(ks[10], (N,), dtype=jnp.float32),
        "c_mask": jax.random.uniform(ks[11], (N,), dtype=jnp.float32),
        "start_token": jax.random.normal(ks[12], (D,), dtype=jnp.float32),
        "end_token": jax.random.normal(ks[13], (D,), dtype=jnp.float32),
        "params": params,
    }

def reference(batch_token, edge_p_node, edge_c_node, edge_p_indicate, edge_c_indicate, p_mask, c_mask, start_token, end_token, params):
    Num_node = batch_token.shape[0]
    # num_hops = 2 -> MLP_V applied, one message-passing hop
    hidden = _mlp(params["V"], batch_token)
    edge_p = _mlp(params["E"], edge_p_indicate.reshape(-1, 1))
    edge_c = _mlp(params["E"], edge_c_indicate.reshape(-1, 1))
    # hop 0
    ep = hidden[edge_p_node, :]
    ec = hidden[edge_c_node, :]
    edge_p_input = jnp.concatenate([ec, ep, edge_p], axis=-1)
    edge_c_input = jnp.concatenate([ep, ec, edge_c], axis=-1)
    S_p = _mlp(params["p"], edge_p_input)
    S_c = _mlp(params["c"], edge_c_input)
    ones = jnp.ones((edge_p_node.shape[0],), jnp.float32)
    cnt_p = jnp.clip(jax.ops.segment_sum(ones, edge_p_node, num_segments=Num_node), 1.0)
    cnt_c = jnp.clip(jax.ops.segment_sum(ones, edge_c_node, num_segments=Num_node), 1.0)
    S_p = jax.ops.segment_sum(S_p, edge_p_node, num_segments=Num_node) / cnt_p[:, None]
    S_c = jax.ops.segment_sum(S_c, edge_c_node, num_segments=Num_node) / cnt_c[:, None]
    S_p = S_p + p_mask[:, None] * start_token
    S_c = S_c + c_mask[:, None] * end_token
    x_aggr = jnp.concatenate([hidden, S_p, S_c], axis=-1)
    hidden = jax.nn.relu(hidden + _mlp(params["aggr"], x_aggr))
    return hidden

if __name__ == "__main__":
    import jax
    _d = setup_inputs()
    print(jax.jit(kernel)(*tuple(_d.values())))

</pallas_src>

<mosaic_0001>
#map = affine_map<(d0, d1) -> (0, 0)>
#map1 = affine_map<(d0, d1) -> (0)>
module attributes {stable_mosaic.version = 14 : i64} {
  func.func @body(%arg0: i32, %arg1: i32, %arg2: memref<166400x128xf32, #tpu.memory_space<hbm>>, %arg3: memref<166400x128xf32, #tpu.memory_space<hbm>>, %arg4: memref<166400xi32, #tpu.memory_space<hbm>>, %arg5: memref<166400xi32, #tpu.memory_space<hbm>>, %arg6: memref<10112x128xf32, #tpu.memory_space<hbm>>, %arg7: memref<80x128xf32, #tpu.memory_space<hbm>>, %arg8: memref<10112x128xf32, #tpu.memory_space<hbm>>, %arg9: memref<10112x128xf32, #tpu.memory_space<hbm>>, %arg10: memref<10112x128xf32, #tpu.memory_space<hbm>>, %arg11: memref<10112x128xf32, #tpu.memory_space<hbm>>, %arg12: memref<80xi32, #tpu.memory_space<vmem>>, %arg13: memref<80xi32, #tpu.memory_space<vmem>>, %arg14: memref<80x128xf32, #tpu.memory_space<vmem>>, %arg15: memref<80x128xf32, #tpu.memory_space<vmem>>, %arg16: memref<80x128xf32, #tpu.memory_space<vmem>>, %arg17: memref<10112x128xf32, #tpu.memory_space<vmem_shared>>, %arg18: memref<!tpu.dma_semaphore, #tpu.memory_space<semaphore_mem>>, %arg19: memref<!tpu.dma_semaphore, #tpu.memory_space<semaphore_mem>>, %arg20: memref<!tpu.dma_semaphore, #tpu.memory_space<semaphore_mem>>, %arg21: memref<!tpu.dma_semaphore, #tpu.memory_space<semaphore_mem>>) attributes {dimension_semantics = [#tpu.dimension_semantics<core_parallel>, #tpu.dimension_semantics<subcore_parallel>], iteration_bounds = array<i64: 2, 16>, scalar_prefetch = 0 : i64, scratch_operands = 10 : i64, tpu.core_type = #tpu.core_type<sc_vector_subcore>, window_params = [{transform_indices = #map}, {transform_indices = #map}, {transform_indices = #map1}, {transform_indices = #map1}, {transform_indices = #map}, {transform_indices = #map}, {transform_indices = #map}, {transform_indices = #map}, {transform_indices = #map}, {transform_indices = #map}]} {
    %mul3A = arith.constant 632 : i32
    %mul3A_0 = arith.muli %arg1, %mul3A : i32
    %eq3A = arith.constant 0 : i32
    %eq3A_1 = arith.cmpi eq, %arg0, %eq3A : i32
    %convert_element_type3A = arith.extui %eq3A_1 : i1 to i32
    %cond3A = arith.constant 0 : i32
    %cond3A_2 = arith.cmpi ne, %convert_element_type3A, %cond3A : i32
    scf.if %cond3A_2 {
      %mul3A_8 = arith.constant 10400 : i32
      %mul3A_9 = arith.muli %arg1, %mul3A_8 : i32
      "tpu.region"() ({
        %run_scoped3A = tpu.sem_alloc : memref<!tpu.dma_semaphore, #tpu.memory_space<semaphore_mem>>
        %dma_start3A_37 = arith.constant 0 : i32
        %dma_start3A_38 = tpu.memref_slice %arg17[%mul3A_0, %dma_start3A_37] : memref<10112x128xf32, #tpu.memory_space<vmem_shared>> -> memref<632x128xf32, #tpu.memory_space<vmem_shared>>
        %dma_start3A_39 = arith.constant 0 : i32
        %dma_start3A_40 = tpu.memref_slice %arg6[%mul3A_0, %dma_start3A_39] : memref<10112x128xf32, #tpu.memory_space<hbm>> -> memref<632x128xf32, #tpu.memory_space<hbm>>
        tpu.enqueue_dma source(%dma_start3A_40 : memref<632x128xf32, #tpu.memory_space<hbm>>) target(%dma_start3A_38 : memref<632x128xf32, #tpu.memory_space<vmem_shared>>) target_semaphore(%run_scoped3A : memref<!tpu.dma_semaphore, #tpu.memory_space<semaphore_mem>>)
        %dma_wait3A = arith.constant 0 : i32
        %dma_wait3A_41 = tpu.memref_slice %arg17[%mul3A_0, %dma_wait3A] : memref<10112x128xf32, #tpu.memory_space<vmem_shared>> -> memref<632x128xf32, #tpu.memory_space<vmem_shared>>
        %dma_wait3A_42 = arith.constant 0 : i32
        %dma_wait3A_43 = tpu.memref_slice %arg6[%mul3A_0, %dma_wait3A_42] : memref<10112x128xf32, #tpu.memory_space<hbm>> -> memref<632x128xf32, #tpu.memory_space<hbm>>
        tpu.wait_dma2 semaphore(%run_scoped3A : memref<!tpu.dma_semaphore, #tpu.memory_space<semaphore_mem>>) src(%dma_wait3A_43 : memref<632x128xf32, #tpu.memory_space<hbm>>) dst(%dma_wait3A_41 : memref<632x128xf32, #tpu.memory_space<vmem_shared>>)
        tpu.yield
      }) : () -> ()
      "tpu.region"() ({
        %run_scoped3A = tpu.sem_alloc : memref<!tpu.dma_semaphore, #tpu.memory_space<semaphore_mem>>
        tpu.enqueue_dma source(%arg7 : memref<80x128xf32, #tpu.memory_space<hbm>>) target(%arg16 : memref<80x128xf32, #tpu.memory_space<vmem>>) target_semaphore(%run_scoped3A : memref<!tpu.dma_semaphore, #tpu.memory_space<semaphore_mem>>)
        tpu.wait_dma2 semaphore(%run_scoped3A : memref<!tpu.dma_semaphore, #tpu.memory_space<semaphore_mem>>) src(%arg7 : memref<80x128xf32, #tpu.memory_space<hbm>>) dst(%arg16 : memref<80x128xf32, #tpu.memory_space<vmem>>)
        tpu.yield
      }) : () -> ()
      %barrier3A = arith.constant 0 : index
      tpu.barrier barrier_id(%barrier3A)
      %add3A = arith.constant 0 : i32
      %add3A_10 = arith.addi %mul3A_9, %add3A : i32
      %dma_start3A = tpu.memref_slice %arg4[%add3A_10] : memref<166400xi32, #tpu.memory_space<hbm>> -> memref<80xi32, #tpu.memory_space<hbm>>
      %dma_start3A_11 = tpu.memref_slice %arg4[%add3A_10] : memref<166400xi32, #tpu.memory_space<hbm>> -> memref<80xi32, #tpu.memory_space<hbm>>
      tpu.enqueue_dma source(%dma_start3A_11 : memref<80xi32, #tpu.memory_space<hbm>>) target(%arg12 : memref<80xi32, #tpu.memory_space<vmem>>) target_semaphore(%arg18 : memref<!tpu.dma_semaphore, #tpu.memory_space<semaphore_mem>>)
      %add3A_12 = arith.constant 0 : i32
      %add3A_13 = arith.addi %mul3A_9, %add3A_12 : i32
      %dma_start3A_14 = arith.constant 0 : i32
      %dma_start3A_15 = tpu.memref_slice %arg2[%add3A_13, %dma_start3A_14] : memref<166400x128xf32, #tpu.memory_space<hbm>> -> memref<80x128xf32, #tpu.memory_space<hbm>>
      %dma_start3A_16 = arith.constant 0 : i32
      %dma_start3A_17 = tpu.memref_slice %arg2[%add3A_13, %dma_start3A_16] : memref<166400x128xf32, #tpu.memory_space<hbm>> -> memref<80x128xf32, #tpu.memory_space<hbm>>
      tpu.enqueue_dma source(%dma_start3A_17 : memref<80x128xf32, #tpu.memory_space<hbm>>) target(%arg14 : memref<80x128xf32, #tpu.memory_space<vmem>>) target_semaphore(%arg20 : memref<!tpu.dma_semaphore, #tpu.memory_space<semaphore_mem>>)
      %scan3A = arith.constant 0 : i32
      %scan3A_18 = arith.constant 0 : i32
      %scan3A_19 = arith.constant 65 : i32
      %scan3A_20 = arith.addi %scan3A_18, %scan3A_19 : i32
      %scan3A_21 = arith.constant 1 : i32
      scf.for %scan3A_37 = %scan3A_18 to %scan3A_20 step %scan3A_21  : i32 {
        %mul3A_38 = arith.constant 2 : i32
        %mul3A_39 = arith.muli %mul3A_38, %scan3A_37 : i32
        %dma_wait3A = tpu.memref_slice %arg4[%mul3A_9] : memref<166400xi32, #tpu.memory_space<hbm>> -> memref<80xi32, #tpu.memory_space<hbm>>
        %dma_wait3A_40 = tpu.memref_slice %arg4[%mul3A_9] : memref<166400xi32, #tpu.memory_space<hbm>> -> memref<80xi32, #tpu.memory_space<hbm>>
        tpu.wait_dma2 semaphore(%arg18 : memref<!tpu.dma_semaphore, #tpu.memory_space<semaphore_mem>>) src(%dma_wait3A_40 : memref<80xi32, #tpu.memory_space<hbm>>) dst(%arg12 : memref<80xi32, #tpu.memory_space<vmem>>)
        %dma_wait3A_41 = arith.constant 0 : i32
        %dma_wait3A_42 = tpu.memref_slice %arg2[%mul3A_9, %dma_wait3A_41] : memref<166400x128xf32, #tpu.memory_space<hbm>> -> memref<80x128xf32, #tpu.memory_space<hbm>>
        %dma_wait3A_43 = arith.constant 0 : i32
        %dma_wait3A_44 = tpu.memref_slice %arg2[%mul3A_9, %dma_wait3A_43] : memref<166400x128xf32, #tpu.memory_space<hbm>> -> memref<80x128xf32, #tpu.memory_space<hbm>>
        tpu.wait_dma2 semaphore(%arg20 : memref<!tpu.dma_semaphore, #tpu.memory_space<semaphore_mem>>) src(%dma_wait3A_44 : memref<80x128xf32, #tpu.memory_space<hbm>>) dst(%arg14 : memref<80x128xf32, #tpu.memory_space<vmem>>)
        %add3A_45 = arith.constant 1 : i32
        %add3A_46 = arith.addi %mul3A_39, %add3A_45 : i32
        %mul3A_47 = arith.constant 80 : i32
        %mul3A_48 = arith.muli %add3A_46, %mul3A_47 : i32
        %add3A_49 = arith.addi %mul3A_9, %mul3A_48 : i32
        %dma_start3A_50 = tpu.memref_slice %arg4[%add3A_49] : memref<166400xi32, #tpu.memory_space<hbm>> -> memref<80xi32, #tpu.memory_space<hbm>>
        %dma_start3A_51 = tpu.memref_slice %arg4[%add3A_49] : memref<166400xi32, #tpu.memory_space<hbm>> -> memref<80xi32, #tpu.memory_space<hbm>>
        tpu.enqueue_dma source(%dma_start3A_51 : memref<80xi32, #tpu.memory_space<hbm>>) target(%arg13 : memref<80xi32, #tpu.memory_space<vmem>>) target_semaphore(%arg19 : memref<!tpu.dma_semaphore, #tpu.memory_space<semaphore_mem>>)
        %mul3A_52 = arith.constant 80 : i32
        %mul3A_53 = arith.muli %add3A_46, %mul3A_52 : i32
        %add3A_54 = arith.addi %mul3A_9, %mul3A_53 : i32
        %dma_start3A_55 = arith.constant 0 : i32
        %dma_start3A_56 = tpu.memref_slice %arg2[%add3A_54, %dma_start3A_55] : memref<166400x128xf32, #tpu.memory_space<hbm>> -> memref<80x128xf32, #tpu.memory_space<hbm>>
        %dma_start3A_57 = arith.constant 0 : i32
        %dma_start3A_58 = tpu.memref_slice %arg2[%add3A_54, %dma_start3A_57] : memref<166400x128xf32, #tpu.memory_space<hbm>> -> memref<80x128xf32, #tpu.memory_space<hbm>>
        tpu.enqueue_dma source(%dma_start3A_58 : memref<80x128xf32, #tpu.memory_space<hbm>>) target(%arg15 : memref<80x128xf32, #tpu.memory_space<vmem>>) target_semaphore(%arg21 : memref<!tpu.dma_semaphore, #tpu.memory_space<semaphore_mem>>)
        "tpu.region"() ({
          %run_scoped3A = tpu.sem_alloc : memref<!tpu.dma_semaphore, #tpu.memory_space<semaphore_mem>>
          %dma_start3A_71 = arith.constant 0 : i32
          %dma_start3A_72 = arith.constant 0 : i32
          %dma_start3A_73 = tpu.memref_slice %arg17[%dma_start3A_71, %dma_start3A_72] : memref<10112x128xf32, #tpu.memory_space<vmem_shared>> -> memref<10112x128xf32, #tpu.memory_space<vmem_shared>>
          tpu.enqueue_indirect_dma source(%arg14 : memref<80x128xf32, #tpu.memory_space<vmem>>) target(%dma_start3A_73 : memref<10112x128xf32, #tpu.memory_space<vmem_shared>>) offsets(%arg12 : memref<80xi32, #tpu.memory_space<vmem>>) semaphore(%run_scoped3A : memref<!tpu.dma_semaphore, #tpu.memory_space<semaphore_mem>>) {add = true}
          %dma_wait3A_74 = arith.constant 0 : i32
          %dma_wait3A_75 = arith.constant 0 : i32
          %dma_wait3A_76 = tpu.memref_slice %arg17[%dma_wait3A_74, %dma_wait3A_75] : memref<10112x128xf32, #tpu.memory_space<vmem_shared>> -> memref<10112x128xf32, #tpu.memory_space<vmem_shared>>
          tpu.wait_indirect_dma semaphore(%run_scoped3A : memref<!tpu.dma_semaphore, #tpu.memory_space<semaphore_mem>>) src(%arg14 : memref<80x128xf32, #tpu.memory_space<vmem>>) dst(%dma_wait3A_76 : memref<10112x128xf32, #tpu.memory_space<vmem_shared>>)
          tpu.yield
        }) : () -> ()
        %dma_wait3A_59 = tpu.memref_slice %arg4[%mul3A_9] : memref<166400xi32, #tpu.memory_space<hbm>> -> memref<80xi32, #tpu.memory_space<hbm>>
        %dma_wait3A_60 = tpu.memref_slice %arg4[%mul3A_9] : memref<166400xi32, #tpu.memory_space<hbm>> -> memref<80xi32, #tpu.memory_space<hbm>>
        tpu.wait_dma2 semaphore(%arg19 : memref<!tpu.dma_semaphore, #tpu.memory_space<semaphore_mem>>) src(%dma_wait3A_60 : memref<80xi32, #tpu.memory_space<hbm>>) dst(%arg13 : memref<80xi32, #tpu.memory_space<vmem>>)
        %dma_wait3A_61 = arith.constant 0 : i32
        %dma_wait3A_62 = tpu.memref_slice %arg2[%mul3A_9, %dma_wait3A_61] : memref<166400x128xf32, #tpu.memory_space<hbm>> -> memref<80x128xf32, #tpu.memory_space<hbm>>
        %dma_wait3A_63 = arith.constant 0 : i32
        %dma_wait3A_64 = tpu.memref_slice %arg2[%mul3A_9, %dma_wait3A_63] : memref<166400x128xf32, #tpu.memory_space<hbm>> -> memref<80x128xf32, #tpu.memory_space<hbm>>
        tpu.wait_dma2 semaphore(%arg21 : memref<!tpu.dma_semaphore, #tpu.memory_space<semaphore_mem>>) src(%dma_wait3A_64 : memref<80x128xf32, #tpu.memory_space<hbm>>) dst(%arg15 : memref<80x128xf32, #tpu.memory_space<vmem>>)
        %add3A_65 = arith.constant 2 : i32
        %add3A_66 = arith.addi %mul3A_39, %add3A_65 : i32
        %lt3A = arith.constant 130 : i32
        %lt3A_67 = arith.cmpi slt, %add3A_66, %lt3A : i32
        %convert_element_type3A_68 = arith.extui %lt3A_67 : i1 to i32
        %cond3A_69 = arith.constant 0 : i32
        %cond3A_70 = arith.cmpi ne, %convert_element_type3A_68, %cond3A_69 : i32
        scf.if %cond3A_70 {
          %add3A_71 = arith.constant 2 : i32
          %add3A_72 = arith.addi %mul3A_39, %add3A_71 : i32
          %mul3A_73 = arith.constant 80 : i32
          %mul3A_74 = arith.muli %add3A_72, %mul3A_73 : i32
          %add3A_75 = arith.addi %mul3A_9, %mul3A_74 : i32
          %dma_start3A_76 = tpu.memref_slice %arg4[%add3A_75] : memref<166400xi32, #tpu.memory_space<hbm>> -> memref<80xi32, #tpu.memory_space<hbm>>
          %dma_start3A_77 = tpu.memref_slice %arg4[%add3A_75] : memref<166400xi32, #tpu.memory_space<hbm>> -> memref<80xi32, #tpu.memory_space<hbm>>
          tpu.enqueue_dma source(%dma_start3A_77 : memref<80xi32, #tpu.memory_space<hbm>>) target(%arg12 : memref<80xi32, #tpu.memory_space<vmem>>) target_semaphore(%arg18 : memref<!tpu.dma_semaphore, #tpu.memory_space<semaphore_mem>>)
          %mul3A_78 = arith.constant 80 : i32
          %mul3A_79 = arith.muli %add3A_72, %mul3A_78 : i32
          %add3A_80 = arith.addi %mul3A_9, %mul3A_79 : i32
          %dma_start3A_81 = arith.constant 0 : i32
          %dma_start3A_82 = tpu.memref_slice %arg2[%add3A_80, %dma_start3A_81] : memref<166400x128xf32, #tpu.memory_space<hbm>> -> memref<80x128xf32, #tpu.memory_space<hbm>>
          %dma_start3A_83 = arith.constant 0 : i32
          %dma_start3A_84 = tpu.memref_slice %arg2[%add3A_80, %dma_start3A_83] : memref<166400x128xf32, #tpu.memory_space<hbm>> -> memref<80x128xf32, #tpu.memory_space<hbm>>
          tpu.enqueue_dma source(%dma_start3A_84 : memref<80x128xf32, #tpu.memory_space<hbm>>) target(%arg14 : memref<80x128xf32, #tpu.memory_space<vmem>>) target_semaphore(%arg20 : memref<!tpu.dma_semaphore, #tpu.memory_space<semaphore_mem>>)
        } else {
        }
        "tpu.region"() ({
          %run_scoped3A = tpu.sem_alloc : memref<!tpu.dma_semaphore, #tpu.memory_space<semaphore_mem>>
          %dma_start3A_71 = arith.constant 0 : i32
          %dma_start3A_72 = arith.constant 0 : i32
          %dma_start3A_73 = tpu.memref_slice %arg17[%dma_start3A_71, %dma_start3A_72] : memref<10112x128xf32, #tpu.memory_space<vmem_shared>> -> memref<10112x128xf32, #tpu.memory_space<vmem_shared>>
          tpu.enqueue_indirect_dma source(%arg15 : memref<80x128xf32, #tpu.memory_space<vmem>>) target(%dma_start3A_73 : memref<10112x128xf32, #tpu.memory_space<vmem_shared>>) offsets(%arg13 : memref<80xi32, #tpu.memory_space<vmem>>) semaphore(%run_scoped3A : memref<!tpu.dma_semaphore, #tpu.memory_space<semaphore_mem>>) {add = true}
          %dma_wait3A_74 = arith.constant 0 : i32
          %dma_wait3A_75 = arith.constant 0 : i32
          %dma_wait3A_76 = tpu.memref_slice %arg17[%dma_wait3A_74, %dma_wait3A_75] : memref<10112x128xf32, #tpu.memory_space<vmem_shared>> -> memref<10112x128xf32, #tpu.memory_space<vmem_shared>>
          tpu.wait_indirect_dma semaphore(%run_scoped3A : memref<!tpu.dma_semaphore, #tpu.memory_space<semaphore_mem>>) src(%arg15 : memref<80x128xf32, #tpu.memory_space<vmem>>) dst(%dma_wait3A_76 : memref<10112x128xf32, #tpu.memory_space<vmem_shared>>)
          tpu.yield
        }) : () -> ()
      }
      %scan3A_22 = arith.constant 65 : i32
      %barrier3A_23 = arith.constant 0 : index
      tpu.barrier barrier_id(%barrier3A_23)
      "tpu.region"() ({
        %run_scoped3A = tpu.sem_alloc : memref<!tpu.dma_semaphore, #tpu.memory_space<semaphore_mem>>
        %dma_start3A_37 = arith.constant 0 : i32
        %dma_start3A_38 = tpu.memref_slice %arg8[%mul3A_0, %dma_start3A_37] : memref<10112x128xf32, #tpu.memory_space<hbm>> -> memref<632x128xf32, #tpu.memory_space<hbm>>
        %dma_start3A_39 = arith.constant 0 : i32
        %dma_start3A_40 = tpu.memref_slice %arg17[%mul3A_0, %dma_start3A_39] : memref<10112x128xf32, #tpu.memory_space<vmem_shared>> -> memref<632x128xf32, #tpu.memory_space<vmem_shared>>
        tpu.enqueue_dma source(%dma_start3A_40 : memref<632x128xf32, #tpu.memory_space<vmem_shared>>) target(%dma_start3A_38 : memref<632x128xf32, #tpu.memory_space<hbm>>) target_semaphore(%run_scoped3A : memref<!tpu.dma_semaphore, #tpu.memory_space<semaphore_mem>>)
        %dma_wait3A = arith.constant 0 : i32
        %dma_wait3A_41 = tpu.memref_slice %arg8[%mul3A_0, %dma_wait3A] : memref<10112x128xf32, #tpu.memory_space<hbm>> -> memref<632x128xf32, #tpu.memory_space<hbm>>
        %dma_wait3A_42 = arith.constant 0 : i32
        %dma_wait3A_43 = tpu.memref_slice %arg17[%mul3A_0, %dma_wait3A_42] : memref<10112x128xf32, #tpu.memory_space<vmem_shared>> -> memref<632x128xf32, #tpu.memory_space<vmem_shared>>
        tpu.wait_dma2 semaphore(%run_scoped3A : memref<!tpu.dma_semaphore, #tpu.memory_space<semaphore_mem>>) src(%dma_wait3A_43 : memref<632x128xf32, #tpu.memory_space<vmem_shared>>) dst(%dma_wait3A_41 : memref<632x128xf32, #tpu.memory_space<hbm>>)
        tpu.yield
      }) : () -> ()
      %barrier3A_24 = arith.constant 0 : index
      tpu.barrier barrier_id(%barrier3A_24)
      "tpu.region"() ({
        %run_scoped3A = tpu.sem_alloc : memref<!tpu.dma_semaphore, #tpu.memory_space<semaphore_mem>>
        %dma_start3A_37 = arith.constant 0 : i32
        %dma_start3A_38 = tpu.memref_slice %arg17[%mul3A_0, %dma_start3A_37] : memref<10112x128xf32, #tpu.memory_space<vmem_shared>> -> memref<632x128xf32, #tpu.memory_space<vmem_shared>>
        %dma_start3A_39 = arith.constant 0 : i32
        %dma_start3A_40 = tpu.memref_slice %arg6[%mul3A_0, %dma_start3A_39] : memref<10112x128xf32, #tpu.memory_space<hbm>> -> memref<632x128xf32, #tpu.memory_space<hbm>>
        tpu.enqueue_dma source(%dma_start3A_40 : memref<632x128xf32, #tpu.memory_space<hbm>>) target(%dma_start3A_38 : memref<632x128xf32, #tpu.memory_space<vmem_shared>>) target_semaphore(%run_scoped3A : memref<!tpu.dma_semaphore, #tpu.memory_space<semaphore_mem>>)
        %dma_wait3A = arith.constant 0 : i32
        %dma_wait3A_41 = tpu.memref_slice %arg17[%mul3A_0, %dma_wait3A] : memref<10112x128xf32, #tpu.memory_space<vmem_shared>> -> memref<632x128xf32, #tpu.memory_space<vmem_shared>>
        %dma_wait3A_42 = arith.constant 0 : i32
        %dma_wait3A_43 = tpu.memref_slice %arg6[%mul3A_0, %dma_wait3A_42] : memref<10112x128xf32, #tpu.memory_space<hbm>> -> memref<632x128xf32, #tpu.memory_space<hbm>>
        tpu.wait_dma2 semaphore(%run_scoped3A : memref<!tpu.dma_semaphore, #tpu.memory_space<semaphore_mem>>) src(%dma_wait3A_43 : memref<632x128xf32, #tpu.memory_space<hbm>>) dst(%dma_wait3A_41 : memref<632x128xf32, #tpu.memory_space<vmem_shared>>)
        tpu.yield
      }) : () -> ()
      %barrier3A_25 = arith.constant 0 : index
      tpu.barrier barrier_id(%barrier3A_25)
      %add3A_26 = arith.constant 0 : i32
      %add3A_27 = arith.addi %mul3A_9, %add3A_26 : i32
      %dma_start3A_28 = tpu.memref_slice %arg4[%add3A_27] : memref<166400xi32, #tpu.memory_space<hbm>> -> memref<80xi32, #tpu.memory_space<hbm>>
      %dma_start3A_29 = tpu.memref_slice %arg4[%add3A_27] : memref<166400xi32, #tpu.memory_space<hbm>> -> memref<80xi32, #tpu.memory_space<hbm>>
      tpu.enqueue_dma source(%dma_start3A_29 : memref<80xi32, #tpu.memory_space<hbm>>) target(%arg12 : memref<80xi32, #tpu.memory_space<vmem>>) target_semaphore(%arg18 : memref<!tpu.dma_semaphore, #tpu.memory_space<semaphore_mem>>)
      %scan3A_30 = arith.constant 0 : i32
      %scan3A_31 = arith.constant 0 : i32
      %scan3A_32 = arith.constant 65 : i32
      %scan3A_33 = arith.addi %scan3A_31, %scan3A_32 : i32
      %scan3A_34 = arith.constant 1 : i32
      scf.for %scan3A_37 = %scan3A_31 to %scan3A_33 step %scan3A_34  : i32 {
        %mul3A_38 = arith.constant 2 : i32
        %mul3A_39 = arith.muli %mul3A_38, %scan3A_37 : i32
        %dma_wait3A = tpu.memref_slice %arg4[%mul3A_9] : memref<166400xi32, #tpu.memory_space<hbm>> -> memref<80xi32, #tpu.memory_space<hbm>>
        %dma_wait3A_40 = tpu.memref_slice %arg4[%mul3A_9] : memref<166400xi32, #tpu.memory_space<hbm>> -> memref<80xi32, #tpu.memory_space<hbm>>
        tpu.wait_dma2 semaphore(%arg18 : memref<!tpu.dma_semaphore, #tpu.memory_space<semaphore_mem>>) src(%dma_wait3A_40 : memref<80xi32, #tpu.memory_space<hbm>>) dst(%arg12 : memref<80xi32, #tpu.memory_space<vmem>>)
        %add3A_41 = arith.constant 1 : i32
        %add3A_42 = arith.addi %mul3A_39, %add3A_41 : i32
        %mul3A_43 = arith.constant 80 : i32
        %mul3A_44 = arith.muli %add3A_42, %mul3A_43 : i32
        %add3A_45 = arith.addi %mul3A_9, %mul3A_44 : i32
        %dma_start3A_46 = tpu.memref_slice %arg4[%add3A_45] : memref<166400xi32, #tpu.memory_space<hbm>> -> memref<80xi32, #tpu.memory_space<hbm>>
        %dma_start3A_47 = tpu.memref_slice %arg4[%add3A_45] : memref<166400xi32, #tpu.memory_space<hbm>> -> memref<80xi32, #tpu.memory_space<hbm>>
        tpu.enqueue_dma source(%dma_start3A_47 : memref<80xi32, #tpu.memory_space<hbm>>) target(%arg13 : memref<80xi32, #tpu.memory_space<vmem>>) target_semaphore(%arg19 : memref<!tpu.dma_semaphore, #tpu.memory_space<semaphore_mem>>)
        "tpu.region"() ({
          %run_scoped3A = tpu.sem_alloc : memref<!tpu.dma_semaphore, #tpu.memory_space<semaphore_mem>>
          %dma_start3A_56 = arith.constant 0 : i32
          %dma_start3A_57 = arith.constant 0 : i32
          %dma_start3A_58 = tpu.memref_slice %arg17[%dma_start3A_56, %dma_start3A_57] : memref<10112x128xf32, #tpu.memory_space<vmem_shared>> -> memref<10112x128xf32, #tpu.memory_space<vmem_shared>>
          tpu.enqueue_indirect_dma source(%arg16 : memref<80x128xf32, #tpu.memory_space<vmem>>) target(%dma_start3A_58 : memref<10112x128xf32, #tpu.memory_space<vmem_shared>>) offsets(%arg12 : memref<80xi32, #tpu.memory_space<vmem>>) semaphore(%run_scoped3A : memref<!tpu.dma_semaphore, #tpu.memory_space<semaphore_mem>>) {add = true}
          %dma_wait3A_59 = arith.constant 0 : i32
          %dma_wait3A_60 = arith.constant 0 : i32
          %dma_wait3A_61 = tpu.memref_slice %arg17[%dma_wait3A_59, %dma_wait3A_60] : memref<10112x128xf32, #tpu.memory_space<vmem_shared>> -> memref<10112x128xf32, #tpu.memory_space<vmem_shared>>
          tpu.wait_indirect_dma semaphore(%run_scoped3A : memref<!tpu.dma_semaphore, #tpu.memory_space<semaphore_mem>>) src(%arg16 : memref<80x128xf32, #tpu.memory_space<vmem>>) dst(%dma_wait3A_61 : memref<10112x128xf32, #tpu.memory_space<vmem_shared>>)
          tpu.yield
        }) : () -> ()
        %dma_wait3A_48 = tpu.memref_slice %arg4[%mul3A_9] : memref<166400xi32, #tpu.memory_space<hbm>> -> memref<80xi32, #tpu.memory_space<hbm>>
        %dma_wait3A_49 = tpu.memref_slice %arg4[%mul3A_9] : memref<166400xi32, #tpu.memory_space<hbm>> -> memref<80xi32, #tpu.memory_space<hbm>>
        tpu.wait_dma2 semaphore(%arg19 : memref<!tpu.dma_semaphore, #tpu.memory_space<semaphore_mem>>) src(%dma_wait3A_49 : memref<80xi32, #tpu.memory_space<hbm>>) dst(%arg13 : memref<80xi32, #tpu.memory_space<vmem>>)
        %add3A_50 = arith.constant 2 : i32
        %add3A_51 = arith.addi %mul3A_39, %add3A_50 : i32
        %lt3A = arith.constant 130 : i32
        %lt3A_52 = arith.cmpi slt, %add3A_51, %lt3A : i32
        %convert_element_type3A_53 = arith.extui %lt3A_52 : i1 to i32
        %cond3A_54 = arith.constant 0 : i32
        %cond3A_55 = arith.cmpi ne, %convert_element_type3A_53, %cond3A_54 : i32
        scf.if %cond3A_55 {
          %add3A_56 = arith.constant 2 : i32
          %add3A_57 = arith.addi %mul3A_39, %add3A_56 : i32
          %mul3A_58 = arith.constant 80 : i32
          %mul3A_59 = arith.muli %add3A_57, %mul3A_58 : i32
          %add3A_60 = arith.addi %mul3A_9, %mul3A_59 : i32
          %dma_start3A_61 = tpu.memref_slice %arg4[%add3A_60] : memref<166400xi32, #tpu.memory_space<hbm>> -> memref<80xi32, #tpu.memory_space<hbm>>
          %dma_start3A_62 = tpu.memref_slice %arg4[%add3A_60] : memref<166400xi32, #tpu.memory_space<hbm>> -> memref<80xi32, #tpu.memory_space<hbm>>
          tpu.enqueue_dma source(%dma_start3A_62 : memref<80xi32, #tpu.memory_space<hbm>>) target(%arg12 : memref<80xi32, #tpu.memory_space<vmem>>) target_semaphore(%arg18 : memref<!tpu.dma_semaphore, #tpu.memory_space<semaphore_mem>>)
        } else {
        }
        "tpu.region"() ({
          %run_scoped3A = tpu.sem_alloc : memref<!tpu.dma_semaphore, #tpu.memory_space<semaphore_mem>>
          %dma_start3A_56 = arith.constant 0 : i32
          %dma_start3A_57 = arith.constant 0 : i32
          %dma_start3A_58 = tpu.memref_slice %arg17[%dma_start3A_56, %dma_start3A_57] : memref<10112x128xf32, #tpu.memory_space<vmem_shared>> -> memref<10112x128xf32, #tpu.memory_space<vmem_shared>>
          tpu.enqueue_indirect_dma source(%arg16 : memref<80x128xf32, #tpu.memory_space<vmem>>) target(%dma_start3A_58 : memref<10112x128xf32, #tpu.memory_space<vmem_shared>>) offsets(%arg13 : memref<80xi32, #tpu.memory_space<vmem>>) semaphore(%run_scoped3A : memref<!tpu.dma_semaphore, #tpu.memory_space<semaphore_mem>>) {add = true}
          %dma_wait3A_59 = arith.constant 0 : i32
          %dma_wait3A_60 = arith.constant 0 : i32
          %dma_wait3A_61 = tpu.memref_slice %arg17[%dma_wait3A_59, %dma_wait3A_60] : memref<10112x128xf32, #tpu.memory_space<vmem_shared>> -> memref<10112x128xf32, #tpu.memory_space<vmem_shared>>
          tpu.wait_indirect_dma semaphore(%run_scoped3A : memref<!tpu.dma_semaphore, #tpu.memory_space<semaphore_mem>>) src(%arg16 : memref<80x128xf32, #tpu.memory_space<vmem>>) dst(%dma_wait3A_61 : memref<10112x128xf32, #tpu.memory_space<vmem_shared>>)
          tpu.yield
        }) : () -> ()
      }
      %scan3A_35 = arith.constant 65 : i32
      %barrier3A_36 = arith.constant 0 : index
      tpu.barrier barrier_id(%barrier3A_36)
      "tpu.region"() ({
        %run_scoped3A = tpu.sem_alloc : memref<!tpu.dma_semaphore, #tpu.memory_space<semaphore_mem>>
        %dma_start3A_37 = arith.constant 0 : i32
        %dma_start3A_38 = tpu.memref_slice %arg9[%mul3A_0, %dma_start3A_37] : memref<10112x128xf32, #tpu.memory_space<hbm>> -> memref<632x128xf32, #tpu.memory_space<hbm>>
        %dma_start3A_39 = arith.constant 0 : i32
        %dma_start3A_40 = tpu.memref_slice %arg17[%mul3A_0, %dma_start3A_39] : memref<10112x128xf32, #tpu.memory_space<vmem_shared>> -> memref<632x128xf32, #tpu.memory_space<vmem_shared>>
        tpu.enqueue_dma source(%dma_start3A_40 : memref<632x128xf32, #tpu.memory_space<vmem_shared>>) target(%dma_start3A_38 : memref<632x128xf32, #tpu.memory_space<hbm>>) target_semaphore(%run_scoped3A : memref<!tpu.dma_semaphore, #tpu.memory_space<semaphore_mem>>)
        %dma_wait3A = arith.constant 0 : i32
        %dma_wait3A_41 = tpu.memref_slice %arg9[%mul3A_0, %dma_wait3A] : memref<10112x128xf32, #tpu.memory_space<hbm>> -> memref<632x128xf32, #tpu.memory_space<hbm>>
        %dma_wait3A_42 = arith.constant 0 : i32
        %dma_wait3A_43 = tpu.memref_slice %arg17[%mul3A_0, %dma_wait3A_42] : memref<10112x128xf32, #tpu.memory_space<vmem_shared>> -> memref<632x128xf32, #tpu.memory_space<vmem_shared>>
        tpu.wait_dma2 semaphore(%run_scoped3A : memref<!tpu.dma_semaphore, #tpu.memory_space<semaphore_mem>>) src(%dma_wait3A_43 : memref<632x128xf32, #tpu.memory_space<vmem_shared>>) dst(%dma_wait3A_41 : memref<632x128xf32, #tpu.memory_space<hbm>>)
        tpu.yield
      }) : () -> ()
    } else {
    }
    %eq3A_3 = arith.constant 1 : i32
    %eq3A_4 = arith.cmpi eq, %arg0, %eq3A_3 : i32
    %convert_element_type3A_5 = arith.extui %eq3A_4 : i1 to i32
    %cond3A_6 = arith.constant 0 : i32
    %cond3A_7 = arith.cmpi ne, %convert_element_type3A_5, %cond3A_6 : i32
    scf.if %cond3A_7 {
      %mul3A_8 = arith.constant 10400 : i32
      %mul3A_9 = arith.muli %arg1, %mul3A_8 : i32
      "tpu.region"() ({
        %run_scoped3A = tpu.sem_alloc : memref<!tpu.dma_semaphore, #tpu.memory_space<semaphore_mem>>
        %dma_start3A_37 = arith.constant 0 : i32
        %dma_start3A_38 = tpu.memref_slice %arg17[%mul3A_0, %dma_start3A_37] : memref<10112x128xf32, #tpu.memory_space<vmem_shared>> -> memref<632x128xf32, #tpu.memory_space<vmem_shared>>
        %dma_start3A_39 = arith.constant 0 : i32
        %dma_start3A_40 = tpu.memref_slice %arg6[%mul3A_0, %dma_start3A_39] : memref<10112x128xf32, #tpu.memory_space<hbm>> -> memref<632x128xf32, #tpu.memory_space<hbm>>
        tpu.enqueue_dma source(%dma_start3A_40 : memref<632x128xf32, #tpu.memory_space<hbm>>) target(%dma_start3A_38 : memref<632x128xf32, #tpu.memory_space<vmem_shared>>) target_semaphore(%run_scoped3A : memref<!tpu.dma_semaphore, #tpu.memory_space<semaphore_mem>>)
        %dma_wait3A = arith.constant 0 : i32
        %dma_wait3A_41 = tpu.memref_slice %arg17[%mul3A_0, %dma_wait3A] : memref<10112x128xf32, #tpu.memory_space<vmem_shared>> -> memref<632x128xf32, #tpu.memory_space<vmem_shared>>
        %dma_wait3A_42 = arith.constant 0 : i32
        %dma_wait3A_43 = tpu.memref_slice %arg6[%mul3A_0, %dma_wait3A_42] : memref<10112x128xf32, #tpu.memory_space<hbm>> -> memref<632x128xf32, #tpu.memory_space<hbm>>
        tpu.wait_dma2 semaphore(%run_scoped3A : memref<!tpu.dma_semaphore, #tpu.memory_space<semaphore_mem>>) src(%dma_wait3A_43 : memref<632x128xf32, #tpu.memory_space<hbm>>) dst(%dma_wait3A_41 : memref<632x128xf32, #tpu.memory_space<vmem_shared>>)
        tpu.yield
      }) : () -> ()
      "tpu.region"() ({
        %run_scoped3A = tpu.sem_alloc : memref<!tpu.dma_semaphore, #tpu.memory_space<semaphore_mem>>
        tpu.enqueue_dma source(%arg7 : memref<80x128xf32, #tpu.memory_space<hbm>>) target(%arg16 : memref<80x128xf32, #tpu.memory_space<vmem>>) target_semaphore(%run_scoped3A : memref<!tpu.dma_semaphore, #tpu.memory_space<semaphore_mem>>)
        tpu.wait_dma2 semaphore(%run_scoped3A : memref<!tpu.dma_semaphore, #tpu.memory_space<semaphore_mem>>) src(%arg7 : memref<80x128xf32, #tpu.memory_space<hbm>>) dst(%arg16 : memref<80x128xf32, #tpu.memory_space<vmem>>)
        tpu.yield
      }) : () -> ()
      %barrier3A = arith.constant 0 : index
      tpu.barrier barrier_id(%barrier3A)
      %add3A = arith.constant 0 : i32
      %add3A_10 = arith.addi %mul3A_9, %add3A : i32
      %dma_start3A = tpu.memref_slice %arg5[%add3A_10] : memref<166400xi32, #tpu.memory_space<hbm>> -> memref<80xi32, #tpu.memory_space<hbm>>
      %dma_start3A_11 = tpu.memref_slice %arg5[%add3A_10] : memref<166400xi32, #tpu.memory_space<hbm>> -> memref<80xi32, #tpu.memory_space<hbm>>
      tpu.enqueue_dma source(%dma_start3A_11 : memref<80xi32, #tpu.memory_space<hbm>>) target(%arg12 : memref<80xi32, #tpu.memory_space<vmem>>) target_semaphore(%arg18 : memref<!tpu.dma_semaphore, #tpu.memory_space<semaphore_mem>>)
      %add3A_12 = arith.constant 0 : i32
      %add3A_13 = arith.addi %mul3A_9, %add3A_12 : i32
      %dma_start3A_14 = arith.constant 0 : i32
      %dma_start3A_15 = tpu.memref_slice %arg3[%add3A_13, %dma_start3A_14] : memref<166400x128xf32, #tpu.memory_space<hbm>> -> memref<80x128xf32, #tpu.memory_space<hbm>>
      %dma_start3A_16 = arith.constant 0 : i32
      %dma_start3A_17 = tpu.memref_slice %arg3[%add3A_13, %dma_start3A_16] : memref<166400x128xf32, #tpu.memory_space<hbm>> -> memref<80x128xf32, #tpu.memory_space<hbm>>
      tpu.enqueue_dma source(%dma_start3A_17 : memref<80x128xf32, #tpu.memory_space<hbm>>) target(%arg14 : memref<80x128xf32, #tpu.memory_space<vmem>>) target_semaphore(%arg20 : memref<!tpu.dma_semaphore, #tpu.memory_space<semaphore_mem>>)
      %scan3A = arith.constant 0 : i32
      %scan3A_18 = arith.constant 0 : i32
      %scan3A_19 = arith.constant 65 : i32
      %scan3A_20 = arith.addi %scan3A_18, %scan3A_19 : i32
      %scan3A_21 = arith.constant 1 : i32
      scf.for %scan3A_37 = %scan3A_18 to %scan3A_20 step %scan3A_21  : i32 {
        %mul3A_38 = arith.constant 2 : i32
        %mul3A_39 = arith.muli %mul3A_38, %scan3A_37 : i32
        %dma_wait3A = tpu.memref_slice %arg5[%mul3A_9] : memref<166400xi32, #tpu.memory_space<hbm>> -> memref<80xi32, #tpu.memory_space<hbm>>
        %dma_wait3A_40 = tpu.memref_slice %arg5[%mul3A_9] : memref<166400xi32, #tpu.memory_space<hbm>> -> memref<80xi32, #tpu.memory_space<hbm>>
        tpu.wait_dma2 semaphore(%arg18 : memref<!tpu.dma_semaphore, #tpu.memory_space<semaphore_mem>>) src(%dma_wait3A_40 : memref<80xi32, #tpu.memory_space<hbm>>) dst(%arg12 : memref<80xi32, #tpu.memory_space<vmem>>)
        %dma_wait3A_41 = arith.constant 0 : i32
        %dma_wait3A_42 = tpu.memref_slice %arg3[%mul3A_9, %dma_wait3A_41] : memref<166400x128xf32, #tpu.memory_space<hbm>> -> memref<80x128xf32, #tpu.memory_space<hbm>>
        %dma_wait3A_43 = arith.constant 0 : i32
        %dma_wait3A_44 = tpu.memref_slice %arg3[%mul3A_9, %dma_wait3A_43] : memref<166400x128xf32, #tpu.memory_space<hbm>> -> memref<80x128xf32, #tpu.memory_space<hbm>>
        tpu.wait_dma2 semaphore(%arg20 : memref<!tpu.dma_semaphore, #tpu.memory_space<semaphore_mem>>) src(%dma_wait3A_44 : memref<80x128xf32, #tpu.memory_space<hbm>>) dst(%arg14 : memref<80x128xf32, #tpu.memory_space<vmem>>)
        %add3A_45 = arith.constant 1 : i32
        %add3A_46 = arith.addi %mul3A_39, %add3A_45 : i32
        %mul3A_47 = arith.constant 80 : i32
        %mul3A_48 = arith.muli %add3A_46, %mul3A_47 : i32
        %add3A_49 = arith.addi %mul3A_9, %mul3A_48 : i32
        %dma_start3A_50 = tpu.memref_slice %arg5[%add3A_49] : memref<166400xi32, #tpu.memory_space<hbm>> -> memref<80xi32, #tpu.memory_space<hbm>>
        %dma_start3A_51 = tpu.memref_slice %arg5[%add3A_49] : memref<166400xi32, #tpu.memory_space<hbm>> -> memref<80xi32, #tpu.memory_space<hbm>>
        tpu.enqueue_dma source(%dma_start3A_51 : memref<80xi32, #tpu.memory_space<hbm>>) target(%arg13 : memref<80xi32, #tpu.memory_space<vmem>>) target_semaphore(%arg19 : memref<!tpu.dma_semaphore, #tpu.memory_space<semaphore_mem>>)
        %mul3A_52 = arith.constant 80 : i32
        %mul3A_53 = arith.muli %add3A_46, %mul3A_52 : i32
        %add3A_54 = arith.addi %mul3A_9, %mul3A_53 : i32
        %dma_start3A_55 = arith.constant 0 : i32
        %dma_start3A_56 = tpu.memref_slice %arg3[%add3A_54, %dma_start3A_55] : memref<166400x128xf32, #tpu.memory_space<hbm>> -> memref<80x128xf32, #tpu.memory_space<hbm>>
        %dma_start3A_57 = arith.constant 0 : i32
        %dma_start3A_58 = tpu.memref_slice %arg3[%add3A_54, %dma_start3A_57] : memref<166400x128xf32, #tpu.memory_space<hbm>> -> memref<80x128xf32, #tpu.memory_space<hbm>>
        tpu.enqueue_dma source(%dma_start3A_58 : memref<80x128xf32, #tpu.memory_space<hbm>>) target(%arg15 : memref<80x128xf32, #tpu.memory_space<vmem>>) target_semaphore(%arg21 : memref<!tpu.dma_semaphore, #tpu.memory_space<semaphore_mem>>)
        "tpu.region"() ({
          %run_scoped3A = tpu.sem_alloc : memref<!tpu.dma_semaphore, #tpu.memory_space<semaphore_mem>>
          %dma_start3A_71 = arith.constant 0 : i32
          %dma_start3A_72 = arith.constant 0 : i32
          %dma_start3A_73 = tpu.memref_slice %arg17[%dma_start3A_71, %dma_start3A_72] : memref<10112x128xf32, #tpu.memory_space<vmem_shared>> -> memref<10112x128xf32, #tpu.memory_space<vmem_shared>>
          tpu.enqueue_indirect_dma source(%arg14 : memref<80x128xf32, #tpu.memory_space<vmem>>) target(%dma_start3A_73 : memref<10112x128xf32, #tpu.memory_space<vmem_shared>>) offsets(%arg12 : memref<80xi32, #tpu.memory_space<vmem>>) semaphore(%run_scoped3A : memref<!tpu.dma_semaphore, #tpu.memory_space<semaphore_mem>>) {add = true}
          %dma_wait3A_74 = arith.constant 0 : i32
          %dma_wait3A_75 = arith.constant 0 : i32
          %dma_wait3A_76 = tpu.memref_slice %arg17[%dma_wait3A_74, %dma_wait3A_75] : memref<10112x128xf32, #tpu.memory_space<vmem_shared>> -> memref<10112x128xf32, #tpu.memory_space<vmem_shared>>
          tpu.wait_indirect_dma semaphore(%run_scoped3A : memref<!tpu.dma_semaphore, #tpu.memory_space<semaphore_mem>>) src(%arg14 : memref<80x128xf32, #tpu.memory_space<vmem>>) dst(%dma_wait3A_76 : memref<10112x128xf32, #tpu.memory_space<vmem_shared>>)
          tpu.yield
        }) : () -> ()
        %dma_wait3A_59 = tpu.memref_slice %arg5[%mul3A_9] : memref<166400xi32, #tpu.memory_space<hbm>> -> memref<80xi32, #tpu.memory_space<hbm>>
        %dma_wait3A_60 = tpu.memref_slice %arg5[%mul3A_9] : memref<166400xi32, #tpu.memory_space<hbm>> -> memref<80xi32, #tpu.memory_space<hbm>>
        tpu.wait_dma2 semaphore(%arg19 : memref<!tpu.dma_semaphore, #tpu.memory_space<semaphore_mem>>) src(%dma_wait3A_60 : memref<80xi32, #tpu.memory_space<hbm>>) dst(%arg13 : memref<80xi32, #tpu.memory_space<vmem>>)
        %dma_wait3A_61 = arith.constant 0 : i32
        %dma_wait3A_62 = tpu.memref_slice %arg3[%mul3A_9, %dma_wait3A_61] : memref<166400x128xf32, #tpu.memory_space<hbm>> -> memref<80x128xf32, #tpu.memory_space<hbm>>
        %dma_wait3A_63 = arith.constant 0 : i32
        %dma_wait3A_64 = tpu.memref_slice %arg3[%mul3A_9, %dma_wait3A_63] : memref<166400x128xf32, #tpu.memory_space<hbm>> -> memref<80x128xf32, #tpu.memory_space<hbm>>
        tpu.wait_dma2 semaphore(%arg21 : memref<!tpu.dma_semaphore, #tpu.memory_space<semaphore_mem>>) src(%dma_wait3A_64 : memref<80x128xf32, #tpu.memory_space<hbm>>) dst(%arg15 : memref<80x128xf32, #tpu.memory_space<vmem>>)
        %add3A_65 = arith.constant 2 : i32
        %add3A_66 = arith.addi %mul3A_39, %add3A_65 : i32
        %lt3A = arith.constant 130 : i32
        %lt3A_67 = arith.cmpi slt, %add3A_66, %lt3A : i32
        %convert_element_type3A_68 = arith.extui %lt3A_67 : i1 to i32
        %cond3A_69 = arith.constant 0 : i32
        %cond3A_70 = arith.cmpi ne, %convert_element_type3A_68, %cond3A_69 : i32
        scf.if %cond3A_70 {
          %add3A_71 = arith.constant 2 : i32
          %add3A_72 = arith.addi %mul3A_39, %add3A_71 : i32
          %mul3A_73 = arith.constant 80 : i32
          %mul3A_74 = arith.muli %add3A_72, %mul3A_73 : i32
          %add3A_75 = arith.addi %mul3A_9, %mul3A_74 : i32
          %dma_start3A_76 = tpu.memref_slice %arg5[%add3A_75] : memref<166400xi32, #tpu.memory_space<hbm>> -> memref<80xi32, #tpu.memory_space<hbm>>
          %dma_start3A_77 = tpu.memref_slice %arg5[%add3A_75] : memref<166400xi32, #tpu.memory_space<hbm>> -> memref<80xi32, #tpu.memory_space<hbm>>
          tpu.enqueue_dma source(%dma_start3A_77 : memref<80xi32, #tpu.memory_space<hbm>>) target(%arg12 : memref<80xi32, #tpu.memory_space<vmem>>) target_semaphore(%arg18 : memref<!tpu.dma_semaphore, #tpu.memory_space<semaphore_mem>>)
          %mul3A_78 = arith.constant 80 : i32
          %mul3A_79 = arith.muli %add3A_72, %mul3A_78 : i32
          %add3A_80 = arith.addi %mul3A_9, %mul3A_79 : i32
          %dma_start3A_81 = arith.constant 0 : i32
          %dma_start3A_82 = tpu.memref_slice %arg3[%add3A_80, %dma_start3A_81] : memref<166400x128xf32, #tpu.memory_space<hbm>> -> memref<80x128xf32, #tpu.memory_space<hbm>>
          %dma_start3A_83 = arith.constant 0 : i32
          %dma_start3A_84 = tpu.memref_slice %arg3[%add3A_80, %dma_start3A_83] : memref<166400x128xf32, #tpu.memory_space<hbm>> -> memref<80x128xf32, #tpu.memory_space<hbm>>
          tpu.enqueue_dma source(%dma_start3A_84 : memref<80x128xf32, #tpu.memory_space<hbm>>) target(%arg14 : memref<80x128xf32, #tpu.memory_space<vmem>>) target_semaphore(%arg20 : memref<!tpu.dma_semaphore, #tpu.memory_space<semaphore_mem>>)
        } else {
        }
        "tpu.region"() ({
          %run_scoped3A = tpu.sem_alloc : memref<!tpu.dma_semaphore, #tpu.memory_space<semaphore_mem>>
          %dma_start3A_71 = arith.constant 0 : i32
          %dma_start3A_72 = arith.constant 0 : i32
          %dma_start3A_73 = tpu.memref_slice %arg17[%dma_start3A_71, %dma_start3A_72] : memref<10112x128xf32, #tpu.memory_space<vmem_shared>> -> memref<10112x128xf32, #tpu.memory_space<vmem_shared>>
          tpu.enqueue_indirect_dma source(%arg15 : memref<80x128xf32, #tpu.memory_space<vmem>>) target(%dma_start3A_73 : memref<10112x128xf32, #tpu.memory_space<vmem_shared>>) offsets(%arg13 : memref<80xi32, #tpu.memory_space<vmem>>) semaphore(%run_scoped3A : memref<!tpu.dma_semaphore, #tpu.memory_space<semaphore_mem>>) {add = true}
          %dma_wait3A_74 = arith.constant 0 : i32
          %dma_wait3A_75 = arith.constant 0 : i32
          %dma_wait3A_76 = tpu.memref_slice %arg17[%dma_wait3A_74, %dma_wait3A_75] : memref<10112x128xf32, #tpu.memory_space<vmem_shared>> -> memref<10112x128xf32, #tpu.memory_space<vmem_shared>>
          tpu.wait_indirect_dma semaphore(%run_scoped3A : memref<!tpu.dma_semaphore, #tpu.memory_space<semaphore_mem>>) src(%arg15 : memref<80x128xf32, #tpu.memory_space<vmem>>) dst(%dma_wait3A_76 : memref<10112x128xf32, #tpu.memory_space<vmem_shared>>)
          tpu.yield
        }) : () -> ()
      }
      %scan3A_22 = arith.constant 65 : i32
      %barrier3A_23 = arith.constant 0 : index
      tpu.barrier barrier_id(%barrier3A_23)
      "tpu.region"() ({
        %run_scoped3A = tpu.sem_alloc : memref<!tpu.dma_semaphore, #tpu.memory_space<semaphore_mem>>
        %dma_start3A_37 = arith.constant 0 : i32
        %dma_start3A_38 = tpu.memref_slice %arg10[%mul3A_0, %dma_start3A_37] : memref<10112x128xf32, #tpu.memory_space<hbm>> -> memref<632x128xf32, #tpu.memory_space<hbm>>
        %dma_start3A_39 = arith.constant 0 : i32
        %dma_start3A_40 = tpu.memref_slice %arg17[%mul3A_0, %dma_start3A_39] : memref<10112x128xf32, #tpu.memory_space<vmem_shared>> -> memref<632x128xf32, #tpu.memory_space<vmem_shared>>
        tpu.enqueue_dma source(%dma_start3A_40 : memref<632x128xf32, #tpu.memory_space<vmem_shared>>) target(%dma_start3A_38 : memref<632x128xf32, #tpu.memory_space<hbm>>) target_semaphore(%run_scoped3A : memref<!tpu.dma_semaphore, #tpu.memory_space<semaphore_mem>>)
        %dma_wait3A = arith.constant 0 : i32
        %dma_wait3A_41 = tpu.memref_slice %arg10[%mul3A_0, %dma_wait3A] : memref<10112x128xf32, #tpu.memory_space<hbm>> -> memref<632x128xf32, #tpu.memory_space<hbm>>
        %dma_wait3A_42 = arith.constant 0 : i32
        %dma_wait3A_43 = tpu.memref_slice %arg17[%mul3A_0, %dma_wait3A_42] : memref<10112x128xf32, #tpu.memory_space<vmem_shared>> -> memref<632x128xf32, #tpu.memory_space<vmem_shared>>
        tpu.wait_dma2 semaphore(%run_scoped3A : memref<!tpu.dma_semaphore, #tpu.memory_space<semaphore_mem>>) src(%dma_wait3A_43 : memref<632x128xf32, #tpu.memory_space<vmem_shared>>) dst(%dma_wait3A_41 : memref<632x128xf32, #tpu.memory_space<hbm>>)
        tpu.yield
      }) : () -> ()
      %barrier3A_24 = arith.constant 0 : index
      tpu.barrier barrier_id(%barrier3A_24)
      "tpu.region"() ({
        %run_scoped3A = tpu.sem_alloc : memref<!tpu.dma_semaphore, #tpu.memory_space<semaphore_mem>>
        %dma_start3A_37 = arith.constant 0 : i32
        %dma_start3A_38 = tpu.memref_slice %arg17[%mul3A_0, %dma_start3A_37] : memref<10112x128xf32, #tpu.memory_space<vmem_shared>> -> memref<632x128xf32, #tpu.memory_space<vmem_shared>>
        %dma_start3A_39 = arith.constant 0 : i32
        %dma_start3A_40 = tpu.memref_slice %arg6[%mul3A_0, %dma_start3A_39] : memref<10112x128xf32, #tpu.memory_space<hbm>> -> memref<632x128xf32, #tpu.memory_space<hbm>>
        tpu.enqueue_dma source(%dma_start3A_40 : memref<632x128xf32, #tpu.memory_space<hbm>>) target(%dma_start3A_38 : memref<632x128xf32, #tpu.memory_space<vmem_shared>>) target_semaphore(%run_scoped3A : memref<!tpu.dma_semaphore, #tpu.memory_space<semaphore_mem>>)
        %dma_wait3A = arith.constant 0 : i32
        %dma_wait3A_41 = tpu.memref_slice %arg17[%mul3A_0, %dma_wait3A] : memref<10112x128xf32, #tpu.memory_space<vmem_shared>> -> memref<632x128xf32, #tpu.memory_space<vmem_shared>>
        %dma_wait3A_42 = arith.constant 0 : i32
        %dma_wait3A_43 = tpu.memref_slice %arg6[%mul3A_0, %dma_wait3A_42] : memref<10112x128xf32, #tpu.memory_space<hbm>> -> memref<632x128xf32, #tpu.memory_space<hbm>>
        tpu.wait_dma2 semaphore(%run_scoped3A : memref<!tpu.dma_semaphore, #tpu.memory_space<semaphore_mem>>) src(%dma_wait3A_43 : memref<632x128xf32, #tpu.memory_space<hbm>>) dst(%dma_wait3A_41 : memref<632x128xf32, #tpu.memory_space<vmem_shared>>)
        tpu.yield
      }) : () -> ()
      %barrier3A_25 = arith.constant 0 : index
      tpu.barrier barrier_id(%barrier3A_25)
      %add3A_26 = arith.constant 0 : i32
      %add3A_27 = arith.addi %mul3A_9, %add3A_26 : i32
      %dma_start3A_28 = tpu.memref_slice %arg5[%add3A_27] : memref<166400xi32, #tpu.memory_space<hbm>> -> memref<80xi32, #tpu.memory_space<hbm>>
      %dma_start3A_29 = tpu.memref_slice %arg5[%add3A_27] : memref<166400xi32, #tpu.memory_space<hbm>> -> memref<80xi32, #tpu.memory_space<hbm>>
      tpu.enqueue_dma source(%dma_start3A_29 : memref<80xi32, #tpu.memory_space<hbm>>) target(%arg12 : memref<80xi32, #tpu.memory_space<vmem>>) target_semaphore(%arg18 : memref<!tpu.dma_semaphore, #tpu.memory_space<semaphore_mem>>)
      %scan3A_30 = arith.constant 0 : i32
      %scan3A_31 = arith.constant 0 : i32
      %scan3A_32 = arith.constant 65 : i32
      %scan3A_33 = arith.addi %scan3A_31, %scan3A_32 : i32
      %scan3A_34 = arith.constant 1 : i32
      scf.for %scan3A_37 = %scan3A_31 to %scan3A_33 step %scan3A_34  : i32 {
        %mul3A_38 = arith.constant 2 : i32
        %mul3A_39 = arith.muli %mul3A_38, %scan3A_37 : i32
        %dma_wait3A = tpu.memref_slice %arg5[%mul3A_9] : memref<166400xi32, #tpu.memory_space<hbm>> -> memref<80xi32, #tpu.memory_space<hbm>>
        %dma_wait3A_40 = tpu.memref_slice %arg5[%mul3A_9] : memref<166400xi32, #tpu.memory_space<hbm>> -> memref<80xi32, #tpu.memory_space<hbm>>
        tpu.wait_dma2 semaphore(%arg18 : memref<!tpu.dma_semaphore, #tpu.memory_space<semaphore_mem>>) src(%dma_wait3A_40 : memref<80xi32, #tpu.memory_space<hbm>>) dst(%arg12 : memref<80xi32, #tpu.memory_space<vmem>>)
        %add3A_41 = arith.constant 1 : i32
        %add3A_42 = arith.addi %mul3A_39, %add3A_41 : i32
        %mul3A_43 = arith.constant 80 : i32
        %mul3A_44 = arith.muli %add3A_42, %mul3A_43 : i32
        %add3A_45 = arith.addi %mul3A_9, %mul3A_44 : i32
        %dma_start3A_46 = tpu.memref_slice %arg5[%add3A_45] : memref<166400xi32, #tpu.memory_space<hbm>> -> memref<80xi32, #tpu.memory_space<hbm>>
        %dma_start3A_47 = tpu.memref_slice %arg5[%add3A_45] : memref<166400xi32, #tpu.memory_space<hbm>> -> memref<80xi32, #tpu.memory_space<hbm>>
        tpu.enqueue_dma source(%dma_start3A_47 : memref<80xi32, #tpu.memory_space<hbm>>) target(%arg13 : memref<80xi32, #tpu.memory_space<vmem>>) target_semaphore(%arg19 : memref<!tpu.dma_semaphore, #tpu.memory_space<semaphore_mem>>)
        "tpu.region"() ({
          %run_scoped3A = tpu.sem_alloc : memref<!tpu.dma_semaphore, #tpu.memory_space<semaphore_mem>>
          %dma_start3A_56 = arith.constant 0 : i32
          %dma_start3A_57 = arith.constant 0 : i32
          %dma_start3A_58 = tpu.memref_slice %arg17[%dma_start3A_56, %dma_start3A_57] : memref<10112x128xf32, #tpu.memory_space<vmem_shared>> -> memref<10112x128xf32, #tpu.memory_space<vmem_shared>>
          tpu.enqueue_indirect_dma source(%arg16 : memref<80x128xf32, #tpu.memory_space<vmem>>) target(%dma_start3A_58 : memref<10112x128xf32, #tpu.memory_space<vmem_shared>>) offsets(%arg12 : memref<80xi32, #tpu.memory_space<vmem>>) semaphore(%run_scoped3A : memref<!tpu.dma_semaphore, #tpu.memory_space<semaphore_mem>>) {add = true}
          %dma_wait3A_59 = arith.constant 0 : i32
          %dma_wait3A_60 = arith.constant 0 : i32
          %dma_wait3A_61 = tpu.memref_slice %arg17[%dma_wait3A_59, %dma_wait3A_60] : memref<10112x128xf32, #tpu.memory_space<vmem_shared>> -> memref<10112x128xf32, #tpu.memory_space<vmem_shared>>
          tpu.wait_indirect_dma semaphore(%run_scoped3A : memref<!tpu.dma_semaphore, #tpu.memory_space<semaphore_mem>>) src(%arg16 : memref<80x128xf32, #tpu.memory_space<vmem>>) dst(%dma_wait3A_61 : memref<10112x128xf32, #tpu.memory_space<vmem_shared>>)
          tpu.yield
        }) : () -> ()
        %dma_wait3A_48 = tpu.memref_slice %arg5[%mul3A_9] : memref<166400xi32, #tpu.memory_space<hbm>> -> memref<80xi32, #tpu.memory_space<hbm>>
        %dma_wait3A_49 = tpu.memref_slice %arg5[%mul3A_9] : memref<166400xi32, #tpu.memory_space<hbm>> -> memref<80xi32, #tpu.memory_space<hbm>>
        tpu.wait_dma2 semaphore(%arg19 : memref<!tpu.dma_semaphore, #tpu.memory_space<semaphore_mem>>) src(%dma_wait3A_49 : memref<80xi32, #tpu.memory_space<hbm>>) dst(%arg13 : memref<80xi32, #tpu.memory_space<vmem>>)
        %add3A_50 = arith.constant 2 : i32
        %add3A_51 = arith.addi %mul3A_39, %add3A_50 : i32
        %lt3A = arith.constant 130 : i32
        %lt3A_52 = arith.cmpi slt, %add3A_51, %lt3A : i32
        %convert_element_type3A_53 = arith.extui %lt3A_52 : i1 to i32
        %cond3A_54 = arith.constant 0 : i32
        %cond3A_55 = arith.cmpi ne, %convert_element_type3A_53, %cond3A_54 : i32
        scf.if %cond3A_55 {
          %add3A_56 = arith.constant 2 : i32
          %add3A_57 = arith.addi %mul3A_39, %add3A_56 : i32
          %mul3A_58 = arith.constant 80 : i32
          %mul3A_59 = arith.muli %add3A_57, %mul3A_58 : i32
          %add3A_60 = arith.addi %mul3A_9, %mul3A_59 : i32
          %dma_start3A_61 = tpu.memref_slice %arg5[%add3A_60] : memref<166400xi32, #tpu.memory_space<hbm>> -> memref<80xi32, #tpu.memory_space<hbm>>
          %dma_start3A_62 = tpu.memref_slice %arg5[%add3A_60] : memref<166400xi32, #tpu.memory_space<hbm>> -> memref<80xi32, #tpu.memory_space<hbm>>
          tpu.enqueue_dma source(%dma_start3A_62 : memref<80xi32, #tpu.memory_space<hbm>>) target(%arg12 : memref<80xi32, #tpu.memory_space<vmem>>) target_semaphore(%arg18 : memref<!tpu.dma_semaphore, #tpu.memory_space<semaphore_mem>>)
        } else {
        }
        "tpu.region"() ({
          %run_scoped3A = tpu.sem_alloc : memref<!tpu.dma_semaphore, #tpu.memory_space<semaphore_mem>>
          %dma_start3A_56 = arith.constant 0 : i32
          %dma_start3A_57 = arith.constant 0 : i32
          %dma_start3A_58 = tpu.memref_slice %arg17[%dma_start3A_56, %dma_start3A_57] : memref<10112x128xf32, #tpu.memory_space<vmem_shared>> -> memref<10112x128xf32, #tpu.memory_space<vmem_shared>>
          tpu.enqueue_indirect_dma source(%arg16 : memref<80x128xf32, #tpu.memory_space<vmem>>) target(%dma_start3A_58 : memref<10112x128xf32, #tpu.memory_space<vmem_shared>>) offsets(%arg13 : memref<80xi32, #tpu.memory_space<vmem>>) semaphore(%run_scoped3A : memref<!tpu.dma_semaphore, #tpu.memory_space<semaphore_mem>>) {add = true}
          %dma_wait3A_59 = arith.constant 0 : i32
          %dma_wait3A_60 = arith.constant 0 : i32
          %dma_wait3A_61 = tpu.memref_slice %arg17[%dma_wait3A_59, %dma_wait3A_60] : memref<10112x128xf32, #tpu.memory_space<vmem_shared>> -> memref<10112x128xf32, #tpu.memory_space<vmem_shared>>
          tpu.wait_indirect_dma semaphore(%run_scoped3A : memref<!tpu.dma_semaphore, #tpu.memory_space<semaphore_mem>>) src(%arg16 : memref<80x128xf32, #tpu.memory_space<vmem>>) dst(%dma_wait3A_61 : memref<10112x128xf32, #tpu.memory_space<vmem_shared>>)
          tpu.yield
        }) : () -> ()
      }
      %scan3A_35 = arith.constant 65 : i32
      %barrier3A_36 = arith.constant 0 : index
      tpu.barrier barrier_id(%barrier3A_36)
      "tpu.region"() ({
        %run_scoped3A = tpu.sem_alloc : memref<!tpu.dma_semaphore, #tpu.memory_space<semaphore_mem>>
        %dma_start3A_37 = arith.constant 0 : i32
        %dma_start3A_38 = tpu.memref_slice %arg11[%mul3A_0, %dma_start3A_37] : memref<10112x128xf32, #tpu.memory_space<hbm>> -> memref<632x128xf32, #tpu.memory_space<hbm>>
        %dma_start3A_39 = arith.constant 0 : i32
        %dma_start3A_40 = tpu.memref_slice %arg17[%mul3A_0, %dma_start3A_39] : memref<10112x128xf32, #tpu.memory_space<vmem_shared>> -> memref<632x128xf32, #tpu.memory_space<vmem_shared>>
        tpu.enqueue_dma source(%dma_start3A_40 : memref<632x128xf32, #tpu.memory_space<vmem_shared>>) target(%dma_start3A_38 : memref<632x128xf32, #tpu.memory_space<hbm>>) target_semaphore(%run_scoped3A : memref<!tpu.dma_semaphore, #tpu.memory_space<semaphore_mem>>)
        %dma_wait3A = arith.constant 0 : i32
        %dma_wait3A_41 = tpu.memref_slice %arg11[%mul3A_0, %dma_wait3A] : memref<10112x128xf32, #tpu.memory_space<hbm>> -> memref<632x128xf32, #tpu.memory_space<hbm>>
        %dma_wait3A_42 = arith.constant 0 : i32
        %dma_wait3A_43 = tpu.memref_slice %arg17[%mul3A_0, %dma_wait3A_42] : memref<10112x128xf32, #tpu.memory_space<vmem_shared>> -> memref<632x128xf32, #tpu.memory_space<vmem_shared>>
        tpu.wait_dma2 semaphore(%run_scoped3A : memref<!tpu.dma_semaphore, #tpu.memory_space<semaphore_mem>>) src(%dma_wait3A_43 : memref<632x128xf32, #tpu.memory_space<vmem_shared>>) dst(%dma_wait3A_41 : memref<632x128xf32, #tpu.memory_space<hbm>>)
        tpu.yield
      }) : () -> ()
    } else {
    }
    return
  }
}

#map = affine_map<(d0, d1) -> (0, 0)>
#map1 = affine_map<(d0, d1) -> (0)>
module attributes {stable_mosaic.version = 14 : i64} {
  func.func @body(%arg0: i32, %arg1: i32, %arg2: memref<153600x128xf32, #tpu.memory_space<hbm>>, %arg3: memref<153600x128xf32, #tpu.memory_space<hbm>>, %arg4: memref<153600xi32, #tpu.memory_space<hbm>>, %arg5: memref<153600xi32, #tpu.memory_space<hbm>>, %arg6: memref<10112x128xf32, #tpu.memory_space<hbm>>, %arg7: memref<80x128xf32, #tpu.memory_space<hbm>>, %arg8: memref<10112x128xf32, #tpu.memory_space<hbm>>, %arg9: memref<10112x128xf32, #tpu.memory_space<hbm>>, %arg10: memref<10112x128xf32, #tpu.memory_space<hbm>>, %arg11: memref<10112x128xf32, #tpu.memory_space<hbm>>, %arg12: memref<80xi32, #tpu.memory_space<vmem>>, %arg13: memref<80xi32, #tpu.memory_space<vmem>>, %arg14: memref<80x128xf32, #tpu.memory_space<vmem>>, %arg15: memref<80x128xf32, #tpu.memory_space<vmem>>, %arg16: memref<80x128xf32, #tpu.memory_space<vmem>>, %arg17: memref<10112x128xf32, #tpu.memory_space<vmem_shared>>, %arg18: memref<!tpu.dma_semaphore, #tpu.memory_space<semaphore_mem>>, %arg19: memref<!tpu.dma_semaphore, #tpu.memory_space<semaphore_mem>>, %arg20: memref<!tpu.dma_semaphore, #tpu.memory_space<semaphore_mem>>, %arg21: memref<!tpu.dma_semaphore, #tpu.memory_space<semaphore_mem>>) attributes {dimension_semantics = [#tpu.dimension_semantics<core_parallel>, #tpu.dimension_semantics<subcore_parallel>], iteration_bounds = array<i64: 2, 16>, scalar_prefetch = 0 : i64, scratch_operands = 10 : i64, tpu.core_type = #tpu.core_type<sc_vector_subcore>, window_params = [{transform_indices = #map}, {transform_indices = #map}, {transform_indices = #map1}, {transform_indices = #map1}, {transform_indices = #map}, {transform_indices = #map}, {transform_indices = #map}, {transform_indices = #map}, {transform_indices = #map}, {transform_indices = #map}]} {
    %mul3A = arith.constant 632 : i32
    %mul3A_0 = arith.muli %arg1, %mul3A : i32
    %eq3A = arith.constant 0 : i32
    %eq3A_1 = arith.cmpi eq, %arg0, %eq3A : i32
    %convert_element_type3A = arith.extui %eq3A_1 : i1 to i32
    %cond3A = arith.constant 0 : i32
    %cond3A_2 = arith.cmpi ne, %convert_element_type3A, %cond3A : i32
    scf.if %cond3A_2 {
      %mul3A_8 = arith.constant 9600 : i32
      %mul3A_9 = arith.muli %arg1, %mul3A_8 : i32
      "tpu.region"() ({
        %run_scoped3A = tpu.sem_alloc : memref<!tpu.dma_semaphore, #tpu.memory_space<semaphore_mem>>
        %dma_start3A_37 = arith.constant 0 : i32
        %dma_start3A_38 = tpu.memref_slice %arg17[%mul3A_0, %dma_start3A_37] : memref<10112x128xf32, #tpu.memory_space<vmem_shared>> -> memref<632x128xf32, #tpu.memory_space<vmem_shared>>
        %dma_start3A_39 = arith.constant 0 : i32
        %dma_start3A_40 = tpu.memref_slice %arg6[%mul3A_0, %dma_start3A_39] : memref<10112x128xf32, #tpu.memory_space<hbm>> -> memref<632x128xf32, #tpu.memory_space<hbm>>
        tpu.enqueue_dma source(%dma_start3A_40 : memref<632x128xf32, #tpu.memory_space<hbm>>) target(%dma_start3A_38 : memref<632x128xf32, #tpu.memory_space<vmem_shared>>) target_semaphore(%run_scoped3A : memref<!tpu.dma_semaphore, #tpu.memory_space<semaphore_mem>>)
        %dma_wait3A = arith.constant 0 : i32
        %dma_wait3A_41 = tpu.memref_slice %arg17[%mul3A_0, %dma_wait3A] : memref<10112x128xf32, #tpu.memory_space<vmem_shared>> -> memref<632x128xf32, #tpu.memory_space<vmem_shared>>
        %dma_wait3A_42 = arith.constant 0 : i32
        %dma_wait3A_43 = tpu.memref_slice %arg6[%mul3A_0, %dma_wait3A_42] : memref<10112x128xf32, #tpu.memory_space<hbm>> -> memref<632x128xf32, #tpu.memory_space<hbm>>
        tpu.wait_dma2 semaphore(%run_scoped3A : memref<!tpu.dma_semaphore, #tpu.memory_space<semaphore_mem>>) src(%dma_wait3A_43 : memref<632x128xf32, #tpu.memory_space<hbm>>) dst(%dma_wait3A_41 : memref<632x128xf32, #tpu.memory_space<vmem_shared>>)
        tpu.yield
      }) : () -> ()
      "tpu.region"() ({
        %run_scoped3A = tpu.sem_alloc : memref<!tpu.dma_semaphore, #tpu.memory_space<semaphore_mem>>
        tpu.enqueue_dma source(%arg7 : memref<80x128xf32, #tpu.memory_space<hbm>>) target(%arg16 : memref<80x128xf32, #tpu.memory_space<vmem>>) target_semaphore(%run_scoped3A : memref<!tpu.dma_semaphore, #tpu.memory_space<semaphore_mem>>)
        tpu.wait_dma2 semaphore(%run_scoped3A : memref<!tpu.dma_semaphore, #tpu.memory_space<semaphore_mem>>) src(%arg7 : memref<80x128xf32, #tpu.memory_space<hbm>>) dst(%arg16 : memref<80x128xf32, #tpu.memory_space<vmem>>)
        tpu.yield
      }) : () -> ()
      %barrier3A = arith.constant 0 : index
      tpu.barrier barrier_id(%barrier3A)
      %add3A = arith.constant 0 : i32
      %add3A_10 = arith.addi %mul3A_9, %add3A : i32
      %dma_start3A = tpu.memref_slice %arg4[%add3A_10] : memref<153600xi32, #tpu.memory_space<hbm>> -> memref<80xi32, #tpu.memory_space<hbm>>
      %dma_start3A_11 = tpu.memref_slice %arg4[%add3A_10] : memref<153600xi32, #tpu.memory_space<hbm>> -> memref<80xi32, #tpu.memory_space<hbm>>
      tpu.enqueue_dma source(%dma_start3A_11 : memref<80xi32, #tpu.memory_space<hbm>>) target(%arg12 : memref<80xi32, #tpu.memory_space<vmem>>) target_semaphore(%arg18 : memref<!tpu.dma_semaphore, #tpu.memory_space<semaphore_mem>>)
      %add3A_12 = arith.constant 0 : i32
      %add3A_13 = arith.addi %mul3A_9, %add3A_12 : i32
      %dma_start3A_14 = arith.constant 0 : i32
      %dma_start3A_15 = tpu.memref_slice %arg2[%add3A_13, %dma_start3A_14] : memref<153600x128xf32, #tpu.memory_space<hbm>> -> memref<80x128xf32, #tpu.memory_space<hbm>>
      %dma_start3A_16 = arith.constant 0 : i32
      %dma_start3A_17 = tpu.memref_slice %arg2[%add3A_13, %dma_start3A_16] : memref<153600x128xf32, #tpu.memory_space<hbm>> -> memref<80x128xf32, #tpu.memory_space<hbm>>
      tpu.enqueue_dma source(%dma_start3A_17 : memref<80x128xf32, #tpu.memory_space<hbm>>) target(%arg14 : memref<80x128xf32, #tpu.memory_space<vmem>>) target_semaphore(%arg20 : memref<!tpu.dma_semaphore, #tpu.memory_space<semaphore_mem>>)
      %scan3A = arith.constant 0 : i32
      %scan3A_18 = arith.constant 0 : i32
      %scan3A_19 = arith.constant 60 : i32
      %scan3A_20 = arith.addi %scan3A_18, %scan3A_19 : i32
      %scan3A_21 = arith.constant 1 : i32
      scf.for %scan3A_37 = %scan3A_18 to %scan3A_20 step %scan3A_21  : i32 {
        %mul3A_38 = arith.constant 2 : i32
        %mul3A_39 = arith.muli %mul3A_38, %scan3A_37 : i32
        %dma_wait3A = tpu.memref_slice %arg4[%mul3A_9] : memref<153600xi32, #tpu.memory_space<hbm>> -> memref<80xi32, #tpu.memory_space<hbm>>
        %dma_wait3A_40 = tpu.memref_slice %arg4[%mul3A_9] : memref<153600xi32, #tpu.memory_space<hbm>> -> memref<80xi32, #tpu.memory_space<hbm>>
        tpu.wait_dma2 semaphore(%arg18 : memref<!tpu.dma_semaphore, #tpu.memory_space<semaphore_mem>>) src(%dma_wait3A_40 : memref<80xi32, #tpu.memory_space<hbm>>) dst(%arg12 : memref<80xi32, #tpu.memory_space<vmem>>)
        %dma_wait3A_41 = arith.constant 0 : i32
        %dma_wait3A_42 = tpu.memref_slice %arg2[%mul3A_9, %dma_wait3A_41] : memref<153600x128xf32, #tpu.memory_space<hbm>> -> memref<80x128xf32, #tpu.memory_space<hbm>>
        %dma_wait3A_43 = arith.constant 0 : i32
        %dma_wait3A_44 = tpu.memref_slice %arg2[%mul3A_9, %dma_wait3A_43] : memref<153600x128xf32, #tpu.memory_space<hbm>> -> memref<80x128xf32, #tpu.memory_space<hbm>>
        tpu.wait_dma2 semaphore(%arg20 : memref<!tpu.dma_semaphore, #tpu.memory_space<semaphore_mem>>) src(%dma_wait3A_44 : memref<80x128xf32, #tpu.memory_space<hbm>>) dst(%arg14 : memref<80x128xf32, #tpu.memory_space<vmem>>)
        %add3A_45 = arith.constant 1 : i32
        %add3A_46 = arith.addi %mul3A_39, %add3A_45 : i32
        %mul3A_47 = arith.constant 80 : i32
        %mul3A_48 = arith.muli %add3A_46, %mul3A_47 : i32
        %add3A_49 = arith.addi %mul3A_9, %mul3A_48 : i32
        %dma_start3A_50 = tpu.memref_slice %arg4[%add3A_49] : memref<153600xi32, #tpu.memory_space<hbm>> -> memref<80xi32, #tpu.memory_space<hbm>>
        %dma_start3A_51 = tpu.memref_slice %arg4[%add3A_49] : memref<153600xi32, #tpu.memory_space<hbm>> -> memref<80xi32, #tpu.memory_space<hbm>>
        tpu.enqueue_dma source(%dma_start3A_51 : memref<80xi32, #tpu.memory_space<hbm>>) target(%arg13 : memref<80xi32, #tpu.memory_space<vmem>>) target_semaphore(%arg19 : memref<!tpu.dma_semaphore, #tpu.memory_space<semaphore_mem>>)
        %mul3A_52 = arith.constant 80 : i32
        %mul3A_53 = arith.muli %add3A_46, %mul3A_52 : i32
        %add3A_54 = arith.addi %mul3A_9, %mul3A_53 : i32
        %dma_start3A_55 = arith.constant 0 : i32
        %dma_start3A_56 = tpu.memref_slice %arg2[%add3A_54, %dma_start3A_55] : memref<153600x128xf32, #tpu.memory_space<hbm>> -> memref<80x128xf32, #tpu.memory_space<hbm>>
        %dma_start3A_57 = arith.constant 0 : i32
        %dma_start3A_58 = tpu.memref_slice %arg2[%add3A_54, %dma_start3A_57] : memref<153600x128xf32, #tpu.memory_space<hbm>> -> memref<80x128xf32, #tpu.memory_space<hbm>>
        tpu.enqueue_dma source(%dma_start3A_58 : memref<80x128xf32, #tpu.memory_space<hbm>>) target(%arg15 : memref<80x128xf32, #tpu.memory_space<vmem>>) target_semaphore(%arg21 : memref<!tpu.dma_semaphore, #tpu.memory_space<semaphore_mem>>)
        "tpu.region"() ({
          %run_scoped3A = tpu.sem_alloc : memref<!tpu.dma_semaphore, #tpu.memory_space<semaphore_mem>>
          %dma_start3A_71 = arith.constant 0 : i32
          %dma_start3A_72 = arith.constant 0 : i32
          %dma_start3A_73 = tpu.memref_slice %arg17[%dma_start3A_71, %dma_start3A_72] : memref<10112x128xf32, #tpu.memory_space<vmem_shared>> -> memref<10112x128xf32, #tpu.memory_space<vmem_shared>>
          tpu.enqueue_indirect_dma source(%arg14 : memref<80x128xf32, #tpu.memory_space<vmem>>) target(%dma_start3A_73 : memref<10112x128xf32, #tpu.memory_space<vmem_shared>>) offsets(%arg12 : memref<80xi32, #tpu.memory_space<vmem>>) semaphore(%run_scoped3A : memref<!tpu.dma_semaphore, #tpu.memory_space<semaphore_mem>>) {add = true}
          %dma_wait3A_74 = arith.constant 0 : i32
          %dma_wait3A_75 = arith.constant 0 : i32
          %dma_wait3A_76 = tpu.memref_slice %arg17[%dma_wait3A_74, %dma_wait3A_75] : memref<10112x128xf32, #tpu.memory_space<vmem_shared>> -> memref<10112x128xf32, #tpu.memory_space<vmem_shared>>
          tpu.wait_indirect_dma semaphore(%run_scoped3A : memref<!tpu.dma_semaphore, #tpu.memory_space<semaphore_mem>>) src(%arg14 : memref<80x128xf32, #tpu.memory_space<vmem>>) dst(%dma_wait3A_76 : memref<10112x128xf32, #tpu.memory_space<vmem_shared>>)
          tpu.yield
        }) : () -> ()
        %dma_wait3A_59 = tpu.memref_slice %arg4[%mul3A_9] : memref<153600xi32, #tpu.memory_space<hbm>> -> memref<80xi32, #tpu.memory_space<hbm>>
        %dma_wait3A_60 = tpu.memref_slice %arg4[%mul3A_9] : memref<153600xi32, #tpu.memory_space<hbm>> -> memref<80xi32, #tpu.memory_space<hbm>>
        tpu.wait_dma2 semaphore(%arg19 : memref<!tpu.dma_semaphore, #tpu.memory_space<semaphore_mem>>) src(%dma_wait3A_60 : memref<80xi32, #tpu.memory_space<hbm>>) dst(%arg13 : memref<80xi32, #tpu.memory_space<vmem>>)
        %dma_wait3A_61 = arith.constant 0 : i32
        %dma_wait3A_62 = tpu.memref_slice %arg2[%mul3A_9, %dma_wait3A_61] : memref<153600x128xf32, #tpu.memory_space<hbm>> -> memref<80x128xf32, #tpu.memory_space<hbm>>
        %dma_wait3A_63 = arith.constant 0 : i32
        %dma_wait3A_64 = tpu.memref_slice %arg2[%mul3A_9, %dma_wait3A_63] : memref<153600x128xf32, #tpu.memory_space<hbm>> -> memref<80x128xf32, #tpu.memory_space<hbm>>
        tpu.wait_dma2 semaphore(%arg21 : memref<!tpu.dma_semaphore, #tpu.memory_space<semaphore_mem>>) src(%dma_wait3A_64 : memref<80x128xf32, #tpu.memory_space<hbm>>) dst(%arg15 : memref<80x128xf32, #tpu.memory_space<vmem>>)
        %add3A_65 = arith.constant 2 : i32
        %add3A_66 = arith.addi %mul3A_39, %add3A_65 : i32
        %lt3A = arith.constant 120 : i32
        %lt3A_67 = arith.cmpi slt, %add3A_66, %lt3A : i32
        %convert_element_type3A_68 = arith.extui %lt3A_67 : i1 to i32
        %cond3A_69 = arith.constant 0 : i32
        %cond3A_70 = arith.cmpi ne, %convert_element_type3A_68, %cond3A_69 : i32
        scf.if %cond3A_70 {
          %add3A_71 = arith.constant 2 : i32
          %add3A_72 = arith.addi %mul3A_39, %add3A_71 : i32
          %mul3A_73 = arith.constant 80 : i32
          %mul3A_74 = arith.muli %add3A_72, %mul3A_73 : i32
          %add3A_75 = arith.addi %mul3A_9, %mul3A_74 : i32
          %dma_start3A_76 = tpu.memref_slice %arg4[%add3A_75] : memref<153600xi32, #tpu.memory_space<hbm>> -> memref<80xi32, #tpu.memory_space<hbm>>
          %dma_start3A_77 = tpu.memref_slice %arg4[%add3A_75] : memref<153600xi32, #tpu.memory_space<hbm>> -> memref<80xi32, #tpu.memory_space<hbm>>
          tpu.enqueue_dma source(%dma_start3A_77 : memref<80xi32, #tpu.memory_space<hbm>>) target(%arg12 : memref<80xi32, #tpu.memory_space<vmem>>) target_semaphore(%arg18 : memref<!tpu.dma_semaphore, #tpu.memory_space<semaphore_mem>>)
          %mul3A_78 = arith.constant 80 : i32
          %mul3A_79 = arith.muli %add3A_72, %mul3A_78 : i32
          %add3A_80 = arith.addi %mul3A_9, %mul3A_79 : i32
          %dma_start3A_81 = arith.constant 0 : i32
          %dma_start3A_82 = tpu.memref_slice %arg2[%add3A_80, %dma_start3A_81] : memref<153600x128xf32, #tpu.memory_space<hbm>> -> memref<80x128xf32, #tpu.memory_space<hbm>>
          %dma_start3A_83 = arith.constant 0 : i32
          %dma_start3A_84 = tpu.memref_slice %arg2[%add3A_80, %dma_start3A_83] : memref<153600x128xf32, #tpu.memory_space<hbm>> -> memref<80x128xf32, #tpu.memory_space<hbm>>
          tpu.enqueue_dma source(%dma_start3A_84 : memref<80x128xf32, #tpu.memory_space<hbm>>) target(%arg14 : memref<80x128xf32, #tpu.memory_space<vmem>>) target_semaphore(%arg20 : memref<!tpu.dma_semaphore, #tpu.memory_space<semaphore_mem>>)
        } else {
        }
        "tpu.region"() ({
          %run_scoped3A = tpu.sem_alloc : memref<!tpu.dma_semaphore, #tpu.memory_space<semaphore_mem>>
          %dma_start3A_71 = arith.constant 0 : i32
          %dma_start3A_72 = arith.constant 0 : i32
          %dma_start3A_73 = tpu.memref_slice %arg17[%dma_start3A_71, %dma_start3A_72] : memref<10112x128xf32, #tpu.memory_space<vmem_shared>> -> memref<10112x128xf32, #tpu.memory_space<vmem_shared>>
          tpu.enqueue_indirect_dma source(%arg15 : memref<80x128xf32, #tpu.memory_space<vmem>>) target(%dma_start3A_73 : memref<10112x128xf32, #tpu.memory_space<vmem_shared>>) offsets(%arg13 : memref<80xi32, #tpu.memory_space<vmem>>) semaphore(%run_scoped3A : memref<!tpu.dma_semaphore, #tpu.memory_space<semaphore_mem>>) {add = true}
          %dma_wait3A_74 = arith.constant 0 : i32
          %dma_wait3A_75 = arith.constant 0 : i32
          %dma_wait3A_76 = tpu.memref_slice %arg17[%dma_wait3A_74, %dma_wait3A_75] : memref<10112x128xf32, #tpu.memory_space<vmem_shared>> -> memref<10112x128xf32, #tpu.memory_space<vmem_shared>>
          tpu.wait_indirect_dma semaphore(%run_scoped3A : memref<!tpu.dma_semaphore, #tpu.memory_space<semaphore_mem>>) src(%arg15 : memref<80x128xf32, #tpu.memory_space<vmem>>) dst(%dma_wait3A_76 : memref<10112x128xf32, #tpu.memory_space<vmem_shared>>)
          tpu.yield
        }) : () -> ()
      }
      %scan3A_22 = arith.constant 60 : i32
      %barrier3A_23 = arith.constant 0 : index
      tpu.barrier barrier_id(%barrier3A_23)
      "tpu.region"() ({
        %run_scoped3A = tpu.sem_alloc : memref<!tpu.dma_semaphore, #tpu.memory_space<semaphore_mem>>
        %dma_start3A_37 = arith.constant 0 : i32
        %dma_start3A_38 = tpu.memref_slice %arg8[%mul3A_0, %dma_start3A_37] : memref<10112x128xf32, #tpu.memory_space<hbm>> -> memref<632x128xf32, #tpu.memory_space<hbm>>
        %dma_start3A_39 = arith.constant 0 : i32
        %dma_start3A_40 = tpu.memref_slice %arg17[%mul3A_0, %dma_start3A_39] : memref<10112x128xf32, #tpu.memory_space<vmem_shared>> -> memref<632x128xf32, #tpu.memory_space<vmem_shared>>
        tpu.enqueue_dma source(%dma_start3A_40 : memref<632x128xf32, #tpu.memory_space<vmem_shared>>) target(%dma_start3A_38 : memref<632x128xf32, #tpu.memory_space<hbm>>) target_semaphore(%run_scoped3A : memref<!tpu.dma_semaphore, #tpu.memory_space<semaphore_mem>>)
        %dma_wait3A = arith.constant 0 : i32
        %dma_wait3A_41 = tpu.memref_slice %arg8[%mul3A_0, %dma_wait3A] : memref<10112x128xf32, #tpu.memory_space<hbm>> -> memref<632x128xf32, #tpu.memory_space<hbm>>
        %dma_wait3A_42 = arith.constant 0 : i32
        %dma_wait3A_43 = tpu.memref_slice %arg17[%mul3A_0, %dma_wait3A_42] : memref<10112x128xf32, #tpu.memory_space<vmem_shared>> -> memref<632x128xf32, #tpu.memory_space<vmem_shared>>
        tpu.wait_dma2 semaphore(%run_scoped3A : memref<!tpu.dma_semaphore, #tpu.memory_space<semaphore_mem>>) src(%dma_wait3A_43 : memref<632x128xf32, #tpu.memory_space<vmem_shared>>) dst(%dma_wait3A_41 : memref<632x128xf32, #tpu.memory_space<hbm>>)
        tpu.yield
      }) : () -> ()
      %barrier3A_24 = arith.constant 0 : index
      tpu.barrier barrier_id(%barrier3A_24)
      "tpu.region"() ({
        %run_scoped3A = tpu.sem_alloc : memref<!tpu.dma_semaphore, #tpu.memory_space<semaphore_mem>>
        %dma_start3A_37 = arith.constant 0 : i32
        %dma_start3A_38 = tpu.memref_slice %arg17[%mul3A_0, %dma_start3A_37] : memref<10112x128xf32, #tpu.memory_space<vmem_shared>> -> memref<632x128xf32, #tpu.memory_space<vmem_shared>>
        %dma_start3A_39 = arith.constant 0 : i32
        %dma_start3A_40 = tpu.memref_slice %arg6[%mul3A_0, %dma_start3A_39] : memref<10112x128xf32, #tpu.memory_space<hbm>> -> memref<632x128xf32, #tpu.memory_space<hbm>>
        tpu.enqueue_dma source(%dma_start3A_40 : memref<632x128xf32, #tpu.memory_space<hbm>>) target(%dma_start3A_38 : memref<632x128xf32, #tpu.memory_space<vmem_shared>>) target_semaphore(%run_scoped3A : memref<!tpu.dma_semaphore, #tpu.memory_space<semaphore_mem>>)
        %dma_wait3A = arith.constant 0 : i32
        %dma_wait3A_41 = tpu.memref_slice %arg17[%mul3A_0, %dma_wait3A] : memref<10112x128xf32, #tpu.memory_space<vmem_shared>> -> memref<632x128xf32, #tpu.memory_space<vmem_shared>>
        %dma_wait3A_42 = arith.constant 0 : i32
        %dma_wait3A_43 = tpu.memref_slice %arg6[%mul3A_0, %dma_wait3A_42] : memref<10112x128xf32, #tpu.memory_space<hbm>> -> memref<632x128xf32, #tpu.memory_space<hbm>>
        tpu.wait_dma2 semaphore(%run_scoped3A : memref<!tpu.dma_semaphore, #tpu.memory_space<semaphore_mem>>) src(%dma_wait3A_43 : memref<632x128xf32, #tpu.memory_space<hbm>>) dst(%dma_wait3A_41 : memref<632x128xf32, #tpu.memory_space<vmem_shared>>)
        tpu.yield
      }) : () -> ()
      %barrier3A_25 = arith.constant 0 : index
      tpu.barrier barrier_id(%barrier3A_25)
      %add3A_26 = arith.constant 0 : i32
      %add3A_27 = arith.addi %mul3A_9, %add3A_26 : i32
      %dma_start3A_28 = tpu.memref_slice %arg4[%add3A_27] : memref<153600xi32, #tpu.memory_space<hbm>> -> memref<80xi32, #tpu.memory_space<hbm>>
      %dma_start3A_29 = tpu.memref_slice %arg4[%add3A_27] : memref<153600xi32, #tpu.memory_space<hbm>> -> memref<80xi32, #tpu.memory_space<hbm>>
      tpu.enqueue_dma source(%dma_start3A_29 : memref<80xi32, #tpu.memory_space<hbm>>) target(%arg12 : memref<80xi32, #tpu.memory_space<vmem>>) target_semaphore(%arg18 : memref<!tpu.dma_semaphore, #tpu.memory_space<semaphore_mem>>)
      %scan3A_30 = arith.constant 0 : i32
      %scan3A_31 = arith.constant 0 : i32
      %scan3A_32 = arith.constant 60 : i32
      %scan3A_33 = arith.addi %scan3A_31, %scan3A_32 : i32
      %scan3A_34 = arith.constant 1 : i32
      scf.for %scan3A_37 = %scan3A_31 to %scan3A_33 step %scan3A_34  : i32 {
        %mul3A_38 = arith.constant 2 : i32
        %mul3A_39 = arith.muli %mul3A_38, %scan3A_37 : i32
        %dma_wait3A = tpu.memref_slice %arg4[%mul3A_9] : memref<153600xi32, #tpu.memory_space<hbm>> -> memref<80xi32, #tpu.memory_space<hbm>>
        %dma_wait3A_40 = tpu.memref_slice %arg4[%mul3A_9] : memref<153600xi32, #tpu.memory_space<hbm>> -> memref<80xi32, #tpu.memory_space<hbm>>
        tpu.wait_dma2 semaphore(%arg18 : memref<!tpu.dma_semaphore, #tpu.memory_space<semaphore_mem>>) src(%dma_wait3A_40 : memref<80xi32, #tpu.memory_space<hbm>>) dst(%arg12 : memref<80xi32, #tpu.memory_space<vmem>>)
        %add3A_41 = arith.constant 1 : i32
        %add3A_42 = arith.addi %mul3A_39, %add3A_41 : i32
        %mul3A_43 = arith.constant 80 : i32
        %mul3A_44 = arith.muli %add3A_42, %mul3A_43 : i32
        %add3A_45 = arith.addi %mul3A_9, %mul3A_44 : i32
        %dma_start3A_46 = tpu.memref_slice %arg4[%add3A_45] : memref<153600xi32, #tpu.memory_space<hbm>> -> memref<80xi32, #tpu.memory_space<hbm>>
        %dma_start3A_47 = tpu.memref_slice %arg4[%add3A_45] : memref<153600xi32, #tpu.memory_space<hbm>> -> memref<80xi32, #tpu.memory_space<hbm>>
        tpu.enqueue_dma source(%dma_start3A_47 : memref<80xi32, #tpu.memory_space<hbm>>) target(%arg13 : memref<80xi32, #tpu.memory_space<vmem>>) target_semaphore(%arg19 : memref<!tpu.dma_semaphore, #tpu.memory_space<semaphore_mem>>)
        "tpu.region"() ({
          %run_scoped3A = tpu.sem_alloc : memref<!tpu.dma_semaphore, #tpu.memory_space<semaphore_mem>>
          %dma_start3A_56 = arith.constant 0 : i32
          %dma_start3A_57 = arith.constant 0 : i32
          %dma_start3A_58 = tpu.memref_slice %arg17[%dma_start3A_56, %dma_start3A_57] : memref<10112x128xf32, #tpu.memory_space<vmem_shared>> -> memref<10112x128xf32, #tpu.memory_space<vmem_shared>>
          tpu.enqueue_indirect_dma source(%arg16 : memref<80x128xf32, #tpu.memory_space<vmem>>) target(%dma_start3A_58 : memref<10112x128xf32, #tpu.memory_space<vmem_shared>>) offsets(%arg12 : memref<80xi32, #tpu.memory_space<vmem>>) semaphore(%run_scoped3A : memref<!tpu.dma_semaphore, #tpu.memory_space<semaphore_mem>>) {add = true}
          %dma_wait3A_59 = arith.constant 0 : i32
          %dma_wait3A_60 = arith.constant 0 : i32
          %dma_wait3A_61 = tpu.memref_slice %arg17[%dma_wait3A_59, %dma_wait3A_60] : memref<10112x128xf32, #tpu.memory_space<vmem_shared>> -> memref<10112x128xf32, #tpu.memory_space<vmem_shared>>
          tpu.wait_indirect_dma semaphore(%run_scoped3A : memref<!tpu.dma_semaphore, #tpu.memory_space<semaphore_mem>>) src(%arg16 : memref<80x128xf32, #tpu.memory_space<vmem>>) dst(%dma_wait3A_61 : memref<10112x128xf32, #tpu.memory_space<vmem_shared>>)
          tpu.yield
        }) : () -> ()
        %dma_wait3A_48 = tpu.memref_slice %arg4[%mul3A_9] : memref<153600xi32, #tpu.memory_space<hbm>> -> memref<80xi32, #tpu.memory_space<hbm>>
        %dma_wait3A_49 = tpu.memref_slice %arg4[%mul3A_9] : memref<153600xi32, #tpu.memory_space<hbm>> -> memref<80xi32, #tpu.memory_space<hbm>>
        tpu.wait_dma2 semaphore(%arg19 : memref<!tpu.dma_semaphore, #tpu.memory_space<semaphore_mem>>) src(%dma_wait3A_49 : memref<80xi32, #tpu.memory_space<hbm>>) dst(%arg13 : memref<80xi32, #tpu.memory_space<vmem>>)
        %add3A_50 = arith.constant 2 : i32
        %add3A_51 = arith.addi %mul3A_39, %add3A_50 : i32
        %lt3A = arith.constant 120 : i32
        %lt3A_52 = arith.cmpi slt, %add3A_51, %lt3A : i32
        %convert_element_type3A_53 = arith.extui %lt3A_52 : i1 to i32
        %cond3A_54 = arith.constant 0 : i32
        %cond3A_55 = arith.cmpi ne, %convert_element_type3A_53, %cond3A_54 : i32
        scf.if %cond3A_55 {
          %add3A_56 = arith.constant 2 : i32
          %add3A_57 = arith.addi %mul3A_39, %add3A_56 : i32
          %mul3A_58 = arith.constant 80 : i32
          %mul3A_59 = arith.muli %add3A_57, %mul3A_58 : i32
          %add3A_60 = arith.addi %mul3A_9, %mul3A_59 : i32
          %dma_start3A_61 = tpu.memref_slice %arg4[%add3A_60] : memref<153600xi32, #tpu.memory_space<hbm>> -> memref<80xi32, #tpu.memory_space<hbm>>
          %dma_start3A_62 = tpu.memref_slice %arg4[%add3A_60] : memref<153600xi32, #tpu.memory_space<hbm>> -> memref<80xi32, #tpu.memory_space<hbm>>
          tpu.enqueue_dma source(%dma_start3A_62 : memref<80xi32, #tpu.memory_space<hbm>>) target(%arg12 : memref<80xi32, #tpu.memory_space<vmem>>) target_semaphore(%arg18 : memref<!tpu.dma_semaphore, #tpu.memory_space<semaphore_mem>>)
        } else {
        }
        "tpu.region"() ({
          %run_scoped3A = tpu.sem_alloc : memref<!tpu.dma_semaphore, #tpu.memory_space<semaphore_mem>>
          %dma_start3A_56 = arith.constant 0 : i32
          %dma_start3A_57 = arith.constant 0 : i32
          %dma_start3A_58 = tpu.memref_slice %arg17[%dma_start3A_56, %dma_start3A_57] : memref<10112x128xf32, #tpu.memory_space<vmem_shared>> -> memref<10112x128xf32, #tpu.memory_space<vmem_shared>>
          tpu.enqueue_indirect_dma source(%arg16 : memref<80x128xf32, #tpu.memory_space<vmem>>) target(%dma_start3A_58 : memref<10112x128xf32, #tpu.memory_space<vmem_shared>>) offsets(%arg13 : memref<80xi32, #tpu.memory_space<vmem>>) semaphore(%run_scoped3A : memref<!tpu.dma_semaphore, #tpu.memory_space<semaphore_mem>>) {add = true}
          %dma_wait3A_59 = arith.constant 0 : i32
          %dma_wait3A_60 = arith.constant 0 : i32
          %dma_wait3A_61 = tpu.memref_slice %arg17[%dma_wait3A_59, %dma_wait3A_60] : memref<10112x128xf32, #tpu.memory_space<vmem_shared>> -> memref<10112x128xf32, #tpu.memory_space<vmem_shared>>
          tpu.wait_indirect_dma semaphore(%run_scoped3A : memref<!tpu.dma_semaphore, #tpu.memory_space<semaphore_mem>>) src(%arg16 : memref<80x128xf32, #tpu.memory_space<vmem>>) dst(%dma_wait3A_61 : memref<10112x128xf32, #tpu.memory_space<vmem_shared>>)
          tpu.yield
        }) : () -> ()
      }
      %scan3A_35 = arith.constant 60 : i32
      %barrier3A_36 = arith.constant 0 : index
      tpu.barrier barrier_id(%barrier3A_36)
      "tpu.region"() ({
        %run_scoped3A = tpu.sem_alloc : memref<!tpu.dma_semaphore, #tpu.memory_space<semaphore_mem>>
        %dma_start3A_37 = arith.constant 0 : i32
        %dma_start3A_38 = tpu.memref_slice %arg9[%mul3A_0, %dma_start3A_37] : memref<10112x128xf32, #tpu.memory_space<hbm>> -> memref<632x128xf32, #tpu.memory_space<hbm>>
        %dma_start3A_39 = arith.constant 0 : i32
        %dma_start3A_40 = tpu.memref_slice %arg17[%mul3A_0, %dma_start3A_39] : memref<10112x128xf32, #tpu.memory_space<vmem_shared>> -> memref<632x128xf32, #tpu.memory_space<vmem_shared>>
        tpu.enqueue_dma source(%dma_start3A_40 : memref<632x128xf32, #tpu.memory_space<vmem_shared>>) target(%dma_start3A_38 : memref<632x128xf32, #tpu.memory_space<hbm>>) target_semaphore(%run_scoped3A : memref<!tpu.dma_semaphore, #tpu.memory_space<semaphore_mem>>)
        %dma_wait3A = arith.constant 0 : i32
        %dma_wait3A_41 = tpu.memref_slice %arg9[%mul3A_0, %dma_wait3A] : memref<10112x128xf32, #tpu.memory_space<hbm>> -> memref<632x128xf32, #tpu.memory_space<hbm>>
        %dma_wait3A_42 = arith.constant 0 : i32
        %dma_wait3A_43 = tpu.memref_slice %arg17[%mul3A_0, %dma_wait3A_42] : memref<10112x128xf32, #tpu.memory_space<vmem_shared>> -> memref<632x128xf32, #tpu.memory_space<vmem_shared>>
        tpu.wait_dma2 semaphore(%run_scoped3A : memref<!tpu.dma_semaphore, #tpu.memory_space<semaphore_mem>>) src(%dma_wait3A_43 : memref<632x128xf32, #tpu.memory_space<vmem_shared>>) dst(%dma_wait3A_41 : memref<632x128xf32, #tpu.memory_space<hbm>>)
        tpu.yield
      }) : () -> ()
    } else {
    }
    %eq3A_3 = arith.constant 1 : i32
    %eq3A_4 = arith.cmpi eq, %arg0, %eq3A_3 : i32
    %convert_element_type3A_5 = arith.extui %eq3A_4 : i1 to i32
    %cond3A_6 = arith.constant 0 : i32
    %cond3A_7 = arith.cmpi ne, %convert_element_type3A_5, %cond3A_6 : i32
    scf.if %cond3A_7 {
      %mul3A_8 = arith.constant 9600 : i32
      %mul3A_9 = arith.muli %arg1, %mul3A_8 : i32
      "tpu.region"() ({
        %run_scoped3A = tpu.sem_alloc : memref<!tpu.dma_semaphore, #tpu.memory_space<semaphore_mem>>
        %dma_start3A_37 = arith.constant 0 : i32
        %dma_start3A_38 = tpu.memref_slice %arg17[%mul3A_0, %dma_start3A_37] : memref<10112x128xf32, #tpu.memory_space<vmem_shared>> -> memref<632x128xf32, #tpu.memory_space<vmem_shared>>
        %dma_start3A_39 = arith.constant 0 : i32
        %dma_start3A_40 = tpu.memref_slice %arg6[%mul3A_0, %dma_start3A_39] : memref<10112x128xf32, #tpu.memory_space<hbm>> -> memref<632x128xf32, #tpu.memory_space<hbm>>
        tpu.enqueue_dma source(%dma_start3A_40 : memref<632x128xf32, #tpu.memory_space<hbm>>) target(%dma_start3A_38 : memref<632x128xf32, #tpu.memory_space<vmem_shared>>) target_semaphore(%run_scoped3A : memref<!tpu.dma_semaphore, #tpu.memory_space<semaphore_mem>>)
        %dma_wait3A = arith.constant 0 : i32
        %dma_wait3A_41 = tpu.memref_slice %arg17[%mul3A_0, %dma_wait3A] : memref<10112x128xf32, #tpu.memory_space<vmem_shared>> -> memref<632x128xf32, #tpu.memory_space<vmem_shared>>
        %dma_wait3A_42 = arith.constant 0 : i32
        %dma_wait3A_43 = tpu.memref_slice %arg6[%mul3A_0, %dma_wait3A_42] : memref<10112x128xf32, #tpu.memory_space<hbm>> -> memref<632x128xf32, #tpu.memory_space<hbm>>
        tpu.wait_dma2 semaphore(%run_scoped3A : memref<!tpu.dma_semaphore, #tpu.memory_space<semaphore_mem>>) src(%dma_wait3A_43 : memref<632x128xf32, #tpu.memory_space<hbm>>) dst(%dma_wait3A_41 : memref<632x128xf32, #tpu.memory_space<vmem_shared>>)
        tpu.yield
      }) : () -> ()
      "tpu.region"() ({
        %run_scoped3A = tpu.sem_alloc : memref<!tpu.dma_semaphore, #tpu.memory_space<semaphore_mem>>
        tpu.enqueue_dma source(%arg7 : memref<80x128xf32, #tpu.memory_space<hbm>>) target(%arg16 : memref<80x128xf32, #tpu.memory_space<vmem>>) target_semaphore(%run_scoped3A : memref<!tpu.dma_semaphore, #tpu.memory_space<semaphore_mem>>)
        tpu.wait_dma2 semaphore(%run_scoped3A : memref<!tpu.dma_semaphore, #tpu.memory_space<semaphore_mem>>) src(%arg7 : memref<80x128xf32, #tpu.memory_space<hbm>>) dst(%arg16 : memref<80x128xf32, #tpu.memory_space<vmem>>)
        tpu.yield
      }) : () -> ()
      %barrier3A = arith.constant 0 : index
      tpu.barrier barrier_id(%barrier3A)
      %add3A = arith.constant 0 : i32
      %add3A_10 = arith.addi %mul3A_9, %add3A : i32
      %dma_start3A = tpu.memref_slice %arg5[%add3A_10] : memref<153600xi32, #tpu.memory_space<hbm>> -> memref<80xi32, #tpu.memory_space<hbm>>
      %dma_start3A_11 = tpu.memref_slice %arg5[%add3A_10] : memref<153600xi32, #tpu.memory_space<hbm>> -> memref<80xi32, #tpu.memory_space<hbm>>
      tpu.enqueue_dma source(%dma_start3A_11 : memref<80xi32, #tpu.memory_space<hbm>>) target(%arg12 : memref<80xi32, #tpu.memory_space<vmem>>) target_semaphore(%arg18 : memref<!tpu.dma_semaphore, #tpu.memory_space<semaphore_mem>>)
      %add3A_12 = arith.constant 0 : i32
      %add3A_13 = arith.addi %mul3A_9, %add3A_12 : i32
      %dma_start3A_14 = arith.constant 0 : i32
      %dma_start3A_15 = tpu.memref_slice %arg3[%add3A_13, %dma_start3A_14] : memref<153600x128xf32, #tpu.memory_space<hbm>> -> memref<80x128xf32, #tpu.memory_space<hbm>>
      %dma_start3A_16 = arith.constant 0 : i32
      %dma_start3A_17 = tpu.memref_slice %arg3[%add3A_13, %dma_start3A_16] : memref<153600x128xf32, #tpu.memory_space<hbm>> -> memref<80x128xf32, #tpu.memory_space<hbm>>
      tpu.enqueue_dma source(%dma_start3A_17 : memref<80x128xf32, #tpu.memory_space<hbm>>) target(%arg14 : memref<80x128xf32, #tpu.memory_space<vmem>>) target_semaphore(%arg20 : memref<!tpu.dma_semaphore, #tpu.memory_space<semaphore_mem>>)
      %scan3A = arith.constant 0 : i32
      %scan3A_18 = arith.constant 0 : i32
      %scan3A_19 = arith.constant 60 : i32
      %scan3A_20 = arith.addi %scan3A_18, %scan3A_19 : i32
      %scan3A_21 = arith.constant 1 : i32
      scf.for %scan3A_37 = %scan3A_18 to %scan3A_20 step %scan3A_21  : i32 {
        %mul3A_38 = arith.constant 2 : i32
        %mul3A_39 = arith.muli %mul3A_38, %scan3A_37 : i32
        %dma_wait3A = tpu.memref_slice %arg5[%mul3A_9] : memref<153600xi32, #tpu.memory_space<hbm>> -> memref<80xi32, #tpu.memory_space<hbm>>
        %dma_wait3A_40 = tpu.memref_slice %arg5[%mul3A_9] : memref<153600xi32, #tpu.memory_space<hbm>> -> memref<80xi32, #tpu.memory_space<hbm>>
        tpu.wait_dma2 semaphore(%arg18 : memref<!tpu.dma_semaphore, #tpu.memory_space<semaphore_mem>>) src(%dma_wait3A_40 : memref<80xi32, #tpu.memory_space<hbm>>) dst(%arg12 : memref<80xi32, #tpu.memory_space<vmem>>)
        %dma_wait3A_41 = arith.constant 0 : i32
        %dma_wait3A_42 = tpu.memref_slice %arg3[%mul3A_9, %dma_wait3A_41] : memref<153600x128xf32, #tpu.memory_space<hbm>> -> memref<80x128xf32, #tpu.memory_space<hbm>>
        %dma_wait3A_43 = arith.constant 0 : i32
        %dma_wait3A_44 = tpu.memref_slice %arg3[%mul3A_9, %dma_wait3A_43] : memref<153600x128xf32, #tpu.memory_space<hbm>> -> memref<80x128xf32, #tpu.memory_space<hbm>>
        tpu.wait_dma2 semaphore(%arg20 : memref<!tpu.dma_semaphore, #tpu.memory_space<semaphore_mem>>) src(%dma_wait3A_44 : memref<80x128xf32, #tpu.memory_space<hbm>>) dst(%arg14 : memref<80x128xf32, #tpu.memory_space<vmem>>)
        %add3A_45 = arith.constant 1 : i32
        %add3A_46 = arith.addi %mul3A_39, %add3A_45 : i32
        %mul3A_47 = arith.constant 80 : i32
        %mul3A_48 = arith.muli %add3A_46, %mul3A_47 : i32
        %add3A_49 = arith.addi %mul3A_9, %mul3A_48 : i32
        %dma_start3A_50 = tpu.memref_slice %arg5[%add3A_49] : memref<153600xi32, #tpu.memory_space<hbm>> -> memref<80xi32, #tpu.memory_space<hbm>>
        %dma_start3A_51 = tpu.memref_slice %arg5[%add3A_49] : memref<153600xi32, #tpu.memory_space<hbm>> -> memref<80xi32, #tpu.memory_space<hbm>>
        tpu.enqueue_dma source(%dma_start3A_51 : memref<80xi32, #tpu.memory_space<hbm>>) target(%arg13 : memref<80xi32, #tpu.memory_space<vmem>>) target_semaphore(%arg19 : memref<!tpu.dma_semaphore, #tpu.memory_space<semaphore_mem>>)
        %mul3A_52 = arith.constant 80 : i32
        %mul3A_53 = arith.muli %add3A_46, %mul3A_52 : i32
        %add3A_54 = arith.addi %mul3A_9, %mul3A_53 : i32
        %dma_start3A_55 = arith.constant 0 : i32
        %dma_start3A_56 = tpu.memref_slice %arg3[%add3A_54, %dma_start3A_55] : memref<153600x128xf32, #tpu.memory_space<hbm>> -> memref<80x128xf32, #tpu.memory_space<hbm>>
        %dma_start3A_57 = arith.constant 0 : i32
        %dma_start3A_58 = tpu.memref_slice %arg3[%add3A_54, %dma_start3A_57] : memref<153600x128xf32, #tpu.memory_space<hbm>> -> memref<80x128xf32, #tpu.memory_space<hbm>>
        tpu.enqueue_dma source(%dma_start3A_58 : memref<80x128xf32, #tpu.memory_space<hbm>>) target(%arg15 : memref<80x128xf32, #tpu.memory_space<vmem>>) target_semaphore(%arg21 : memref<!tpu.dma_semaphore, #tpu.memory_space<semaphore_mem>>)
        "tpu.region"() ({
          %run_scoped3A = tpu.sem_alloc : memref<!tpu.dma_semaphore, #tpu.memory_space<semaphore_mem>>
          %dma_start3A_71 = arith.constant 0 : i32
          %dma_start3A_72 = arith.constant 0 : i32
          %dma_start3A_73 = tpu.memref_slice %arg17[%dma_start3A_71, %dma_start3A_72] : memref<10112x128xf32, #tpu.memory_space<vmem_shared>> -> memref<10112x128xf32, #tpu.memory_space<vmem_shared>>
          tpu.enqueue_indirect_dma source(%arg14 : memref<80x128xf32, #tpu.memory_space<vmem>>) target(%dma_start3A_73 : memref<10112x128xf32, #tpu.memory_space<vmem_shared>>) offsets(%arg12 : memref<80xi32, #tpu.memory_space<vmem>>) semaphore(%run_scoped3A : memref<!tpu.dma_semaphore, #tpu.memory_space<semaphore_mem>>) {add = true}
          %dma_wait3A_74 = arith.constant 0 : i32
          %dma_wait3A_75 = arith.constant 0 : i32
          %dma_wait3A_76 = tpu.memref_slice %arg17[%dma_wait3A_74, %dma_wait3A_75] : memref<10112x128xf32, #tpu.memory_space<vmem_shared>> -> memref<10112x128xf32, #tpu.memory_space<vmem_shared>>
          tpu.wait_indirect_dma semaphore(%run_scoped3A : memref<!tpu.dma_semaphore, #tpu.memory_space<semaphore_mem>>) src(%arg14 : memref<80x128xf32, #tpu.memory_space<vmem>>) dst(%dma_wait3A_76 : memref<10112x128xf32, #tpu.memory_space<vmem_shared>>)
          tpu.yield
        }) : () -> ()
        %dma_wait3A_59 = tpu.memref_slice %arg5[%mul3A_9] : memref<153600xi32, #tpu.memory_space<hbm>> -> memref<80xi32, #tpu.memory_space<hbm>>
        %dma_wait3A_60 = tpu.memref_slice %arg5[%mul3A_9] : memref<153600xi32, #tpu.memory_space<hbm>> -> memref<80xi32, #tpu.memory_space<hbm>>
        tpu.wait_dma2 semaphore(%arg19 : memref<!tpu.dma_semaphore, #tpu.memory_space<semaphore_mem>>) src(%dma_wait3A_60 : memref<80xi32, #tpu.memory_space<hbm>>) dst(%arg13 : memref<80xi32, #tpu.memory_space<vmem>>)
        %dma_wait3A_61 = arith.constant 0 : i32
        %dma_wait3A_62 = tpu.memref_slice %arg3[%mul3A_9, %dma_wait3A_61] : memref<153600x128xf32, #tpu.memory_space<hbm>> -> memref<80x128xf32, #tpu.memory_space<hbm>>
        %dma_wait3A_63 = arith.constant 0 : i32
        %dma_wait3A_64 = tpu.memref_slice %arg3[%mul3A_9, %dma_wait3A_63] : memref<153600x128xf32, #tpu.memory_space<hbm>> -> memref<80x128xf32, #tpu.memory_space<hbm>>
        tpu.wait_dma2 semaphore(%arg21 : memref<!tpu.dma_semaphore, #tpu.memory_space<semaphore_mem>>) src(%dma_wait3A_64 : memref<80x128xf32, #tpu.memory_space<hbm>>) dst(%arg15 : memref<80x128xf32, #tpu.memory_space<vmem>>)
        %add3A_65 = arith.constant 2 : i32
        %add3A_66 = arith.addi %mul3A_39, %add3A_65 : i32
        %lt3A = arith.constant 120 : i32
        %lt3A_67 = arith.cmpi slt, %add3A_66, %lt3A : i32
        %convert_element_type3A_68 = arith.extui %lt3A_67 : i1 to i32
        %cond3A_69 = arith.constant 0 : i32
        %cond3A_70 = arith.cmpi ne, %convert_element_type3A_68, %cond3A_69 : i32
        scf.if %cond3A_70 {
          %add3A_71 = arith.constant 2 : i32
          %add3A_72 = arith.addi %mul3A_39, %add3A_71 : i32
          %mul3A_73 = arith.constant 80 : i32
          %mul3A_74 = arith.muli %add3A_72, %mul3A_73 : i32
          %add3A_75 = arith.addi %mul3A_9, %mul3A_74 : i32
          %dma_start3A_76 = tpu.memref_slice %arg5[%add3A_75] : memref<153600xi32, #tpu.memory_space<hbm>> -> memref<80xi32, #tpu.memory_space<hbm>>
          %dma_start3A_77 = tpu.memref_slice %arg5[%add3A_75] : memref<153600xi32, #tpu.memory_space<hbm>> -> memref<80xi32, #tpu.memory_space<hbm>>
          tpu.enqueue_dma source(%dma_start3A_77 : memref<80xi32, #tpu.memory_space<hbm>>) target(%arg12 : memref<80xi32, #tpu.memory_space<vmem>>) target_semaphore(%arg18 : memref<!tpu.dma_semaphore, #tpu.memory_space<semaphore_mem>>)
          %mul3A_78 = arith.constant 80 : i32
          %mul3A_79 = arith.muli %add3A_72, %mul3A_78 : i32
          %add3A_80 = arith.addi %mul3A_9, %mul3A_79 : i32
          %dma_start3A_81 = arith.constant 0 : i32
          %dma_start3A_82 = tpu.memref_slice %arg3[%add3A_80, %dma_start3A_81] : memref<153600x128xf32, #tpu.memory_space<hbm>> -> memref<80x128xf32, #tpu.memory_space<hbm>>
          %dma_start3A_83 = arith.constant 0 : i32
          %dma_start3A_84 = tpu.memref_slice %arg3[%add3A_80, %dma_start3A_83] : memref<153600x128xf32, #tpu.memory_space<hbm>> -> memref<80x128xf32, #tpu.memory_space<hbm>>
          tpu.enqueue_dma source(%dma_start3A_84 : memref<80x128xf32, #tpu.memory_space<hbm>>) target(%arg14 : memref<80x128xf32, #tpu.memory_space<vmem>>) target_semaphore(%arg20 : memref<!tpu.dma_semaphore, #tpu.memory_space<semaphore_mem>>)
        } else {
        }
        "tpu.region"() ({
          %run_scoped3A = tpu.sem_alloc : memref<!tpu.dma_semaphore, #tpu.memory_space<semaphore_mem>>
          %dma_start3A_71 = arith.constant 0 : i32
          %dma_start3A_72 = arith.constant 0 : i32
          %dma_start3A_73 = tpu.memref_slice %arg17[%dma_start3A_71, %dma_start3A_72] : memref<10112x128xf32, #tpu.memory_space<vmem_shared>> -> memref<10112x128xf32, #tpu.memory_space<vmem_shared>>
          tpu.enqueue_indirect_dma source(%arg15 : memref<80x128xf32, #tpu.memory_space<vmem>>) target(%dma_start3A_73 : memref<10112x128xf32, #tpu.memory_space<vmem_shared>>) offsets(%arg13 : memref<80xi32, #tpu.memory_space<vmem>>) semaphore(%run_scoped3A : memref<!tpu.dma_semaphore, #tpu.memory_space<semaphore_mem>>) {add = true}
          %dma_wait3A_74 = arith.constant 0 : i32
          %dma_wait3A_75 = arith.constant 0 : i32
          %dma_wait3A_76 = tpu.memref_slice %arg17[%dma_wait3A_74, %dma_wait3A_75] : memref<10112x128xf32, #tpu.memory_space<vmem_shared>> -> memref<10112x128xf32, #tpu.memory_space<vmem_shared>>
          tpu.wait_indirect_dma semaphore(%run_scoped3A : memref<!tpu.dma_semaphore, #tpu.memory_space<semaphore_mem>>) src(%arg15 : memref<80x128xf32, #tpu.memory_space<vmem>>) dst(%dma_wait3A_76 : memref<10112x128xf32, #tpu.memory_space<vmem_shared>>)
          tpu.yield
        }) : () -> ()
      }
      %scan3A_22 = arith.constant 60 : i32
      %barrier3A_23 = arith.constant 0 : index
      tpu.barrier barrier_id(%barrier3A_23)
      "tpu.region"() ({
        %run_scoped3A = tpu.sem_alloc : memref<!tpu.dma_semaphore, #tpu.memory_space<semaphore_mem>>
        %dma_start3A_37 = arith.constant 0 : i32
        %dma_start3A_38 = tpu.memref_slice %arg10[%mul3A_0, %dma_start3A_37] : memref<10112x128xf32, #tpu.memory_space<hbm>> -> memref<632x128xf32, #tpu.memory_space<hbm>>
        %dma_start3A_39 = arith.constant 0 : i32
        %dma_start3A_40 = tpu.memref_slice %arg17[%mul3A_0, %dma_start3A_39] : memref<10112x128xf32, #tpu.memory_space<vmem_shared>> -> memref<632x128xf32, #tpu.memory_space<vmem_shared>>
        tpu.enqueue_dma source(%dma_start3A_40 : memref<632x128xf32, #tpu.memory_space<vmem_shared>>) target(%dma_start3A_38 : memref<632x128xf32, #tpu.memory_space<hbm>>) target_semaphore(%run_scoped3A : memref<!tpu.dma_semaphore, #tpu.memory_space<semaphore_mem>>)
        %dma_wait3A = arith.constant 0 : i32
        %dma_wait3A_41 = tpu.memref_slice %arg10[%mul3A_0, %dma_wait3A] : memref<10112x128xf32, #tpu.memory_space<hbm>> -> memref<632x128xf32, #tpu.memory_space<hbm>>
        %dma_wait3A_42 = arith.constant 0 : i32
        %dma_wait3A_43 = tpu.memref_slice %arg17[%mul3A_0, %dma_wait3A_42] : memref<10112x128xf32, #tpu.memory_space<vmem_shared>> -> memref<632x128xf32, #tpu.memory_space<vmem_shared>>
        tpu.wait_dma2 semaphore(%run_scoped3A : memref<!tpu.dma_semaphore, #tpu.memory_space<semaphore_mem>>) src(%dma_wait3A_43 : memref<632x128xf32, #tpu.memory_space<vmem_shared>>) dst(%dma_wait3A_41 : memref<632x128xf32, #tpu.memory_space<hbm>>)
        tpu.yield
      }) : () -> ()
      %barrier3A_24 = arith.constant 0 : index
      tpu.barrier barrier_id(%barrier3A_24)
      "tpu.region"() ({
        %run_scoped3A = tpu.sem_alloc : memref<!tpu.dma_semaphore, #tpu.memory_space<semaphore_mem>>
        %dma_start3A_37 = arith.constant 0 : i32
        %dma_start3A_38 = tpu.memref_slice %arg17[%mul3A_0, %dma_start3A_37] : memref<10112x128xf32, #tpu.memory_space<vmem_shared>> -> memref<632x128xf32, #tpu.memory_space<vmem_shared>>
        %dma_start3A_39 = arith.constant 0 : i32
        %dma_start3A_40 = tpu.memref_slice %arg6[%mul3A_0, %dma_start3A_39] : memref<10112x128xf32, #tpu.memory_space<hbm>> -> memref<632x128xf32, #tpu.memory_space<hbm>>
        tpu.enqueue_dma source(%dma_start3A_40 : memref<632x128xf32, #tpu.memory_space<hbm>>) target(%dma_start3A_38 : memref<632x128xf32, #tpu.memory_space<vmem_shared>>) target_semaphore(%run_scoped3A : memref<!tpu.dma_semaphore, #tpu.memory_space<semaphore_mem>>)
        %dma_wait3A = arith.constant 0 : i32
        %dma_wait3A_41 = tpu.memref_slice %arg17[%mul3A_0, %dma_wait3A] : memref<10112x128xf32, #tpu.memory_space<vmem_shared>> -> memref<632x128xf32, #tpu.memory_space<vmem_shared>>
        %dma_wait3A_42 = arith.constant 0 : i32
        %dma_wait3A_43 = tpu.memref_slice %arg6[%mul3A_0, %dma_wait3A_42] : memref<10112x128xf32, #tpu.memory_space<hbm>> -> memref<632x128xf32, #tpu.memory_space<hbm>>
        tpu.wait_dma2 semaphore(%run_scoped3A : memref<!tpu.dma_semaphore, #tpu.memory_space<semaphore_mem>>) src(%dma_wait3A_43 : memref<632x128xf32, #tpu.memory_space<hbm>>) dst(%dma_wait3A_41 : memref<632x128xf32, #tpu.memory_space<vmem_shared>>)
        tpu.yield
      }) : () -> ()
      %barrier3A_25 = arith.constant 0 : index
      tpu.barrier barrier_id(%barrier3A_25)
      %add3A_26 = arith.constant 0 : i32
      %add3A_27 = arith.addi %mul3A_9, %add3A_26 : i32
      %dma_start3A_28 = tpu.memref_slice %arg5[%add3A_27] : memref<153600xi32, #tpu.memory_space<hbm>> -> memref<80xi32, #tpu.memory_space<hbm>>
      %dma_start3A_29 = tpu.memref_slice %arg5[%add3A_27] : memref<153600xi32, #tpu.memory_space<hbm>> -> memref<80xi32, #tpu.memory_space<hbm>>
      tpu.enqueue_dma source(%dma_start3A_29 : memref<80xi32, #tpu.memory_space<hbm>>) target(%arg12 : memref<80xi32, #tpu.memory_space<vmem>>) target_semaphore(%arg18 : memref<!tpu.dma_semaphore, #tpu.memory_space<semaphore_mem>>)
      %scan3A_30 = arith.constant 0 : i32
      %scan3A_31 = arith.constant 0 : i32
      %scan3A_32 = arith.constant 60 : i32
      %scan3A_33 = arith.addi %scan3A_31, %scan3A_32 : i32
      %scan3A_34 = arith.constant 1 : i32
      scf.for %scan3A_37 = %scan3A_31 to %scan3A_33 step %scan3A_34  : i32 {
        %mul3A_38 = arith.constant 2 : i32
        %mul3A_39 = arith.muli %mul3A_38, %scan3A_37 : i32
        %dma_wait3A = tpu.memref_slice %arg5[%mul3A_9] : memref<153600xi32, #tpu.memory_space<hbm>> -> memref<80xi32, #tpu.memory_space<hbm>>
        %dma_wait3A_40 = tpu.memref_slice %arg5[%mul3A_9] : memref<153600xi32, #tpu.memory_space<hbm>> -> memref<80xi32, #tpu.memory_space<hbm>>
        tpu.wait_dma2 semaphore(%arg18 : memref<!tpu.dma_semaphore, #tpu.memory_space<semaphore_mem>>) src(%dma_wait3A_40 : memref<80xi32, #tpu.memory_space<hbm>>) dst(%arg12 : memref<80xi32, #tpu.memory_space<vmem>>)
        %add3A_41 = arith.constant 1 : i32
        %add3A_42 = arith.addi %mul3A_39, %add3A_41 : i32
        %mul3A_43 = arith.constant 80 : i32
        %mul3A_44 = arith.muli %add3A_42, %mul3A_43 : i32
        %add3A_45 = arith.addi %mul3A_9, %mul3A_44 : i32
        %dma_start3A_46 = tpu.memref_slice %arg5[%add3A_45] : memref<153600xi32, #tpu.memory_space<hbm>> -> memref<80xi32, #tpu.memory_space<hbm>>
        %dma_start3A_47 = tpu.memref_slice %arg5[%add3A_45] : memref<153600xi32, #tpu.memory_space<hbm>> -> memref<80xi32, #tpu.memory_space<hbm>>
        tpu.enqueue_dma source(%dma_start3A_47 : memref<80xi32, #tpu.memory_space<hbm>>) target(%arg13 : memref<80xi32, #tpu.memory_space<vmem>>) target_semaphore(%arg19 : memref<!tpu.dma_semaphore, #tpu.memory_space<semaphore_mem>>)
        "tpu.region"() ({
          %run_scoped3A = tpu.sem_alloc : memref<!tpu.dma_semaphore, #tpu.memory_space<semaphore_mem>>
          %dma_start3A_56 = arith.constant 0 : i32
          %dma_start3A_57 = arith.constant 0 : i32
          %dma_start3A_58 = tpu.memref_slice %arg17[%dma_start3A_56, %dma_start3A_57] : memref<10112x128xf32, #tpu.memory_space<vmem_shared>> -> memref<10112x128xf32, #tpu.memory_space<vmem_shared>>
          tpu.enqueue_indirect_dma source(%arg16 : memref<80x128xf32, #tpu.memory_space<vmem>>) target(%dma_start3A_58 : memref<10112x128xf32, #tpu.memory_space<vmem_shared>>) offsets(%arg12 : memref<80xi32, #tpu.memory_space<vmem>>) semaphore(%run_scoped3A : memref<!tpu.dma_semaphore, #tpu.memory_space<semaphore_mem>>) {add = true}
          %dma_wait3A_59 = arith.constant 0 : i32
          %dma_wait3A_60 = arith.constant 0 : i32
          %dma_wait3A_61 = tpu.memref_slice %arg17[%dma_wait3A_59, %dma_wait3A_60] : memref<10112x128xf32, #tpu.memory_space<vmem_shared>> -> memref<10112x128xf32, #tpu.memory_space<vmem_shared>>
          tpu.wait_indirect_dma semaphore(%run_scoped3A : memref<!tpu.dma_semaphore, #tpu.memory_space<semaphore_mem>>) src(%arg16 : memref<80x128xf32, #tpu.memory_space<vmem>>) dst(%dma_wait3A_61 : memref<10112x128xf32, #tpu.memory_space<vmem_shared>>)
          tpu.yield
        }) : () -> ()
        %dma_wait3A_48 = tpu.memref_slice %arg5[%mul3A_9] : memref<153600xi32, #tpu.memory_space<hbm>> -> memref<80xi32, #tpu.memory_space<hbm>>
        %dma_wait3A_49 = tpu.memref_slice %arg5[%mul3A_9] : memref<153600xi32, #tpu.memory_space<hbm>> -> memref<80xi32, #tpu.memory_space<hbm>>
        tpu.wait_dma2 semaphore(%arg19 : memref<!tpu.dma_semaphore, #tpu.memory_space<semaphore_mem>>) src(%dma_wait3A_49 : memref<80xi32, #tpu.memory_space<hbm>>) dst(%arg13 : memref<80xi32, #tpu.memory_space<vmem>>)
        %add3A_50 = arith.constant 2 : i32
        %add3A_51 = arith.addi %mul3A_39, %add3A_50 : i32
        %lt3A = arith.constant 120 : i32
        %lt3A_52 = arith.cmpi slt, %add3A_51, %lt3A : i32
        %convert_element_type3A_53 = arith.extui %lt3A_52 : i1 to i32
        %cond3A_54 = arith.constant 0 : i32
        %cond3A_55 = arith.cmpi ne, %convert_element_type3A_53, %cond3A_54 : i32
        scf.if %cond3A_55 {
          %add3A_56 = arith.constant 2 : i32
          %add3A_57 = arith.addi %mul3A_39, %add3A_56 : i32
          %mul3A_58 = arith.constant 80 : i32
          %mul3A_59 = arith.muli %add3A_57, %mul3A_58 : i32
          %add3A_60 = arith.addi %mul3A_9, %mul3A_59 : i32
          %dma_start3A_61 = tpu.memref_slice %arg5[%add3A_60] : memref<153600xi32, #tpu.memory_space<hbm>> -> memref<80xi32, #tpu.memory_space<hbm>>
          %dma_start3A_62 = tpu.memref_slice %arg5[%add3A_60] : memref<153600xi32, #tpu.memory_space<hbm>> -> memref<80xi32, #tpu.memory_space<hbm>>
          tpu.enqueue_dma source(%dma_start3A_62 : memref<80xi32, #tpu.memory_space<hbm>>) target(%arg12 : memref<80xi32, #tpu.memory_space<vmem>>) target_semaphore(%arg18 : memref<!tpu.dma_semaphore, #tpu.memory_space<semaphore_mem>>)
        } else {
        }
        "tpu.region"() ({
          %run_scoped3A = tpu.sem_alloc : memref<!tpu.dma_semaphore, #tpu.memory_space<semaphore_mem>>
          %dma_start3A_56 = arith.constant 0 : i32
          %dma_start3A_57 = arith.constant 0 : i32
          %dma_start3A_58 = tpu.memref_slice %arg17[%dma_start3A_56, %dma_start3A_57] : memref<10112x128xf32, #tpu.memory_space<vmem_shared>> -> memref<10112x128xf32, #tpu.memory_space<vmem_shared>>
          tpu.enqueue_indirect_dma source(%arg16 : memref<80x128xf32, #tpu.memory_space<vmem>>) target(%dma_start3A_58 : memref<10112x128xf32, #tpu.memory_space<vmem_shared>>) offsets(%arg13 : memref<80xi32, #tpu.memory_space<vmem>>) semaphore(%run_scoped3A : memref<!tpu.dma_semaphore, #tpu.memory_space<semaphore_mem>>) {add = true}
          %dma_wait3A_59 = arith.constant 0 : i32
          %dma_wait3A_60 = arith.constant 0 : i32
          %dma_wait3A_61 = tpu.memref_slice %arg17[%dma_wait3A_59, %dma_wait3A_60] : memref<10112x128xf32, #tpu.memory_space<vmem_shared>> -> memref<10112x128xf32, #tpu.memory_space<vmem_shared>>
          tpu.wait_indirect_dma semaphore(%run_scoped3A : memref<!tpu.dma_semaphore, #tpu.memory_space<semaphore_mem>>) src(%arg16 : memref<80x128xf32, #tpu.memory_space<vmem>>) dst(%dma_wait3A_61 : memref<10112x128xf32, #tpu.memory_space<vmem_shared>>)
          tpu.yield
        }) : () -> ()
      }
      %scan3A_35 = arith.constant 60 : i32
      %barrier3A_36 = arith.constant 0 : index
      tpu.barrier barrier_id(%barrier3A_36)
      "tpu.region"() ({
        %run_scoped3A = tpu.sem_alloc : memref<!tpu.dma_semaphore, #tpu.memory_space<semaphore_mem>>
        %dma_start3A_37 = arith.constant 0 : i32
        %dma_start3A_38 = tpu.memref_slice %arg11[%mul3A_0, %dma_start3A_37] : memref<10112x128xf32, #tpu.memory_space<hbm>> -> memref<632x128xf32, #tpu.memory_space<hbm>>
        %dma_start3A_39 = arith.constant 0 : i32
        %dma_start3A_40 = tpu.memref_slice %arg17[%mul3A_0, %dma_start3A_39] : memref<10112x128xf32, #tpu.memory_space<vmem_shared>> -> memref<632x128xf32, #tpu.memory_space<vmem_shared>>
        tpu.enqueue_dma source(%dma_start3A_40 : memref<632x128xf32, #tpu.memory_space<vmem_shared>>) target(%dma_start3A_38 : memref<632x128xf32, #tpu.memory_space<hbm>>) target_semaphore(%run_scoped3A : memref<!tpu.dma_semaphore, #tpu.memory_space<semaphore_mem>>)
        %dma_wait3A = arith.constant 0 : i32
        %dma_wait3A_41 = tpu.memref_slice %arg11[%mul3A_0, %dma_wait3A] : memref<10112x128xf32, #tpu.memory_space<hbm>> -> memref<632x128xf32, #tpu.memory_space<hbm>>
        %dma_wait3A_42 = arith.constant 0 : i32
        %dma_wait3A_43 = tpu.memref_slice %arg17[%mul3A_0, %dma_wait3A_42] : memref<10112x128xf32, #tpu.memory_space<vmem_shared>> -> memref<632x128xf32, #tpu.memory_space<vmem_shared>>
        tpu.wait_dma2 semaphore(%run_scoped3A : memref<!tpu.dma_semaphore, #tpu.memory_space<semaphore_mem>>) src(%dma_wait3A_43 : memref<632x128xf32, #tpu.memory_space<vmem_shared>>) dst(%dma_wait3A_41 : memref<632x128xf32, #tpu.memory_space<hbm>>)
        tpu.yield
      }) : () -> ()
    } else {
    }
    return
  }
}

#map = affine_map<(d0, d1) -> (0, 0)>
#map1 = affine_map<(d0, d1) -> (0)>
module attributes {stable_mosaic.version = 14 : i64} {
  func.func @body(%arg0: i32, %arg1: i32, %arg2: memref<10000x128xf32, #tpu.memory_space<hbm>>, %arg3: memref<166400xi32, #tpu.memory_space<hbm>>, %arg4: memref<166400xi32, #tpu.memory_space<hbm>>, %arg5: memref<166400x128xf32, #tpu.memory_space<hbm>>, %arg6: memref<166400x128xf32, #tpu.memory_space<hbm>>, %arg7: memref<80xi32, #tpu.memory_space<vmem>>, %arg8: memref<80xi32, #tpu.memory_space<vmem>>, %arg9: memref<80xi32, #tpu.memory_space<vmem>>, %arg10: memref<80xi32, #tpu.memory_space<vmem>>, %arg11: memref<80xi32, #tpu.memory_space<vmem>>, %arg12: memref<400x128xf32, #tpu.memory_space<vmem>>, %arg13: memref<!tpu.dma_semaphore, #tpu.memory_space<semaphore_mem>>, %arg14: memref<!tpu.dma_semaphore, #tpu.memory_space<semaphore_mem>>) attributes {dimension_semantics = [#tpu.dimension_semantics<core_parallel>, #tpu.dimension_semantics<subcore_parallel>], iteration_bounds = array<i64: 2, 16>, scalar_prefetch = 0 : i64, scratch_operands = 8 : i64, tpu.core_type = #tpu.core_type<sc_vector_subcore>, window_params = [{transform_indices = #map}, {transform_indices = #map1}, {transform_indices = #map1}, {transform_indices = #map}, {transform_indices = #map}]} {
    %eq3A = arith.constant 0 : i32
    %eq3A_0 = arith.cmpi eq, %arg0, %eq3A : i32
    %convert_element_type3A = arith.extui %eq3A_0 : i1 to i32
    %cond3A = arith.constant 0 : i32
    %cond3A_1 = arith.cmpi ne, %convert_element_type3A, %cond3A : i32
    scf.if %cond3A_1 {
      %scan3A = arith.constant 0 : i32
      %scan3A_7 = arith.constant 0 : i32
      %scan3A_8 = arith.constant 26 : i32
      %scan3A_9 = arith.addi %scan3A_7, %scan3A_8 : i32
      %scan3A_10 = arith.constant 1 : i32
      scf.for %scan3A_12 = %scan3A_7 to %scan3A_9 step %scan3A_10  : i32 {
        %mul3A = arith.constant 10400 : i32
        %mul3A_13 = arith.muli %arg1, %mul3A : i32
        %mul3A_14 = arith.constant 400 : i32
        %mul3A_15 = arith.muli %scan3A_12, %mul3A_14 : i32
        %add3A = arith.addi %mul3A_13, %mul3A_15 : i32
        %add3A_16 = arith.constant 0 : i32
        %add3A_17 = arith.addi %add3A, %add3A_16 : i32
        %dma_start3A = tpu.memref_slice %arg3[%add3A_17] : memref<166400xi32, #tpu.memory_space<hbm>> -> memref<80xi32, #tpu.memory_space<hbm>>
        %dma_start3A_18 = tpu.memref_slice %arg3[%add3A_17] : memref<166400xi32, #tpu.memory_space<hbm>> -> memref<80xi32, #tpu.memory_space<hbm>>
        tpu.enqueue_dma source(%dma_start3A_18 : memref<80xi32, #tpu.memory_space<hbm>>) target(%arg7 : memref<80xi32, #tpu.memory_space<vmem>>) target_semaphore(%arg13 : memref<!tpu.dma_semaphore, #tpu.memory_space<semaphore_mem>>)
        %add3A_19 = arith.constant 80 : i32
        %add3A_20 = arith.addi %add3A, %add3A_19 : i32
        %dma_start3A_21 = tpu.memref_slice %arg3[%add3A_20] : memref<166400xi32, #tpu.memory_space<hbm>> -> memref<80xi32, #tpu.memory_space<hbm>>
        %dma_start3A_22 = tpu.memref_slice %arg3[%add3A_20] : memref<166400xi32, #tpu.memory_space<hbm>> -> memref<80xi32, #tpu.memory_space<hbm>>
        tpu.enqueue_dma source(%dma_start3A_22 : memref<80xi32, #tpu.memory_space<hbm>>) target(%arg8 : memref<80xi32, #tpu.memory_space<vmem>>) target_semaphore(%arg13 : memref<!tpu.dma_semaphore, #tpu.memory_space<semaphore_mem>>)
        %add3A_23 = arith.constant 160 : i32
        %add3A_24 = arith.addi %add3A, %add3A_23 : i32
        %dma_start3A_25 = tpu.memref_slice %arg3[%add3A_24] : memref<166400xi32, #tpu.memory_space<hbm>> -> memref<80xi32, #tpu.memory_space<hbm>>
        %dma_start3A_26 = tpu.memref_slice %arg3[%add3A_24] : memref<166400xi32, #tpu.memory_space<hbm>> -> memref<80xi32, #tpu.memory_space<hbm>>
        tpu.enqueue_dma source(%dma_start3A_26 : memref<80xi32, #tpu.memory_space<hbm>>) target(%arg9 : memref<80xi32, #tpu.memory_space<vmem>>) target_semaphore(%arg13 : memref<!tpu.dma_semaphore, #tpu.memory_space<semaphore_mem>>)
        %add3A_27 = arith.constant 240 : i32
        %add3A_28 = arith.addi %add3A, %add3A_27 : i32
        %dma_start3A_29 = tpu.memref_slice %arg3[%add3A_28] : memref<166400xi32, #tpu.memory_space<hbm>> -> memref<80xi32, #tpu.memory_space<hbm>>
        %dma_start3A_30 = tpu.memref_slice %arg3[%add3A_28] : memref<166400xi32, #tpu.memory_space<hbm>> -> memref<80xi32, #tpu.memory_space<hbm>>
        tpu.enqueue_dma source(%dma_start3A_30 : memref<80xi32, #tpu.memory_space<hbm>>) target(%arg10 : memref<80xi32, #tpu.memory_space<vmem>>) target_semaphore(%arg13 : memref<!tpu.dma_semaphore, #tpu.memory_space<semaphore_mem>>)
        %add3A_31 = arith.constant 320 : i32
        %add3A_32 = arith.addi %add3A, %add3A_31 : i32
        %dma_start3A_33 = tpu.memref_slice %arg3[%add3A_32] : memref<166400xi32, #tpu.memory_space<hbm>> -> memref<80xi32, #tpu.memory_space<hbm>>
        %dma_start3A_34 = tpu.memref_slice %arg3[%add3A_32] : memref<166400xi32, #tpu.memory_space<hbm>> -> memref<80xi32, #tpu.memory_space<hbm>>
        tpu.enqueue_dma source(%dma_start3A_34 : memref<80xi32, #tpu.memory_space<hbm>>) target(%arg11 : memref<80xi32, #tpu.memory_space<vmem>>) target_semaphore(%arg13 : memref<!tpu.dma_semaphore, #tpu.memory_space<semaphore_mem>>)
        %dma_wait3A = tpu.memref_slice %arg3[%add3A_17] : memref<166400xi32, #tpu.memory_space<hbm>> -> memref<80xi32, #tpu.memory_space<hbm>>
        %dma_wait3A_35 = tpu.memref_slice %arg3[%add3A_17] : memref<166400xi32, #tpu.memory_space<hbm>> -> memref<80xi32, #tpu.memory_space<hbm>>
        tpu.wait_dma2 semaphore(%arg13 : memref<!tpu.dma_semaphore, #tpu.memory_space<semaphore_mem>>) src(%dma_wait3A_35 : memref<80xi32, #tpu.memory_space<hbm>>) dst(%arg7 : memref<80xi32, #tpu.memory_space<vmem>>)
        %dma_wait3A_36 = tpu.memref_slice %arg3[%add3A_20] : memref<166400xi32, #tpu.memory_space<hbm>> -> memref<80xi32, #tpu.memory_space<hbm>>
        %dma_wait3A_37 = tpu.memref_slice %arg3[%add3A_20] : memref<166400xi32, #tpu.memory_space<hbm>> -> memref<80xi32, #tpu.memory_space<hbm>>
        tpu.wait_dma2 semaphore(%arg13 : memref<!tpu.dma_semaphore, #tpu.memory_space<semaphore_mem>>) src(%dma_wait3A_37 : memref<80xi32, #tpu.memory_space<hbm>>) dst(%arg8 : memref<80xi32, #tpu.memory_space<vmem>>)
        %dma_wait3A_38 = tpu.memref_slice %arg3[%add3A_24] : memref<166400xi32, #tpu.memory_space<hbm>> -> memref<80xi32, #tpu.memory_space<hbm>>
        %dma_wait3A_39 = tpu.memref_slice %arg3[%add3A_24] : memref<166400xi32, #tpu.memory_space<hbm>> -> memref<80xi32, #tpu.memory_space<hbm>>
        tpu.wait_dma2 semaphore(%arg13 : memref<!tpu.dma_semaphore, #tpu.memory_space<semaphore_mem>>) src(%dma_wait3A_39 : memref<80xi32, #tpu.memory_space<hbm>>) dst(%arg9 : memref<80xi32, #tpu.memory_space<vmem>>)
        %dma_wait3A_40 = tpu.memref_slice %arg3[%add3A_28] : memref<166400xi32, #tpu.memory_space<hbm>> -> memref<80xi32, #tpu.memory_space<hbm>>
        %dma_wait3A_41 = tpu.memref_slice %arg3[%add3A_28] : memref<166400xi32, #tpu.memory_space<hbm>> -> memref<80xi32, #tpu.memory_space<hbm>>
        tpu.wait_dma2 semaphore(%arg13 : memref<!tpu.dma_semaphore, #tpu.memory_space<semaphore_mem>>) src(%dma_wait3A_41 : memref<80xi32, #tpu.memory_space<hbm>>) dst(%arg10 : memref<80xi32, #tpu.memory_space<vmem>>)
        %dma_wait3A_42 = tpu.memref_slice %arg3[%add3A_32] : memref<166400xi32, #tpu.memory_space<hbm>> -> memref<80xi32, #tpu.memory_space<hbm>>
        %dma_wait3A_43 = tpu.memref_slice %arg3[%add3A_32] : memref<166400xi32, #tpu.memory_space<hbm>> -> memref<80xi32, #tpu.memory_space<hbm>>
        tpu.wait_dma2 semaphore(%arg13 : memref<!tpu.dma_semaphore, #tpu.memory_space<semaphore_mem>>) src(%dma_wait3A_43 : memref<80xi32, #tpu.memory_space<hbm>>) dst(%arg11 : memref<80xi32, #tpu.memory_space<vmem>>)
        %dma_start3A_44 = arith.constant 0 : i32
        %dma_start3A_45 = arith.constant 0 : i32
        %dma_start3A_46 = tpu.memref_slice %arg12[%dma_start3A_44, %dma_start3A_45] : memref<400x128xf32, #tpu.memory_space<vmem>> -> memref<80x128xf32, #tpu.memory_space<vmem>>
        %dma_start3A_47 = arith.constant 0 : i32
        %dma_start3A_48 = arith.constant 0 : i32
        %dma_start3A_49 = tpu.memref_slice %arg2[%dma_start3A_47, %dma_start3A_48] : memref<10000x128xf32, #tpu.memory_space<hbm>> -> memref<10000x128xf32, #tpu.memory_space<hbm>>
        tpu.enqueue_indirect_dma source(%dma_start3A_49 : memref<10000x128xf32, #tpu.memory_space<hbm>>) target(%dma_start3A_46 : memref<80x128xf32, #tpu.memory_space<vmem>>) offsets(%arg7 : memref<80xi32, #tpu.memory_space<vmem>>) semaphore(%arg14 : memref<!tpu.dma_semaphore, #tpu.memory_space<semaphore_mem>>)
        %dma_start3A_50 = arith.constant 80 : i32
        %dma_start3A_51 = arith.constant 0 : i32
        %dma_start3A_52 = tpu.memref_slice %arg12[%dma_start3A_50, %dma_start3A_51] : memref<400x128xf32, #tpu.memory_space<vmem>> -> memref<80x128xf32, #tpu.memory_space<vmem>>
        %dma_start3A_53 = arith.constant 0 : i32
        %dma_start3A_54 = arith.constant 0 : i32
        %dma_start3A_55 = tpu.memref_slice %arg2[%dma_start3A_53, %dma_start3A_54] : memref<10000x128xf32, #tpu.memory_space<hbm>> -> memref<10000x128xf32, #tpu.memory_space<hbm>>
        tpu.enqueue_indirect_dma source(%dma_start3A_55 : memref<10000x128xf32, #tpu.memory_space<hbm>>) target(%dma_start3A_52 : memref<80x128xf32, #tpu.memory_space<vmem>>) offsets(%arg8 : memref<80xi32, #tpu.memory_space<vmem>>) semaphore(%arg14 : memref<!tpu.dma_semaphore, #tpu.memory_space<semaphore_mem>>)
        %dma_start3A_56 = arith.constant 160 : i32
        %dma_start3A_57 = arith.constant 0 : i32
        %dma_start3A_58 = tpu.memref_slice %arg12[%dma_start3A_56, %dma_start3A_57] : memref<400x128xf32, #tpu.memory_space<vmem>> -> memref<80x128xf32, #tpu.memory_space<vmem>>
        %dma_start3A_59 = arith.constant 0 : i32
        %dma_start3A_60 = arith.constant 0 : i32
        %dma_start3A_61 = tpu.memref_slice %arg2[%dma_start3A_59, %dma_start3A_60] : memref<10000x128xf32, #tpu.memory_space<hbm>> -> memref<10000x128xf32, #tpu.memory_space<hbm>>
        tpu.enqueue_indirect_dma source(%dma_start3A_61 : memref<10000x128xf32, #tpu.memory_space<hbm>>) target(%dma_start3A_58 : memref<80x128xf32, #tpu.memory_space<vmem>>) offsets(%arg9 : memref<80xi32, #tpu.memory_space<vmem>>) semaphore(%arg14 : memref<!tpu.dma_semaphore, #tpu.memory_space<semaphore_mem>>)
        %dma_start3A_62 = arith.constant 240 : i32
        %dma_start3A_63 = arith.constant 0 : i32
        %dma_start3A_64 = tpu.memref_slice %arg12[%dma_start3A_62, %dma_start3A_63] : memref<400x128xf32, #tpu.memory_space<vmem>> -> memref<80x128xf32, #tpu.memory_space<vmem>>
        %dma_start3A_65 = arith.constant 0 : i32
        %dma_start3A_66 = arith.constant 0 : i32
        %dma_start3A_67 = tpu.memref_slice %arg2[%dma_start3A_65, %dma_start3A_66] : memref<10000x128xf32, #tpu.memory_space<hbm>> -> memref<10000x128xf32, #tpu.memory_space<hbm>>
        tpu.enqueue_indirect_dma source(%dma_start3A_67 : memref<10000x128xf32, #tpu.memory_space<hbm>>) target(%dma_start3A_64 : memref<80x128xf32, #tpu.memory_space<vmem>>) offsets(%arg10 : memref<80xi32, #tpu.memory_space<vmem>>) semaphore(%arg14 : memref<!tpu.dma_semaphore, #tpu.memory_space<semaphore_mem>>)
        %dma_start3A_68 = arith.constant 320 : i32
        %dma_start3A_69 = arith.constant 0 : i32
        %dma_start3A_70 = tpu.memref_slice %arg12[%dma_start3A_68, %dma_start3A_69] : memref<400x128xf32, #tpu.memory_space<vmem>> -> memref<80x128xf32, #tpu.memory_space<vmem>>
        %dma_start3A_71 = arith.constant 0 : i32
        %dma_start3A_72 = arith.constant 0 : i32
        %dma_start3A_73 = tpu.memref_slice %arg2[%dma_start3A_71, %dma_start3A_72] : memref<10000x128xf32, #tpu.memory_space<hbm>> -> memref<10000x128xf32, #tpu.memory_space<hbm>>
        tpu.enqueue_indirect_dma source(%dma_start3A_73 : memref<10000x128xf32, #tpu.memory_space<hbm>>) target(%dma_start3A_70 : memref<80x128xf32, #tpu.memory_space<vmem>>) offsets(%arg11 : memref<80xi32, #tpu.memory_space<vmem>>) semaphore(%arg14 : memref<!tpu.dma_semaphore, #tpu.memory_space<semaphore_mem>>)
        %dma_wait3A_74 = arith.constant 0 : i32
        %dma_wait3A_75 = arith.constant 0 : i32
        %dma_wait3A_76 = tpu.memref_slice %arg12[%dma_wait3A_74, %dma_wait3A_75] : memref<400x128xf32, #tpu.memory_space<vmem>> -> memref<80x128xf32, #tpu.memory_space<vmem>>
        %dma_wait3A_77 = arith.constant 0 : i32
        %dma_wait3A_78 = arith.constant 0 : i32
        %dma_wait3A_79 = tpu.memref_slice %arg2[%dma_wait3A_77, %dma_wait3A_78] : memref<10000x128xf32, #tpu.memory_space<hbm>> -> memref<10000x128xf32, #tpu.memory_space<hbm>>
        tpu.wait_indirect_dma semaphore(%arg14 : memref<!tpu.dma_semaphore, #tpu.memory_space<semaphore_mem>>) src(%dma_wait3A_79 : memref<10000x128xf32, #tpu.memory_space<hbm>>) dst(%dma_wait3A_76 : memref<80x128xf32, #tpu.memory_space<vmem>>)
        %dma_wait3A_80 = arith.constant 80 : i32
        %dma_wait3A_81 = arith.constant 0 : i32
        %dma_wait3A_82 = tpu.memref_slice %arg12[%dma_wait3A_80, %dma_wait3A_81] : memref<400x128xf32, #tpu.memory_space<vmem>> -> memref<80x128xf32, #tpu.memory_space<vmem>>
        %dma_wait3A_83 = arith.constant 0 : i32
        %dma_wait3A_84 = arith.constant 0 : i32
        %dma_wait3A_85 = tpu.memref_slice %arg2[%dma_wait3A_83, %dma_wait3A_84] : memref<10000x128xf32, #tpu.memory_space<hbm>> -> memref<10000x128xf32, #tpu.memory_space<hbm>>
        tpu.wait_indirect_dma semaphore(%arg14 : memref<!tpu.dma_semaphore, #tpu.memory_space<semaphore_mem>>) src(%dma_wait3A_85 : memref<10000x128xf32, #tpu.memory_space<hbm>>) dst(%dma_wait3A_82 : memref<80x128xf32, #tpu.memory_space<vmem>>)
        %dma_wait3A_86 = arith.constant 160 : i32
        %dma_wait3A_87 = arith.constant 0 : i32
        %dma_wait3A_88 = tpu.memref_slice %arg12[%dma_wait3A_86, %dma_wait3A_87] : memref<400x128xf32, #tpu.memory_space<vmem>> -> memref<80x128xf32, #tpu.memory_space<vmem>>
        %dma_wait3A_89 = arith.constant 0 : i32
        %dma_wait3A_90 = arith.constant 0 : i32
        %dma_wait3A_91 = tpu.memref_slice %arg2[%dma_wait3A_89, %dma_wait3A_90] : memref<10000x128xf32, #tpu.memory_space<hbm>> -> memref<10000x128xf32, #tpu.memory_space<hbm>>
        tpu.wait_indirect_dma semaphore(%arg14 : memref<!tpu.dma_semaphore, #tpu.memory_space<semaphore_mem>>) src(%dma_wait3A_91 : memref<10000x128xf32, #tpu.memory_space<hbm>>) dst(%dma_wait3A_88 : memref<80x128xf32, #tpu.memory_space<vmem>>)
        %dma_wait3A_92 = arith.constant 240 : i32
        %dma_wait3A_93 = arith.constant 0 : i32
        %dma_wait3A_94 = tpu.memref_slice %arg12[%dma_wait3A_92, %dma_wait3A_93] : memref<400x128xf32, #tpu.memory_space<vmem>> -> memref<80x128xf32, #tpu.memory_space<vmem>>
        %dma_wait3A_95 = arith.constant 0 : i32
        %dma_wait3A_96 = arith.constant 0 : i32
        %dma_wait3A_97 = tpu.memref_slice %arg2[%dma_wait3A_95, %dma_wait3A_96] : memref<10000x128xf32, #tpu.memory_space<hbm>> -> memref<10000x128xf32, #tpu.memory_space<hbm>>
        tpu.wait_indirect_dma semaphore(%arg14 : memref<!tpu.dma_semaphore, #tpu.memory_space<semaphore_mem>>) src(%dma_wait3A_97 : memref<10000x128xf32, #tpu.memory_space<hbm>>) dst(%dma_wait3A_94 : memref<80x128xf32, #tpu.memory_space<vmem>>)
        %dma_wait3A_98 = arith.constant 320 : i32
        %dma_wait3A_99 = arith.constant 0 : i32
        %dma_wait3A_100 = tpu.memref_slice %arg12[%dma_wait3A_98, %dma_wait3A_99] : memref<400x128xf32, #tpu.memory_space<vmem>> -> memref<80x128xf32, #tpu.memory_space<vmem>>
        %dma_wait3A_101 = arith.constant 0 : i32
        %dma_wait3A_102 = arith.constant 0 : i32
        %dma_wait3A_103 = tpu.memref_slice %arg2[%dma_wait3A_101, %dma_wait3A_102] : memref<10000x128xf32, #tpu.memory_space<hbm>> -> memref<10000x128xf32, #tpu.memory_space<hbm>>
        tpu.wait_indirect_dma semaphore(%arg14 : memref<!tpu.dma_semaphore, #tpu.memory_space<semaphore_mem>>) src(%dma_wait3A_103 : memref<10000x128xf32, #tpu.memory_space<hbm>>) dst(%dma_wait3A_100 : memref<80x128xf32, #tpu.memory_space<vmem>>)
        "tpu.region"() ({
          %run_scoped3A = tpu.sem_alloc : memref<!tpu.dma_semaphore, #tpu.memory_space<semaphore_mem>>
          %dma_start3A_104 = arith.constant 0 : i32
          %dma_start3A_105 = tpu.memref_slice %arg5[%add3A, %dma_start3A_104] : memref<166400x128xf32, #tpu.memory_space<hbm>> -> memref<400x128xf32, #tpu.memory_space<hbm>>
          %dma_start3A_106 = arith.constant 0 : i32
          %dma_start3A_107 = tpu.memref_slice %arg5[%add3A, %dma_start3A_106] : memref<166400x128xf32, #tpu.memory_space<hbm>> -> memref<400x128xf32, #tpu.memory_space<hbm>>
          tpu.enqueue_dma source(%arg12 : memref<400x128xf32, #tpu.memory_space<vmem>>) target(%dma_start3A_107 : memref<400x128xf32, #tpu.memory_space<hbm>>) target_semaphore(%run_scoped3A : memref<!tpu.dma_semaphore, #tpu.memory_space<semaphore_mem>>)
          %dma_wait3A_108 = arith.constant 0 : i32
          %dma_wait3A_109 = tpu.memref_slice %arg5[%add3A, %dma_wait3A_108] : memref<166400x128xf32, #tpu.memory_space<hbm>> -> memref<400x128xf32, #tpu.memory_space<hbm>>
          %dma_wait3A_110 = arith.constant 0 : i32
          %dma_wait3A_111 = tpu.memref_slice %arg5[%add3A, %dma_wait3A_110] : memref<166400x128xf32, #tpu.memory_space<hbm>> -> memref<400x128xf32, #tpu.memory_space<hbm>>
          tpu.wait_dma2 semaphore(%run_scoped3A : memref<!tpu.dma_semaphore, #tpu.memory_space<semaphore_mem>>) src(%arg12 : memref<400x128xf32, #tpu.memory_space<vmem>>) dst(%dma_wait3A_111 : memref<400x128xf32, #tpu.memory_space<hbm>>)
          tpu.yield
        }) : () -> ()
      }
      %scan3A_11 = arith.constant 26 : i32
    } else {
    }
    %eq3A_2 = arith.constant 1 : i32
    %eq3A_3 = arith.cmpi eq, %arg0, %eq3A_2 : i32
    %convert_element_type3A_4 = arith.extui %eq3A_3 : i1 to i32
    %cond3A_5 = arith.constant 0 : i32
    %cond3A_6 = arith.cmpi ne, %convert_element_type3A_4, %cond3A_5 : i32
    scf.if %cond3A_6 {
      %scan3A = arith.constant 0 : i32
      %scan3A_7 = arith.constant 0 : i32
      %scan3A_8 = arith.constant 26 : i32
      %scan3A_9 = arith.addi %scan3A_7, %scan3A_8 : i32
      %scan3A_10 = arith.constant 1 : i32
      scf.for %scan3A_12 = %scan3A_7 to %scan3A_9 step %scan3A_10  : i32 {
        %mul3A = arith.constant 10400 : i32
        %mul3A_13 = arith.muli %arg1, %mul3A : i32
        %mul3A_14 = arith.constant 400 : i32
        %mul3A_15 = arith.muli %scan3A_12, %mul3A_14 : i32
        %add3A = arith.addi %mul3A_13, %mul3A_15 : i32
        %add3A_16 = arith.constant 0 : i32
        %add3A_17 = arith.addi %add3A, %add3A_16 : i32
        %dma_start3A = tpu.memref_slice %arg4[%add3A_17] : memref<166400xi32, #tpu.memory_space<hbm>> -> memref<80xi32, #tpu.memory_space<hbm>>
        %dma_start3A_18 = tpu.memref_slice %arg4[%add3A_17] : memref<166400xi32, #tpu.memory_space<hbm>> -> memref<80xi32, #tpu.memory_space<hbm>>
        tpu.enqueue_dma source(%dma_start3A_18 : memref<80xi32, #tpu.memory_space<hbm>>) target(%arg7 : memref<80xi32, #tpu.memory_space<vmem>>) target_semaphore(%arg13 : memref<!tpu.dma_semaphore, #tpu.memory_space<semaphore_mem>>)
        %add3A_19 = arith.constant 80 : i32
        %add3A_20 = arith.addi %add3A, %add3A_19 : i32
        %dma_start3A_21 = tpu.memref_slice %arg4[%add3A_20] : memref<166400xi32, #tpu.memory_space<hbm>> -> memref<80xi32, #tpu.memory_space<hbm>>
        %dma_start3A_22 = tpu.memref_slice %arg4[%add3A_20] : memref<166400xi32, #tpu.memory_space<hbm>> -> memref<80xi32, #tpu.memory_space<hbm>>
        tpu.enqueue_dma source(%dma_start3A_22 : memref<80xi32, #tpu.memory_space<hbm>>) target(%arg8 : memref<80xi32, #tpu.memory_space<vmem>>) target_semaphore(%arg13 : memref<!tpu.dma_semaphore, #tpu.memory_space<semaphore_mem>>)
        %add3A_23 = arith.constant 160 : i32
        %add3A_24 = arith.addi %add3A, %add3A_23 : i32
        %dma_start3A_25 = tpu.memref_slice %arg4[%add3A_24] : memref<166400xi32, #tpu.memory_space<hbm>> -> memref<80xi32, #tpu.memory_space<hbm>>
        %dma_start3A_26 = tpu.memref_slice %arg4[%add3A_24] : memref<166400xi32, #tpu.memory_space<hbm>> -> memref<80xi32, #tpu.memory_space<hbm>>
        tpu.enqueue_dma source(%dma_start3A_26 : memref<80xi32, #tpu.memory_space<hbm>>) target(%arg9 : memref<80xi32, #tpu.memory_space<vmem>>) target_semaphore(%arg13 : memref<!tpu.dma_semaphore, #tpu.memory_space<semaphore_mem>>)
        %add3A_27 = arith.constant 240 : i32
        %add3A_28 = arith.addi %add3A, %add3A_27 : i32
        %dma_start3A_29 = tpu.memref_slice %arg4[%add3A_28] : memref<166400xi32, #tpu.memory_space<hbm>> -> memref<80xi32, #tpu.memory_space<hbm>>
        %dma_start3A_30 = tpu.memref_slice %arg4[%add3A_28] : memref<166400xi32, #tpu.memory_space<hbm>> -> memref<80xi32, #tpu.memory_space<hbm>>
        tpu.enqueue_dma source(%dma_start3A_30 : memref<80xi32, #tpu.memory_space<hbm>>) target(%arg10 : memref<80xi32, #tpu.memory_space<vmem>>) target_semaphore(%arg13 : memref<!tpu.dma_semaphore, #tpu.memory_space<semaphore_mem>>)
        %add3A_31 = arith.constant 320 : i32
        %add3A_32 = arith.addi %add3A, %add3A_31 : i32
        %dma_start3A_33 = tpu.memref_slice %arg4[%add3A_32] : memref<166400xi32, #tpu.memory_space<hbm>> -> memref<80xi32, #tpu.memory_space<hbm>>
        %dma_start3A_34 = tpu.memref_slice %arg4[%add3A_32] : memref<166400xi32, #tpu.memory_space<hbm>> -> memref<80xi32, #tpu.memory_space<hbm>>
        tpu.enqueue_dma source(%dma_start3A_34 : memref<80xi32, #tpu.memory_space<hbm>>) target(%arg11 : memref<80xi32, #tpu.memory_space<vmem>>) target_semaphore(%arg13 : memref<!tpu.dma_semaphore, #tpu.memory_space<semaphore_mem>>)
        %dma_wait3A = tpu.memref_slice %arg4[%add3A_17] : memref<166400xi32, #tpu.memory_space<hbm>> -> memref<80xi32, #tpu.memory_space<hbm>>
        %dma_wait3A_35 = tpu.memref_slice %arg4[%add3A_17] : memref<166400xi32, #tpu.memory_space<hbm>> -> memref<80xi32, #tpu.memory_space<hbm>>
        tpu.wait_dma2 semaphore(%arg13 : memref<!tpu.dma_semaphore, #tpu.memory_space<semaphore_mem>>) src(%dma_wait3A_35 : memref<80xi32, #tpu.memory_space<hbm>>) dst(%arg7 : memref<80xi32, #tpu.memory_space<vmem>>)
        %dma_wait3A_36 = tpu.memref_slice %arg4[%add3A_20] : memref<166400xi32, #tpu.memory_space<hbm>> -> memref<80xi32, #tpu.memory_space<hbm>>
        %dma_wait3A_37 = tpu.memref_slice %arg4[%add3A_20] : memref<166400xi32, #tpu.memory_space<hbm>> -> memref<80xi32, #tpu.memory_space<hbm>>
        tpu.wait_dma2 semaphore(%arg13 : memref<!tpu.dma_semaphore, #tpu.memory_space<semaphore_mem>>) src(%dma_wait3A_37 : memref<80xi32, #tpu.memory_space<hbm>>) dst(%arg8 : memref<80xi32, #tpu.memory_space<vmem>>)
        %dma_wait3A_38 = tpu.memref_slice %arg4[%add3A_24] : memref<166400xi32, #tpu.memory_space<hbm>> -> memref<80xi32, #tpu.memory_space<hbm>>
        %dma_wait3A_39 = tpu.memref_slice %arg4[%add3A_24] : memref<166400xi32, #tpu.memory_space<hbm>> -> memref<80xi32, #tpu.memory_space<hbm>>
        tpu.wait_dma2 semaphore(%arg13 : memref<!tpu.dma_semaphore, #tpu.memory_space<semaphore_mem>>) src(%dma_wait3A_39 : memref<80xi32, #tpu.memory_space<hbm>>) dst(%arg9 : memref<80xi32, #tpu.memory_space<vmem>>)
        %dma_wait3A_40 = tpu.memref_slice %arg4[%add3A_28] : memref<166400xi32, #tpu.memory_space<hbm>> -> memref<80xi32, #tpu.memory_space<hbm>>
        %dma_wait3A_41 = tpu.memref_slice %arg4[%add3A_28] : memref<166400xi32, #tpu.memory_space<hbm>> -> memref<80xi32, #tpu.memory_space<hbm>>
        tpu.wait_dma2 semaphore(%arg13 : memref<!tpu.dma_semaphore, #tpu.memory_space<semaphore_mem>>) src(%dma_wait3A_41 : memref<80xi32, #tpu.memory_space<hbm>>) dst(%arg10 : memref<80xi32, #tpu.memory_space<vmem>>)
        %dma_wait3A_42 = tpu.memref_slice %arg4[%add3A_32] : memref<166400xi32, #tpu.memory_space<hbm>> -> memref<80xi32, #tpu.memory_space<hbm>>
        %dma_wait3A_43 = tpu.memref_slice %arg4[%add3A_32] : memref<166400xi32, #tpu.memory_space<hbm>> -> memref<80xi32, #tpu.memory_space<hbm>>
        tpu.wait_dma2 semaphore(%arg13 : memref<!tpu.dma_semaphore, #tpu.memory_space<semaphore_mem>>) src(%dma_wait3A_43 : memref<80xi32, #tpu.memory_space<hbm>>) dst(%arg11 : memref<80xi32, #tpu.memory_space<vmem>>)
        %dma_start3A_44 = arith.constant 0 : i32
        %dma_start3A_45 = arith.constant 0 : i32
        %dma_start3A_46 = tpu.memref_slice %arg12[%dma_start3A_44, %dma_start3A_45] : memref<400x128xf32, #tpu.memory_space<vmem>> -> memref<80x128xf32, #tpu.memory_space<vmem>>
        %dma_start3A_47 = arith.constant 0 : i32
        %dma_start3A_48 = arith.constant 0 : i32
        %dma_start3A_49 = tpu.memref_slice %arg2[%dma_start3A_47, %dma_start3A_48] : memref<10000x128xf32, #tpu.memory_space<hbm>> -> memref<10000x128xf32, #tpu.memory_space<hbm>>
        tpu.enqueue_indirect_dma source(%dma_start3A_49 : memref<10000x128xf32, #tpu.memory_space<hbm>>) target(%dma_start3A_46 : memref<80x128xf32, #tpu.memory_space<vmem>>) offsets(%arg7 : memref<80xi32, #tpu.memory_space<vmem>>) semaphore(%arg14 : memref<!tpu.dma_semaphore, #tpu.memory_space<semaphore_mem>>)
        %dma_start3A_50 = arith.constant 80 : i32
        %dma_start3A_51 = arith.constant 0 : i32
        %dma_start3A_52 = tpu.memref_slice %arg12[%dma_start3A_50, %dma_start3A_51] : memref<400x128xf32, #tpu.memory_space<vmem>> -> memref<80x128xf32, #tpu.memory_space<vmem>>
        %dma_start3A_53 = arith.constant 0 : i32
        %dma_start3A_54 = arith.constant 0 : i32
        %dma_start3A_55 = tpu.memref_slice %arg2[%dma_start3A_53, %dma_start3A_54] : memref<10000x128xf32, #tpu.memory_space<hbm>> -> memref<10000x128xf32, #tpu.memory_space<hbm>>
        tpu.enqueue_indirect_dma source(%dma_start3A_55 : memref<10000x128xf32, #tpu.memory_space<hbm>>) target(%dma_start3A_52 : memref<80x128xf32, #tpu.memory_space<vmem>>) offsets(%arg8 : memref<80xi32, #tpu.memory_space<vmem>>) semaphore(%arg14 : memref<!tpu.dma_semaphore, #tpu.memory_space<semaphore_mem>>)
        %dma_start3A_56 = arith.constant 160 : i32
        %dma_start3A_57 = arith.constant 0 : i32
        %dma_start3A_58 = tpu.memref_slice %arg12[%dma_start3A_56, %dma_start3A_57] : memref<400x128xf32, #tpu.memory_space<vmem>> -> memref<80x128xf32, #tpu.memory_space<vmem>>
        %dma_start3A_59 = arith.constant 0 : i32
        %dma_start3A_60 = arith.constant 0 : i32
        %dma_start3A_61 = tpu.memref_slice %arg2[%dma_start3A_59, %dma_start3A_60] : memref<10000x128xf32, #tpu.memory_space<hbm>> -> memref<10000x128xf32, #tpu.memory_space<hbm>>
        tpu.enqueue_indirect_dma source(%dma_start3A_61 : memref<10000x128xf32, #tpu.memory_space<hbm>>) target(%dma_start3A_58 : memref<80x128xf32, #tpu.memory_space<vmem>>) offsets(%arg9 : memref<80xi32, #tpu.memory_space<vmem>>) semaphore(%arg14 : memref<!tpu.dma_semaphore, #tpu.memory_space<semaphore_mem>>)
        %dma_start3A_62 = arith.constant 240 : i32
        %dma_start3A_63 = arith.constant 0 : i32
        %dma_start3A_64 = tpu.memref_slice %arg12[%dma_start3A_62, %dma_start3A_63] : memref<400x128xf32, #tpu.memory_space<vmem>> -> memref<80x128xf32, #tpu.memory_space<vmem>>
        %dma_start3A_65 = arith.constant 0 : i32
        %dma_start3A_66 = arith.constant 0 : i32
        %dma_start3A_67 = tpu.memref_slice %arg2[%dma_start3A_65, %dma_start3A_66] : memref<10000x128xf32, #tpu.memory_space<hbm>> -> memref<10000x128xf32, #tpu.memory_space<hbm>>
        tpu.enqueue_indirect_dma source(%dma_start3A_67 : memref<10000x128xf32, #tpu.memory_space<hbm>>) target(%dma_start3A_64 : memref<80x128xf32, #tpu.memory_space<vmem>>) offsets(%arg10 : memref<80xi32, #tpu.memory_space<vmem>>) semaphore(%arg14 : memref<!tpu.dma_semaphore, #tpu.memory_space<semaphore_mem>>)
        %dma_start3A_68 = arith.constant 320 : i32
        %dma_start3A_69 = arith.constant 0 : i32
        %dma_start3A_70 = tpu.memref_slice %arg12[%dma_start3A_68, %dma_start3A_69] : memref<400x128xf32, #tpu.memory_space<vmem>> -> memref<80x128xf32, #tpu.memory_space<vmem>>
        %dma_start3A_71 = arith.constant 0 : i32
        %dma_start3A_72 = arith.constant 0 : i32
        %dma_start3A_73 = tpu.memref_slice %arg2[%dma_start3A_71, %dma_start3A_72] : memref<10000x128xf32, #tpu.memory_space<hbm>> -> memref<10000x128xf32, #tpu.memory_space<hbm>>
        tpu.enqueue_indirect_dma source(%dma_start3A_73 : memref<10000x128xf32, #tpu.memory_space<hbm>>) target(%dma_start3A_70 : memref<80x128xf32, #tpu.memory_space<vmem>>) offsets(%arg11 : memref<80xi32, #tpu.memory_space<vmem>>) semaphore(%arg14 : memref<!tpu.dma_semaphore, #tpu.memory_space<semaphore_mem>>)
        %dma_wait3A_74 = arith.constant 0 : i32
        %dma_wait3A_75 = arith.constant 0 : i32
        %dma_wait3A_76 = tpu.memref_slice %arg12[%dma_wait3A_74, %dma_wait3A_75] : memref<400x128xf32, #tpu.memory_space<vmem>> -> memref<80x128xf32, #tpu.memory_space<vmem>>
        %dma_wait3A_77 = arith.constant 0 : i32
        %dma_wait3A_78 = arith.constant 0 : i32
        %dma_wait3A_79 = tpu.memref_slice %arg2[%dma_wait3A_77, %dma_wait3A_78] : memref<10000x128xf32, #tpu.memory_space<hbm>> -> memref<10000x128xf32, #tpu.memory_space<hbm>>
        tpu.wait_indirect_dma semaphore(%arg14 : memref<!tpu.dma_semaphore, #tpu.memory_space<semaphore_mem>>) src(%dma_wait3A_79 : memref<10000x128xf32, #tpu.memory_space<hbm>>) dst(%dma_wait3A_76 : memref<80x128xf32, #tpu.memory_space<vmem>>)
        %dma_wait3A_80 = arith.constant 80 : i32
        %dma_wait3A_81 = arith.constant 0 : i32
        %dma_wait3A_82 = tpu.memref_slice %arg12[%dma_wait3A_80, %dma_wait3A_81] : memref<400x128xf32, #tpu.memory_space<vmem>> -> memref<80x128xf32, #tpu.memory_space<vmem>>
        %dma_wait3A_83 = arith.constant 0 : i32
        %dma_wait3A_84 = arith.constant 0 : i32
        %dma_wait3A_85 = tpu.memref_slice %arg2[%dma_wait3A_83, %dma_wait3A_84] : memref<10000x128xf32, #tpu.memory_space<hbm>> -> memref<10000x128xf32, #tpu.memory_space<hbm>>
        tpu.wait_indirect_dma semaphore(%arg14 : memref<!tpu.dma_semaphore, #tpu.memory_space<semaphore_mem>>) src(%dma_wait3A_85 : memref<10000x128xf32, #tpu.memory_space<hbm>>) dst(%dma_wait3A_82 : memref<80x128xf32, #tpu.memory_space<vmem>>)
        %dma_wait3A_86 = arith.constant 160 : i32
        %dma_wait3A_87 = arith.constant 0 : i32
        %dma_wait3A_88 = tpu.memref_slice %arg12[%dma_wait3A_86, %dma_wait3A_87] : memref<400x128xf32, #tpu.memory_space<vmem>> -> memref<80x128xf32, #tpu.memory_space<vmem>>
        %dma_wait3A_89 = arith.constant 0 : i32
        %dma_wait3A_90 = arith.constant 0 : i32
        %dma_wait3A_91 = tpu.memref_slice %arg2[%dma_wait3A_89, %dma_wait3A_90] : memref<10000x128xf32, #tpu.memory_space<hbm>> -> memref<10000x128xf32, #tpu.memory_space<hbm>>
        tpu.wait_indirect_dma semaphore(%arg14 : memref<!tpu.dma_semaphore, #tpu.memory_space<semaphore_mem>>) src(%dma_wait3A_91 : memref<10000x128xf32, #tpu.memory_space<hbm>>) dst(%dma_wait3A_88 : memref<80x128xf32, #tpu.memory_space<vmem>>)
        %dma_wait3A_92 = arith.constant 240 : i32
        %dma_wait3A_93 = arith.constant 0 : i32
        %dma_wait3A_94 = tpu.memref_slice %arg12[%dma_wait3A_92, %dma_wait3A_93] : memref<400x128xf32, #tpu.memory_space<vmem>> -> memref<80x128xf32, #tpu.memory_space<vmem>>
        %dma_wait3A_95 = arith.constant 0 : i32
        %dma_wait3A_96 = arith.constant 0 : i32
        %dma_wait3A_97 = tpu.memref_slice %arg2[%dma_wait3A_95, %dma_wait3A_96] : memref<10000x128xf32, #tpu.memory_space<hbm>> -> memref<10000x128xf32, #tpu.memory_space<hbm>>
        tpu.wait_indirect_dma semaphore(%arg14 : memref<!tpu.dma_semaphore, #tpu.memory_space<semaphore_mem>>) src(%dma_wait3A_97 : memref<10000x128xf32, #tpu.memory_space<hbm>>) dst(%dma_wait3A_94 : memref<80x128xf32, #tpu.memory_space<vmem>>)
        %dma_wait3A_98 = arith.constant 320 : i32
        %dma_wait3A_99 = arith.constant 0 : i32
        %dma_wait3A_100 = tpu.memref_slice %arg12[%dma_wait3A_98, %dma_wait3A_99] : memref<400x128xf32, #tpu.memory_space<vmem>> -> memref<80x128xf32, #tpu.memory_space<vmem>>
        %dma_wait3A_101 = arith.constant 0 : i32
        %dma_wait3A_102 = arith.constant 0 : i32
        %dma_wait3A_103 = tpu.memref_slice %arg2[%dma_wait3A_101, %dma_wait3A_102] : memref<10000x128xf32, #tpu.memory_space<hbm>> -> memref<10000x128xf32, #tpu.memory_space<hbm>>
        tpu.wait_indirect_dma semaphore(%arg14 : memref<!tpu.dma_semaphore, #tpu.memory_space<semaphore_mem>>) src(%dma_wait3A_103 : memref<10000x128xf32, #tpu.memory_space<hbm>>) dst(%dma_wait3A_100 : memref<80x128xf32, #tpu.memory_space<vmem>>)
        "tpu.region"() ({
          %run_scoped3A = tpu.sem_alloc : memref<!tpu.dma_semaphore, #tpu.memory_space<semaphore_mem>>
          %dma_start3A_104 = arith.constant 0 : i32
          %dma_start3A_105 = tpu.memref_slice %arg6[%add3A, %dma_start3A_104] : memref<166400x128xf32, #tpu.memory_space<hbm>> -> memref<400x128xf32, #tpu.memory_space<hbm>>
          %dma_start3A_106 = arith.constant 0 : i32
          %dma_start3A_107 = tpu.memref_slice %arg6[%add3A, %dma_start3A_106] : memref<166400x128xf32, #tpu.memory_space<hbm>> -> memref<400x128xf32, #tpu.memory_space<hbm>>
          tpu.enqueue_dma source(%arg12 : memref<400x128xf32, #tpu.memory_space<vmem>>) target(%dma_start3A_107 : memref<400x128xf32, #tpu.memory_space<hbm>>) target_semaphore(%run_scoped3A : memref<!tpu.dma_semaphore, #tpu.memory_space<semaphore_mem>>)
          %dma_wait3A_108 = arith.constant 0 : i32
          %dma_wait3A_109 = tpu.memref_slice %arg6[%add3A, %dma_wait3A_108] : memref<166400x128xf32, #tpu.memory_space<hbm>> -> memref<400x128xf32, #tpu.memory_space<hbm>>
          %dma_wait3A_110 = arith.constant 0 : i32
          %dma_wait3A_111 = tpu.memref_slice %arg6[%add3A, %dma_wait3A_110] : memref<166400x128xf32, #tpu.memory_space<hbm>> -> memref<400x128xf32, #tpu.memory_space<hbm>>
          tpu.wait_dma2 semaphore(%run_scoped3A : memref<!tpu.dma_semaphore, #tpu.memory_space<semaphore_mem>>) src(%arg12 : memref<400x128xf32, #tpu.memory_space<vmem>>) dst(%dma_wait3A_111 : memref<400x128xf32, #tpu.memory_space<hbm>>)
          tpu.yield
        }) : () -> ()
      }
      %scan3A_11 = arith.constant 26 : i32
    } else {
    }
    return
  }
}

#map = affine_map<(d0, d1) -> (0, 0)>
#map1 = affine_map<(d0, d1) -> (0)>
module attributes {stable_mosaic.version = 14 : i64} {
  func.func @body(%arg0: i32, %arg1: i32, %arg2: memref<10000x128xf32, #tpu.memory_space<hbm>>, %arg3: memref<153600xi32, #tpu.memory_space<hbm>>, %arg4: memref<153600xi32, #tpu.memory_space<hbm>>, %arg5: memref<153600x128xf32, #tpu.memory_space<hbm>>, %arg6: memref<153600x128xf32, #tpu.memory_space<hbm>>, %arg7: memref<80xi32, #tpu.memory_space<vmem>>, %arg8: memref<80xi32, #tpu.memory_space<vmem>>, %arg9: memref<80xi32, #tpu.memory_space<vmem>>, %arg10: memref<80xi32, #tpu.memory_space<vmem>>, %arg11: memref<80xi32, #tpu.memory_space<vmem>>, %arg12: memref<400x128xf32, #tpu.memory_space<vmem>>, %arg13: memref<!tpu.dma_semaphore, #tpu.memory_space<semaphore_mem>>, %arg14: memref<!tpu.dma_semaphore, #tpu.memory_space<semaphore_mem>>) attributes {dimension_semantics = [#tpu.dimension_semantics<core_parallel>, #tpu.dimension_semantics<subcore_parallel>], iteration_bounds = array<i64: 2, 16>, scalar_prefetch = 0 : i64, scratch_operands = 8 : i64, tpu.core_type = #tpu.core_type<sc_vector_subcore>, window_params = [{transform_indices = #map}, {transform_indices = #map1}, {transform_indices = #map1}, {transform_indices = #map}, {transform_indices = #map}]} {
    %eq3A = arith.constant 0 : i32
    %eq3A_0 = arith.cmpi eq, %arg0, %eq3A : i32
    %convert_element_type3A = arith.extui %eq3A_0 : i1 to i32
    %cond3A = arith.constant 0 : i32
    %cond3A_1 = arith.cmpi ne, %convert_element_type3A, %cond3A : i32
    scf.if %cond3A_1 {
      %scan3A = arith.constant 0 : i32
      %scan3A_7 = arith.constant 0 : i32
      %scan3A_8 = arith.constant 24 : i32
      %scan3A_9 = arith.addi %scan3A_7, %scan3A_8 : i32
      %scan3A_10 = arith.constant 1 : i32
      scf.for %scan3A_12 = %scan3A_7 to %scan3A_9 step %scan3A_10  : i32 {
        %mul3A = arith.constant 9600 : i32
        %mul3A_13 = arith.muli %arg1, %mul3A : i32
        %mul3A_14 = arith.constant 400 : i32
        %mul3A_15 = arith.muli %scan3A_12, %mul3A_14 : i32
        %add3A = arith.addi %mul3A_13, %mul3A_15 : i32
        %add3A_16 = arith.constant 0 : i32
        %add3A_17 = arith.addi %add3A, %add3A_16 : i32
        %dma_start3A = tpu.memref_slice %arg3[%add3A_17] : memref<153600xi32, #tpu.memory_space<hbm>> -> memref<80xi32, #tpu.memory_space<hbm>>
        %dma_start3A_18 = tpu.memref_slice %arg3[%add3A_17] : memref<153600xi32, #tpu.memory_space<hbm>> -> memref<80xi32, #tpu.memory_space<hbm>>
        tpu.enqueue_dma source(%dma_start3A_18 : memref<80xi32, #tpu.memory_space<hbm>>) target(%arg7 : memref<80xi32, #tpu.memory_space<vmem>>) target_semaphore(%arg13 : memref<!tpu.dma_semaphore, #tpu.memory_space<semaphore_mem>>)
        %add3A_19 = arith.constant 80 : i32
        %add3A_20 = arith.addi %add3A, %add3A_19 : i32
        %dma_start3A_21 = tpu.memref_slice %arg3[%add3A_20] : memref<153600xi32, #tpu.memory_space<hbm>> -> memref<80xi32, #tpu.memory_space<hbm>>
        %dma_start3A_22 = tpu.memref_slice %arg3[%add3A_20] : memref<153600xi32, #tpu.memory_space<hbm>> -> memref<80xi32, #tpu.memory_space<hbm>>
        tpu.enqueue_dma source(%dma_start3A_22 : memref<80xi32, #tpu.memory_space<hbm>>) target(%arg8 : memref<80xi32, #tpu.memory_space<vmem>>) target_semaphore(%arg13 : memref<!tpu.dma_semaphore, #tpu.memory_space<semaphore_mem>>)
        %add3A_23 = arith.constant 160 : i32
        %add3A_24 = arith.addi %add3A, %add3A_23 : i32
        %dma_start3A_25 = tpu.memref_slice %arg3[%add3A_24] : memref<153600xi32, #tpu.memory_space<hbm>> -> memref<80xi32, #tpu.memory_space<hbm>>
        %dma_start3A_26 = tpu.memref_slice %arg3[%add3A_24] : memref<153600xi32, #tpu.memory_space<hbm>> -> memref<80xi32, #tpu.memory_space<hbm>>
        tpu.enqueue_dma source(%dma_start3A_26 : memref<80xi32, #tpu.memory_space<hbm>>) target(%arg9 : memref<80xi32, #tpu.memory_space<vmem>>) target_semaphore(%arg13 : memref<!tpu.dma_semaphore, #tpu.memory_space<semaphore_mem>>)
        %add3A_27 = arith.constant 240 : i32
        %add3A_28 = arith.addi %add3A, %add3A_27 : i32
        %dma_start3A_29 = tpu.memref_slice %arg3[%add3A_28] : memref<153600xi32, #tpu.memory_space<hbm>> -> memref<80xi32, #tpu.memory_space<hbm>>
        %dma_start3A_30 = tpu.memref_slice %arg3[%add3A_28] : memref<153600xi32, #tpu.memory_space<hbm>> -> memref<80xi32, #tpu.memory_space<hbm>>
        tpu.enqueue_dma source(%dma_start3A_30 : memref<80xi32, #tpu.memory_space<hbm>>) target(%arg10 : memref<80xi32, #tpu.memory_space<vmem>>) target_semaphore(%arg13 : memref<!tpu.dma_semaphore, #tpu.memory_space<semaphore_mem>>)
        %add3A_31 = arith.constant 320 : i32
        %add3A_32 = arith.addi %add3A, %add3A_31 : i32
        %dma_start3A_33 = tpu.memref_slice %arg3[%add3A_32] : memref<153600xi32, #tpu.memory_space<hbm>> -> memref<80xi32, #tpu.memory_space<hbm>>
        %dma_start3A_34 = tpu.memref_slice %arg3[%add3A_32] : memref<153600xi32, #tpu.memory_space<hbm>> -> memref<80xi32, #tpu.memory_space<hbm>>
        tpu.enqueue_dma source(%dma_start3A_34 : memref<80xi32, #tpu.memory_space<hbm>>) target(%arg11 : memref<80xi32, #tpu.memory_space<vmem>>) target_semaphore(%arg13 : memref<!tpu.dma_semaphore, #tpu.memory_space<semaphore_mem>>)
        %dma_wait3A = tpu.memref_slice %arg3[%add3A_17] : memref<153600xi32, #tpu.memory_space<hbm>> -> memref<80xi32, #tpu.memory_space<hbm>>
        %dma_wait3A_35 = tpu.memref_slice %arg3[%add3A_17] : memref<153600xi32, #tpu.memory_space<hbm>> -> memref<80xi32, #tpu.memory_space<hbm>>
        tpu.wait_dma2 semaphore(%arg13 : memref<!tpu.dma_semaphore, #tpu.memory_space<semaphore_mem>>) src(%dma_wait3A_35 : memref<80xi32, #tpu.memory_space<hbm>>) dst(%arg7 : memref<80xi32, #tpu.memory_space<vmem>>)
        %dma_wait3A_36 = tpu.memref_slice %arg3[%add3A_20] : memref<153600xi32, #tpu.memory_space<hbm>> -> memref<80xi32, #tpu.memory_space<hbm>>
        %dma_wait3A_37 = tpu.memref_slice %arg3[%add3A_20] : memref<153600xi32, #tpu.memory_space<hbm>> -> memref<80xi32, #tpu.memory_space<hbm>>
        tpu.wait_dma2 semaphore(%arg13 : memref<!tpu.dma_semaphore, #tpu.memory_space<semaphore_mem>>) src(%dma_wait3A_37 : memref<80xi32, #tpu.memory_space<hbm>>) dst(%arg8 : memref<80xi32, #tpu.memory_space<vmem>>)
        %dma_wait3A_38 = tpu.memref_slice %arg3[%add3A_24] : memref<153600xi32, #tpu.memory_space<hbm>> -> memref<80xi32, #tpu.memory_space<hbm>>
        %dma_wait3A_39 = tpu.memref_slice %arg3[%add3A_24] : memref<153600xi32, #tpu.memory_space<hbm>> -> memref<80xi32, #tpu.memory_space<hbm>>
        tpu.wait_dma2 semaphore(%arg13 : memref<!tpu.dma_semaphore, #tpu.memory_space<semaphore_mem>>) src(%dma_wait3A_39 : memref<80xi32, #tpu.memory_space<hbm>>) dst(%arg9 : memref<80xi32, #tpu.memory_space<vmem>>)
        %dma_wait3A_40 = tpu.memref_slice %arg3[%add3A_28] : memref<153600xi32, #tpu.memory_space<hbm>> -> memref<80xi32, #tpu.memory_space<hbm>>
        %dma_wait3A_41 = tpu.memref_slice %arg3[%add3A_28] : memref<153600xi32, #tpu.memory_space<hbm>> -> memref<80xi32, #tpu.memory_space<hbm>>
        tpu.wait_dma2 semaphore(%arg13 : memref<!tpu.dma_semaphore, #tpu.memory_space<semaphore_mem>>) src(%dma_wait3A_41 : memref<80xi32, #tpu.memory_space<hbm>>) dst(%arg10 : memref<80xi32, #tpu.memory_space<vmem>>)
        %dma_wait3A_42 = tpu.memref_slice %arg3[%add3A_32] : memref<153600xi32, #tpu.memory_space<hbm>> -> memref<80xi32, #tpu.memory_space<hbm>>
        %dma_wait3A_43 = tpu.memref_slice %arg3[%add3A_32] : memref<153600xi32, #tpu.memory_space<hbm>> -> memref<80xi32, #tpu.memory_space<hbm>>
        tpu.wait_dma2 semaphore(%arg13 : memref<!tpu.dma_semaphore, #tpu.memory_space<semaphore_mem>>) src(%dma_wait3A_43 : memref<80xi32, #tpu.memory_space<hbm>>) dst(%arg11 : memref<80xi32, #tpu.memory_space<vmem>>)
        %dma_start3A_44 = arith.constant 0 : i32
        %dma_start3A_45 = arith.constant 0 : i32
        %dma_start3A_46 = tpu.memref_slice %arg12[%dma_start3A_44, %dma_start3A_45] : memref<400x128xf32, #tpu.memory_space<vmem>> -> memref<80x128xf32, #tpu.memory_space<vmem>>
        %dma_start3A_47 = arith.constant 0 : i32
        %dma_start3A_48 = arith.constant 0 : i32
        %dma_start3A_49 = tpu.memref_slice %arg2[%dma_start3A_47, %dma_start3A_48] : memref<10000x128xf32, #tpu.memory_space<hbm>> -> memref<10000x128xf32, #tpu.memory_space<hbm>>
        tpu.enqueue_indirect_dma source(%dma_start3A_49 : memref<10000x128xf32, #tpu.memory_space<hbm>>) target(%dma_start3A_46 : memref<80x128xf32, #tpu.memory_space<vmem>>) offsets(%arg7 : memref<80xi32, #tpu.memory_space<vmem>>) semaphore(%arg14 : memref<!tpu.dma_semaphore, #tpu.memory_space<semaphore_mem>>)
        %dma_start3A_50 = arith.constant 80 : i32
        %dma_start3A_51 = arith.constant 0 : i32
        %dma_start3A_52 = tpu.memref_slice %arg12[%dma_start3A_50, %dma_start3A_51] : memref<400x128xf32, #tpu.memory_space<vmem>> -> memref<80x128xf32, #tpu.memory_space<vmem>>
        %dma_start3A_53 = arith.constant 0 : i32
        %dma_start3A_54 = arith.constant 0 : i32
        %dma_start3A_55 = tpu.memref_slice %arg2[%dma_start3A_53, %dma_start3A_54] : memref<10000x128xf32, #tpu.memory_space<hbm>> -> memref<10000x128xf32, #tpu.memory_space<hbm>>
        tpu.enqueue_indirect_dma source(%dma_start3A_55 : memref<10000x128xf32, #tpu.memory_space<hbm>>) target(%dma_start3A_52 : memref<80x128xf32, #tpu.memory_space<vmem>>) offsets(%arg8 : memref<80xi32, #tpu.memory_space<vmem>>) semaphore(%arg14 : memref<!tpu.dma_semaphore, #tpu.memory_space<semaphore_mem>>)
        %dma_start3A_56 = arith.constant 160 : i32
        %dma_start3A_57 = arith.constant 0 : i32
        %dma_start3A_58 = tpu.memref_slice %arg12[%dma_start3A_56, %dma_start3A_57] : memref<400x128xf32, #tpu.memory_space<vmem>> -> memref<80x128xf32, #tpu.memory_space<vmem>>
        %dma_start3A_59 = arith.constant 0 : i32
        %dma_start3A_60 = arith.constant 0 : i32
        %dma_start3A_61 = tpu.memref_slice %arg2[%dma_start3A_59, %dma_start3A_60] : memref<10000x128xf32, #tpu.memory_space<hbm>> -> memref<10000x128xf32, #tpu.memory_space<hbm>>
        tpu.enqueue_indirect_dma source(%dma_start3A_61 : memref<10000x128xf32, #tpu.memory_space<hbm>>) target(%dma_start3A_58 : memref<80x128xf32, #tpu.memory_space<vmem>>) offsets(%arg9 : memref<80xi32, #tpu.memory_space<vmem>>) semaphore(%arg14 : memref<!tpu.dma_semaphore, #tpu.memory_space<semaphore_mem>>)
        %dma_start3A_62 = arith.constant 240 : i32
        %dma_start3A_63 = arith.constant 0 : i32
        %dma_start3A_64 = tpu.memref_slice %arg12[%dma_start3A_62, %dma_start3A_63] : memref<400x128xf32, #tpu.memory_space<vmem>> -> memref<80x128xf32, #tpu.memory_space<vmem>>
        %dma_start3A_65 = arith.constant 0 : i32
        %dma_start3A_66 = arith.constant 0 : i32
        %dma_start3A_67 = tpu.memref_slice %arg2[%dma_start3A_65, %dma_start3A_66] : memref<10000x128xf32, #tpu.memory_space<hbm>> -> memref<10000x128xf32, #tpu.memory_space<hbm>>
        tpu.enqueue_indirect_dma source(%dma_start3A_67 : memref<10000x128xf32, #tpu.memory_space<hbm>>) target(%dma_start3A_64 : memref<80x128xf32, #tpu.memory_space<vmem>>) offsets(%arg10 : memref<80xi32, #tpu.memory_space<vmem>>) semaphore(%arg14 : memref<!tpu.dma_semaphore, #tpu.memory_space<semaphore_mem>>)
        %dma_start3A_68 = arith.constant 320 : i32
        %dma_start3A_69 = arith.constant 0 : i32
        %dma_start3A_70 = tpu.memref_slice %arg12[%dma_start3A_68, %dma_start3A_69] : memref<400x128xf32, #tpu.memory_space<vmem>> -> memref<80x128xf32, #tpu.memory_space<vmem>>
        %dma_start3A_71 = arith.constant 0 : i32
        %dma_start3A_72 = arith.constant 0 : i32
        %dma_start3A_73 = tpu.memref_slice %arg2[%dma_start3A_71, %dma_start3A_72] : memref<10000x128xf32, #tpu.memory_space<hbm>> -> memref<10000x128xf32, #tpu.memory_space<hbm>>
        tpu.enqueue_indirect_dma source(%dma_start3A_73 : memref<10000x128xf32, #tpu.memory_space<hbm>>) target(%dma_start3A_70 : memref<80x128xf32, #tpu.memory_space<vmem>>) offsets(%arg11 : memref<80xi32, #tpu.memory_space<vmem>>) semaphore(%arg14 : memref<!tpu.dma_semaphore, #tpu.memory_space<semaphore_mem>>)
        %dma_wait3A_74 = arith.constant 0 : i32
        %dma_wait3A_75 = arith.constant 0 : i32
        %dma_wait3A_76 = tpu.memref_slice %arg12[%dma_wait3A_74, %dma_wait3A_75] : memref<400x128xf32, #tpu.memory_space<vmem>> -> memref<80x128xf32, #tpu.memory_space<vmem>>
        %dma_wait3A_77 = arith.constant 0 : i32
        %dma_wait3A_78 = arith.constant 0 : i32
        %dma_wait3A_79 = tpu.memref_slice %arg2[%dma_wait3A_77, %dma_wait3A_78] : memref<10000x128xf32, #tpu.memory_space<hbm>> -> memref<10000x128xf32, #tpu.memory_space<hbm>>
        tpu.wait_indirect_dma semaphore(%arg14 : memref<!tpu.dma_semaphore, #tpu.memory_space<semaphore_mem>>) src(%dma_wait3A_79 : memref<10000x128xf32, #tpu.memory_space<hbm>>) dst(%dma_wait3A_76 : memref<80x128xf32, #tpu.memory_space<vmem>>)
        %dma_wait3A_80 = arith.constant 80 : i32
        %dma_wait3A_81 = arith.constant 0 : i32
        %dma_wait3A_82 = tpu.memref_slice %arg12[%dma_wait3A_80, %dma_wait3A_81] : memref<400x128xf32, #tpu.memory_space<vmem>> -> memref<80x128xf32, #tpu.memory_space<vmem>>
        %dma_wait3A_83 = arith.constant 0 : i32
        %dma_wait3A_84 = arith.constant 0 : i32
        %dma_wait3A_85 = tpu.memref_slice %arg2[%dma_wait3A_83, %dma_wait3A_84] : memref<10000x128xf32, #tpu.memory_space<hbm>> -> memref<10000x128xf32, #tpu.memory_space<hbm>>
        tpu.wait_indirect_dma semaphore(%arg14 : memref<!tpu.dma_semaphore, #tpu.memory_space<semaphore_mem>>) src(%dma_wait3A_85 : memref<10000x128xf32, #tpu.memory_space<hbm>>) dst(%dma_wait3A_82 : memref<80x128xf32, #tpu.memory_space<vmem>>)
        %dma_wait3A_86 = arith.constant 160 : i32
        %dma_wait3A_87 = arith.constant 0 : i32
        %dma_wait3A_88 = tpu.memref_slice %arg12[%dma_wait3A_86, %dma_wait3A_87] : memref<400x128xf32, #tpu.memory_space<vmem>> -> memref<80x128xf32, #tpu.memory_space<vmem>>
        %dma_wait3A_89 = arith.constant 0 : i32
        %dma_wait3A_90 = arith.constant 0 : i32
        %dma_wait3A_91 = tpu.memref_slice %arg2[%dma_wait3A_89, %dma_wait3A_90] : memref<10000x128xf32, #tpu.memory_space<hbm>> -> memref<10000x128xf32, #tpu.memory_space<hbm>>
        tpu.wait_indirect_dma semaphore(%arg14 : memref<!tpu.dma_semaphore, #tpu.memory_space<semaphore_mem>>) src(%dma_wait3A_91 : memref<10000x128xf32, #tpu.memory_space<hbm>>) dst(%dma_wait3A_88 : memref<80x128xf32, #tpu.memory_space<vmem>>)
        %dma_wait3A_92 = arith.constant 240 : i32
        %dma_wait3A_93 = arith.constant 0 : i32
        %dma_wait3A_94 = tpu.memref_slice %arg12[%dma_wait3A_92, %dma_wait3A_93] : memref<400x128xf32, #tpu.memory_space<vmem>> -> memref<80x128xf32, #tpu.memory_space<vmem>>
        %dma_wait3A_95 = arith.constant 0 : i32
        %dma_wait3A_96 = arith.constant 0 : i32
        %dma_wait3A_97 = tpu.memref_slice %arg2[%dma_wait3A_95, %dma_wait3A_96] : memref<10000x128xf32, #tpu.memory_space<hbm>> -> memref<10000x128xf32, #tpu.memory_space<hbm>>
        tpu.wait_indirect_dma semaphore(%arg14 : memref<!tpu.dma_semaphore, #tpu.memory_space<semaphore_mem>>) src(%dma_wait3A_97 : memref<10000x128xf32, #tpu.memory_space<hbm>>) dst(%dma_wait3A_94 : memref<80x128xf32, #tpu.memory_space<vmem>>)
        %dma_wait3A_98 = arith.constant 320 : i32
        %dma_wait3A_99 = arith.constant 0 : i32
        %dma_wait3A_100 = tpu.memref_slice %arg12[%dma_wait3A_98, %dma_wait3A_99] : memref<400x128xf32, #tpu.memory_space<vmem>> -> memref<80x128xf32, #tpu.memory_space<vmem>>
        %dma_wait3A_101 = arith.constant 0 : i32
        %dma_wait3A_102 = arith.constant 0 : i32
        %dma_wait3A_103 = tpu.memref_slice %arg2[%dma_wait3A_101, %dma_wait3A_102] : memref<10000x128xf32, #tpu.memory_space<hbm>> -> memref<10000x128xf32, #tpu.memory_space<hbm>>
        tpu.wait_indirect_dma semaphore(%arg14 : memref<!tpu.dma_semaphore, #tpu.memory_space<semaphore_mem>>) src(%dma_wait3A_103 : memref<10000x128xf32, #tpu.memory_space<hbm>>) dst(%dma_wait3A_100 : memref<80x128xf32, #tpu.memory_space<vmem>>)
        "tpu.region"() ({
          %run_scoped3A = tpu.sem_alloc : memref<!tpu.dma_semaphore, #tpu.memory_space<semaphore_mem>>
          %dma_start3A_104 = arith.constant 0 : i32
          %dma_start3A_105 = tpu.memref_slice %arg5[%add3A, %dma_start3A_104] : memref<153600x128xf32, #tpu.memory_space<hbm>> -> memref<400x128xf32, #tpu.memory_space<hbm>>
          %dma_start3A_106 = arith.constant 0 : i32
          %dma_start3A_107 = tpu.memref_slice %arg5[%add3A, %dma_start3A_106] : memref<153600x128xf32, #tpu.memory_space<hbm>> -> memref<400x128xf32, #tpu.memory_space<hbm>>
          tpu.enqueue_dma source(%arg12 : memref<400x128xf32, #tpu.memory_space<vmem>>) target(%dma_start3A_107 : memref<400x128xf32, #tpu.memory_space<hbm>>) target_semaphore(%run_scoped3A : memref<!tpu.dma_semaphore, #tpu.memory_space<semaphore_mem>>)
          %dma_wait3A_108 = arith.constant 0 : i32
          %dma_wait3A_109 = tpu.memref_slice %arg5[%add3A, %dma_wait3A_108] : memref<153600x128xf32, #tpu.memory_space<hbm>> -> memref<400x128xf32, #tpu.memory_space<hbm>>
          %dma_wait3A_110 = arith.constant 0 : i32
          %dma_wait3A_111 = tpu.memref_slice %arg5[%add3A, %dma_wait3A_110] : memref<153600x128xf32, #tpu.memory_space<hbm>> -> memref<400x128xf32, #tpu.memory_space<hbm>>
          tpu.wait_dma2 semaphore(%run_scoped3A : memref<!tpu.dma_semaphore, #tpu.memory_space<semaphore_mem>>) src(%arg12 : memref<400x128xf32, #tpu.memory_space<vmem>>) dst(%dma_wait3A_111 : memref<400x128xf32, #tpu.memory_space<hbm>>)
          tpu.yield
        }) : () -> ()
      }
      %scan3A_11 = arith.constant 24 : i32
    } else {
    }
    %eq3A_2 = arith.constant 1 : i32
    %eq3A_3 = arith.cmpi eq, %arg0, %eq3A_2 : i32
    %convert_element_type3A_4 = arith.extui %eq3A_3 : i1 to i32
    %cond3A_5 = arith.constant 0 : i32
    %cond3A_6 = arith.cmpi ne, %convert_element_type3A_4, %cond3A_5 : i32
    scf.if %cond3A_6 {
      %scan3A = arith.constant 0 : i32
      %scan3A_7 = arith.constant 0 : i32
      %scan3A_8 = arith.constant 24 : i32
      %scan3A_9 = arith.addi %scan3A_7, %scan3A_8 : i32
      %scan3A_10 = arith.constant 1 : i32
      scf.for %scan3A_12 = %scan3A_7 to %scan3A_9 step %scan3A_10  : i32 {
        %mul3A = arith.constant 9600 : i32
        %mul3A_13 = arith.muli %arg1, %mul3A : i32
        %mul3A_14 = arith.constant 400 : i32
        %mul3A_15 = arith.muli %scan3A_12, %mul3A_14 : i32
        %add3A = arith.addi %mul3A_13, %mul3A_15 : i32
        %add3A_16 = arith.constant 0 : i32
        %add3A_17 = arith.addi %add3A, %add3A_16 : i32
        %dma_start3A = tpu.memref_slice %arg4[%add3A_17] : memref<153600xi32, #tpu.memory_space<hbm>> -> memref<80xi32, #tpu.memory_space<hbm>>
        %dma_start3A_18 = tpu.memref_slice %arg4[%add3A_17] : memref<153600xi32, #tpu.memory_space<hbm>> -> memref<80xi32, #tpu.memory_space<hbm>>
        tpu.enqueue_dma source(%dma_start3A_18 : memref<80xi32, #tpu.memory_space<hbm>>) target(%arg7 : memref<80xi32, #tpu.memory_space<vmem>>) target_semaphore(%arg13 : memref<!tpu.dma_semaphore, #tpu.memory_space<semaphore_mem>>)
        %add3A_19 = arith.constant 80 : i32
        %add3A_20 = arith.addi %add3A, %add3A_19 : i32
        %dma_start3A_21 = tpu.memref_slice %arg4[%add3A_20] : memref<153600xi32, #tpu.memory_space<hbm>> -> memref<80xi32, #tpu.memory_space<hbm>>
        %dma_start3A_22 = tpu.memref_slice %arg4[%add3A_20] : memref<153600xi32, #tpu.memory_space<hbm>> -> memref<80xi32, #tpu.memory_space<hbm>>
        tpu.enqueue_dma source(%dma_start3A_22 : memref<80xi32, #tpu.memory_space<hbm>>) target(%arg8 : memref<80xi32, #tpu.memory_space<vmem>>) target_semaphore(%arg13 : memref<!tpu.dma_semaphore, #tpu.memory_space<semaphore_mem>>)
        %add3A_23 = arith.constant 160 : i32
        %add3A_24 = arith.addi %add3A, %add3A_23 : i32
        %dma_start3A_25 = tpu.memref_slice %arg4[%add3A_24] : memref<153600xi32, #tpu.memory_space<hbm>> -> memref<80xi32, #tpu.memory_space<hbm>>
        %dma_start3A_26 = tpu.memref_slice %arg4[%add3A_24] : memref<153600xi32, #tpu.memory_space<hbm>> -> memref<80xi32, #tpu.memory_space<hbm>>
        tpu.enqueue_dma source(%dma_start3A_26 : memref<80xi32, #tpu.memory_space<hbm>>) target(%arg9 : memref<80xi32, #tpu.memory_space<vmem>>) target_semaphore(%arg13 : memref<!tpu.dma_semaphore, #tpu.memory_space<semaphore_mem>>)
        %add3A_27 = arith.constant 240 : i32
        %add3A_28 = arith.addi %add3A, %add3A_27 : i32
        %dma_start3A_29 = tpu.memref_slice %arg4[%add3A_28] : memref<153600xi32, #tpu.memory_space<hbm>> -> memref<80xi32, #tpu.memory_space<hbm>>
        %dma_start3A_30 = tpu.memref_slice %arg4[%add3A_28] : memref<153600xi32, #tpu.memory_space<hbm>> -> memref<80xi32, #tpu.memory_space<hbm>>
        tpu.enqueue_dma source(%dma_start3A_30 : memref<80xi32, #tpu.memory_space<hbm>>) target(%arg10 : memref<80xi32, #tpu.memory_space<vmem>>) target_semaphore(%arg13 : memref<!tpu.dma_semaphore, #tpu.memory_space<semaphore_mem>>)
        %add3A_31 = arith.constant 320 : i32
        %add3A_32 = arith.addi %add3A, %add3A_31 : i32
        %dma_start3A_33 = tpu.memref_slice %arg4[%add3A_32] : memref<153600xi32, #tpu.memory_space<hbm>> -> memref<80xi32, #tpu.memory_space<hbm>>
        %dma_start3A_34 = tpu.memref_slice %arg4[%add3A_32] : memref<153600xi32, #tpu.memory_space<hbm>> -> memref<80xi32, #tpu.memory_space<hbm>>
        tpu.enqueue_dma source(%dma_start3A_34 : memref<80xi32, #tpu.memory_space<hbm>>) target(%arg11 : memref<80xi32, #tpu.memory_space<vmem>>) target_semaphore(%arg13 : memref<!tpu.dma_semaphore, #tpu.memory_space<semaphore_mem>>)
        %dma_wait3A = tpu.memref_slice %arg4[%add3A_17] : memref<153600xi32, #tpu.memory_space<hbm>> -> memref<80xi32, #tpu.memory_space<hbm>>
        %dma_wait3A_35 = tpu.memref_slice %arg4[%add3A_17] : memref<153600xi32, #tpu.memory_space<hbm>> -> memref<80xi32, #tpu.memory_space<hbm>>
        tpu.wait_dma2 semaphore(%arg13 : memref<!tpu.dma_semaphore, #tpu.memory_space<semaphore_mem>>) src(%dma_wait3A_35 : memref<80xi32, #tpu.memory_space<hbm>>) dst(%arg7 : memref<80xi32, #tpu.memory_space<vmem>>)
        %dma_wait3A_36 = tpu.memref_slice %arg4[%add3A_20] : memref<153600xi32, #tpu.memory_space<hbm>> -> memref<80xi32, #tpu.memory_space<hbm>>
        %dma_wait3A_37 = tpu.memref_slice %arg4[%add3A_20] : memref<153600xi32, #tpu.memory_space<hbm>> -> memref<80xi32, #tpu.memory_space<hbm>>
        tpu.wait_dma2 semaphore(%arg13 : memref<!tpu.dma_semaphore, #tpu.memory_space<semaphore_mem>>) src(%dma_wait3A_37 : memref<80xi32, #tpu.memory_space<hbm>>) dst(%arg8 : memref<80xi32, #tpu.memory_space<vmem>>)
        %dma_wait3A_38 = tpu.memref_slice %arg4[%add3A_24] : memref<153600xi32, #tpu.memory_space<hbm>> -> memref<80xi32, #tpu.memory_space<hbm>>
        %dma_wait3A_39 = tpu.memref_slice %arg4[%add3A_24] : memref<153600xi32, #tpu.memory_space<hbm>> -> memref<80xi32, #tpu.memory_space<hbm>>
        tpu.wait_dma2 semaphore(%arg13 : memref<!tpu.dma_semaphore, #tpu.memory_space<semaphore_mem>>) src(%dma_wait3A_39 : memref<80xi32, #tpu.memory_space<hbm>>) dst(%arg9 : memref<80xi32, #tpu.memory_space<vmem>>)
        %dma_wait3A_40 = tpu.memref_slice %arg4[%add3A_28] : memref<153600xi32, #tpu.memory_space<hbm>> -> memref<80xi32, #tpu.memory_space<hbm>>
        %dma_wait3A_41 = tpu.memref_slice %arg4[%add3A_28] : memref<153600xi32, #tpu.memory_space<hbm>> -> memref<80xi32, #tpu.memory_space<hbm>>
        tpu.wait_dma2 semaphore(%arg13 : memref<!tpu.dma_semaphore, #tpu.memory_space<semaphore_mem>>) src(%dma_wait3A_41 : memref<80xi32, #tpu.memory_space<hbm>>) dst(%arg10 : memref<80xi32, #tpu.memory_space<vmem>>)
        %dma_wait3A_42 = tpu.memref_slice %arg4[%add3A_32] : memref<153600xi32, #tpu.memory_space<hbm>> -> memref<80xi32, #tpu.memory_space<hbm>>
        %dma_wait3A_43 = tpu.memref_slice %arg4[%add3A_32] : memref<153600xi32, #tpu.memory_space<hbm>> -> memref<80xi32, #tpu.memory_space<hbm>>
        tpu.wait_dma2 semaphore(%arg13 : memref<!tpu.dma_semaphore, #tpu.memory_space<semaphore_mem>>) src(%dma_wait3A_43 : memref<80xi32, #tpu.memory_space<hbm>>) dst(%arg11 : memref<80xi32, #tpu.memory_space<vmem>>)
        %dma_start3A_44 = arith.constant 0 : i32
        %dma_start3A_45 = arith.constant 0 : i32
        %dma_start3A_46 = tpu.memref_slice %arg12[%dma_start3A_44, %dma_start3A_45] : memref<400x128xf32, #tpu.memory_space<vmem>> -> memref<80x128xf32, #tpu.memory_space<vmem>>
        %dma_start3A_47 = arith.constant 0 : i32
        %dma_start3A_48 = arith.constant 0 : i32
        %dma_start3A_49 = tpu.memref_slice %arg2[%dma_start3A_47, %dma_start3A_48] : memref<10000x128xf32, #tpu.memory_space<hbm>> -> memref<10000x128xf32, #tpu.memory_space<hbm>>
        tpu.enqueue_indirect_dma source(%dma_start3A_49 : memref<10000x128xf32, #tpu.memory_space<hbm>>) target(%dma_start3A_46 : memref<80x128xf32, #tpu.memory_space<vmem>>) offsets(%arg7 : memref<80xi32, #tpu.memory_space<vmem>>) semaphore(%arg14 : memref<!tpu.dma_semaphore, #tpu.memory_space<semaphore_mem>>)
        %dma_start3A_50 = arith.constant 80 : i32
        %dma_start3A_51 = arith.constant 0 : i32
        %dma_start3A_52 = tpu.memref_slice %arg12[%dma_start3A_50, %dma_start3A_51] : memref<400x128xf32, #tpu.memory_space<vmem>> -> memref<80x128xf32, #tpu.memory_space<vmem>>
        %dma_start3A_53 = arith.constant 0 : i32
        %dma_start3A_54 = arith.constant 0 : i32
        %dma_start3A_55 = tpu.memref_slice %arg2[%dma_start3A_53, %dma_start3A_54] : memref<10000x128xf32, #tpu.memory_space<hbm>> -> memref<10000x128xf32, #tpu.memory_space<hbm>>
        tpu.enqueue_indirect_dma source(%dma_start3A_55 : memref<10000x128xf32, #tpu.memory_space<hbm>>) target(%dma_start3A_52 : memref<80x128xf32, #tpu.memory_space<vmem>>) offsets(%arg8 : memref<80xi32, #tpu.memory_space<vmem>>) semaphore(%arg14 : memref<!tpu.dma_semaphore, #tpu.memory_space<semaphore_mem>>)
        %dma_start3A_56 = arith.constant 160 : i32
        %dma_start3A_57 = arith.constant 0 : i32
        %dma_start3A_58 = tpu.memref_slice %arg12[%dma_start3A_56, %dma_start3A_57] : memref<400x128xf32, #tpu.memory_space<vmem>> -> memref<80x128xf32, #tpu.memory_space<vmem>>
        %dma_start3A_59 = arith.constant 0 : i32
        %dma_start3A_60 = arith.constant 0 : i32
        %dma_start3A_61 = tpu.memref_slice %arg2[%dma_start3A_59, %dma_start3A_60] : memref<10000x128xf32, #tpu.memory_space<hbm>> -> memref<10000x128xf32, #tpu.memory_space<hbm>>
        tpu.enqueue_indirect_dma source(%dma_start3A_61 : memref<10000x128xf32, #tpu.memory_space<hbm>>) target(%dma_start3A_58 : memref<80x128xf32, #tpu.memory_space<vmem>>) offsets(%arg9 : memref<80xi32, #tpu.memory_space<vmem>>) semaphore(%arg14 : memref<!tpu.dma_semaphore, #tpu.memory_space<semaphore_mem>>)
        %dma_start3A_62 = arith.constant 240 : i32
        %dma_start3A_63 = arith.constant 0 : i32
        %dma_start3A_64 = tpu.memref_slice %arg12[%dma_start3A_62, %dma_start3A_63] : memref<400x128xf32, #tpu.memory_space<vmem>> -> memref<80x128xf32, #tpu.memory_space<vmem>>
        %dma_start3A_65 = arith.constant 0 : i32
        %dma_start3A_66 = arith.constant 0 : i32
        %dma_start3A_67 = tpu.memref_slice %arg2[%dma_start3A_65, %dma_start3A_66] : memref<10000x128xf32, #tpu.memory_space<hbm>> -> memref<10000x128xf32, #tpu.memory_space<hbm>>
        tpu.enqueue_indirect_dma source(%dma_start3A_67 : memref<10000x128xf32, #tpu.memory_space<hbm>>) target(%dma_start3A_64 : memref<80x128xf32, #tpu.memory_space<vmem>>) offsets(%arg10 : memref<80xi32, #tpu.memory_space<vmem>>) semaphore(%arg14 : memref<!tpu.dma_semaphore, #tpu.memory_space<semaphore_mem>>)
        %dma_start3A_68 = arith.constant 320 : i32
        %dma_start3A_69 = arith.constant 0 : i32
        %dma_start3A_70 = tpu.memref_slice %arg12[%dma_start3A_68, %dma_start3A_69] : memref<400x128xf32, #tpu.memory_space<vmem>> -> memref<80x128xf32, #tpu.memory_space<vmem>>
        %dma_start3A_71 = arith.constant 0 : i32
        %dma_start3A_72 = arith.constant 0 : i32
        %dma_start3A_73 = tpu.memref_slice %arg2[%dma_start3A_71, %dma_start3A_72] : memref<10000x128xf32, #tpu.memory_space<hbm>> -> memref<10000x128xf32, #tpu.memory_space<hbm>>
        tpu.enqueue_indirect_dma source(%dma_start3A_73 : memref<10000x128xf32, #tpu.memory_space<hbm>>) target(%dma_start3A_70 : memref<80x128xf32, #tpu.memory_space<vmem>>) offsets(%arg11 : memref<80xi32, #tpu.memory_space<vmem>>) semaphore(%arg14 : memref<!tpu.dma_semaphore, #tpu.memory_space<semaphore_mem>>)
        %dma_wait3A_74 = arith.constant 0 : i32
        %dma_wait3A_75 = arith.constant 0 : i32
        %dma_wait3A_76 = tpu.memref_slice %arg12[%dma_wait3A_74, %dma_wait3A_75] : memref<400x128xf32, #tpu.memory_space<vmem>> -> memref<80x128xf32, #tpu.memory_space<vmem>>
        %dma_wait3A_77 = arith.constant 0 : i32
        %dma_wait3A_78 = arith.constant 0 : i32
        %dma_wait3A_79 = tpu.memref_slice %arg2[%dma_wait3A_77, %dma_wait3A_78] : memref<10000x128xf32, #tpu.memory_space<hbm>> -> memref<10000x128xf32, #tpu.memory_space<hbm>>
        tpu.wait_indirect_dma semaphore(%arg14 : memref<!tpu.dma_semaphore, #tpu.memory_space<semaphore_mem>>) src(%dma_wait3A_79 : memref<10000x128xf32, #tpu.memory_space<hbm>>) dst(%dma_wait3A_76 : memref<80x128xf32, #tpu.memory_space<vmem>>)
        %dma_wait3A_80 = arith.constant 80 : i32
        %dma_wait3A_81 = arith.constant 0 : i32
        %dma_wait3A_82 = tpu.memref_slice %arg12[%dma_wait3A_80, %dma_wait3A_81] : memref<400x128xf32, #tpu.memory_space<vmem>> -> memref<80x128xf32, #tpu.memory_space<vmem>>
        %dma_wait3A_83 = arith.constant 0 : i32
        %dma_wait3A_84 = arith.constant 0 : i32
        %dma_wait3A_85 = tpu.memref_slice %arg2[%dma_wait3A_83, %dma_wait3A_84] : memref<10000x128xf32, #tpu.memory_space<hbm>> -> memref<10000x128xf32, #tpu.memory_space<hbm>>
        tpu.wait_indirect_dma semaphore(%arg14 : memref<!tpu.dma_semaphore, #tpu.memory_space<semaphore_mem>>) src(%dma_wait3A_85 : memref<10000x128xf32, #tpu.memory_space<hbm>>) dst(%dma_wait3A_82 : memref<80x128xf32, #tpu.memory_space<vmem>>)
        %dma_wait3A_86 = arith.constant 160 : i32
        %dma_wait3A_87 = arith.constant 0 : i32
        %dma_wait3A_88 = tpu.memref_slice %arg12[%dma_wait3A_86, %dma_wait3A_87] : memref<400x128xf32, #tpu.memory_space<vmem>> -> memref<80x128xf32, #tpu.memory_space<vmem>>
        %dma_wait3A_89 = arith.constant 0 : i32
        %dma_wait3A_90 = arith.constant 0 : i32
        %dma_wait3A_91 = tpu.memref_slice %arg2[%dma_wait3A_89, %dma_wait3A_90] : memref<10000x128xf32, #tpu.memory_space<hbm>> -> memref<10000x128xf32, #tpu.memory_space<hbm>>
        tpu.wait_indirect_dma semaphore(%arg14 : memref<!tpu.dma_semaphore, #tpu.memory_space<semaphore_mem>>) src(%dma_wait3A_91 : memref<10000x128xf32, #tpu.memory_space<hbm>>) dst(%dma_wait3A_88 : memref<80x128xf32, #tpu.memory_space<vmem>>)
        %dma_wait3A_92 = arith.constant 240 : i32
        %dma_wait3A_93 = arith.constant 0 : i32
        %dma_wait3A_94 = tpu.memref_slice %arg12[%dma_wait3A_92, %dma_wait3A_93] : memref<400x128xf32, #tpu.memory_space<vmem>> -> memref<80x128xf32, #tpu.memory_space<vmem>>
        %dma_wait3A_95 = arith.constant 0 : i32
        %dma_wait3A_96 = arith.constant 0 : i32
        %dma_wait3A_97 = tpu.memref_slice %arg2[%dma_wait3A_95, %dma_wait3A_96] : memref<10000x128xf32, #tpu.memory_space<hbm>> -> memref<10000x128xf32, #tpu.memory_space<hbm>>
        tpu.wait_indirect_dma semaphore(%arg14 : memref<!tpu.dma_semaphore, #tpu.memory_space<semaphore_mem>>) src(%dma_wait3A_97 : memref<10000x128xf32, #tpu.memory_space<hbm>>) dst(%dma_wait3A_94 : memref<80x128xf32, #tpu.memory_space<vmem>>)
        %dma_wait3A_98 = arith.constant 320 : i32
        %dma_wait3A_99 = arith.constant 0 : i32
        %dma_wait3A_100 = tpu.memref_slice %arg12[%dma_wait3A_98, %dma_wait3A_99] : memref<400x128xf32, #tpu.memory_space<vmem>> -> memref<80x128xf32, #tpu.memory_space<vmem>>
        %dma_wait3A_101 = arith.constant 0 : i32
        %dma_wait3A_102 = arith.constant 0 : i32
        %dma_wait3A_103 = tpu.memref_slice %arg2[%dma_wait3A_101, %dma_wait3A_102] : memref<10000x128xf32, #tpu.memory_space<hbm>> -> memref<10000x128xf32, #tpu.memory_space<hbm>>
        tpu.wait_indirect_dma semaphore(%arg14 : memref<!tpu.dma_semaphore, #tpu.memory_space<semaphore_mem>>) src(%dma_wait3A_103 : memref<10000x128xf32, #tpu.memory_space<hbm>>) dst(%dma_wait3A_100 : memref<80x128xf32, #tpu.memory_space<vmem>>)
        "tpu.region"() ({
          %run_scoped3A = tpu.sem_alloc : memref<!tpu.dma_semaphore, #tpu.memory_space<semaphore_mem>>
          %dma_start3A_104 = arith.constant 0 : i32
          %dma_start3A_105 = tpu.memref_slice %arg6[%add3A, %dma_start3A_104] : memref<153600x128xf32, #tpu.memory_space<hbm>> -> memref<400x128xf32, #tpu.memory_space<hbm>>
          %dma_start3A_106 = arith.constant 0 : i32
          %dma_start3A_107 = tpu.memref_slice %arg6[%add3A, %dma_start3A_106] : memref<153600x128xf32, #tpu.memory_space<hbm>> -> memref<400x128xf32, #tpu.memory_space<hbm>>
          tpu.enqueue_dma source(%arg12 : memref<400x128xf32, #tpu.memory_space<vmem>>) target(%dma_start3A_107 : memref<400x128xf32, #tpu.memory_space<hbm>>) target_semaphore(%run_scoped3A : memref<!tpu.dma_semaphore, #tpu.memory_space<semaphore_mem>>)
          %dma_wait3A_108 = arith.constant 0 : i32
          %dma_wait3A_109 = tpu.memref_slice %arg6[%add3A, %dma_wait3A_108] : memref<153600x128xf32, #tpu.memory_space<hbm>> -> memref<400x128xf32, #tpu.memory_space<hbm>>
          %dma_wait3A_110 = arith.constant 0 : i32
          %dma_wait3A_111 = tpu.memref_slice %arg6[%add3A, %dma_wait3A_110] : memref<153600x128xf32, #tpu.memory_space<hbm>> -> memref<400x128xf32, #tpu.memory_space<hbm>>
          tpu.wait_dma2 semaphore(%run_scoped3A : memref<!tpu.dma_semaphore, #tpu.memory_space<semaphore_mem>>) src(%arg12 : memref<400x128xf32, #tpu.memory_space<vmem>>) dst(%dma_wait3A_111 : memref<400x128xf32, #tpu.memory_space<hbm>>)
          tpu.yield
        }) : () -> ()
      }
      %scan3A_11 = arith.constant 24 : i32
    } else {
    }
    return
  }
}

module attributes {stable_mosaic.version = 14 : i64} {
  func.func @_mlpv_body(%arg0: i32, %arg1: memref<1000x128xf32, #tpu.memory_space<vmem>>, %arg2: memref<128x256xf32, #tpu.memory_space<vmem>>, %arg3: memref<256x128xf32, #tpu.memory_space<vmem>>, %arg4: memref<1000x128xf32, #tpu.memory_space<vmem>>) attributes {dimension_semantics = [#tpu.dimension_semantics<parallel>], iteration_bounds = array<i64: 10>, scalar_prefetch = 0 : i64, scratch_operands = 0 : i64, tpu.core_type = #tpu.core_type<tc>, window_params = [{transform_indices = @transform_0, window_bounds = array<i64: 1000, 128>}, {pipeline_mode = #tpu.pipeline_mode<synchronous>, transform_indices = @transform_1, window_bounds = array<i64: 128, 256>}, {pipeline_mode = #tpu.pipeline_mode<synchronous>, transform_indices = @transform_2, window_bounds = array<i64: 256, 128>}, {transform_indices = @transform_3, window_bounds = array<i64: 1000, 128>}]} {
    %get3A = arith.constant 0 : index
    %get3A_0 = arith.constant 0 : index
    %get3A_1 = vector.load %arg1[%get3A, %get3A_0] : memref<1000x128xf32, #tpu.memory_space<vmem>>, vector<1000x128xf32>
    %get3A_2 = arith.constant 0 : index
    %get3A_3 = arith.constant 0 : index
    %get3A_4 = vector.load %arg2[%get3A_2, %get3A_3] : memref<128x256xf32, #tpu.memory_space<vmem>>, vector<128x256xf32>
    %dot_general3A = arith.constant dense<0.000000e+00> : vector<1000x256xf32>
    %dot_general3A_5 = tpu.matmul %get3A_1, %get3A_4, %dot_general3A {dimension_numbers = #tpu.dot_dimension_numbers<[1], [0], [0], [1], [0, 0, 1, 1], [], []>, transpose_lhs_hint = false} : vector<1000x128xf32>, vector<128x256xf32>, vector<1000x256xf32> -> vector<1000x256xf32>
    %reduce_sum3A = arith.constant dense<0.000000e+00> : vector<1000xf32>
    %reduce_sum3A_6 = vector.multi_reduction <add>, %dot_general3A_5, %reduce_sum3A [1] : vector<1000x256xf32> to vector<1000xf32>
    %broadcast_in_dim3A = vector.shape_cast %reduce_sum3A_6 : vector<1000xf32> to vector<1000x1xf32>
    %div3A = arith.constant 2.560000e+02 : f32
    %div3A_7 = vector.broadcast %div3A : f32 to vector<1000x1xf32>
    %div3A_8 = arith.divf %broadcast_in_dim3A, %div3A_7 : vector<1000x1xf32>
    %sub3A = vector.broadcast %div3A_8 : vector<1000x1xf32> to vector<1000x256xf32>
    %sub3A_9 = arith.subf %dot_general3A_5, %sub3A : vector<1000x256xf32>
    %mul3A = arith.mulf %sub3A_9, %sub3A_9 : vector<1000x256xf32>
    %reduce_sum3A_10 = arith.constant dense<0.000000e+00> : vector<1000xf32>
    %reduce_sum3A_11 = vector.multi_reduction <add>, %mul3A, %reduce_sum3A_10 [1] : vector<1000x256xf32> to vector<1000xf32>
    %broadcast_in_dim3A_12 = vector.shape_cast %reduce_sum3A_11 : vector<1000xf32> to vector<1000x1xf32>
    %div3A_13 = arith.constant 2.560000e+02 : f32
    %div3A_14 = vector.broadcast %div3A_13 : f32 to vector<1000x1xf32>
    %div3A_15 = arith.divf %broadcast_in_dim3A_12, %div3A_14 : vector<1000x1xf32>
    %add3A = arith.constant 9.99999974E-6 : f32
    %add3A_16 = vector.broadcast %add3A : f32 to vector<1000x1xf32>
    %add3A_17 = arith.addf %div3A_15, %add3A_16 : vector<1000x1xf32>
    %rsqrt3A = math.rsqrt %add3A_17 : vector<1000x1xf32>
    %mul3A_18 = vector.broadcast %rsqrt3A : vector<1000x1xf32> to vector<1000x256xf32>
    %mul3A_19 = arith.mulf %sub3A_9, %mul3A_18 : vector<1000x256xf32>
    %max3A = arith.constant 0.000000e+00 : f32
    %max3A_20 = vector.broadcast %max3A : f32 to vector<1000x256xf32>
    %max3A_21 = arith.maximumf %mul3A_19, %max3A_20 : vector<1000x256xf32>
    %get3A_22 = arith.constant 0 : index
    %get3A_23 = arith.constant 0 : index
    %get3A_24 = vector.load %arg3[%get3A_22, %get3A_23] : memref<256x128xf32, #tpu.memory_space<vmem>>, vector<256x128xf32>
    %dot_general3A_25 = arith.constant dense<0.000000e+00> : vector<1000x128xf32>
    %dot_general3A_26 = tpu.matmul %max3A_21, %get3A_24, %dot_general3A_25 {dimension_numbers = #tpu.dot_dimension_numbers<[1], [0], [0], [1], [0, 0, 1, 1], [], []>, transpose_lhs_hint = false} : vector<1000x256xf32>, vector<256x128xf32>, vector<1000x128xf32> -> vector<1000x128xf32>
    %reduce_sum3A_27 = arith.constant dense<0.000000e+00> : vector<1000xf32>
    %reduce_sum3A_28 = vector.multi_reduction <add>, %dot_general3A_26, %reduce_sum3A_27 [1] : vector<1000x128xf32> to vector<1000xf32>
    %broadcast_in_dim3A_29 = vector.shape_cast %reduce_sum3A_28 : vector<1000xf32> to vector<1000x1xf32>
    %div3A_30 = arith.constant 1.280000e+02 : f32
    %div3A_31 = vector.broadcast %div3A_30 : f32 to vector<1000x1xf32>
    %div3A_32 = arith.divf %broadcast_in_dim3A_29, %div3A_31 : vector<1000x1xf32>
    %sub3A_33 = vector.broadcast %div3A_32 : vector<1000x1xf32> to vector<1000x128xf32>
    %sub3A_34 = arith.subf %dot_general3A_26, %sub3A_33 : vector<1000x128xf32>
    %mul3A_35 = arith.mulf %sub3A_34, %sub3A_34 : vector<1000x128xf32>
    %reduce_sum3A_36 = arith.constant dense<0.000000e+00> : vector<1000xf32>
    %reduce_sum3A_37 = vector.multi_reduction <add>, %mul3A_35, %reduce_sum3A_36 [1] : vector<1000x128xf32> to vector<1000xf32>
    %broadcast_in_dim3A_38 = vector.shape_cast %reduce_sum3A_37 : vector<1000xf32> to vector<1000x1xf32>
    %div3A_39 = arith.constant 1.280000e+02 : f32
    %div3A_40 = vector.broadcast %div3A_39 : f32 to vector<1000x1xf32>
    %div3A_41 = arith.divf %broadcast_in_dim3A_38, %div3A_40 : vector<1000x1xf32>
    %add3A_42 = arith.constant 9.99999974E-6 : f32
    %add3A_43 = vector.broadcast %add3A_42 : f32 to vector<1000x1xf32>
    %add3A_44 = arith.addf %div3A_41, %add3A_43 : vector<1000x1xf32>
    %rsqrt3A_45 = math.rsqrt %add3A_44 : vector<1000x1xf32>
    %mul3A_46 = vector.broadcast %rsqrt3A_45 : vector<1000x1xf32> to vector<1000x128xf32>
    %mul3A_47 = arith.mulf %sub3A_34, %mul3A_46 : vector<1000x128xf32>
    %max3A_48 = arith.constant 0.000000e+00 : f32
    %max3A_49 = vector.broadcast %max3A_48 : f32 to vector<1000x128xf32>
    %max3A_50 = arith.maximumf %mul3A_47, %max3A_49 : vector<1000x128xf32>
    %swap3A = arith.constant 0 : index
    %swap3A_51 = arith.constant 0 : index
    %swap3A_52 = vector.load %arg4[%swap3A, %swap3A_51] : memref<1000x128xf32, #tpu.memory_space<vmem>>, vector<1000x128xf32>
    tpu.vector_store %arg4[%swap3A, %swap3A_51], %max3A_50 {strides = array<i32>} : memref<1000x128xf32, #tpu.memory_space<vmem>>, vector<1000x128xf32>,
    return
  }
  func.func @transform_0(%arg0: i32) -> (i32, i32) {
    %c0_i32 = arith.constant 0 : i32
    %c0_i32_0 = arith.constant 0 : i32
    return %arg0, %c0_i32 : i32, i32
  }
  func.func @transform_1(%arg0: i32) -> (i32, i32) {
    %c0_i32 = arith.constant 0 : i32
    %c0_i32_0 = arith.constant 0 : i32
    %c0_i32_1 = arith.constant 0 : i32
    return %c0_i32, %c0_i32_0 : i32, i32
  }
  func.func @transform_2(%arg0: i32) -> (i32, i32) {
    %c0_i32 = arith.constant 0 : i32
    %c0_i32_0 = arith.constant 0 : i32
    %c0_i32_1 = arith.constant 0 : i32
    return %c0_i32, %c0_i32_0 : i32, i32
  }
  func.func @transform_3(%arg0: i32) -> (i32, i32) {
    %c0_i32 = arith.constant 0 : i32
    %c0_i32_0 = arith.constant 0 : i32
    return %arg0, %c0_i32 : i32, i32
  }
}

module attributes {stable_mosaic.version = 14 : i64} {
  func.func @_edge_body(%arg0: i32, %arg1: memref<2560x128xf32, #tpu.memory_space<vmem>>, %arg2: memref<2560x128xf32, #tpu.memory_space<vmem>>, %arg3: memref<2560x1xf32, #tpu.memory_space<vmem>>, %arg4: memref<2560x1xf32, #tpu.memory_space<vmem>>, %arg5: memref<1x1xf32, #tpu.memory_space<vmem>>, %arg6: memref<1x1xf32, #tpu.memory_space<vmem>>, %arg7: memref<1x256xf32, #tpu.memory_space<vmem>>, %arg8: memref<1x256xf32, #tpu.memory_space<vmem>>, %arg9: memref<128x256xf32, #tpu.memory_space<vmem>>, %arg10: memref<128x256xf32, #tpu.memory_space<vmem>>, %arg11: memref<256x128xf32, #tpu.memory_space<vmem>>, %arg12: memref<128x256xf32, #tpu.memory_space<vmem>>, %arg13: memref<128x256xf32, #tpu.memory_space<vmem>>, %arg14: memref<256x128xf32, #tpu.memory_space<vmem>>, %arg15: memref<2560x128xf32, #tpu.memory_space<vmem>>, %arg16: memref<2560x128xf32, #tpu.memory_space<vmem>>) attributes {dimension_semantics = [#tpu.dimension_semantics<parallel>], iteration_bounds = array<i64: 65>, scalar_prefetch = 0 : i64, scratch_operands = 0 : i64, tpu.core_type = #tpu.core_type<tc>, window_params = [{transform_indices = @transform_0, window_bounds = array<i64: 2560, 128>}, {transform_indices = @transform_1, window_bounds = array<i64: 2560, 128>}, {transform_indices = @transform_2, window_bounds = array<i64: 2560, 1>}, {transform_indices = @transform_3, window_bounds = array<i64: 2560, 1>}, {pipeline_mode = #tpu.pipeline_mode<synchronous>, transform_indices = @transform_4, window_bounds = array<i64: 1, 1>}, {pipeline_mode = #tpu.pipeline_mode<synchronous>, transform_indices = @transform_5, window_bounds = array<i64: 1, 1>}, {pipeline_mode = #tpu.pipeline_mode<synchronous>, transform_indices = @transform_6, window_bounds = array<i64: 1, 256>}, {pipeline_mode = #tpu.pipeline_mode<synchronous>, transform_indices = @transform_7, window_bounds = array<i64: 1, 256>}, {pipeline_mode = #tpu.pipeline_mode<synchronous>, transform_indices = @transform_8, window_bounds = array<i64: 128, 256>}, {pipeline_mode = #tpu.pipeline_mode<synchronous>, transform_indices = @transform_9, window_bounds = array<i64: 128, 256>}, {pipeline_mode = #tpu.pipeline_mode<synchronous>, transform_indices = @transform_10, window_bounds = array<i64: 256, 128>}, {pipeline_mode = #tpu.pipeline_mode<synchronous>, transform_indices = @transform_11, window_bounds = array<i64: 128, 256>}, {pipeline_mode = #tpu.pipeline_mode<synchronous>, transform_indices = @transform_12, window_bounds = array<i64: 128, 256>}, {pipeline_mode = #tpu.pipeline_mode<synchronous>, transform_indices = @transform_13, window_bounds = array<i64: 256, 128>}, {transform_indices = @transform_14, window_bounds = array<i64: 2560, 128>}, {transform_indices = @transform_15, window_bounds = array<i64: 2560, 128>}]} {
    %get3A = arith.constant 0 : index
    %get3A_0 = arith.constant 0 : index
    %get3A_1 = vector.load %arg5[%get3A, %get3A_0] : memref<1x1xf32, #tpu.memory_space<vmem>>, vector<1x1xf32>
    %get3A_2 = arith.constant 0 : index
    %get3A_3 = arith.constant 0 : index
    %get3A_4 = vector.load %arg6[%get3A_2, %get3A_3] : memref<1x1xf32, #tpu.memory_space<vmem>>, vector<1x1xf32>
    %get3A_5 = arith.constant 0 : index
    %get3A_6 = arith.constant 0 : index
    %get3A_7 = vector.load %arg3[%get3A_5, %get3A_6] : memref<2560x1xf32, #tpu.memory_space<vmem>>, vector<2560x1xf32>
    %get3A_8 = arith.constant 0 : index
    %get3A_9 = arith.constant 0 : index
    %get3A_10 = vector.load %arg4[%get3A_8, %get3A_9] : memref<2560x1xf32, #tpu.memory_space<vmem>>, vector<2560x1xf32>
    %mul3A = arith.mulf %get3A_7, %get3A_7 : vector<2560x1xf32>
    %mul3A_11 = vector.broadcast %get3A_1 : vector<1x1xf32> to vector<2560x1xf32>
    %mul3A_12 = arith.mulf %mul3A, %mul3A_11 : vector<2560x1xf32>
    %add3A = arith.constant 9.99999974E-6 : f32
    %add3A_13 = vector.broadcast %add3A : f32 to vector<2560x1xf32>
    %add3A_14 = arith.addf %mul3A_12, %add3A_13 : vector<2560x1xf32>
    %rsqrt3A = math.rsqrt %add3A_14 : vector<2560x1xf32>
    %mul3A_15 = arith.mulf %get3A_7, %rsqrt3A : vector<2560x1xf32>
    %mul3A_16 = arith.mulf %mul3A_15, %mul3A_15 : vector<2560x1xf32>
    %mul3A_17 = vector.broadcast %get3A_4 : vector<1x1xf32> to vector<2560x1xf32>
    %mul3A_18 = arith.mulf %mul3A_16, %mul3A_17 : vector<2560x1xf32>
    %add3A_19 = arith.constant 9.99999974E-6 : f32
    %add3A_20 = vector.broadcast %add3A_19 : f32 to vector<2560x1xf32>
    %add3A_21 = arith.addf %mul3A_18, %add3A_20 : vector<2560x1xf32>
    %rsqrt3A_22 = math.rsqrt %add3A_21 : vector<2560x1xf32>
    %mul3A_23 = arith.mulf %mul3A_15, %rsqrt3A_22 : vector<2560x1xf32>
    %mul3A_24 = arith.mulf %get3A_10, %get3A_10 : vector<2560x1xf32>
    %mul3A_25 = vector.broadcast %get3A_1 : vector<1x1xf32> to vector<2560x1xf32>
    %mul3A_26 = arith.mulf %mul3A_24, %mul3A_25 : vector<2560x1xf32>
    %add3A_27 = arith.constant 9.99999974E-6 : f32
    %add3A_28 = vector.broadcast %add3A_27 : f32 to vector<2560x1xf32>
    %add3A_29 = arith.addf %mul3A_26, %add3A_28 : vector<2560x1xf32>
    %rsqrt3A_30 = math.rsqrt %add3A_29 : vector<2560x1xf32>
    %mul3A_31 = arith.mulf %get3A_10, %rsqrt3A_30 : vector<2560x1xf32>
    %mul3A_32 = arith.mulf %mul3A_31, %mul3A_31 : vector<2560x1xf32>
    %mul3A_33 = vector.broadcast %get3A_4 : vector<1x1xf32> to vector<2560x1xf32>
    %mul3A_34 = arith.mulf %mul3A_32, %mul3A_33 : vector<2560x1xf32>
    %add3A_35 = arith.constant 9.99999974E-6 : f32
    %add3A_36 = vector.broadcast %add3A_35 : f32 to vector<2560x1xf32>
    %add3A_37 = arith.addf %mul3A_34, %add3A_36 : vector<2560x1xf32>
    %rsqrt3A_38 = math.rsqrt %add3A_37 : vector<2560x1xf32>
    %mul3A_39 = arith.mulf %mul3A_31, %rsqrt3A_38 : vector<2560x1xf32>
    %get3A_40 = arith.constant 0 : index
    %get3A_41 = arith.constant 0 : index
    %get3A_42 = vector.load %arg1[%get3A_40, %get3A_41] : memref<2560x128xf32, #tpu.memory_space<vmem>>, vector<2560x128xf32>
    %get3A_43 = arith.constant 0 : index
    %get3A_44 = arith.constant 0 : index
    %get3A_45 = vector.load %arg2[%get3A_43, %get3A_44] : memref<2560x128xf32, #tpu.memory_space<vmem>>, vector<2560x128xf32>
    %get3A_46 = arith.constant 0 : index
    %get3A_47 = arith.constant 0 : index
    %get3A_48 = vector.load %arg9[%get3A_46, %get3A_47] : memref<128x256xf32, #tpu.memory_space<vmem>>, vector<128x256xf32>
    %dot_general3A = arith.constant dense<0.000000e+00> : vector<2560x256xf32>
    %dot_general3A_49 = tpu.matmul %get3A_45, %get3A_48, %dot_general3A {dimension_numbers = #tpu.dot_dimension_numbers<[1], [0], [0], [1], [0, 0, 1, 1], [], []>, transpose_lhs_hint = false} : vector<2560x128xf32>, vector<128x256xf32>, vector<2560x256xf32> -> vector<2560x256xf32>
    %get3A_50 = arith.constant 0 : index
    %get3A_51 = arith.constant 0 : index
    %get3A_52 = vector.load %arg10[%get3A_50, %get3A_51] : memref<128x256xf32, #tpu.memory_space<vmem>>, vector<128x256xf32>
    %dot_general3A_53 = arith.constant dense<0.000000e+00> : vector<2560x256xf32>
    %dot_general3A_54 = tpu.matmul %get3A_42, %get3A_52, %dot_general3A_53 {dimension_numbers = #tpu.dot_dimension_numbers<[1], [0], [0], [1], [0, 0, 1, 1], [], []>, transpose_lhs_hint = false} : vector<2560x128xf32>, vector<128x256xf32>, vector<2560x256xf32> -> vector<2560x256xf32>
    %add3A_55 = arith.addf %dot_general3A_49, %dot_general3A_54 : vector<2560x256xf32>
    %get3A_56 = arith.constant 0 : index
    %get3A_57 = arith.constant 0 : index
    %get3A_58 = vector.load %arg7[%get3A_56, %get3A_57] : memref<1x256xf32, #tpu.memory_space<vmem>>, vector<1x256xf32>
    %mul3A_59 = vector.broadcast %mul3A_23 : vector<2560x1xf32> to vector<2560x256xf32>
    %mul3A_60 = vector.broadcast %get3A_58 : vector<1x256xf32> to vector<2560x256xf32>
    %mul3A_61 = arith.mulf %mul3A_59, %mul3A_60 : vector<2560x256xf32>
    %add3A_62 = arith.addf %add3A_55, %mul3A_61 : vector<2560x256xf32>
    %reduce_sum3A = arith.constant dense<0.000000e+00> : vector<2560xf32>
    %reduce_sum3A_63 = vector.multi_reduction <add>, %add3A_62, %reduce_sum3A [1] : vector<2560x256xf32> to vector<2560xf32>
    %broadcast_in_dim3A = vector.shape_cast %reduce_sum3A_63 : vector<2560xf32> to vector<2560x1xf32>
    %div3A = arith.constant 2.560000e+02 : f32
    %div3A_64 = vector.broadcast %div3A : f32 to vector<2560x1xf32>
    %div3A_65 = arith.divf %broadcast_in_dim3A, %div3A_64 : vector<2560x1xf32>
    %sub3A = vector.broadcast %div3A_65 : vector<2560x1xf32> to vector<2560x256xf32>
    %sub3A_66 = arith.subf %add3A_62, %sub3A : vector<2560x256xf32>
    %mul3A_67 = arith.mulf %sub3A_66, %sub3A_66 : vector<2560x256xf32>
    %reduce_sum3A_68 = arith.constant dense<0.000000e+00> : vector<2560xf32>
    %reduce_sum3A_69 = vector.multi_reduction <add>, %mul3A_67, %reduce_sum3A_68 [1] : vector<2560x256xf32> to vector<2560xf32>
    %broadcast_in_dim3A_70 = vector.shape_cast %reduce_sum3A_69 : vector<2560xf32> to vector<2560x1xf32>
    %div3A_71 = arith.constant 2.560000e+02 : f32
    %div3A_72 = vector.broadcast %div3A_71 : f32 to vector<2560x1xf32>
    %div3A_73 = arith.divf %broadcast_in_dim3A_70, %div3A_72 : vector<2560x1xf32>
    %add3A_74 = arith.constant 9.99999974E-6 : f32
    %add3A_75 = vector.broadcast %add3A_74 : f32 to vector<2560x1xf32>
    %add3A_76 = arith.addf %div3A_73, %add3A_75 : vector<2560x1xf32>
    %rsqrt3A_77 = math.rsqrt %add3A_76 : vector<2560x1xf32>
    %mul3A_78 = vector.broadcast %rsqrt3A_77 : vector<2560x1xf32> to vector<2560x256xf32>
    %mul3A_79 = arith.mulf %sub3A_66, %mul3A_78 : vector<2560x256xf32>
    %max3A = arith.constant 0.000000e+00 : f32
    %max3A_80 = vector.broadcast %max3A : f32 to vector<2560x256xf32>
    %max3A_81 = arith.maximumf %mul3A_79, %max3A_80 : vector<2560x256xf32>
    %get3A_82 = arith.constant 0 : index
    %get3A_83 = arith.constant 0 : index
    %get3A_84 = vector.load %arg11[%get3A_82, %get3A_83] : memref<256x128xf32, #tpu.memory_space<vmem>>, vector<256x128xf32>
    %dot_general3A_85 = arith.constant dense<0.000000e+00> : vector<2560x128xf32>
    %dot_general3A_86 = tpu.matmul %max3A_81, %get3A_84, %dot_general3A_85 {dimension_numbers = #tpu.dot_dimension_numbers<[1], [0], [0], [1], [0, 0, 1, 1], [], []>, transpose_lhs_hint = false} : vector<2560x256xf32>, vector<256x128xf32>, vector<2560x128xf32> -> vector<2560x128xf32>
    %reduce_sum3A_87 = arith.constant dense<0.000000e+00> : vector<2560xf32>
    %reduce_sum3A_88 = vector.multi_reduction <add>, %dot_general3A_86, %reduce_sum3A_87 [1] : vector<2560x128xf32> to vector<2560xf32>
    %broadcast_in_dim3A_89 = vector.shape_cast %reduce_sum3A_88 : vector<2560xf32> to vector<2560x1xf32>
    %div3A_90 = arith.constant 1.280000e+02 : f32
    %div3A_91 = vector.broadcast %div3A_90 : f32 to vector<2560x1xf32>
    %div3A_92 = arith.divf %broadcast_in_dim3A_89, %div3A_91 : vector<2560x1xf32>
    %sub3A_93 = vector.broadcast %div3A_92 : vector<2560x1xf32> to vector<2560x128xf32>
    %sub3A_94 = arith.subf %dot_general3A_86, %sub3A_93 : vector<2560x128xf32>
    %mul3A_95 = arith.mulf %sub3A_94, %sub3A_94 : vector<2560x128xf32>
    %reduce_sum3A_96 = arith.constant dense<0.000000e+00> : vector<2560xf32>
    %reduce_sum3A_97 = vector.multi_reduction <add>, %mul3A_95, %reduce_sum3A_96 [1] : vector<2560x128xf32> to vector<2560xf32>
    %broadcast_in_dim3A_98 = vector.shape_cast %reduce_sum3A_97 : vector<2560xf32> to vector<2560x1xf32>
    %div3A_99 = arith.constant 1.280000e+02 : f32
    %div3A_100 = vector.broadcast %div3A_99 : f32 to vector<2560x1xf32>
    %div3A_101 = arith.divf %broadcast_in_dim3A_98, %div3A_100 : vector<2560x1xf32>
    %add3A_102 = arith.constant 9.99999974E-6 : f32
    %add3A_103 = vector.broadcast %add3A_102 : f32 to vector<2560x1xf32>
    %add3A_104 = arith.addf %div3A_101, %add3A_103 : vector<2560x1xf32>
    %rsqrt3A_105 = math.rsqrt %add3A_104 : vector<2560x1xf32>
    %mul3A_106 = vector.broadcast %rsqrt3A_105 : vector<2560x1xf32> to vector<2560x128xf32>
    %mul3A_107 = arith.mulf %sub3A_94, %mul3A_106 : vector<2560x128xf32>
    %max3A_108 = arith.constant 0.000000e+00 : f32
    %max3A_109 = vector.broadcast %max3A_108 : f32 to vector<2560x128xf32>
    %max3A_110 = arith.maximumf %mul3A_107, %max3A_109 : vector<2560x128xf32>
    %swap3A = arith.constant 0 : index
    %swap3A_111 = arith.constant 0 : index
    %swap3A_112 = vector.load %arg15[%swap3A, %swap3A_111] : memref<2560x128xf32, #tpu.memory_space<vmem>>, vector<2560x128xf32>
    tpu.vector_store %arg15[%swap3A, %swap3A_111], %max3A_110 {strides = array<i32>} : memref<2560x128xf32, #tpu.memory_space<vmem>>, vector<2560x128xf32>,
    %get3A_113 = arith.constant 0 : index
    %get3A_114 = arith.constant 0 : index
    %get3A_115 = vector.load %arg12[%get3A_113, %get3A_114] : memref<128x256xf32, #tpu.memory_space<vmem>>, vector<128x256xf32>
    %dot_general3A_116 = arith.constant dense<0.000000e+00> : vector<2560x256xf32>
    %dot_general3A_117 = tpu.matmul %get3A_42, %get3A_115, %dot_general3A_116 {dimension_numbers = #tpu.dot_dimension_numbers<[1], [0], [0], [1], [0, 0, 1, 1], [], []>, transpose_lhs_hint = false} : vector<2560x128xf32>, vector<128x256xf32>, vector<2560x256xf32> -> vector<2560x256xf32>
    %get3A_118 = arith.constant 0 : index
    %get3A_119 = arith.constant 0 : index
    %get3A_120 = vector.load %arg13[%get3A_118, %get3A_119] : memref<128x256xf32, #tpu.memory_space<vmem>>, vector<128x256xf32>
    %dot_general3A_121 = arith.constant dense<0.000000e+00> : vector<2560x256xf32>
    %dot_general3A_122 = tpu.matmul %get3A_45, %get3A_120, %dot_general3A_121 {dimension_numbers = #tpu.dot_dimension_numbers<[1], [0], [0], [1], [0, 0, 1, 1], [], []>, transpose_lhs_hint = false} : vector<2560x128xf32>, vector<128x256xf32>, vector<2560x256xf32> -> vector<2560x256xf32>
    %add3A_123 = arith.addf %dot_general3A_117, %dot_general3A_122 : vector<2560x256xf32>
    %get3A_124 = arith.constant 0 : index
    %get3A_125 = arith.constant 0 : index
    %get3A_126 = vector.load %arg8[%get3A_124, %get3A_125] : memref<1x256xf32, #tpu.memory_space<vmem>>, vector<1x256xf32>
    %mul3A_127 = vector.broadcast %mul3A_39 : vector<2560x1xf32> to vector<2560x256xf32>
    %mul3A_128 = vector.broadcast %get3A_126 : vector<1x256xf32> to vector<2560x256xf32>
    %mul3A_129 = arith.mulf %mul3A_127, %mul3A_128 : vector<2560x256xf32>
    %add3A_130 = arith.addf %add3A_123, %mul3A_129 : vector<2560x256xf32>
    %reduce_sum3A_131 = arith.constant dense<0.000000e+00> : vector<2560xf32>
    %reduce_sum3A_132 = vector.multi_reduction <add>, %add3A_130, %reduce_sum3A_131 [1] : vector<2560x256xf32> to vector<2560xf32>
    %broadcast_in_dim3A_133 = vector.shape_cast %reduce_sum3A_132 : vector<2560xf32> to vector<2560x1xf32>
    %div3A_134 = arith.constant 2.560000e+02 : f32
    %div3A_135 = vector.broadcast %div3A_134 : f32 to vector<2560x1xf32>
    %div3A_136 = arith.divf %broadcast_in_dim3A_133, %div3A_135 : vector<2560x1xf32>
    %sub3A_137 = vector.broadcast %div3A_136 : vector<2560x1xf32> to vector<2560x256xf32>
    %sub3A_138 = arith.subf %add3A_130, %sub3A_137 : vector<2560x256xf32>
    %mul3A_139 = arith.mulf %sub3A_138, %sub3A_138 : vector<2560x256xf32>
    %reduce_sum3A_140 = arith.constant dense<0.000000e+00> : vector<2560xf32>
    %reduce_sum3A_141 = vector.multi_reduction <add>, %mul3A_139, %reduce_sum3A_140 [1] : vector<2560x256xf32> to vector<2560xf32>
    %broadcast_in_dim3A_142 = vector.shape_cast %reduce_sum3A_141 : vector<2560xf32> to vector<2560x1xf32>
    %div3A_143 = arith.constant 2.560000e+02 : f32
    %div3A_144 = vector.broadcast %div3A_143 : f32 to vector<2560x1xf32>
    %div3A_145 = arith.divf %broadcast_in_dim3A_142, %div3A_144 : vector<2560x1xf32>
    %add3A_146 = arith.constant 9.99999974E-6 : f32
    %add3A_147 = vector.broadcast %add3A_146 : f32 to vector<2560x1xf32>
    %add3A_148 = arith.addf %div3A_145, %add3A_147 : vector<2560x1xf32>
    %rsqrt3A_149 = math.rsqrt %add3A_148 : vector<2560x1xf32>
    %mul3A_150 = vector.broadcast %rsqrt3A_149 : vector<2560x1xf32> to vector<2560x256xf32>
    %mul3A_151 = arith.mulf %sub3A_138, %mul3A_150 : vector<2560x256xf32>
    %max3A_152 = arith.constant 0.000000e+00 : f32
    %max3A_153 = vector.broadcast %max3A_152 : f32 to vector<2560x256xf32>
    %max3A_154 = arith.maximumf %mul3A_151, %max3A_153 : vector<2560x256xf32>
    %get3A_155 = arith.constant 0 : index
    %get3A_156 = arith.constant 0 : index
    %get3A_157 = vector.load %arg14[%get3A_155, %get3A_156] : memref<256x128xf32, #tpu.memory_space<vmem>>, vector<256x128xf32>
    %dot_general3A_158 = arith.constant dense<0.000000e+00> : vector<2560x128xf32>
    %dot_general3A_159 = tpu.matmul %max3A_154, %get3A_157, %dot_general3A_158 {dimension_numbers = #tpu.dot_dimension_numbers<[1], [0], [0], [1], [0, 0, 1, 1], [], []>, transpose_lhs_hint = false} : vector<2560x256xf32>, vector<256x128xf32>, vector<2560x128xf32> -> vector<2560x128xf32>
    %reduce_sum3A_160 = arith.constant dense<0.000000e+00> : vector<2560xf32>
    %reduce_sum3A_161 = vector.multi_reduction <add>, %dot_general3A_159, %reduce_sum3A_160 [1] : vector<2560x128xf32> to vector<2560xf32>
    %broadcast_in_dim3A_162 = vector.shape_cast %reduce_sum3A_161 : vector<2560xf32> to vector<2560x1xf32>
    %div3A_163 = arith.constant 1.280000e+02 : f32
    %div3A_164 = vector.broadcast %div3A_163 : f32 to vector<2560x1xf32>
    %div3A_165 = arith.divf %broadcast_in_dim3A_162, %div3A_164 : vector<2560x1xf32>
    %sub3A_166 = vector.broadcast %div3A_165 : vector<2560x1xf32> to vector<2560x128xf32>
    %sub3A_167 = arith.subf %dot_general3A_159, %sub3A_166 : vector<2560x128xf32>
    %mul3A_168 = arith.mulf %sub3A_167, %sub3A_167 : vector<2560x128xf32>
    %reduce_sum3A_169 = arith.constant dense<0.000000e+00> : vector<2560xf32>
    %reduce_sum3A_170 = vector.multi_reduction <add>, %mul3A_168, %reduce_sum3A_169 [1] : vector<2560x128xf32> to vector<2560xf32>
    %broadcast_in_dim3A_171 = vector.shape_cast %reduce_sum3A_170 : vector<2560xf32> to vector<2560x1xf32>
    %div3A_172 = arith.constant 1.280000e+02 : f32
    %div3A_173 = vector.broadcast %div3A_172 : f32 to vector<2560x1xf32>
    %div3A_174 = arith.divf %broadcast_in_dim3A_171, %div3A_173 : vector<2560x1xf32>
    %add3A_175 = arith.constant 9.99999974E-6 : f32
    %add3A_176 = vector.broadcast %add3A_175 : f32 to vector<2560x1xf32>
    %add3A_177 = arith.addf %div3A_174, %add3A_176 : vector<2560x1xf32>
    %rsqrt3A_178 = math.rsqrt %add3A_177 : vector<2560x1xf32>
    %mul3A_179 = vector.broadcast %rsqrt3A_178 : vector<2560x1xf32> to vector<2560x128xf32>
    %mul3A_180 = arith.mulf %sub3A_167, %mul3A_179 : vector<2560x128xf32>
    %max3A_181 = arith.constant 0.000000e+00 : f32
    %max3A_182 = vector.broadcast %max3A_181 : f32 to vector<2560x128xf32>
    %max3A_183 = arith.maximumf %mul3A_180, %max3A_182 : vector<2560x128xf32>
    %swap3A_184 = arith.constant 0 : index
    %swap3A_185 = arith.constant 0 : index
    %swap3A_186 = vector.load %arg16[%swap3A_184, %swap3A_185] : memref<2560x128xf32, #tpu.memory_space<vmem>>, vector<2560x128xf32>
    tpu.vector_store %arg16[%swap3A_184, %swap3A_185], %max3A_183 {strides = array<i32>} : memref<2560x128xf32, #tpu.memory_space<vmem>>, vector<2560x128xf32>,
    return
  }
  func.func @transform_0(%arg0: i32) -> (i32, i32) {
    %c0_i32 = arith.constant 0 : i32
    %c0_i32_0 = arith.constant 0 : i32
    return %arg0, %c0_i32 : i32, i32
  }
  func.func @transform_1(%arg0: i32) -> (i32, i32) {
    %c0_i32 = arith.constant 0 : i32
    %c0_i32_0 = arith.constant 0 : i32
    return %arg0, %c0_i32 : i32, i32
  }
  func.func @transform_2(%arg0: i32) -> (i32, i32) {
    %c0_i32 = arith.constant 0 : i32
    %c0_i32_0 = arith.constant 0 : i32
    return %arg0, %c0_i32 : i32, i32
  }
  func.func @transform_3(%arg0: i32) -> (i32, i32) {
    %c0_i32 = arith.constant 0 : i32
    %c0_i32_0 = arith.constant 0 : i32
    return %arg0, %c0_i32 : i32, i32
  }
  func.func @transform_4(%arg0: i32) -> (i32, i32) {
    %c0_i32 = arith.constant 0 : i32
    %c0_i32_0 = arith.constant 0 : i32
    %c0_i32_1 = arith.constant 0 : i32
    return %c0_i32, %c0_i32_0 : i32, i32
  }
  func.func @transform_5(%arg0: i32) -> (i32, i32) {
    %c0_i32 = arith.constant 0 : i32
    %c0_i32_0 = arith.constant 0 : i32
    %c0_i32_1 = arith.constant 0 : i32
    return %c0_i32, %c0_i32_0 : i32, i32
  }
  func.func @transform_6(%arg0: i32) -> (i32, i32) {
    %c0_i32 = arith.constant 0 : i32
    %c0_i32_0 = arith.constant 0 : i32
    %c0_i32_1 = arith.constant 0 : i32
    return %c0_i32, %c0_i32_0 : i32, i32
  }
  func.func @transform_7(%arg0: i32) -> (i32, i32) {
    %c0_i32 = arith.constant 0 : i32
    %c0_i32_0 = arith.constant 0 : i32
    %c0_i32_1 = arith.constant 0 : i32
    return %c0_i32, %c0_i32_0 : i32, i32
  }
  func.func @transform_8(%arg0: i32) -> (i32, i32) {
    %c0_i32 = arith.constant 0 : i32
    %c0_i32_0 = arith.constant 0 : i32
    %c0_i32_1 = arith.constant 0 : i32
    return %c0_i32, %c0_i32_0 : i32, i32
  }
  func.func @transform_9(%arg0: i32) -> (i32, i32) {
    %c0_i32 = arith.constant 0 : i32
    %c0_i32_0 = arith.constant 0 : i32
    %c0_i32_1 = arith.constant 0 : i32
    return %c0_i32, %c0_i32_0 : i32, i32
  }
  func.func @transform_10(%arg0: i32) -> (i32, i32) {
    %c0_i32 = arith.constant 0 : i32
    %c0_i32_0 = arith.constant 0 : i32
    %c0_i32_1 = arith.constant 0 : i32
    return %c0_i32, %c0_i32_0 : i32, i32
  }
  func.func @transform_11(%arg0: i32) -> (i32, i32) {
    %c0_i32 = arith.constant 0 : i32
    %c0_i32_0 = arith.constant 0 : i32
    %c0_i32_1 = arith.constant 0 : i32
    return %c0_i32, %c0_i32_0 : i32, i32
  }
  func.func @transform_12(%arg0: i32) -> (i32, i32) {
    %c0_i32 = arith.constant 0 : i32
    %c0_i32_0 = arith.constant 0 : i32
    %c0_i32_1 = arith.constant 0 : i32
    return %c0_i32, %c0_i32_0 : i32, i32
  }
  func.func @transform_13(%arg0: i32) -> (i32, i32) {
    %c0_i32 = arith.constant 0 : i32
    %c0_i32_0 = arith.constant 0 : i32
    %c0_i32_1 = arith.constant 0 : i32
    return %c0_i32, %c0_i32_0 : i32, i32
  }
  func.func @transform_14(%arg0: i32) -> (i32, i32) {
    %c0_i32 = arith.constant 0 : i32
    %c0_i32_0 = arith.constant 0 : i32
    return %arg0, %c0_i32 : i32, i32
  }
  func.func @transform_15(%arg0: i32) -> (i32, i32) {
    %c0_i32 = arith.constant 0 : i32
    %c0_i32_0 = arith.constant 0 : i32
    return %arg0, %c0_i32 : i32, i32
  }
}

module attributes {stable_mosaic.version = 14 : i64} {
  func.func @_edge_body(%arg0: i32, %arg1: memref<2560x128xf32, #tpu.memory_space<vmem>>, %arg2: memref<2560x128xf32, #tpu.memory_space<vmem>>, %arg3: memref<2560x1xf32, #tpu.memory_space<vmem>>, %arg4: memref<2560x1xf32, #tpu.memory_space<vmem>>, %arg5: memref<1x1xf32, #tpu.memory_space<vmem>>, %arg6: memref<1x1xf32, #tpu.memory_space<vmem>>, %arg7: memref<1x256xf32, #tpu.memory_space<vmem>>, %arg8: memref<1x256xf32, #tpu.memory_space<vmem>>, %arg9: memref<128x256xf32, #tpu.memory_space<vmem>>, %arg10: memref<128x256xf32, #tpu.memory_space<vmem>>, %arg11: memref<256x128xf32, #tpu.memory_space<vmem>>, %arg12: memref<128x256xf32, #tpu.memory_space<vmem>>, %arg13: memref<128x256xf32, #tpu.memory_space<vmem>>, %arg14: memref<256x128xf32, #tpu.memory_space<vmem>>, %arg15: memref<2560x128xf32, #tpu.memory_space<vmem>>, %arg16: memref<2560x128xf32, #tpu.memory_space<vmem>>) attributes {dimension_semantics = [#tpu.dimension_semantics<parallel>], iteration_bounds = array<i64: 60>, scalar_prefetch = 0 : i64, scratch_operands = 0 : i64, tpu.core_type = #tpu.core_type<tc>, window_params = [{transform_indices = @transform_0, window_bounds = array<i64: 2560, 128>}, {transform_indices = @transform_1, window_bounds = array<i64: 2560, 128>}, {transform_indices = @transform_2, window_bounds = array<i64: 2560, 1>}, {transform_indices = @transform_3, window_bounds = array<i64: 2560, 1>}, {pipeline_mode = #tpu.pipeline_mode<synchronous>, transform_indices = @transform_4, window_bounds = array<i64: 1, 1>}, {pipeline_mode = #tpu.pipeline_mode<synchronous>, transform_indices = @transform_5, window_bounds = array<i64: 1, 1>}, {pipeline_mode = #tpu.pipeline_mode<synchronous>, transform_indices = @transform_6, window_bounds = array<i64: 1, 256>}, {pipeline_mode = #tpu.pipeline_mode<synchronous>, transform_indices = @transform_7, window_bounds = array<i64: 1, 256>}, {pipeline_mode = #tpu.pipeline_mode<synchronous>, transform_indices = @transform_8, window_bounds = array<i64: 128, 256>}, {pipeline_mode = #tpu.pipeline_mode<synchronous>, transform_indices = @transform_9, window_bounds = array<i64: 128, 256>}, {pipeline_mode = #tpu.pipeline_mode<synchronous>, transform_indices = @transform_10, window_bounds = array<i64: 256, 128>}, {pipeline_mode = #tpu.pipeline_mode<synchronous>, transform_indices = @transform_11, window_bounds = array<i64: 128, 256>}, {pipeline_mode = #tpu.pipeline_mode<synchronous>, transform_indices = @transform_12, window_bounds = array<i64: 128, 256>}, {pipeline_mode = #tpu.pipeline_mode<synchronous>, transform_indices = @transform_13, window_bounds = array<i64: 256, 128>}, {transform_indices = @transform_14, window_bounds = array<i64: 2560, 128>}, {transform_indices = @transform_15, window_bounds = array<i64: 2560, 128>}]} {
    %get3A = arith.constant 0 : index
    %get3A_0 = arith.constant 0 : index
    %get3A_1 = vector.load %arg5[%get3A, %get3A_0] : memref<1x1xf32, #tpu.memory_space<vmem>>, vector<1x1xf32>
    %get3A_2 = arith.constant 0 : index
    %get3A_3 = arith.constant 0 : index
    %get3A_4 = vector.load %arg6[%get3A_2, %get3A_3] : memref<1x1xf32, #tpu.memory_space<vmem>>, vector<1x1xf32>
    %get3A_5 = arith.constant 0 : index
    %get3A_6 = arith.constant 0 : index
    %get3A_7 = vector.load %arg3[%get3A_5, %get3A_6] : memref<2560x1xf32, #tpu.memory_space<vmem>>, vector<2560x1xf32>
    %get3A_8 = arith.constant 0 : index
    %get3A_9 = arith.constant 0 : index
    %get3A_10 = vector.load %arg4[%get3A_8, %get3A_9] : memref<2560x1xf32, #tpu.memory_space<vmem>>, vector<2560x1xf32>
    %mul3A = arith.mulf %get3A_7, %get3A_7 : vector<2560x1xf32>
    %mul3A_11 = vector.broadcast %get3A_1 : vector<1x1xf32> to vector<2560x1xf32>
    %mul3A_12 = arith.mulf %mul3A, %mul3A_11 : vector<2560x1xf32>
    %add3A = arith.constant 9.99999974E-6 : f32
    %add3A_13 = vector.broadcast %add3A : f32 to vector<2560x1xf32>
    %add3A_14 = arith.addf %mul3A_12, %add3A_13 : vector<2560x1xf32>
    %rsqrt3A = math.rsqrt %add3A_14 : vector<2560x1xf32>
    %mul3A_15 = arith.mulf %get3A_7, %rsqrt3A : vector<2560x1xf32>
    %mul3A_16 = arith.mulf %mul3A_15, %mul3A_15 : vector<2560x1xf32>
    %mul3A_17 = vector.broadcast %get3A_4 : vector<1x1xf32> to vector<2560x1xf32>
    %mul3A_18 = arith.mulf %mul3A_16, %mul3A_17 : vector<2560x1xf32>
    %add3A_19 = arith.constant 9.99999974E-6 : f32
    %add3A_20 = vector.broadcast %add3A_19 : f32 to vector<2560x1xf32>
    %add3A_21 = arith.addf %mul3A_18, %add3A_20 : vector<2560x1xf32>
    %rsqrt3A_22 = math.rsqrt %add3A_21 : vector<2560x1xf32>
    %mul3A_23 = arith.mulf %mul3A_15, %rsqrt3A_22 : vector<2560x1xf32>
    %mul3A_24 = arith.mulf %get3A_10, %get3A_10 : vector<2560x1xf32>
    %mul3A_25 = vector.broadcast %get3A_1 : vector<1x1xf32> to vector<2560x1xf32>
    %mul3A_26 = arith.mulf %mul3A_24, %mul3A_25 : vector<2560x1xf32>
    %add3A_27 = arith.constant 9.99999974E-6 : f32
    %add3A_28 = vector.broadcast %add3A_27 : f32 to vector<2560x1xf32>
    %add3A_29 = arith.addf %mul3A_26, %add3A_28 : vector<2560x1xf32>
    %rsqrt3A_30 = math.rsqrt %add3A_29 : vector<2560x1xf32>
    %mul3A_31 = arith.mulf %get3A_10, %rsqrt3A_30 : vector<2560x1xf32>
    %mul3A_32 = arith.mulf %mul3A_31, %mul3A_31 : vector<2560x1xf32>
    %mul3A_33 = vector.broadcast %get3A_4 : vector<1x1xf32> to vector<2560x1xf32>
    %mul3A_34 = arith.mulf %mul3A_32, %mul3A_33 : vector<2560x1xf32>
    %add3A_35 = arith.constant 9.99999974E-6 : f32
    %add3A_36 = vector.broadcast %add3A_35 : f32 to vector<2560x1xf32>
    %add3A_37 = arith.addf %mul3A_34, %add3A_36 : vector<2560x1xf32>
    %rsqrt3A_38 = math.rsqrt %add3A_37 : vector<2560x1xf32>
    %mul3A_39 = arith.mulf %mul3A_31, %rsqrt3A_38 : vector<2560x1xf32>
    %get3A_40 = arith.constant 0 : index
    %get3A_41 = arith.constant 0 : index
    %get3A_42 = vector.load %arg1[%get3A_40, %get3A_41] : memref<2560x128xf32, #tpu.memory_space<vmem>>, vector<2560x128xf32>
    %get3A_43 = arith.constant 0 : index
    %get3A_44 = arith.constant 0 : index
    %get3A_45 = vector.load %arg2[%get3A_43, %get3A_44] : memref<2560x128xf32, #tpu.memory_space<vmem>>, vector<2560x128xf32>
    %get3A_46 = arith.constant 0 : index
    %get3A_47 = arith.constant 0 : index
    %get3A_48 = vector.load %arg9[%get3A_46, %get3A_47] : memref<128x256xf32, #tpu.memory_space<vmem>>, vector<128x256xf32>
    %dot_general3A = arith.constant dense<0.000000e+00> : vector<2560x256xf32>
    %dot_general3A_49 = tpu.matmul %get3A_45, %get3A_48, %dot_general3A {dimension_numbers = #tpu.dot_dimension_numbers<[1], [0], [0], [1], [0, 0, 1, 1], [], []>, transpose_lhs_hint = false} : vector<2560x128xf32>, vector<128x256xf32>, vector<2560x256xf32> -> vector<2560x256xf32>
    %get3A_50 = arith.constant 0 : index
    %get3A_51 = arith.constant 0 : index
    %get3A_52 = vector.load %arg10[%get3A_50, %get3A_51] : memref<128x256xf32, #tpu.memory_space<vmem>>, vector<128x256xf32>
    %dot_general3A_53 = arith.constant dense<0.000000e+00> : vector<2560x256xf32>
    %dot_general3A_54 = tpu.matmul %get3A_42, %get3A_52, %dot_general3A_53 {dimension_numbers = #tpu.dot_dimension_numbers<[1], [0], [0], [1], [0, 0, 1, 1], [], []>, transpose_lhs_hint = false} : vector<2560x128xf32>, vector<128x256xf32>, vector<2560x256xf32> -> vector<2560x256xf32>
    %add3A_55 = arith.addf %dot_general3A_49, %dot_general3A_54 : vector<2560x256xf32>
    %get3A_56 = arith.constant 0 : index
    %get3A_57 = arith.constant 0 : index
    %get3A_58 = vector.load %arg7[%get3A_56, %get3A_57] : memref<1x256xf32, #tpu.memory_space<vmem>>, vector<1x256xf32>
    %mul3A_59 = vector.broadcast %mul3A_23 : vector<2560x1xf32> to vector<2560x256xf32>
    %mul3A_60 = vector.broadcast %get3A_58 : vector<1x256xf32> to vector<2560x256xf32>
    %mul3A_61 = arith.mulf %mul3A_59, %mul3A_60 : vector<2560x256xf32>
    %add3A_62 = arith.addf %add3A_55, %mul3A_61 : vector<2560x256xf32>
    %reduce_sum3A = arith.constant dense<0.000000e+00> : vector<2560xf32>
    %reduce_sum3A_63 = vector.multi_reduction <add>, %add3A_62, %reduce_sum3A [1] : vector<2560x256xf32> to vector<2560xf32>
    %broadcast_in_dim3A = vector.shape_cast %reduce_sum3A_63 : vector<2560xf32> to vector<2560x1xf32>
    %div3A = arith.constant 2.560000e+02 : f32
    %div3A_64 = vector.broadcast %div3A : f32 to vector<2560x1xf32>
    %div3A_65 = arith.divf %broadcast_in_dim3A, %div3A_64 : vector<2560x1xf32>
    %sub3A = vector.broadcast %div3A_65 : vector<2560x1xf32> to vector<2560x256xf32>
    %sub3A_66 = arith.subf %add3A_62, %sub3A : vector<2560x256xf32>
    %mul3A_67 = arith.mulf %sub3A_66, %sub3A_66 : vector<2560x256xf32>
    %reduce_sum3A_68 = arith.constant dense<0.000000e+00> : vector<2560xf32>
    %reduce_sum3A_69 = vector.multi_reduction <add>, %mul3A_67, %reduce_sum3A_68 [1] : vector<2560x256xf32> to vector<2560xf32>
    %broadcast_in_dim3A_70 = vector.shape_cast %reduce_sum3A_69 : vector<2560xf32> to vector<2560x1xf32>
    %div3A_71 = arith.constant 2.560000e+02 : f32
    %div3A_72 = vector.broadcast %div3A_71 : f32 to vector<2560x1xf32>
    %div3A_73 = arith.divf %broadcast_in_dim3A_70, %div3A_72 : vector<2560x1xf32>
    %add3A_74 = arith.constant 9.99999974E-6 : f32
    %add3A_75 = vector.broadcast %add3A_74 : f32 to vector<2560x1xf32>
    %add3A_76 = arith.addf %div3A_73, %add3A_75 : vector<2560x1xf32>
    %rsqrt3A_77 = math.rsqrt %add3A_76 : vector<2560x1xf32>
    %mul3A_78 = vector.broadcast %rsqrt3A_77 : vector<2560x1xf32> to vector<2560x256xf32>
    %mul3A_79 = arith.mulf %sub3A_66, %mul3A_78 : vector<2560x256xf32>
    %max3A = arith.constant 0.000000e+00 : f32
    %max3A_80 = vector.broadcast %max3A : f32 to vector<2560x256xf32>
    %max3A_81 = arith.maximumf %mul3A_79, %max3A_80 : vector<2560x256xf32>
    %get3A_82 = arith.constant 0 : index
    %get3A_83 = arith.constant 0 : index
    %get3A_84 = vector.load %arg11[%get3A_82, %get3A_83] : memref<256x128xf32, #tpu.memory_space<vmem>>, vector<256x128xf32>
    %dot_general3A_85 = arith.constant dense<0.000000e+00> : vector<2560x128xf32>
    %dot_general3A_86 = tpu.matmul %max3A_81, %get3A_84, %dot_general3A_85 {dimension_numbers = #tpu.dot_dimension_numbers<[1], [0], [0], [1], [0, 0, 1, 1], [], []>, transpose_lhs_hint = false} : vector<2560x256xf32>, vector<256x128xf32>, vector<2560x128xf32> -> vector<2560x128xf32>
    %reduce_sum3A_87 = arith.constant dense<0.000000e+00> : vector<2560xf32>
    %reduce_sum3A_88 = vector.multi_reduction <add>, %dot_general3A_86, %reduce_sum3A_87 [1] : vector<2560x128xf32> to vector<2560xf32>
    %broadcast_in_dim3A_89 = vector.shape_cast %reduce_sum3A_88 : vector<2560xf32> to vector<2560x1xf32>
    %div3A_90 = arith.constant 1.280000e+02 : f32
    %div3A_91 = vector.broadcast %div3A_90 : f32 to vector<2560x1xf32>
    %div3A_92 = arith.divf %broadcast_in_dim3A_89, %div3A_91 : vector<2560x1xf32>
    %sub3A_93 = vector.broadcast %div3A_92 : vector<2560x1xf32> to vector<2560x128xf32>
    %sub3A_94 = arith.subf %dot_general3A_86, %sub3A_93 : vector<2560x128xf32>
    %mul3A_95 = arith.mulf %sub3A_94, %sub3A_94 : vector<2560x128xf32>
    %reduce_sum3A_96 = arith.constant dense<0.000000e+00> : vector<2560xf32>
    %reduce_sum3A_97 = vector.multi_reduction <add>, %mul3A_95, %reduce_sum3A_96 [1] : vector<2560x128xf32> to vector<2560xf32>
    %broadcast_in_dim3A_98 = vector.shape_cast %reduce_sum3A_97 : vector<2560xf32> to vector<2560x1xf32>
    %div3A_99 = arith.constant 1.280000e+02 : f32
    %div3A_100 = vector.broadcast %div3A_99 : f32 to vector<2560x1xf32>
    %div3A_101 = arith.divf %broadcast_in_dim3A_98, %div3A_100 : vector<2560x1xf32>
    %add3A_102 = arith.constant 9.99999974E-6 : f32
    %add3A_103 = vector.broadcast %add3A_102 : f32 to vector<2560x1xf32>
    %add3A_104 = arith.addf %div3A_101, %add3A_103 : vector<2560x1xf32>
    %rsqrt3A_105 = math.rsqrt %add3A_104 : vector<2560x1xf32>
    %mul3A_106 = vector.broadcast %rsqrt3A_105 : vector<2560x1xf32> to vector<2560x128xf32>
    %mul3A_107 = arith.mulf %sub3A_94, %mul3A_106 : vector<2560x128xf32>
    %max3A_108 = arith.constant 0.000000e+00 : f32
    %max3A_109 = vector.broadcast %max3A_108 : f32 to vector<2560x128xf32>
    %max3A_110 = arith.maximumf %mul3A_107, %max3A_109 : vector<2560x128xf32>
    %swap3A = arith.constant 0 : index
    %swap3A_111 = arith.constant 0 : index
    %swap3A_112 = vector.load %arg15[%swap3A, %swap3A_111] : memref<2560x128xf32, #tpu.memory_space<vmem>>, vector<2560x128xf32>
    tpu.vector_store %arg15[%swap3A, %swap3A_111], %max3A_110 {strides = array<i32>} : memref<2560x128xf32, #tpu.memory_space<vmem>>, vector<2560x128xf32>,
    %get3A_113 = arith.constant 0 : index
    %get3A_114 = arith.constant 0 : index
    %get3A_115 = vector.load %arg12[%get3A_113, %get3A_114] : memref<128x256xf32, #tpu.memory_space<vmem>>, vector<128x256xf32>
    %dot_general3A_116 = arith.constant dense<0.000000e+00> : vector<2560x256xf32>
    %dot_general3A_117 = tpu.matmul %get3A_42, %get3A_115, %dot_general3A_116 {dimension_numbers = #tpu.dot_dimension_numbers<[1], [0], [0], [1], [0, 0, 1, 1], [], []>, transpose_lhs_hint = false} : vector<2560x128xf32>, vector<128x256xf32>, vector<2560x256xf32> -> vector<2560x256xf32>
    %get3A_118 = arith.constant 0 : index
    %get3A_119 = arith.constant 0 : index
    %get3A_120 = vector.load %arg13[%get3A_118, %get3A_119] : memref<128x256xf32, #tpu.memory_space<vmem>>, vector<128x256xf32>
    %dot_general3A_121 = arith.constant dense<0.000000e+00> : vector<2560x256xf32>
    %dot_general3A_122 = tpu.matmul %get3A_45, %get3A_120, %dot_general3A_121 {dimension_numbers = #tpu.dot_dimension_numbers<[1], [0], [0], [1], [0, 0, 1, 1], [], []>, transpose_lhs_hint = false} : vector<2560x128xf32>, vector<128x256xf32>, vector<2560x256xf32> -> vector<2560x256xf32>
    %add3A_123 = arith.addf %dot_general3A_117, %dot_general3A_122 : vector<2560x256xf32>
    %get3A_124 = arith.constant 0 : index
    %get3A_125 = arith.constant 0 : index
    %get3A_126 = vector.load %arg8[%get3A_124, %get3A_125] : memref<1x256xf32, #tpu.memory_space<vmem>>, vector<1x256xf32>
    %mul3A_127 = vector.broadcast %mul3A_39 : vector<2560x1xf32> to vector<2560x256xf32>
    %mul3A_128 = vector.broadcast %get3A_126 : vector<1x256xf32> to vector<2560x256xf32>
    %mul3A_129 = arith.mulf %mul3A_127, %mul3A_128 : vector<2560x256xf32>
    %add3A_130 = arith.addf %add3A_123, %mul3A_129 : vector<2560x256xf32>
    %reduce_sum3A_131 = arith.constant dense<0.000000e+00> : vector<2560xf32>
    %reduce_sum3A_132 = vector.multi_reduction <add>, %add3A_130, %reduce_sum3A_131 [1] : vector<2560x256xf32> to vector<2560xf32>
    %broadcast_in_dim3A_133 = vector.shape_cast %reduce_sum3A_132 : vector<2560xf32> to vector<2560x1xf32>
    %div3A_134 = arith.constant 2.560000e+02 : f32
    %div3A_135 = vector.broadcast %div3A_134 : f32 to vector<2560x1xf32>
    %div3A_136 = arith.divf %broadcast_in_dim3A_133, %div3A_135 : vector<2560x1xf32>
    %sub3A_137 = vector.broadcast %div3A_136 : vector<2560x1xf32> to vector<2560x256xf32>
    %sub3A_138 = arith.subf %add3A_130, %sub3A_137 : vector<2560x256xf32>
    %mul3A_139 = arith.mulf %sub3A_138, %sub3A_138 : vector<2560x256xf32>
    %reduce_sum3A_140 = arith.constant dense<0.000000e+00> : vector<2560xf32>
    %reduce_sum3A_141 = vector.multi_reduction <add>, %mul3A_139, %reduce_sum3A_140 [1] : vector<2560x256xf32> to vector<2560xf32>
    %broadcast_in_dim3A_142 = vector.shape_cast %reduce_sum3A_141 : vector<2560xf32> to vector<2560x1xf32>
    %div3A_143 = arith.constant 2.560000e+02 : f32
    %div3A_144 = vector.broadcast %div3A_143 : f32 to vector<2560x1xf32>
    %div3A_145 = arith.divf %broadcast_in_dim3A_142, %div3A_144 : vector<2560x1xf32>
    %add3A_146 = arith.constant 9.99999974E-6 : f32
    %add3A_147 = vector.broadcast %add3A_146 : f32 to vector<2560x1xf32>
    %add3A_148 = arith.addf %div3A_145, %add3A_147 : vector<2560x1xf32>
    %rsqrt3A_149 = math.rsqrt %add3A_148 : vector<2560x1xf32>
    %mul3A_150 = vector.broadcast %rsqrt3A_149 : vector<2560x1xf32> to vector<2560x256xf32>
    %mul3A_151 = arith.mulf %sub3A_138, %mul3A_150 : vector<2560x256xf32>
    %max3A_152 = arith.constant 0.000000e+00 : f32
    %max3A_153 = vector.broadcast %max3A_152 : f32 to vector<2560x256xf32>
    %max3A_154 = arith.maximumf %mul3A_151, %max3A_153 : vector<2560x256xf32>
    %get3A_155 = arith.constant 0 : index
    %get3A_156 = arith.constant 0 : index
    %get3A_157 = vector.load %arg14[%get3A_155, %get3A_156] : memref<256x128xf32, #tpu.memory_space<vmem>>, vector<256x128xf32>
    %dot_general3A_158 = arith.constant dense<0.000000e+00> : vector<2560x128xf32>
    %dot_general3A_159 = tpu.matmul %max3A_154, %get3A_157, %dot_general3A_158 {dimension_numbers = #tpu.dot_dimension_numbers<[1], [0], [0], [1], [0, 0, 1, 1], [], []>, transpose_lhs_hint = false} : vector<2560x256xf32>, vector<256x128xf32>, vector<2560x128xf32> -> vector<2560x128xf32>
    %reduce_sum3A_160 = arith.constant dense<0.000000e+00> : vector<2560xf32>
    %reduce_sum3A_161 = vector.multi_reduction <add>, %dot_general3A_159, %reduce_sum3A_160 [1] : vector<2560x128xf32> to vector<2560xf32>
    %broadcast_in_dim3A_162 = vector.shape_cast %reduce_sum3A_161 : vector<2560xf32> to vector<2560x1xf32>
    %div3A_163 = arith.constant 1.280000e+02 : f32
    %div3A_164 = vector.broadcast %div3A_163 : f32 to vector<2560x1xf32>
    %div3A_165 = arith.divf %broadcast_in_dim3A_162, %div3A_164 : vector<2560x1xf32>
    %sub3A_166 = vector.broadcast %div3A_165 : vector<2560x1xf32> to vector<2560x128xf32>
    %sub3A_167 = arith.subf %dot_general3A_159, %sub3A_166 : vector<2560x128xf32>
    %mul3A_168 = arith.mulf %sub3A_167, %sub3A_167 : vector<2560x128xf32>
    %reduce_sum3A_169 = arith.constant dense<0.000000e+00> : vector<2560xf32>
    %reduce_sum3A_170 = vector.multi_reduction <add>, %mul3A_168, %reduce_sum3A_169 [1] : vector<2560x128xf32> to vector<2560xf32>
    %broadcast_in_dim3A_171 = vector.shape_cast %reduce_sum3A_170 : vector<2560xf32> to vector<2560x1xf32>
    %div3A_172 = arith.constant 1.280000e+02 : f32
    %div3A_173 = vector.broadcast %div3A_172 : f32 to vector<2560x1xf32>
    %div3A_174 = arith.divf %broadcast_in_dim3A_171, %div3A_173 : vector<2560x1xf32>
    %add3A_175 = arith.constant 9.99999974E-6 : f32
    %add3A_176 = vector.broadcast %add3A_175 : f32 to vector<2560x1xf32>
    %add3A_177 = arith.addf %div3A_174, %add3A_176 : vector<2560x1xf32>
    %rsqrt3A_178 = math.rsqrt %add3A_177 : vector<2560x1xf32>
    %mul3A_179 = vector.broadcast %rsqrt3A_178 : vector<2560x1xf32> to vector<2560x128xf32>
    %mul3A_180 = arith.mulf %sub3A_167, %mul3A_179 : vector<2560x128xf32>
    %max3A_181 = arith.constant 0.000000e+00 : f32
    %max3A_182 = vector.broadcast %max3A_181 : f32 to vector<2560x128xf32>
    %max3A_183 = arith.maximumf %mul3A_180, %max3A_182 : vector<2560x128xf32>
    %swap3A_184 = arith.constant 0 : index
    %swap3A_185 = arith.constant 0 : index
    %swap3A_186 = vector.load %arg16[%swap3A_184, %swap3A_185] : memref<2560x128xf32, #tpu.memory_space<vmem>>, vector<2560x128xf32>
    tpu.vector_store %arg16[%swap3A_184, %swap3A_185], %max3A_183 {strides = array<i32>} : memref<2560x128xf32, #tpu.memory_space<vmem>>, vector<2560x128xf32>,
    return
  }
  func.func @transform_0(%arg0: i32) -> (i32, i32) {
    %c0_i32 = arith.constant 0 : i32
    %c0_i32_0 = arith.constant 0 : i32
    return %arg0, %c0_i32 : i32, i32
  }
  func.func @transform_1(%arg0: i32) -> (i32, i32) {
    %c0_i32 = arith.constant 0 : i32
    %c0_i32_0 = arith.constant 0 : i32
    return %arg0, %c0_i32 : i32, i32
  }
  func.func @transform_2(%arg0: i32) -> (i32, i32) {
    %c0_i32 = arith.constant 0 : i32
    %c0_i32_0 = arith.constant 0 : i32
    return %arg0, %c0_i32 : i32, i32
  }
  func.func @transform_3(%arg0: i32) -> (i32, i32) {
    %c0_i32 = arith.constant 0 : i32
    %c0_i32_0 = arith.constant 0 : i32
    return %arg0, %c0_i32 : i32, i32
  }
  func.func @transform_4(%arg0: i32) -> (i32, i32) {
    %c0_i32 = arith.constant 0 : i32
    %c0_i32_0 = arith.constant 0 : i32
    %c0_i32_1 = arith.constant 0 : i32
    return %c0_i32, %c0_i32_0 : i32, i32
  }
  func.func @transform_5(%arg0: i32) -> (i32, i32) {
    %c0_i32 = arith.constant 0 : i32
    %c0_i32_0 = arith.constant 0 : i32
    %c0_i32_1 = arith.constant 0 : i32
    return %c0_i32, %c0_i32_0 : i32, i32
  }
  func.func @transform_6(%arg0: i32) -> (i32, i32) {
    %c0_i32 = arith.constant 0 : i32
    %c0_i32_0 = arith.constant 0 : i32
    %c0_i32_1 = arith.constant 0 : i32
    return %c0_i32, %c0_i32_0 : i32, i32
  }
  func.func @transform_7(%arg0: i32) -> (i32, i32) {
    %c0_i32 = arith.constant 0 : i32
    %c0_i32_0 = arith.constant 0 : i32
    %c0_i32_1 = arith.constant 0 : i32
    return %c0_i32, %c0_i32_0 : i32, i32
  }
  func.func @transform_8(%arg0: i32) -> (i32, i32) {
    %c0_i32 = arith.constant 0 : i32
    %c0_i32_0 = arith.constant 0 : i32
    %c0_i32_1 = arith.constant 0 : i32
    return %c0_i32, %c0_i32_0 : i32, i32
  }
  func.func @transform_9(%arg0: i32) -> (i32, i32) {
    %c0_i32 = arith.constant 0 : i32
    %c0_i32_0 = arith.constant 0 : i32
    %c0_i32_1 = arith.constant 0 : i32
    return %c0_i32, %c0_i32_0 : i32, i32
  }
  func.func @transform_10(%arg0: i32) -> (i32, i32) {
    %c0_i32 = arith.constant 0 : i32
    %c0_i32_0 = arith.constant 0 : i32
    %c0_i32_1 = arith.constant 0 : i32
    return %c0_i32, %c0_i32_0 : i32, i32
  }
  func.func @transform_11(%arg0: i32) -> (i32, i32) {
    %c0_i32 = arith.constant 0 : i32
    %c0_i32_0 = arith.constant 0 : i32
    %c0_i32_1 = arith.constant 0 : i32
    return %c0_i32, %c0_i32_0 : i32, i32
  }
  func.func @transform_12(%arg0: i32) -> (i32, i32) {
    %c0_i32 = arith.constant 0 : i32
    %c0_i32_0 = arith.constant 0 : i32
    %c0_i32_1 = arith.constant 0 : i32
    return %c0_i32, %c0_i32_0 : i32, i32
  }
  func.func @transform_13(%arg0: i32) -> (i32, i32) {
    %c0_i32 = arith.constant 0 : i32
    %c0_i32_0 = arith.constant 0 : i32
    %c0_i32_1 = arith.constant 0 : i32
    return %c0_i32, %c0_i32_0 : i32, i32
  }
  func.func @transform_14(%arg0: i32) -> (i32, i32) {
    %c0_i32 = arith.constant 0 : i32
    %c0_i32_0 = arith.constant 0 : i32
    return %arg0, %c0_i32 : i32, i32
  }
  func.func @transform_15(%arg0: i32) -> (i32, i32) {
    %c0_i32 = arith.constant 0 : i32
    %c0_i32_0 = arith.constant 0 : i32
    return %arg0, %c0_i32 : i32, i32
  }
}

module attributes {stable_mosaic.version = 14 : i64} {
  func.func @_final_body(%arg0: i32, %arg1: memref<1000x128xf32, #tpu.memory_space<vmem>>, %arg2: memref<1000x128xf32, #tpu.memory_space<vmem>>, %arg3: memref<1000x128xf32, #tpu.memory_space<vmem>>, %arg4: memref<1000x128xf32, #tpu.memory_space<vmem>>, %arg5: memref<1000x128xf32, #tpu.memory_space<vmem>>, %arg6: memref<1000x128xf32, #tpu.memory_space<vmem>>, %arg7: memref<1000x128xf32, #tpu.memory_space<vmem>>, %arg8: memref<1000x128xf32, #tpu.memory_space<vmem>>, %arg9: memref<1000x128xf32, #tpu.memory_space<vmem>>, %arg10: memref<1000x1xf32, #tpu.memory_space<vmem>>, %arg11: memref<1000x1xf32, #tpu.memory_space<vmem>>, %arg12: memref<1x128xf32, #tpu.memory_space<vmem>>, %arg13: memref<1x128xf32, #tpu.memory_space<vmem>>, %arg14: memref<128x256xf32, #tpu.memory_space<vmem>>, %arg15: memref<128x256xf32, #tpu.memory_space<vmem>>, %arg16: memref<128x256xf32, #tpu.memory_space<vmem>>, %arg17: memref<256x128xf32, #tpu.memory_space<vmem>>, %arg18: memref<1000x128xf32, #tpu.memory_space<vmem>>) attributes {dimension_semantics = [#tpu.dimension_semantics<parallel>], iteration_bounds = array<i64: 10>, scalar_prefetch = 0 : i64, scratch_operands = 0 : i64, tpu.core_type = #tpu.core_type<tc>, window_params = [{transform_indices = @transform_0, window_bounds = array<i64: 1000, 128>}, {transform_indices = @transform_1, window_bounds = array<i64: 1000, 128>}, {transform_indices = @transform_2, window_bounds = array<i64: 1000, 128>}, {transform_indices = @transform_3, window_bounds = array<i64: 1000, 128>}, {transform_indices = @transform_4, window_bounds = array<i64: 1000, 128>}, {transform_indices = @transform_5, window_bounds = array<i64: 1000, 128>}, {transform_indices = @transform_6, window_bounds = array<i64: 1000, 128>}, {transform_indices = @transform_7, window_bounds = array<i64: 1000, 128>}, {transform_indices = @transform_8, window_bounds = array<i64: 1000, 128>}, {transform_indices = @transform_9, window_bounds = array<i64: 1000, 1>}, {transform_indices = @transform_10, window_bounds = array<i64: 1000, 1>}, {pipeline_mode = #tpu.pipeline_mode<synchronous>, transform_indices = @transform_11, window_bounds = array<i64: 1, 128>}, {pipeline_mode = #tpu.pipeline_mode<synchronous>, transform_indices = @transform_12, window_bounds = array<i64: 1, 128>}, {pipeline_mode = #tpu.pipeline_mode<synchronous>, transform_indices = @transform_13, window_bounds = array<i64: 128, 256>}, {pipeline_mode = #tpu.pipeline_mode<synchronous>, transform_indices = @transform_14, window_bounds = array<i64: 128, 256>}, {pipeline_mode = #tpu.pipeline_mode<synchronous>, transform_indices = @transform_15, window_bounds = array<i64: 128, 256>}, {pipeline_mode = #tpu.pipeline_mode<synchronous>, transform_indices = @transform_16, window_bounds = array<i64: 256, 128>}, {transform_indices = @transform_17, window_bounds = array<i64: 1000, 128>}]} {
    %get3A = arith.constant 0 : index
    %get3A_0 = arith.constant 0 : index
    %get3A_1 = vector.load %arg1[%get3A, %get3A_0] : memref<1000x128xf32, #tpu.memory_space<vmem>>, vector<1000x128xf32>
    %get3A_2 = arith.constant 0 : index
    %get3A_3 = arith.constant 0 : index
    %get3A_4 = vector.load %arg4[%get3A_2, %get3A_3] : memref<1000x128xf32, #tpu.memory_space<vmem>>, vector<1000x128xf32>
    %slice3A = vector.extract_strided_slice %get3A_4 {offsets = [0, 0], sizes = [1000, 1], strides = [1, 1]} : vector<1000x128xf32> to vector<1000x1xf32>
    %get3A_5 = arith.constant 0 : index
    %get3A_6 = arith.constant 0 : index
    %get3A_7 = vector.load %arg5[%get3A_5, %get3A_6] : memref<1000x128xf32, #tpu.memory_space<vmem>>, vector<1000x128xf32>
    %slice3A_8 = vector.extract_strided_slice %get3A_7 {offsets = [0, 0], sizes = [1000, 1], strides = [1, 1]} : vector<1000x128xf32> to vector<1000x1xf32>
    %add3A = arith.addf %slice3A, %slice3A_8 : vector<1000x1xf32>
    %get3A_9 = arith.constant 0 : index
    %get3A_10 = arith.constant 0 : index
    %get3A_11 = vector.load %arg8[%get3A_9, %get3A_10] : memref<1000x128xf32, #tpu.memory_space<vmem>>, vector<1000x128xf32>
    %slice3A_12 = vector.extract_strided_slice %get3A_11 {offsets = [0, 0], sizes = [1000, 1], strides = [1, 1]} : vector<1000x128xf32> to vector<1000x1xf32>
    %get3A_13 = arith.constant 0 : index
    %get3A_14 = arith.constant 0 : index
    %get3A_15 = vector.load %arg9[%get3A_13, %get3A_14] : memref<1000x128xf32, #tpu.memory_space<vmem>>, vector<1000x128xf32>
    %slice3A_16 = vector.extract_strided_slice %get3A_15 {offsets = [0, 0], sizes = [1000, 1], strides = [1, 1]} : vector<1000x128xf32> to vector<1000x1xf32>
    %add3A_17 = arith.addf %slice3A_12, %slice3A_16 : vector<1000x1xf32>
    %get3A_18 = arith.constant 0 : index
    %get3A_19 = arith.constant 0 : index
    %get3A_20 = vector.load %arg2[%get3A_18, %get3A_19] : memref<1000x128xf32, #tpu.memory_space<vmem>>, vector<1000x128xf32>
    %get3A_21 = arith.constant 0 : index
    %get3A_22 = arith.constant 0 : index
    %get3A_23 = vector.load %arg3[%get3A_21, %get3A_22] : memref<1000x128xf32, #tpu.memory_space<vmem>>, vector<1000x128xf32>
    %add3A_24 = arith.addf %get3A_20, %get3A_23 : vector<1000x128xf32>
    %max3A = arith.constant 1.000000e+00 : f32
    %max3A_25 = vector.broadcast %max3A : f32 to vector<1000x1xf32>
    %max3A_26 = arith.maximumf %add3A, %max3A_25 : vector<1000x1xf32>
    %div3A = vector.broadcast %max3A_26 : vector<1000x1xf32> to vector<1000x128xf32>
    %div3A_27 = arith.divf %add3A_24, %div3A : vector<1000x128xf32>
    %get3A_28 = arith.constant 0 : index
    %get3A_29 = arith.constant 0 : index
    %get3A_30 = vector.load %arg6[%get3A_28, %get3A_29] : memref<1000x128xf32, #tpu.memory_space<vmem>>, vector<1000x128xf32>
    %get3A_31 = arith.constant 0 : index
    %get3A_32 = arith.constant 0 : index
    %get3A_33 = vector.load %arg7[%get3A_31, %get3A_32] : memref<1000x128xf32, #tpu.memory_space<vmem>>, vector<1000x128xf32>
    %add3A_34 = arith.addf %get3A_30, %get3A_33 : vector<1000x128xf32>
    %max3A_35 = arith.constant 1.000000e+00 : f32
    %max3A_36 = vector.broadcast %max3A_35 : f32 to vector<1000x1xf32>
    %max3A_37 = arith.maximumf %add3A_17, %max3A_36 : vector<1000x1xf32>
    %div3A_38 = vector.broadcast %max3A_37 : vector<1000x1xf32> to vector<1000x128xf32>
    %div3A_39 = arith.divf %add3A_34, %div3A_38 : vector<1000x128xf32>
    %get3A_40 = arith.constant 0 : index
    %get3A_41 = arith.constant 0 : index
    %get3A_42 = vector.load %arg10[%get3A_40, %get3A_41] : memref<1000x1xf32, #tpu.memory_space<vmem>>, vector<1000x1xf32>
    %get3A_43 = arith.constant 0 : index
    %get3A_44 = arith.constant 0 : index
    %get3A_45 = vector.load %arg12[%get3A_43, %get3A_44] : memref<1x128xf32, #tpu.memory_space<vmem>>, vector<1x128xf32>
    %mul3A = vector.broadcast %get3A_42 : vector<1000x1xf32> to vector<1000x128xf32>
    %mul3A_46 = vector.broadcast %get3A_45 : vector<1x128xf32> to vector<1000x128xf32>
    %mul3A_47 = arith.mulf %mul3A, %mul3A_46 : vector<1000x128xf32>
    %add3A_48 = arith.addf %div3A_27, %mul3A_47 : vector<1000x128xf32>
    %get3A_49 = arith.constant 0 : index
    %get3A_50 = arith.constant 0 : index
    %get3A_51 = vector.load %arg11[%get3A_49, %get3A_50] : memref<1000x1xf32, #tpu.memory_space<vmem>>, vector<1000x1xf32>
    %get3A_52 = arith.constant 0 : index
    %get3A_53 = arith.constant 0 : index
    %get3A_54 = vector.load %arg13[%get3A_52, %get3A_53] : memref<1x128xf32, #tpu.memory_space<vmem>>, vector<1x128xf32>
    %mul3A_55 = vector.broadcast %get3A_51 : vector<1000x1xf32> to vector<1000x128xf32>
    %mul3A_56 = vector.broadcast %get3A_54 : vector<1x128xf32> to vector<1000x128xf32>
    %mul3A_57 = arith.mulf %mul3A_55, %mul3A_56 : vector<1000x128xf32>
    %add3A_58 = arith.addf %div3A_39, %mul3A_57 : vector<1000x128xf32>
    %get3A_59 = arith.constant 0 : index
    %get3A_60 = arith.constant 0 : index
    %get3A_61 = vector.load %arg14[%get3A_59, %get3A_60] : memref<128x256xf32, #tpu.memory_space<vmem>>, vector<128x256xf32>
    %dot_general3A = arith.constant dense<0.000000e+00> : vector<1000x256xf32>
    %dot_general3A_62 = tpu.matmul %get3A_1, %get3A_61, %dot_general3A {dimension_numbers = #tpu.dot_dimension_numbers<[1], [0], [0], [1], [0, 0, 1, 1], [], []>, transpose_lhs_hint = false} : vector<1000x128xf32>, vector<128x256xf32>, vector<1000x256xf32> -> vector<1000x256xf32>
    %get3A_63 = arith.constant 0 : index
    %get3A_64 = arith.constant 0 : index
    %get3A_65 = vector.load %arg15[%get3A_63, %get3A_64] : memref<128x256xf32, #tpu.memory_space<vmem>>, vector<128x256xf32>
    %dot_general3A_66 = arith.constant dense<0.000000e+00> : vector<1000x256xf32>
    %dot_general3A_67 = tpu.matmul %add3A_48, %get3A_65, %dot_general3A_66 {dimension_numbers = #tpu.dot_dimension_numbers<[1], [0], [0], [1], [0, 0, 1, 1], [], []>, transpose_lhs_hint = false} : vector<1000x128xf32>, vector<128x256xf32>, vector<1000x256xf32> -> vector<1000x256xf32>
    %add3A_68 = arith.addf %dot_general3A_62, %dot_general3A_67 : vector<1000x256xf32>
    %get3A_69 = arith.constant 0 : index
    %get3A_70 = arith.constant 0 : index
    %get3A_71 = vector.load %arg16[%get3A_69, %get3A_70] : memref<128x256xf32, #tpu.memory_space<vmem>>, vector<128x256xf32>
    %dot_general3A_72 = arith.constant dense<0.000000e+00> : vector<1000x256xf32>
    %dot_general3A_73 = tpu.matmul %add3A_58, %get3A_71, %dot_general3A_72 {dimension_numbers = #tpu.dot_dimension_numbers<[1], [0], [0], [1], [0, 0, 1, 1], [], []>, transpose_lhs_hint = false} : vector<1000x128xf32>, vector<128x256xf32>, vector<1000x256xf32> -> vector<1000x256xf32>
    %add3A_74 = arith.addf %add3A_68, %dot_general3A_73 : vector<1000x256xf32>
    %reduce_sum3A = arith.constant dense<0.000000e+00> : vector<1000xf32>
    %reduce_sum3A_75 = vector.multi_reduction <add>, %add3A_74, %reduce_sum3A [1] : vector<1000x256xf32> to vector<1000xf32>
    %broadcast_in_dim3A = vector.shape_cast %reduce_sum3A_75 : vector<1000xf32> to vector<1000x1xf32>
    %div3A_76 = arith.constant 2.560000e+02 : f32
    %div3A_77 = vector.broadcast %div3A_76 : f32 to vector<1000x1xf32>
    %div3A_78 = arith.divf %broadcast_in_dim3A, %div3A_77 : vector<1000x1xf32>
    %sub3A = vector.broadcast %div3A_78 : vector<1000x1xf32> to vector<1000x256xf32>
    %sub3A_79 = arith.subf %add3A_74, %sub3A : vector<1000x256xf32>
    %mul3A_80 = arith.mulf %sub3A_79, %sub3A_79 : vector<1000x256xf32>
    %reduce_sum3A_81 = arith.constant dense<0.000000e+00> : vector<1000xf32>
    %reduce_sum3A_82 = vector.multi_reduction <add>, %mul3A_80, %reduce_sum3A_81 [1] : vector<1000x256xf32> to vector<1000xf32>
    %broadcast_in_dim3A_83 = vector.shape_cast %reduce_sum3A_82 : vector<1000xf32> to vector<1000x1xf32>
    %div3A_84 = arith.constant 2.560000e+02 : f32
    %div3A_85 = vector.broadcast %div3A_84 : f32 to vector<1000x1xf32>
    %div3A_86 = arith.divf %broadcast_in_dim3A_83, %div3A_85 : vector<1000x1xf32>
    %add3A_87 = arith.constant 9.99999974E-6 : f32
    %add3A_88 = vector.broadcast %add3A_87 : f32 to vector<1000x1xf32>
    %add3A_89 = arith.addf %div3A_86, %add3A_88 : vector<1000x1xf32>
    %rsqrt3A = math.rsqrt %add3A_89 : vector<1000x1xf32>
    %mul3A_90 = vector.broadcast %rsqrt3A : vector<1000x1xf32> to vector<1000x256xf32>
    %mul3A_91 = arith.mulf %sub3A_79, %mul3A_90 : vector<1000x256xf32>
    %max3A_92 = arith.constant 0.000000e+00 : f32
    %max3A_93 = vector.broadcast %max3A_92 : f32 to vector<1000x256xf32>
    %max3A_94 = arith.maximumf %mul3A_91, %max3A_93 : vector<1000x256xf32>
    %get3A_95 = arith.constant 0 : index
    %get3A_96 = arith.constant 0 : index
    %get3A_97 = vector.load %arg17[%get3A_95, %get3A_96] : memref<256x128xf32, #tpu.memory_space<vmem>>, vector<256x128xf32>
    %dot_general3A_98 = arith.constant dense<0.000000e+00> : vector<1000x128xf32>
    %dot_general3A_99 = tpu.matmul %max3A_94, %get3A_97, %dot_general3A_98 {dimension_numbers = #tpu.dot_dimension_numbers<[1], [0], [0], [1], [0, 0, 1, 1], [], []>, transpose_lhs_hint = false} : vector<1000x256xf32>, vector<256x128xf32>, vector<1000x128xf32> -> vector<1000x128xf32>
    %reduce_sum3A_100 = arith.constant dense<0.000000e+00> : vector<1000xf32>
    %reduce_sum3A_101 = vector.multi_reduction <add>, %dot_general3A_99, %reduce_sum3A_100 [1] : vector<1000x128xf32> to vector<1000xf32>
    %broadcast_in_dim3A_102 = vector.shape_cast %reduce_sum3A_101 : vector<1000xf32> to vector<1000x1xf32>
    %div3A_103 = arith.constant 1.280000e+02 : f32
    %div3A_104 = vector.broadcast %div3A_103 : f32 to vector<1000x1xf32>
    %div3A_105 = arith.divf %broadcast_in_dim3A_102, %div3A_104 : vector<1000x1xf32>
    %sub3A_106 = vector.broadcast %div3A_105 : vector<1000x1xf32> to vector<1000x128xf32>
    %sub3A_107 = arith.subf %dot_general3A_99, %sub3A_106 : vector<1000x128xf32>
    %mul3A_108 = arith.mulf %sub3A_107, %sub3A_107 : vector<1000x128xf32>
    %reduce_sum3A_109 = arith.constant dense<0.000000e+00> : vector<1000xf32>
    %reduce_sum3A_110 = vector.multi_reduction <add>, %mul3A_108, %reduce_sum3A_109 [1] : vector<1000x128xf32> to vector<1000xf32>
    %broadcast_in_dim3A_111 = vector.shape_cast %reduce_sum3A_110 : vector<1000xf32> to vector<1000x1xf32>
    %div3A_112 = arith.constant 1.280000e+02 : f32
    %div3A_113 = vector.broadcast %div3A_112 : f32 to vector<1000x1xf32>
    %div3A_114 = arith.divf %broadcast_in_dim3A_111, %div3A_113 : vector<1000x1xf32>
    %add3A_115 = arith.constant 9.99999974E-6 : f32
    %add3A_116 = vector.broadcast %add3A_115 : f32 to vector<1000x1xf32>
    %add3A_117 = arith.addf %div3A_114, %add3A_116 : vector<1000x1xf32>
    %rsqrt3A_118 = math.rsqrt %add3A_117 : vector<1000x1xf32>
    %mul3A_119 = vector.broadcast %rsqrt3A_118 : vector<1000x1xf32> to vector<1000x128xf32>
    %mul3A_120 = arith.mulf %sub3A_107, %mul3A_119 : vector<1000x128xf32>
    %max3A_121 = arith.constant 0.000000e+00 : f32
    %max3A_122 = vector.broadcast %max3A_121 : f32 to vector<1000x128xf32>
    %max3A_123 = arith.maximumf %mul3A_120, %max3A_122 : vector<1000x128xf32>
    %add3A_124 = arith.addf %get3A_1, %max3A_123 : vector<1000x128xf32>
    %max3A_125 = arith.constant 0.000000e+00 : f32
    %max3A_126 = vector.broadcast %max3A_125 : f32 to vector<1000x128xf32>
    %max3A_127 = arith.maximumf %add3A_124, %max3A_126 : vector<1000x128xf32>
    %swap3A = arith.constant 0 : index
    %swap3A_128 = arith.constant 0 : index
    %swap3A_129 = vector.load %arg18[%swap3A, %swap3A_128] : memref<1000x128xf32, #tpu.memory_space<vmem>>, vector<1000x128xf32>
    tpu.vector_store %arg18[%swap3A, %swap3A_128], %max3A_127 {strides = array<i32>} : memref<1000x128xf32, #tpu.memory_space<vmem>>, vector<1000x128xf32>,
    return
  }
  func.func @transform_0(%arg0: i32) -> (i32, i32) {
    %c0_i32 = arith.constant 0 : i32
    %c0_i32_0 = arith.constant 0 : i32
    return %arg0, %c0_i32 : i32, i32
  }
  func.func @transform_1(%arg0: i32) -> (i32, i32) {
    %c0_i32 = arith.constant 0 : i32
    %c0_i32_0 = arith.constant 0 : i32
    return %arg0, %c0_i32 : i32, i32
  }
  func.func @transform_2(%arg0: i32) -> (i32, i32) {
    %c0_i32 = arith.constant 0 : i32
    %c0_i32_0 = arith.constant 0 : i32
    return %arg0, %c0_i32 : i32, i32
  }
  func.func @transform_3(%arg0: i32) -> (i32, i32) {
    %c0_i32 = arith.constant 0 : i32
    %c0_i32_0 = arith.constant 0 : i32
    return %arg0, %c0_i32 : i32, i32
  }
  func.func @transform_4(%arg0: i32) -> (i32, i32) {
    %c0_i32 = arith.constant 0 : i32
    %c0_i32_0 = arith.constant 0 : i32
    return %arg0, %c0_i32 : i32, i32
  }
  func.func @transform_5(%arg0: i32) -> (i32, i32) {
    %c0_i32 = arith.constant 0 : i32
    %c0_i32_0 = arith.constant 0 : i32
    return %arg0, %c0_i32 : i32, i32
  }
  func.func @transform_6(%arg0: i32) -> (i32, i32) {
    %c0_i32 = arith.constant 0 : i32
    %c0_i32_0 = arith.constant 0 : i32
    return %arg0, %c0_i32 : i32, i32
  }
  func.func @transform_7(%arg0: i32) -> (i32, i32) {
    %c0_i32 = arith.constant 0 : i32
    %c0_i32_0 = arith.constant 0 : i32
    return %arg0, %c0_i32 : i32, i32
  }
  func.func @transform_8(%arg0: i32) -> (i32, i32) {
    %c0_i32 = arith.constant 0 : i32
    %c0_i32_0 = arith.constant 0 : i32
    return %arg0, %c0_i32 : i32, i32
  }
  func.func @transform_9(%arg0: i32) -> (i32, i32) {
    %c0_i32 = arith.constant 0 : i32
    %c0_i32_0 = arith.constant 0 : i32
    return %arg0, %c0_i32 : i32, i32
  }
  func.func @transform_10(%arg0: i32) -> (i32, i32) {
    %c0_i32 = arith.constant 0 : i32
    %c0_i32_0 = arith.constant 0 : i32
    return %arg0, %c0_i32 : i32, i32
  }
  func.func @transform_11(%arg0: i32) -> (i32, i32) {
    %c0_i32 = arith.constant 0 : i32
    %c0_i32_0 = arith.constant 0 : i32
    %c0_i32_1 = arith.constant 0 : i32
    return %c0_i32, %c0_i32_0 : i32, i32
  }
  func.func @transform_12(%arg0: i32) -> (i32, i32) {
    %c0_i32 = arith.constant 0 : i32
    %c0_i32_0 = arith.constant 0 : i32
    %c0_i32_1 = arith.constant 0 : i32
    return %c0_i32, %c0_i32_0 : i32, i32
  }
  func.func @transform_13(%arg0: i32) -> (i32, i32) {
    %c0_i32 = arith.constant 0 : i32
    %c0_i32_0 = arith.constant 0 : i32
    %c0_i32_1 = arith.constant 0 : i32
    return %c0_i32, %c0_i32_0 : i32, i32
  }
  func.func @transform_14(%arg0: i32) -> (i32, i32) {
    %c0_i32 = arith.constant 0 : i32
    %c0_i32_0 = arith.constant 0 : i32
    %c0_i32_1 = arith.constant 0 : i32
    return %c0_i32, %c0_i32_0 : i32, i32
  }
  func.func @transform_15(%arg0: i32) -> (i32, i32) {
    %c0_i32 = arith.constant 0 : i32
    %c0_i32_0 = arith.constant 0 : i32
    %c0_i32_1 = arith.constant 0 : i32
    return %c0_i32, %c0_i32_0 : i32, i32
  }
  func.func @transform_16(%arg0: i32) -> (i32, i32) {
    %c0_i32 = arith.constant 0 : i32
    %c0_i32_0 = arith.constant 0 : i32
    %c0_i32_1 = arith.constant 0 : i32
    return %c0_i32, %c0_i32_0 : i32, i32
  }
  func.func @transform_17(%arg0: i32) -> (i32, i32) {
    %c0_i32 = arith.constant 0 : i32
    %c0_i32_0 = arith.constant 0 : i32
    return %arg0, %c0_i32 : i32, i32
  }
}

</mosaic_0001>

<sc_bundles>
// kernel: kernel.10.cloned.1.call-start
scs
__scs_entry_jumppad:
0x0: {  	(pc) =	sbr.rel $0x88, $3  }
0x1: {  	(tag) =	ssettag $0x0;
	lr =	simm.s32 $0x1  }
0x2: {  	[smem:$0x3F8E] =	sst lr;
	_ =	strace $0xD0000000  }
0x3: {  	_ = 	snop  }
0x4: {  	_ = 	snop  }
0x5: {  	_ = 	snop  }
0x6: {  	_ = 	snop  }
0x7: {  	_ = 	snop  }
__scs_overlays_trampoline_lowered:
0x8: {  	[smem:$0x3F9D] =	sst s0  }
0x9: {  	[smem:$0x3F9E] =	sst s1  }
0xa: {  	[smem:$0x3F9F] =	sst s2  }
0xb: {  	[smem:$0x3FA0] =	sst s3  }
0xc: {  	[smem:$0x3FA1] =	sst s4  }
0xd: {  	[smem:$0x3FA2] =	sst s5  }
0xe: {  	[smem:$0x3FA3] =	sst s6  }
0xf: {  	[smem:$0x3FA4] =	sst s7  }
0x10: {  	[smem:$0x3FA5] =	sst s8  }
0x11: {  	[smem:$0x3FA6] =	sst s9;
	s0 =	simm.s32 @!p0 $0x0  }
0x12: {  	s1 =	sld [smem:$0x3F8C];
	s0 =	simm.s32 @p0 $0x1  }
0x13: {  	[smem:$0x3FA7] =	sst s0;
	s0 =	simm.s32 @!p1 $0x0  }
0x14: {  	s2 =	sld [smem:$0x3F8B];
	s0 =	simm.s32 @p1 $0x1  }
0x15: {  	[smem:$0x3FA8] =	sst s0;
	s0 =	simm.s32 @!p2 $0x0  }
0x16: {  	s3 =	sld [smem:$0x3FDB];
	s0 =	simm.s32 @p2 $0x1  }
0x17: {  	s4 =	simm.s32 $0x1BF5;
	[smem:$0x3FAA] =	sst s0  }
0x18: {  	s0 =	sld [smem:$0x3F8D];
	_ =	swait.ge [sflag:s4], $0x0  }
0x19: {  	s7 =	sld [smem:$0x3F8E]  }
0x1a: {  	s8 =	sadd.s32 $0xFFFFE003, lr  }
0x1b: {  	s9 =	sadd.s32 $0xFFFFFEF7, lr;
	s5 =	simm.s32 $0xFFFFFFFF;
	p2 =	slt.u32 s8, $0xFFFFF086  }
0x1c: {  	p1 =	slt.u32 s9, $0xF7A;
	s5 =	simm.s32 @!p2 $0x0  }
0x1d: {  	s5 =	simm.s32 @p1 $0x1;
	p0 =	seq.s32 s7, s2  }
0x1e: {  	s7 =	smul.u32 @!p0 $0xF7A, s2;
	p2 =	seq.s32 @!p0 s5, $0x0  }
0x1f: {  	s9 =	smul.u32 $0xF7A, s1;
	s8 =	simm.s32 @!p0 $0x1BF5;
	p2 =	por !p2, p0  }
0x20: {  	[sflag:s8] =	ssyncset.s32 @!p0 $0xFFFFF086;
	s6 =	sadd.s32 @!p0 s3, s7;
	s7 =	simm.s32 @!p0 $0x108  }
0x21: {  	s3 =	sadd.s32 s3, s9;
	s6 =	sadd.s32 @!p0 $0x88, s6;
	s7 =	simm.s32 @p2 $0x1082  }
0x22: {  	[simem:s7], [sflag:s8] =	dma.local @!p0 [hbm:s6], $0xF7A  }
0x23: {  	s9 =	sor.u32 $0xD0000000, s2;
	s6 =	simm.s32 $0x108;
	_ =	swait.ge @!p0 [sflag:s8], $0x0  }
0x24: {  	s3 =	sadd.s32 $0x88, s3;
	s6 =	simm.s32 @!p1 $0x1082;
	[sflag:s4] =	ssyncset.s32 $0xFFFFF086  }
0x25: {  	[simem:s6], [sflag:s4] =	dma.local [hbm:s3], $0xF7A  }
0x26: {  	[smem:$0x3F8E] =	sst s1;
	(tag) =	ssettag s2;
	_ =	strace s9  }
0x27: {  	s1 =	sld [smem:$0x3F9E]  }
0x28: {  	s2 =	sld [smem:$0x3F9F]  }
0x29: {  	s4 =	sld [smem:$0x3FA1]  }
0x2a: {  	p0 =	seq.s32 s5, $0x0;
	s5 =	sld [smem:$0x3FA2]  }
0x2b: {  	s6 =	sld [smem:$0x3FA3]  }
0x2c: {  	s7 =	sld [smem:$0x3FA4]  }
0x2d: {  	s3 =	simm.s32 $0x108;
	s8 =	sld [smem:$0x3FA5]  }
0x2e: {  	s3 =	simm.s32 @!p0 $0x1082;
	s9 =	sld [smem:$0x3FA6]  }
0x2f: {  	lr =	sadd.s32 s0, s3;
	s0 =	sld [smem:$0x3F9D]  }
0x30: {  	s3 =	sld [smem:$0x3FA0]  }
0x31: {  	[smem:$0x3FA9] =	sst s10  }
0x32: {  	s10 =	sld [smem:$0x3FA7];
	_ =	sdelay $0x3  }
0x33: {  	p0 =	seq.s32 s10, $0x1;
	s10 =	sld [smem:$0x3FA9];
	_ =	sdelay $0x3  }
0x34: {  	[smem:$0x3FA9] =	sst s10  }
0x35: {  	s10 =	sld [smem:$0x3FA8];
	_ =	sdelay $0x3  }
0x36: {  	p1 =	seq.s32 s10, $0x1;
	s10 =	sld [smem:$0x3FA9];
	_ =	sdelay $0x3  }
0x37: {  	[smem:$0x3FA9] =	sst s10  }
0x38: {  	s10 =	sld [smem:$0x3FAA]  }
0x39: {  	_ = 	snop;
	(pc) =	sbr.ind lr, $3  }
0x3a: {  	_ = 	snop  }
0x3b: {  	_ = 	snop  }
0x3c: {  	p2 =	seq.s32 s10, $0x1;
	s10 =	sld [smem:$0x3FA9]  }
0x3d: {  	_ =	shalt  }
0x3e: {  	_ =	shalt  }
0x3f: {  	_ =	shalt  }
0x40: {  	_ =	shalt  }
0x41: {  	_ =	shalt  }
0x42: {  	_ =	shalt  }
0x43: {  	_ =	shalt  }
0x44: {  	_ =	shalt  }
0x45: {  	_ =	shalt  }
0x46: {  	_ =	shalt  }
0x47: {  	_ =	shalt  }
0x48: {  	_ =	shalt  }
0x49: {  	_ =	shalt  }
0x4a: {  	_ =	shalt  }
0x4b: {  	_ =	shalt  }
0x4c: {  	_ =	shalt  }
0x4d: {  	_ =	shalt  }
0x4e: {  	_ =	shalt  }
0x4f: {  	_ =	shalt  }
0x50: {  	_ =	shalt  }
0x51: {  	_ =	shalt  }
0x52: {  	_ =	shalt  }
0x53: {  	_ =	shalt  }
0x54: {  	_ =	shalt  }
0x55: {  	_ =	shalt  }
0x56: {  	_ =	shalt  }
0x57: {  	_ =	shalt  }
0x58: {  	_ =	shalt  }
0x59: {  	_ =	shalt  }
0x5a: {  	_ =	shalt  }
0x5b: {  	_ =	shalt  }
0x5c: {  	_ =	shalt  }
0x5d: {  	_ =	shalt  }
0x5e: {  	_ =	shalt  }
0x5f: {  	_ =	shalt  }
0x60: {  	_ =	shalt  }
0x61: {  	_ =	shalt  }
0x62: {  	_ =	shalt  }
0x63: {  	_ =	shalt  }
0x64: {  	_ =	shalt  }
0x65: {  	_ =	shalt  }
0x66: {  	_ =	shalt  }
0x67: {  	_ =	shalt  }
0x68: {  	_ =	shalt  }
0x69: {  	_ =	shalt  }
0x6a: {  	_ =	shalt  }
0x6b: {  	_ =	shalt  }
0x6c: {  	_ =	shalt  }
0x6d: {  	_ =	shalt  }
0x6e: {  	_ =	shalt  }
0x6f: {  	_ =	shalt  }
0x70: {  	_ =	shalt  }
0x71: {  	_ =	shalt  }
0x72: {  	_ =	shalt  }
0x73: {  	_ =	shalt  }
0x74: {  	_ =	shalt  }
0x75: {  	_ =	shalt  }
0x76: {  	_ =	shalt  }
0x77: {  	_ =	shalt  }
0x78: {  	_ =	shalt  }
0x79: {  	_ =	shalt  }
0x7a: {  	_ =	shalt  }
0x7b: {  	_ =	shalt  }
0x7c: {  	_ =	shalt  }
0x7d: {  	_ =	shalt  }
0x7e: {  	_ =	shalt  }
0x7f: {  	_ =	shalt  }
0x80: {  	_ =	shalt  }
0x81: {  	_ =	shalt  }
0x82: {  	_ =	shalt  }
0x83: {  	_ =	shalt  }
0x84: {  	_ =	shalt  }
0x85: {  	_ =	shalt  }
0x86: {  	_ =	shalt  }
0x87: {  	_ =	shalt  }
.Lfunc_end0:
.L_simem_size_0:
called_computation_lowered:
.L_overlay_start_0:
0x88: {  	s2 =	sld [smem:$0x3FD9]  }
0x89: {  	s3 =	sld [smem:$0x3FFE];
	_ =	sdelay $0x1  }
0x8a: {  	s1 =	srdreg.scid  }
0x8b: {  	s0 =	sand.u32 $0x1, s1  }
0x8c: {  	s17 =	sshll.u32 s0, $0xA;
	s2 =	sadd.s32 s3, s2  }
0x8d: {  	s2 =	sadd.s32 s2, s17  }
0x8e: {  	[smem:$0x3FB5] =	sst s2  }
0x8f: {  	_ = 	snop  }
0x90: {  	s18 =	sld [smem:$0x3FD0];
	(tm) =	ssettm $0x1  }
0x91: {  	s19 =	sld [smem:$0x3FFB];
	_ =	sdelay $0x3  }
0x92: {  	_ =	strace s19  }
0x93: {  	s2 =	sld [smem:$0x3FFC];
	_ =	sdelay $0x3  }
0x94: {  	_ =	strace s2  }
0x95: {  	s2 =	sld [smem:$0x3FFD];
	_ =	sdelay $0x3  }
0x96: {  	_ =	strace s2  }
0x97: {  	_ =	strace $0x8FFFFFFF  }
0x98: {  	s20 =	sld [smem:$0x3FDB];
	_ =	sdelay $0x1  }
0x99: {  	s4 =	simm.s32 $_scs_section_size  }
0x9a: {  	s5 =	simm.s32 $_size__tile_overlayer_lowered;
	s6 =	simm.s32 $_tile_overlayer_lowered  }
0x9b: {  	s7 =	simm.s32 $0x1BFF;
	s21 =	sshll.u32 s6, $0x1;
	s4 =	sadd.s32 s4, s20  }
0x9c: {  	s22 =	simm.s32 $0x0;
	s5 =	sshll.u32 s5, $0x1;
	s6 =	sadd.s32 s21, s4  }
0x9d: {  	[timem:s22], [sflag:s7] =	dma.local [hbm:s6], s5  }
0x9e: {  	_ =	swait.ge [sflag:s7], s5  }
0x9f: {  	s5 =	ssub.s32 $0x0, s5;
	[sflag:s7] =	ssyncset.done $0x0  }
0xa0: {  	[sflag:s7] =	ssyncadd.s32 s5;
	_ =	sdelay $0x1  }
0xa1: {  	s23 =	simm.s32 $0x1B8B  }
0xa2: {  	_ =	swait.ge [sflag:s23], $0x1  }
0xa3: {  	[sflag:s23] =	ssyncset.done $0x0  }
0xa4: {  	[sflag:s23] =	ssyncadd.s32 $0xFFFFFFFF  }
0xa5: {  	s5 =	sld [smem:$0x0]  }
0xa6: {  	s6 =	sand.u32 $0xFFFFFFFE, s1  }
0xa7: {  	p0 =	sne.s32 s1, s6  }
0xa8: {  	s6 =	sshll.u32 @p0 s6, $0xE  }
0xa9: {  	s6 =	sadd.s32 @p0 $0x11B8D, s6;
	s7 =	sshll.u32 @p0 s5, $0x11  }
0xaa: {  	s6 =	sor.u32 @p0 s7, s6  }
0xab: {  	[sflag:s6] =	ssyncadd.remote.s32 @p0 $0x1;
	_ =	sdelay $0x1  }
0xac: {  	s6 =	simm.s32 @p0 $0x1B8D  }
0xad: {  	_ =	swait.eq @p0 [sflag:s6], $0x1  }
0xae: {  	[sflag:s6] =	ssyncadd.s32 @p0 $0xFFFFFFFF  }
0xaf: {  	s7 =	sshll.u32 @!p0 s1, $0xE  }
0xb0: {  	s7 =	sor.u32 @!p0 $0x4000, s7;
	s6 =	simm.s32 @!p0 $0x1B8D  }
0xb1: {  	s5 =	sshll.u32 @!p0 s5, $0x11;
	s7 =	sadd.s32 @!p0 $0x11B8D, s7;
	_ =	swait.eq @!p0 [sflag:s6], $0x1  }
0xb2: {  	s5 =	sor.u32 @!p0 s5, s7;
	[sflag:s6] =	ssyncadd.s32 @!p0 $0xFFFFFFFF  }
0xb3: {  	s25 =	simm.s32 $0x1B8E;
	s24 =	sld [smem:$0x3FFE];
	[sflag:s5] =	ssyncadd.remote.s32 @!p0 $0x1  }
0xb4: {  	s26 =	simm.s32 $execute0_lowered;
	[smem:$0x3FD2] =	sst s25  }
0xb5: {  	s6 =	sshll.u32 s26, $0x1;
	_ =	strace $0x80000049;
	[dreg:$0x1] =	wrdreg $0xFFFFFFFF  }
0xb6: {  	s28 =	simm.s32 $_size_execute0_lowered;
	s4 =	sadd.s32 s4, s6;
	[dreg:$0x0] =	wrdreg $0x0  }
0xb7: {  	s6 =	sshll.u32 s28, $0x1;
	[dreg:$0x2] =	wrdreg s4  }
0xb8: {  	[dreg:$0x3] =	wrdreg s6  }
0xb9: {  	[dreg:$0x4] =	wrdreg $0xC0  }
0xba: {  	_ =	task [dreg:s22], $0x5FFFF  }
0xbb: {  	[dreg:$0x1] =	wrdreg $0xFFFFFFFF  }
0xbc: {  	[dreg:$0x0] =	wrdreg $0x60  }
0xbd: {  	[dreg:$0x2] =	wrdreg s18  }
0xbe: {  	[dreg:$0x3] =	wrdreg s24  }
0xbf: {  	[dreg:$0x4] =	wrdreg $0x9  }
0xc0: {  	_ =	task.clear_ibuf [dreg:s22], $0x5FFFF;
	_ =	strace $0x90000049  }
0xc1: {  	s29 =	simm.s32 $0x9;
	_ =	strace $0x8000004B  }
0xc2: {  	_ =	swait.ge [sflag:s29], $0x1  }
0xc3: {  	[sflag:s29] =	ssyncadd.s32 $0xFFFFFFFF  }
0xc4: {  	_ =	strace $0x9000004B  }
0xc5: {  	_ =	sfence  }
0xc6: {  	s30 =	sld [smem:$0x0];
	_ =	sdelay $0x2  }
0xc7: {  	s31 =	sshll.u32 s1, $0xD;
	s1 =	sshrl.u32 s1, $0x2  }
0xc8: {  	s4 =	sand.u32 $0x4000, s31;
	s1 =	sadd.s32 s1, s30  }
0xc9: {  	s0 =	sor.u32 s4, s0;
	s1 =	sshll.u32 s1, $0x11  }
0xca: {  	s0 =	sor.u32 s1, s0  }
0xcb: {  	s0 =	sadd.s32 $0x8F2B, s0  }
0xcc: {  	[sflag:s0] =	ssyncadd.remote.s32 $0x1  }
0xcd: {  	_ =	sfence.sel $0xFFFF  }
0xce: {  	[dreg:$0x0] =	wrdreg $0xFFFFFFFF;
	(pc) =	sbr.abs _section_cstart, $3  }
0xcf: {  	[dreg:$0x1] =	wrdreg $0xFFFFFFFF  }
0xd0: {  	_ =	task.clear_ibuf [dreg:s22], $0x2FFFF;
	_ =	strace $0x9FFFFFFF  }
0xd1: {  	(tm) =	ssettm $0x7FFFFFFF  }
tec
execute0_lowered:
.L_overlay_start_1:
0x0: {  	(tag) =	ssettag $0x1  }
0x1: {  	s2 =	rddreg [dreg:$0x0]  }
0x2: {  	s4 =	rddreg [dreg:$0x1]  }
0x3: {  	s0 =	rddreg [dreg:$0x2];
	s1 =	stileid.u32  }
0x4: {  	s3 =	simm.s32 $0x0;
	s6 =	srdreg.scid;
	s10 =	simm.s32 $0x100  }
0x5: {  	s11 =	simm.s32 $0x180;
	s12 =	simm.s32 $0x200;
	s13 =	simm.s32 $0x1  }
0x6: {  	s14 =	simm.s32 $0x50;
	s15 =	simm.s32 $0x280;
	s16 =	simm.s32 $0x2A80  }
0x7: {  	s17 =	simm.s32 $0x5280;
	s18 =	simm.s32 $0x7A80;
	s19 =	simm.s32 $0xA280  }
0x8: {  	s20 =	simm.s32 $0x2;
	s21 =	simm.s32 $0x3;
	s5 =	smul.u32 $0x4B0, s1  }
0x9: {  	s22 =	simm.s32 $0x0;
	[smem:$0x7FF] =	sst s3;
	s7 =	smul.u32 $0x25800, s1  }
.Ltmp0:
0xa: {  	s6 =	sand.u32 $0x1, s6;
	_ =	strace $0x8000004A;
	(pc) =	sbr.rel .LBB2_1-.Ltmp0, $4  }
0xb: {  	s8 =	ssub.s32 $0x2, s6;
	p0 =	seq.s32 s6, $0x1;
	s7 =	sadd.s32 s7, s4  }
0xc: {  	s9 =	sadd.s32 s5, s4;
	s30 =	sshrl.u32 s8, $0x1;
	s4 =	sadd.s32 $0x52E600, s7  }
0xd: {  	s31 =	ssub.s32 s8, s30;
	s6 =	sadd.s32 $0x524E00, s9;
	s7 =	sadd.s32 $0x786600, s7  }
0xe: {  	s8 =	sadd.s32 $0x529A00, s9;
	s9 =	simm.s32 $0x80;
	s5 =	smax.u32 s31, $0x1  }
.LBB2_7:
0xf: {  	s24 =	sadd.s32 s24, s8;
	[sflag:s21] =	ssyncadd.s32 $0xFFFF3800  }
0x10: {  	[tilespmem:s3], [sflag:$0x1] =	stream.linear.gather [hbm4b:s24+s3], $0x50, $0x38;
	[tilespmem:$0xCA80] =	vst v63  }
0x11: {  	s25 =	sadd.s32 $0xA, s24  }
0x12: {  	[tilespmem:s9], [sflag:$0x1] =	stream.linear.gather [hbm4b:s25+s3], $0x50, $0x38;
	[tilespmem:$0xCA80] =	vst v63  }
0x13: {  	s30 =	sadd.s32 $0x14, s24  }
0x14: {  	[tilespmem:s10], [sflag:$0x1] =	stream.linear.gather [hbm4b:s30+s3], $0x50, $0x38;
	[tilespmem:$0xCA80] =	vst v63  }
0x15: {  	s31 =	sadd.s32 $0x1E, s24  }
0x16: {  	[tilespmem:s11], [sflag:$0x1] =	stream.linear.gather [hbm4b:s31+s3], $0x50, $0x38;
	[tilespmem:$0xCA80] =	vst v63  }
0x17: {  	s24 =	sadd.s32 $0x28, s24  }
0x18: {  	[tilespmem:s12], [sflag:$0x1] =	stream.linear.gather [hbm4b:s24+s3], $0x50, $0x38;
	[tilespmem:$0xCA80] =	vst v63  }
0x19: {  	_ =	swait.ge [sflag:s13], $0x50  }
0x1a: {  	[sflag:s13] =	ssyncset.done $0x0  }
0x1b: {  	[sflag:s13] =	ssyncadd.s32 $0xFFFFFFB0  }
0x1c: {  	_ =	swait.ge [sflag:s13], $0x50  }
0x1d: {  	[sflag:s13] =	ssyncset.done $0x0  }
0x1e: {  	[sflag:s13] =	ssyncadd.s32 $0xFFFFFFB0  }
0x1f: {  	_ =	swait.ge [sflag:s13], $0x50  }
0x20: {  	[sflag:s13] =	ssyncset.done $0x0  }
0x21: {  	[sflag:s13] =	ssyncadd.s32 $0xFFFFFFB0  }
0x22: {  	_ =	swait.ge [sflag:s13], $0x50  }
0x23: {  	[sflag:s13] =	ssyncset.done $0x0  }
0x24: {  	[sflag:s13] =	ssyncadd.s32 $0xFFFFFFB0  }
0x25: {  	_ =	swait.ge [sflag:s13], $0x50  }
0x26: {  	[sflag:s13] =	ssyncset.done $0x0  }
0x27: {  	[sflag:s13] =	ssyncadd.s32 $0xFFFFFFB0  }
0x28: {  	[tilespmem:s15], [sflag:$0x2] =	stream.indirect.gather [hbm4b:s2+s14], $0x80, s3, s14, $0xb8;
	[tilespmem:$0xCA80] =	vst v63  }
0x29: {  	_ = 	snop  }
0x2a: {  	[tilespmem:s16], [sflag:$0x2] =	stream.indirect.gather [hbm4b:s2+s14], $0x80, s9, s14, $0xb8;
	[tilespmem:$0xCA80] =	vst v63  }
0x2b: {  	_ = 	snop  }
0x2c: {  	[tilespmem:s17], [sflag:$0x2] =	stream.indirect.gather [hbm4b:s2+s14], $0x80, s10, s14, $0xb8;
	[tilespmem:$0xCA80] =	vst v63  }
0x2d: {  	_ = 	snop  }
0x2e: {  	[tilespmem:s18], [sflag:$0x2] =	stream.indirect.gather [hbm4b:s2+s14], $0x80, s11, s14, $0xb8;
	[tilespmem:$0xCA80] =	vst v63  }
0x2f: {  	_ = 	snop  }
0x30: {  	[tilespmem:s19], [sflag:$0x2] =	stream.indirect.gather [hbm4b:s2+s14], $0x80, s12, s14, $0xb8;
	[tilespmem:$0xCA80] =	vst v63  }
0x31: {  	_ =	swait.ge [sflag:s20], $0x2800  }
0x32: {  	[sflag:s20] =	ssyncset.done $0x0  }
0x33: {  	[sflag:s20] =	ssyncadd.s32 $0xFFFFD800  }
0x34: {  	_ =	swait.ge [sflag:s20], $0x2800  }
0x35: {  	[sflag:s20] =	ssyncset.done $0x0  }
0x36: {  	[sflag:s20] =	ssyncadd.s32 $0xFFFFD800  }
0x37: {  	_ =	swait.ge [sflag:s20], $0x2800  }
0x38: {  	[sflag:s20] =	ssyncset.done $0x0  }
0x39: {  	[sflag:s20] =	ssyncadd.s32 $0xFFFFD800  }
0x3a: {  	_ =	swait.ge [sflag:s20], $0x2800  }
0x3b: {  	[sflag:s20] =	ssyncset.done $0x0  }
0x3c: {  	[sflag:s20] =	ssyncadd.s32 $0xFFFFD800  }
0x3d: {  	_ =	swait.ge [sflag:s20], $0x2800  }
0x3e: {  	[sflag:s20] =	ssyncset.done $0x0  }
0x3f: {  	[sflag:s20] =	ssyncadd.s32 $0xFFFFD800  }
0x40: {  	[hbm4b:s23+s3] =	stream.linear.scatter [tilespmem:s15], [sflag:$0x3], $0xC800, $0x38;
	[tilespmem:$0xCA80] =	vst v63  }
0x41: {  	_ =	swait.ge [sflag:s21], $0xC800  }
0x42: {  	[sflag:s21] =	ssyncset.done $0x0  }
0x43: {  	[sflag:s21] =	ssyncadd.s32 $0xFFFF3800  }
.LBB2_8:
0x44: {  	s22 =	sadd.s32 $0x1, s22  }
0x45: {  	p1 =	sne.s32 s22, s5  }
.Ltmp1:
0x46: {  	_ = 	snop;
	(pc) =	sbr.rel @!p1 .LBB2_9-.Ltmp1, $1  }
0x47: {  	_ =	sdelay $0x3  }
.LBB2_1:
.Ltmp2:
0x48: {  	(pc) =	sbr.rel @!p0 .LBB2_2-.Ltmp2, $1  }
0x49: {  	_ =	sdelay $0x3  }
0x4a: {  	s23 =	sadd.s32 $0x0, s8  }
0x4b: {  	[tilespmem:s3], [sflag:$0x1] =	stream.linear.gather [hbm4b:s23+s3], $0x50, $0x38;
	[tilespmem:$0xCA80] =	vst v63  }
0x4c: {  	s24 =	sadd.s32 $0xA, s23  }
0x4d: {  	[tilespmem:s9], [sflag:$0x1] =	stream.linear.gather [hbm4b:s24+s3], $0x50, $0x38;
	[tilespmem:$0xCA80] =	vst v63  }
0x4e: {  	s30 =	sadd.s32 $0x14, s23  }
0x4f: {  	[tilespmem:s10], [sflag:$0x1] =	stream.linear.gather [hbm4b:s30+s3], $0x50, $0x38;
	[tilespmem:$0xCA80] =	vst v63  }
0x50: {  	s31 =	sadd.s32 $0x1E, s23  }
0x51: {  	[tilespmem:s11], [sflag:$0x1] =	stream.linear.gather [hbm4b:s31+s3], $0x50, $0x38;
	[tilespmem:$0xCA80] =	vst v63  }
0x52: {  	s23 =	sadd.s32 $0x28, s23  }
0x53: {  	[tilespmem:s12], [sflag:$0x1] =	stream.linear.gather [hbm4b:s23+s3], $0x50, $0x38;
	[tilespmem:$0xCA80] =	vst v63  }
0x54: {  	_ =	swait.ge [sflag:s13], $0x50  }
0x55: {  	[sflag:s13] =	ssyncset.done $0x0  }
0x56: {  	[sflag:s13] =	ssyncadd.s32 $0xFFFFFFB0  }
0x57: {  	_ =	swait.ge [sflag:s13], $0x50  }
0x58: {  	[sflag:s13] =	ssyncset.done $0x0  }
0x59: {  	[sflag:s13] =	ssyncadd.s32 $0xFFFFFFB0  }
0x5a: {  	_ =	swait.ge [sflag:s13], $0x50  }
0x5b: {  	[sflag:s13] =	ssyncset.done $0x0  }
0x5c: {  	[sflag:s13] =	ssyncadd.s32 $0xFFFFFFB0  }
0x5d: {  	_ =	swait.ge [sflag:s13], $0x50  }
0x5e: {  	[sflag:s13] =	ssyncset.done $0x0  }
0x5f: {  	[sflag:s13] =	ssyncadd.s32 $0xFFFFFFB0  }
0x60: {  	_ =	swait.ge [sflag:s13], $0x50  }
0x61: {  	[sflag:s13] =	ssyncset.done $0x0  }
0x62: {  	[sflag:s13] =	ssyncadd.s32 $0xFFFFFFB0  }
0x63: {  	[tilespmem:s15], [sflag:$0x2] =	stream.indirect.gather [hbm4b:s2+s14], $0x80, s3, s14, $0xb8;
	[tilespmem:$0xCA80] =	vst v63  }
0x64: {  	_ = 	snop  }
0x65: {  	[tilespmem:s16], [sflag:$0x2] =	stream.indirect.gather [hbm4b:s2+s14], $0x80, s9, s14, $0xb8;
	[tilespmem:$0xCA80] =	vst v63  }
0x66: {  	_ = 	snop  }
0x67: {  	[tilespmem:s17], [sflag:$0x2] =	stream.indirect.gather [hbm4b:s2+s14], $0x80, s10, s14, $0xb8;
	[tilespmem:$0xCA80] =	vst v63  }
0x68: {  	_ = 	snop  }
0x69: {  	[tilespmem:s18], [sflag:$0x2] =	stream.indirect.gather [hbm4b:s2+s14], $0x80, s11, s14, $0xb8;
	[tilespmem:$0xCA80] =	vst v63  }
0x6a: {  	_ = 	snop  }
0x6b: {  	[tilespmem:s19], [sflag:$0x2] =	stream.indirect.gather [hbm4b:s2+s14], $0x80, s12, s14, $0xb8;
	[tilespmem:$0xCA80] =	vst v63  }
0x6c: {  	_ =	swait.ge [sflag:s20], $0x2800  }
0x6d: {  	[sflag:s20] =	ssyncset.done $0x0  }
0x6e: {  	[sflag:s20] =	ssyncadd.s32 $0xFFFFD800  }
0x6f: {  	_ =	swait.ge [sflag:s20], $0x2800  }
0x70: {  	[sflag:s20] =	ssyncset.done $0x0  }
0x71: {  	[sflag:s20] =	ssyncadd.s32 $0xFFFFD800  }
0x72: {  	_ =	swait.ge [sflag:s20], $0x2800  }
0x73: {  	[sflag:s20] =	ssyncset.done $0x0  }
0x74: {  	[sflag:s20] =	ssyncadd.s32 $0xFFFFD800  }
0x75: {  	_ =	swait.ge [sflag:s20], $0x2800  }
0x76: {  	[sflag:s20] =	ssyncset.done $0x0  }
0x77: {  	[sflag:s20] =	ssyncadd.s32 $0xFFFFD800  }
0x78: {  	_ =	swait.ge [sflag:s20], $0x2800  }
0x79: {  	[sflag:s20] =	ssyncset.done $0x0  }
0x7a: {  	[sflag:s20] =	ssyncadd.s32 $0xFFFFD800  }
0x7b: {  	[hbm4b:s7+s3] =	stream.linear.scatter [tilespmem:s15], [sflag:$0x3], $0xC800, $0x38;
	[tilespmem:$0xCA80] =	vst v63  }
0x7c: {  	s26 =	simm.s32 $0x64;
	_ =	swait.ge [sflag:s21], $0xC800  }
0x7d: {  	s24 =	simm.s32 $0x32;
	s23 =	sadd.s32 $0x1900, s7;
	[sflag:s21] =	ssyncset.done $0x0  }
.LBB2_6:
0x7e: {  	s28 =	sadd.s32 s24, s8  }
0x7f: {  	[sflag:s21] =	ssyncadd.s32 $0xFFFF3800;
	s24 =	smov.u32 s26;
	s25 =	sadd.s32 $0x32, s26  }
0x80: {  	[tilespmem:s3], [sflag:$0x1] =	stream.linear.gather [hbm4b:s28+s3], $0x50, $0x38;
	[tilespmem:$0xCA80] =	vst v63  }
0x81: {  	p1 =	sne.s32 s26, $0x47E;
	s26 =	sadd.s32 $0xA, s28  }
0x82: {  	[tilespmem:s9], [sflag:$0x1] =	stream.linear.gather [hbm4b:s26+s3], $0x50, $0x38;
	[tilespmem:$0xCA80] =	vst v63  }
0x83: {  	s26 =	sadd.s32 $0x14, s28  }
0x84: {  	[tilespmem:s10], [sflag:$0x1] =	stream.linear.gather [hbm4b:s26+s3], $0x50, $0x38;
	[tilespmem:$0xCA80] =	vst v63  }
0x85: {  	s26 =	sadd.s32 $0x1E, s28  }
0x86: {  	[tilespmem:s11], [sflag:$0x1] =	stream.linear.gather [hbm4b:s26+s3], $0x50, $0x38;
	[tilespmem:$0xCA80] =	vst v63  }
0x87: {  	s26 =	sadd.s32 $0x28, s28  }
0x88: {  	[tilespmem:s12], [sflag:$0x1] =	stream.linear.gather [hbm4b:s26+s3], $0x50, $0x38;
	[tilespmem:$0xCA80] =	vst v63  }
0x89: {  	_ =	swait.ge [sflag:s13], $0x50  }
0x8a: {  	[sflag:s13] =	ssyncset.done $0x0  }
0x8b: {  	[sflag:s13] =	ssyncadd.s32 $0xFFFFFFB0  }
0x8c: {  	_ =	swait.ge [sflag:s13], $0x50  }
0x8d: {  	[sflag:s13] =	ssyncset.done $0x0  }
0x8e: {  	[sflag:s13] =	ssyncadd.s32 $0xFFFFFFB0  }
0x8f: {  	_ =	swait.ge [sflag:s13], $0x50  }
0x90: {  	[sflag:s13] =	ssyncset.done $0x0  }
0x91: {  	[sflag:s13] =	ssyncadd.s32 $0xFFFFFFB0  }
0x92: {  	_ =	swait.ge [sflag:s13], $0x50  }
0x93: {  	[sflag:s13] =	ssyncset.done $0x0  }
0x94: {  	[sflag:s13] =	ssyncadd.s32 $0xFFFFFFB0  }
0x95: {  	_ =	swait.ge [sflag:s13], $0x50  }
0x96: {  	[sflag:s13] =	ssyncset.done $0x0  }
0x97: {  	[sflag:s13] =	ssyncadd.s32 $0xFFFFFFB0  }
0x98: {  	[tilespmem:s15], [sflag:$0x2] =	stream.indirect.gather [hbm4b:s2+s14], $0x80, s3, s14, $0xb8;
	[tilespmem:$0xCA80] =	vst v63  }
0x99: {  	_ = 	snop  }
0x9a: {  	[tilespmem:s16], [sflag:$0x2] =	stream.indirect.gather [hbm4b:s2+s14], $0x80, s9, s14, $0xb8;
	[tilespmem:$0xCA80] =	vst v63  }
0x9b: {  	_ = 	snop  }
0x9c: {  	[tilespmem:s17], [sflag:$0x2] =	stream.indirect.gather [hbm4b:s2+s14], $0x80, s10, s14, $0xb8;
	[tilespmem:$0xCA80] =	vst v63  }
0x9d: {  	_ = 	snop  }
0x9e: {  	[tilespmem:s18], [sflag:$0x2] =	stream.indirect.gather [hbm4b:s2+s14], $0x80, s11, s14, $0xb8;
	[tilespmem:$0xCA80] =	vst v63  }
0x9f: {  	_ = 	snop  }
0xa0: {  	[tilespmem:s19], [sflag:$0x2] =	stream.indirect.gather [hbm4b:s2+s14], $0x80, s12, s14, $0xb8;
	[tilespmem:$0xCA80] =	vst v63  }
0xa1: {  	_ =	swait.ge [sflag:s20], $0x2800  }
0xa2: {  	[sflag:s20] =	ssyncset.done $0x0  }
0xa3: {  	[sflag:s20] =	ssyncadd.s32 $0xFFFFD800  }
0xa4: {  	_ =	swait.ge [sflag:s20], $0x2800  }
0xa5: {  	[sflag:s20] =	ssyncset.done $0x0  }
0xa6: {  	[sflag:s20] =	ssyncadd.s32 $0xFFFFD800  }
0xa7: {  	_ =	swait.ge [sflag:s20], $0x2800  }
0xa8: {  	[sflag:s20] =	ssyncset.done $0x0  }
0xa9: {  	[sflag:s20] =	ssyncadd.s32 $0xFFFFD800  }
0xaa: {  	_ =	swait.ge [sflag:s20], $0x2800  }
0xab: {  	[sflag:s20] =	ssyncset.done $0x0  }
0xac: {  	[sflag:s20] =	ssyncadd.s32 $0xFFFFD800  }
0xad: {  	_ =	swait.ge [sflag:s20], $0x2800  }
.Ltmp3:
0xae: {  	[sflag:s20] =	ssyncset.done $0x0;
	(pc) =	sbr.rel @p1 .LBB2_6-.Ltmp3, $4  }
0xaf: {  	[sflag:s20] =	ssyncadd.s32 $0xFFFFD800  }
0xb0: {  	[hbm4b:s23+s3] =	stream.linear.scatter [tilespmem:s15], [sflag:$0x3], $0xC800, $0x38;
	[tilespmem:$0xCA80] =	vst v63  }
0xb1: {  	_ =	swait.ge [sflag:s21], $0xC800  }
0xb2: {  	s26 =	smov.u32 s25;
	s23 =	sadd.s32 $0x1900, s23;
	[sflag:s21] =	ssyncset.done $0x0  }
.Ltmp4:
0xb3: {  	_ = 	snop;
	(pc) =	sbr.rel .LBB2_7-.Ltmp4, $1  }
0xb4: {  	_ =	sdelay $0x3  }
.LBB2_2:
0xb5: {  	s23 =	sadd.s32 $0x0, s6  }
0xb6: {  	[tilespmem:s3], [sflag:$0x1] =	stream.linear.gather [hbm4b:s23+s3], $0x50, $0x38;
	[tilespmem:$0xCA80] =	vst v63  }
0xb7: {  	s24 =	sadd.s32 $0xA, s23  }
0xb8: {  	[tilespmem:s9], [sflag:$0x1] =	stream.linear.gather [hbm4b:s24+s3], $0x50, $0x38;
	[tilespmem:$0xCA80] =	vst v63  }
0xb9: {  	s30 =	sadd.s32 $0x14, s23  }
0xba: {  	[tilespmem:s10], [sflag:$0x1] =	stream.linear.gather [hbm4b:s30+s3], $0x50, $0x38;
	[tilespmem:$0xCA80] =	vst v63  }
0xbb: {  	s31 =	sadd.s32 $0x1E, s23  }
0xbc: {  	[tilespmem:s11], [sflag:$0x1] =	stream.linear.gather [hbm4b:s31+s3], $0x50, $0x38;
	[tilespmem:$0xCA80] =	vst v63  }
0xbd: {  	s23 =	sadd.s32 $0x28, s23  }
0xbe: {  	[tilespmem:s12], [sflag:$0x1] =	stream.linear.gather [hbm4b:s23+s3], $0x50, $0x38;
	[tilespmem:$0xCA80] =	vst v63  }
0xbf: {  	_ =	swait.ge [sflag:s13], $0x50  }
0xc0: {  	[sflag:s13] =	ssyncset.done $0x0  }
0xc1: {  	[sflag:s13] =	ssyncadd.s32 $0xFFFFFFB0  }
0xc2: {  	_ =	swait.ge [sflag:s13], $0x50  }
0xc3: {  	[sflag:s13] =	ssyncset.done $0x0  }
0xc4: {  	[sflag:s13] =	ssyncadd.s32 $0xFFFFFFB0  }
0xc5: {  	_ =	swait.ge [sflag:s13], $0x50  }
0xc6: {  	[sflag:s13] =	ssyncset.done $0x0  }
0xc7: {  	[sflag:s13] =	ssyncadd.s32 $0xFFFFFFB0  }
0xc8: {  	_ =	swait.ge [sflag:s13], $0x50  }
0xc9: {  	[sflag:s13] =	ssyncset.done $0x0  }
0xca: {  	[sflag:s13] =	ssyncadd.s32 $0xFFFFFFB0  }
0xcb: {  	_ =	swait.ge [sflag:s13], $0x50  }
0xcc: {  	[sflag:s13] =	ssyncset.done $0x0  }
0xcd: {  	[sflag:s13] =	ssyncadd.s32 $0xFFFFFFB0  }
0xce: {  	[tilespmem:s15], [sflag:$0x2] =	stream.indirect.gather [hbm4b:s2+s14], $0x80, s3, s14, $0xb8;
	[tilespmem:$0xCA80] =	vst v63  }
0xcf: {  	_ = 	snop  }
0xd0: {  	[tilespmem:s16], [sflag:$0x2] =	stream.indirect.gather [hbm4b:s2+s14], $0x80, s9, s14, $0xb8;
	[tilespmem:$0xCA80] =	vst v63  }
0xd1: {  	_ = 	snop  }
0xd2: {  	[tilespmem:s17], [sflag:$0x2] =	stream.indirect.gather [hbm4b:s2+s14], $0x80, s10, s14, $0xb8;
	[tilespmem:$0xCA80] =	vst v63  }
0xd3: {  	_ = 	snop  }
0xd4: {  	[tilespmem:s18], [sflag:$0x2] =	stream.indirect.gather [hbm4b:s2+s14], $0x80, s11, s14, $0xb8;
	[tilespmem:$0xCA80] =	vst v63  }
0xd5: {  	_ = 	snop  }
0xd6: {  	[tilespmem:s19], [sflag:$0x2] =	stream.indirect.gather [hbm4b:s2+s14], $0x80, s12, s14, $0xb8;
	[tilespmem:$0xCA80] =	vst v63  }
0xd7: {  	_ =	swait.ge [sflag:s20], $0x2800  }
0xd8: {  	[sflag:s20] =	ssyncset.done $0x0  }
0xd9: {  	[sflag:s20] =	ssyncadd.s32 $0xFFFFD800  }
0xda: {  	_ =	swait.ge [sflag:s20], $0x2800  }
0xdb: {  	[sflag:s20] =	ssyncset.done $0x0  }
0xdc: {  	[sflag:s20] =	ssyncadd.s32 $0xFFFFD800  }
0xdd: {  	_ =	swait.ge [sflag:s20], $0x2800  }
0xde: {  	[sflag:s20] =	ssyncset.done $0x0  }
0xdf: {  	[sflag:s20] =	ssyncadd.s32 $0xFFFFD800  }
0xe0: {  	_ =	swait.ge [sflag:s20], $0x2800  }
0xe1: {  	[sflag:s20] =	ssyncset.done $0x0  }
0xe2: {  	[sflag:s20] =	ssyncadd.s32 $0xFFFFD800  }
0xe3: {  	_ =	swait.ge [sflag:s20], $0x2800  }
0xe4: {  	[sflag:s20] =	ssyncset.done $0x0  }
0xe5: {  	[sflag:s20] =	ssyncadd.s32 $0xFFFFD800  }
0xe6: {  	[hbm4b:s4+s3] =	stream.linear.scatter [tilespmem:s15], [sflag:$0x3], $0xC800, $0x38;
	[tilespmem:$0xCA80] =	vst v63  }
0xe7: {  	s26 =	simm.s32 $0x64;
	_ =	swait.ge [sflag:s21], $0xC800  }
0xe8: {  	s24 =	simm.s32 $0x32;
	s23 =	sadd.s32 $0x1900, s4;
	[sflag:s21] =	ssyncset.done $0x0  }
.LBB2_3:
0xe9: {  	s28 =	sadd.s32 s24, s6  }
0xea: {  	[sflag:s21] =	ssyncadd.s32 $0xFFFF3800;
	s24 =	smov.u32 s26;
	s25 =	sadd.s32 $0x32, s26  }
0xeb: {  	[tilespmem:s3], [sflag:$0x1] =	stream.linear.gather [hbm4b:s28+s3], $0x50, $0x38;
	[tilespmem:$0xCA80] =	vst v63  }
0xec: {  	p1 =	seq.s32 s26, $0x47E;
	s26 =	sadd.s32 $0xA, s28  }
0xed: {  	[tilespmem:s9], [sflag:$0x1] =	stream.linear.gather [hbm4b:s26+s3], $0x50, $0x38;
	[tilespmem:$0xCA80] =	vst v63  }
0xee: {  	s26 =	sadd.s32 $0x14, s28  }
0xef: {  	[tilespmem:s10], [sflag:$0x1] =	stream.linear.gather [hbm4b:s26+s3], $0x50, $0x38;
	[tilespmem:$0xCA80] =	vst v63  }
0xf0: {  	s26 =	sadd.s32 $0x1E, s28  }
0xf1: {  	[tilespmem:s11], [sflag:$0x1] =	stream.linear.gather [hbm4b:s26+s3], $0x50, $0x38;
	[tilespmem:$0xCA80] =	vst v63  }
0xf2: {  	s26 =	sadd.s32 $0x28, s28  }
0xf3: {  	[tilespmem:s12], [sflag:$0x1] =	stream.linear.gather [hbm4b:s26+s3], $0x50, $0x38;
	[tilespmem:$0xCA80] =	vst v63  }
0xf4: {  	_ =	swait.ge [sflag:s13], $0x50  }
0xf5: {  	[sflag:s13] =	ssyncset.done $0x0  }
0xf6: {  	[sflag:s13] =	ssyncadd.s32 $0xFFFFFFB0  }
0xf7: {  	_ =	swait.ge [sflag:s13], $0x50  }
0xf8: {  	[sflag:s13] =	ssyncset.done $0x0  }
0xf9: {  	[sflag:s13] =	ssyncadd.s32 $0xFFFFFFB0  }
0xfa: {  	_ =	swait.ge [sflag:s13], $0x50  }
0xfb: {  	[sflag:s13] =	ssyncset.done $0x0  }
0xfc: {  	[sflag:s13] =	ssyncadd.s32 $0xFFFFFFB0  }
0xfd: {  	_ =	swait.ge [sflag:s13], $0x50  }
0xfe: {  	[sflag:s13] =	ssyncset.done $0x0  }
0xff: {  	[sflag:s13] =	ssyncadd.s32 $0xFFFFFFB0  }
0x100: {  	_ =	swait.ge [sflag:s13], $0x50  }
0x101: {  	[sflag:s13] =	ssyncset.done $0x0  }
0x102: {  	[sflag:s13] =	ssyncadd.s32 $0xFFFFFFB0  }
0x103: {  	[tilespmem:s15], [sflag:$0x2] =	stream.indirect.gather [hbm4b:s2+s14], $0x80, s3, s14, $0xb8;
	[tilespmem:$0xCA80] =	vst v63  }
0x104: {  	_ = 	snop  }
0x105: {  	[tilespmem:s16], [sflag:$0x2] =	stream.indirect.gather [hbm4b:s2+s14], $0x80, s9, s14, $0xb8;
	[tilespmem:$0xCA80] =	vst v63  }
0x106: {  	_ = 	snop  }
0x107: {  	[tilespmem:s17], [sflag:$0x2] =	stream.indirect.gather [hbm4b:s2+s14], $0x80, s10, s14, $0xb8;
	[tilespmem:$0xCA80] =	vst v63  }
0x108: {  	_ = 	snop  }
0x109: {  	[tilespmem:s18], [sflag:$0x2] =	stream.indirect.gather [hbm4b:s2+s14], $0x80, s11, s14, $0xb8;
	[tilespmem:$0xCA80] =	vst v63  }
0x10a: {  	_ = 	snop  }
0x10b: {  	[tilespmem:s19], [sflag:$0x2] =	stream.indirect.gather [hbm4b:s2+s14], $0x80, s12, s14, $0xb8;
	[tilespmem:$0xCA80] =	vst v63  }
0x10c: {  	_ =	swait.ge [sflag:s20], $0x2800  }
0x10d: {  	[sflag:s20] =	ssyncset.done $0x0  }
0x10e: {  	[sflag:s20] =	ssyncadd.s32 $0xFFFFD800  }
0x10f: {  	_ =	swait.ge [sflag:s20], $0x2800  }
0x110: {  	[sflag:s20] =	ssyncset.done $0x0  }
0x111: {  	[sflag:s20] =	ssyncadd.s32 $0xFFFFD800  }
0x112: {  	_ =	swait.ge [sflag:s20], $0x2800  }
0x113: {  	[sflag:s20] =	ssyncset.done $0x0  }
0x114: {  	[sflag:s20] =	ssyncadd.s32 $0xFFFFD800  }
0x115: {  	_ =	swait.ge [sflag:s20], $0x2800  }
0x116: {  	[sflag:s20] =	ssyncset.done $0x0  }
0x117: {  	[sflag:s20] =	ssyncadd.s32 $0xFFFFD800  }
0x118: {  	_ =	swait.ge [sflag:s20], $0x2800  }
.Ltmp5:
0x119: {  	[sflag:s20] =	ssyncset.done $0x0;
	(pc) =	sbr.rel @!p1 .LBB2_3-.Ltmp5, $4  }
0x11a: {  	[sflag:s20] =	ssyncadd.s32 $0xFFFFD800  }
0x11b: {  	[hbm4b:s23+s3] =	stream.linear.scatter [tilespmem:s15], [sflag:$0x3], $0xC800, $0x38;
	[tilespmem:$0xCA80] =	vst v63  }
0x11c: {  	_ =	swait.ge [sflag:s21], $0xC800  }
0x11d: {  	s26 =	smov.u32 s25;
	s23 =	sadd.s32 $0x1900, s23;
	[sflag:s21] =	ssyncset.done $0x0  }
0x11e: {  	s24 =	sadd.s32 s24, s6;
	[sflag:s21] =	ssyncadd.s32 $0xFFFF3800  }
0x11f: {  	[tilespmem:s3], [sflag:$0x1] =	stream.linear.gather [hbm4b:s24+s3], $0x50, $0x38;
	[tilespmem:$0xCA80] =	vst v63  }
0x120: {  	s25 =	sadd.s32 $0xA, s24  }
0x121: {  	[tilespmem:s9], [sflag:$0x1] =	stream.linear.gather [hbm4b:s25+s3], $0x50, $0x38;
	[tilespmem:$0xCA80] =	vst v63  }
0x122: {  	s30 =	sadd.s32 $0x14, s24  }
0x123: {  	[tilespmem:s10], [sflag:$0x1] =	stream.linear.gather [hbm4b:s30+s3], $0x50, $0x38;
	[tilespmem:$0xCA80] =	vst v63  }
0x124: {  	s31 =	sadd.s32 $0x1E, s24  }
0x125: {  	[tilespmem:s11], [sflag:$0x1] =	stream.linear.gather [hbm4b:s31+s3], $0x50, $0x38;
	[tilespmem:$0xCA80] =	vst v63  }
0x126: {  	s24 =	sadd.s32 $0x28, s24  }
0x127: {  	[tilespmem:s12], [sflag:$0x1] =	stream.linear.gather [hbm4b:s24+s3], $0x50, $0x38;
	[tilespmem:$0xCA80] =	vst v63  }
0x128: {  	_ =	swait.ge [sflag:s13], $0x50  }
0x129: {  	[sflag:s13] =	ssyncset.done $0x0  }
0x12a: {  	[sflag:s13] =	ssyncadd.s32 $0xFFFFFFB0  }
0x12b: {  	_ =	swait.ge [sflag:s13], $0x50  }
0x12c: {  	[sflag:s13] =	ssyncset.done $0x0  }
0x12d: {  	[sflag:s13] =	ssyncadd.s32 $0xFFFFFFB0  }
0x12e: {  	_ =	swait.ge [sflag:s13], $0x50  }
0x12f: {  	[sflag:s13] =	ssyncset.done $0x0  }
0x130: {  	[sflag:s13] =	ssyncadd.s32 $0xFFFFFFB0  }
0x131: {  	_ =	swait.ge [sflag:s13], $0x50  }
0x132: {  	[sflag:s13] =	ssyncset.done $0x0  }
0x133: {  	[sflag:s13] =	ssyncadd.s32 $0xFFFFFFB0  }
0x134: {  	_ =	swait.ge [sflag:s13], $0x50  }
0x135: {  	[sflag:s13] =	ssyncset.done $0x0  }
0x136: {  	[sflag:s13] =	ssyncadd.s32 $0xFFFFFFB0  }
0x137: {  	[tilespmem:s15], [sflag:$0x2] =	stream.indirect.gather [hbm4b:s2+s14], $0x80, s3, s14, $0xb8;
	[tilespmem:$0xCA80] =	vst v63  }
0x138: {  	_ = 	snop  }
0x139: {  	[tilespmem:s16], [sflag:$0x2] =	stream.indirect.gather [hbm4b:s2+s14], $0x80, s9, s14, $0xb8;
	[tilespmem:$0xCA80] =	vst v63  }
0x13a: {  	_ = 	snop  }
0x13b: {  	[tilespmem:s17], [sflag:$0x2] =	stream.indirect.gather [hbm4b:s2+s14], $0x80, s10, s14, $0xb8;
	[tilespmem:$0xCA80] =	vst v63  }
0x13c: {  	_ = 	snop  }
0x13d: {  	[tilespmem:s18], [sflag:$0x2] =	stream.indirect.gather [hbm4b:s2+s14], $0x80, s11, s14, $0xb8;
	[tilespmem:$0xCA80] =	vst v63  }
0x13e: {  	_ = 	snop  }
0x13f: {  	[tilespmem:s19], [sflag:$0x2] =	stream.indirect.gather [hbm4b:s2+s14], $0x80, s12, s14, $0xb8;
	[tilespmem:$0xCA80] =	vst v63  }
0x140: {  	_ =	swait.ge [sflag:s20], $0x2800  }
0x141: {  	[sflag:s20] =	ssyncset.done $0x0  }
0x142: {  	[sflag:s20] =	ssyncadd.s32 $0xFFFFD800  }
0x143: {  	_ =	swait.ge [sflag:s20], $0x2800  }
0x144: {  	[sflag:s20] =	ssyncset.done $0x0  }
0x145: {  	[sflag:s20] =	ssyncadd.s32 $0xFFFFD800  }
0x146: {  	_ =	swait.ge [sflag:s20], $0x2800  }
0x147: {  	[sflag:s20] =	ssyncset.done $0x0  }
0x148: {  	[sflag:s20] =	ssyncadd.s32 $0xFFFFD800  }
0x149: {  	_ =	swait.ge [sflag:s20], $0x2800  }
0x14a: {  	[sflag:s20] =	ssyncset.done $0x0  }
0x14b: {  	[sflag:s20] =	ssyncadd.s32 $0xFFFFD800  }
0x14c: {  	_ =	swait.ge [sflag:s20], $0x2800  }
0x14d: {  	[sflag:s20] =	ssyncset.done $0x0  }
.Ltmp6:
0x14e: {  	[sflag:s20] =	ssyncadd.s32 $0xFFFFD800;
	(pc) =	sbr.rel .LBB2_8-.Ltmp6, $4  }
0x14f: {  	[hbm4b:s23+s3] =	stream.linear.scatter [tilespmem:s15], [sflag:$0x3], $0xC800, $0x38;
	[tilespmem:$0xCA80] =	vst v63  }
0x150: {  	_ =	swait.ge [sflag:s21], $0xC800  }
0x151: {  	[sflag:s21] =	ssyncset.done $0x0  }
0x152: {  	[sflag:s21] =	ssyncadd.s32 $0xFFFF3800  }
.LBB2_9:
0x153: {  	_ =	sfence.sel $0x180000  }
0x154: {  	[bflag:$0x0] =	sbarrier.arrive $0xFFFF  }
0x155: {  	p0 =	sne.s32 s1, $0x0;
	_ =	strace $0x9000004A  }
0x156: {  	s0 =	sadd.s32 @!p0 $0x100000, s0;
	[bflag:$0x2] =	sbarrier.arrive $0xFFFF  }
0x157: {  	[sflag:s0] =	ssyncadd.tile.s32 @!p0 $0x1;
	_ =	shalt  }
.Lfunc_end2:
_tile_overlayer_lowered:
.L_overlay_start_2:
0x158: {  	(tag) =	ssettag $0x2  }
0x159: {  	s0 =	rddreg [dreg:$0x0];
	s2 =	stileid.u32  }
0x15a: {  	s1 =	rddreg [dreg:$0x1];
	p0 =	sne.s32 s2, $0x0  }
0x15b: {  	s3 =	rddreg [dreg:$0x2];
	[bflag:$0x3] =	sbarrier.arrive $0xFFFF;
	s2 =	simm.s32 @!p0 $0x1C03  }
0x15c: {  	[timem:s3], [sflag:s2] =	dma.local @!p0 [hbm:s0], s1  }
0x15d: {  	s0 =	simm.s32 @!p0 $0x3  }
0x15e: {  	_ =	swait.ge @!p0 [sflag:s0], s1  }
0x15f: {  	s1 =	ssub.s32 @!p0 $0x0, s1;
	[sflag:s0] =	ssyncset.done @!p0 $0x0  }
0x160: {  	[sflag:s0] =	ssyncadd.s32 @!p0 s1  }
0x161: {  	[bflag:$0x3] =	sbarrier.arrive $0xFFFF  }
0x162: {  	_ =	shalt  }

// kernel: kernel.13.cloned.1.call-start
scs
__scs_entry_jumppad:
0x0: {  	(pc) =	sbr.rel $0x88, $3  }
0x1: {  	(tag) =	ssettag $0x0;
	lr =	simm.s32 $0x1  }
0x2: {  	[smem:$0x3F8E] =	sst lr;
	_ =	strace $0xD0000000  }
0x3: {  	_ = 	snop  }
0x4: {  	_ = 	snop  }
0x5: {  	_ = 	snop  }
0x6: {  	_ = 	snop  }
0x7: {  	_ = 	snop  }
__scs_overlays_trampoline_lowered:
0x8: {  	[smem:$0x3F9D] =	sst s0  }
0x9: {  	[smem:$0x3F9E] =	sst s1  }
0xa: {  	[smem:$0x3F9F] =	sst s2  }
0xb: {  	[smem:$0x3FA0] =	sst s3  }
0xc: {  	[smem:$0x3FA1] =	sst s4  }
0xd: {  	[smem:$0x3FA2] =	sst s5  }
0xe: {  	[smem:$0x3FA3] =	sst s6  }
0xf: {  	[smem:$0x3FA4] =	sst s7  }
0x10: {  	[smem:$0x3FA5] =	sst s8  }
0x11: {  	[smem:$0x3FA6] =	sst s9;
	s0 =	simm.s32 @!p0 $0x0  }
0x12: {  	s1 =	sld [smem:$0x3F8C];
	s0 =	simm.s32 @p0 $0x1  }
0x13: {  	[smem:$0x3FA7] =	sst s0;
	s0 =	simm.s32 @!p1 $0x0  }
0x14: {  	s2 =	sld [smem:$0x3F8B];
	s0 =	simm.s32 @p1 $0x1  }
0x15: {  	[smem:$0x3FA8] =	sst s0;
	s0 =	simm.s32 @!p2 $0x0  }
0x16: {  	s3 =	sld [smem:$0x3FDB];
	s0 =	simm.s32 @p2 $0x1  }
0x17: {  	s4 =	simm.s32 $0x1BF5;
	[smem:$0x3FAA] =	sst s0  }
0x18: {  	s0 =	sld [smem:$0x3F8D];
	_ =	swait.ge [sflag:s4], $0x0  }
0x19: {  	s7 =	sld [smem:$0x3F8E]  }
0x1a: {  	s8 =	sadd.s32 $0xFFFFE003, lr  }
0x1b: {  	s9 =	sadd.s32 $0xFFFFFEF7, lr;
	s5 =	simm.s32 $0xFFFFFFFF;
	p2 =	slt.u32 s8, $0xFFFFF086  }
0x1c: {  	p1 =	slt.u32 s9, $0xF7A;
	s5 =	simm.s32 @!p2 $0x0  }
0x1d: {  	s5 =	simm.s32 @p1 $0x1;
	p0 =	seq.s32 s7, s2  }
0x1e: {  	s7 =	smul.u32 @!p0 $0xF7A, s2;
	p2 =	seq.s32 @!p0 s5, $0x0  }
0x1f: {  	s9 =	smul.u32 $0xF7A, s1;
	s8 =	simm.s32 @!p0 $0x1BF5;
	p2 =	por !p2, p0  }
0x20: {  	[sflag:s8] =	ssyncset.s32 @!p0 $0xFFFFF086;
	s6 =	sadd.s32 @!p0 s3, s7;
	s7 =	simm.s32 @!p0 $0x108  }
0x21: {  	s3 =	sadd.s32 s3, s9;
	s6 =	sadd.s32 @!p0 $0x88, s6;
	s7 =	simm.s32 @p2 $0x1082  }
0x22: {  	[simem:s7], [sflag:s8] =	dma.local @!p0 [hbm:s6], $0xF7A  }
0x23: {  	s9 =	sor.u32 $0xD0000000, s2;
	s6 =	simm.s32 $0x108;
	_ =	swait.ge @!p0 [sflag:s8], $0x0  }
0x24: {  	s3 =	sadd.s32 $0x88, s3;
	s6 =	simm.s32 @!p1 $0x1082;
	[sflag:s4] =	ssyncset.s32 $0xFFFFF086  }
0x25: {  	[simem:s6], [sflag:s4] =	dma.local [hbm:s3], $0xF7A  }
0x26: {  	[smem:$0x3F8E] =	sst s1;
	(tag) =	ssettag s2;
	_ =	strace s9  }
0x27: {  	s1 =	sld [smem:$0x3F9E]  }
0x28: {  	s2 =	sld [smem:$0x3F9F]  }
0x29: {  	s4 =	sld [smem:$0x3FA1]  }
0x2a: {  	p0 =	seq.s32 s5, $0x0;
	s5 =	sld [smem:$0x3FA2]  }
0x2b: {  	s6 =	sld [smem:$0x3FA3]  }
0x2c: {  	s7 =	sld [smem:$0x3FA4]  }
0x2d: {  	s3 =	simm.s32 $0x108;
	s8 =	sld [smem:$0x3FA5]  }
0x2e: {  	s3 =	simm.s32 @!p0 $0x1082;
	s9 =	sld [smem:$0x3FA6]  }
0x2f: {  	lr =	sadd.s32 s0, s3;
	s0 =	sld [smem:$0x3F9D]  }
0x30: {  	s3 =	sld [smem:$0x3FA0]  }
0x31: {  	[smem:$0x3FA9] =	sst s10  }
0x32: {  	s10 =	sld [smem:$0x3FA7];
	_ =	sdelay $0x3  }
0x33: {  	p0 =	seq.s32 s10, $0x1;
	s10 =	sld [smem:$0x3FA9];
	_ =	sdelay $0x3  }
0x34: {  	[smem:$0x3FA9] =	sst s10  }
0x35: {  	s10 =	sld [smem:$0x3FA8];
	_ =	sdelay $0x3  }
0x36: {  	p1 =	seq.s32 s10, $0x1;
	s10 =	sld [smem:$0x3FA9];
	_ =	sdelay $0x3  }
0x37: {  	[smem:$0x3FA9] =	sst s10  }
0x38: {  	s10 =	sld [smem:$0x3FAA]  }
0x39: {  	_ = 	snop;
	(pc) =	sbr.ind lr, $3  }
0x3a: {  	_ = 	snop  }
0x3b: {  	_ = 	snop  }
0x3c: {  	p2 =	seq.s32 s10, $0x1;
	s10 =	sld [smem:$0x3FA9]  }
0x3d: {  	_ =	shalt  }
0x3e: {  	_ =	shalt  }
0x3f: {  	_ =	shalt  }
0x40: {  	_ =	shalt  }
0x41: {  	_ =	shalt  }
0x42: {  	_ =	shalt  }
0x43: {  	_ =	shalt  }
0x44: {  	_ =	shalt  }
0x45: {  	_ =	shalt  }
0x46: {  	_ =	shalt  }
0x47: {  	_ =	shalt  }
0x48: {  	_ =	shalt  }
0x49: {  	_ =	shalt  }
0x4a: {  	_ =	shalt  }
0x4b: {  	_ =	shalt  }
0x4c: {  	_ =	shalt  }
0x4d: {  	_ =	shalt  }
0x4e: {  	_ =	shalt  }
0x4f: {  	_ =	shalt  }
0x50: {  	_ =	shalt  }
0x51: {  	_ =	shalt  }
0x52: {  	_ =	shalt  }
0x53: {  	_ =	shalt  }
0x54: {  	_ =	shalt  }
0x55: {  	_ =	shalt  }
0x56: {  	_ =	shalt  }
0x57: {  	_ =	shalt  }
0x58: {  	_ =	shalt  }
0x59: {  	_ =	shalt  }
0x5a: {  	_ =	shalt  }
0x5b: {  	_ =	shalt  }
0x5c: {  	_ =	shalt  }
0x5d: {  	_ =	shalt  }
0x5e: {  	_ =	shalt  }
0x5f: {  	_ =	shalt  }
0x60: {  	_ =	shalt  }
0x61: {  	_ =	shalt  }
0x62: {  	_ =	shalt  }
0x63: {  	_ =	shalt  }
0x64: {  	_ =	shalt  }
0x65: {  	_ =	shalt  }
0x66: {  	_ =	shalt  }
0x67: {  	_ =	shalt  }
0x68: {  	_ =	shalt  }
0x69: {  	_ =	shalt  }
0x6a: {  	_ =	shalt  }
0x6b: {  	_ =	shalt  }
0x6c: {  	_ =	shalt  }
0x6d: {  	_ =	shalt  }
0x6e: {  	_ =	shalt  }
0x6f: {  	_ =	shalt  }
0x70: {  	_ =	shalt  }
0x71: {  	_ =	shalt  }
0x72: {  	_ =	shalt  }
0x73: {  	_ =	shalt  }
0x74: {  	_ =	shalt  }
0x75: {  	_ =	shalt  }
0x76: {  	_ =	shalt  }
0x77: {  	_ =	shalt  }
0x78: {  	_ =	shalt  }
0x79: {  	_ =	shalt  }
0x7a: {  	_ =	shalt  }
0x7b: {  	_ =	shalt  }
0x7c: {  	_ =	shalt  }
0x7d: {  	_ =	shalt  }
0x7e: {  	_ =	shalt  }
0x7f: {  	_ =	shalt  }
0x80: {  	_ =	shalt  }
0x81: {  	_ =	shalt  }
0x82: {  	_ =	shalt  }
0x83: {  	_ =	shalt  }
0x84: {  	_ =	shalt  }
0x85: {  	_ =	shalt  }
0x86: {  	_ =	shalt  }
0x87: {  	_ =	shalt  }
.Lfunc_end0:
.L_simem_size_0:
called_computation.1_lowered:
.L_overlay_start_0:
0x88: {  	s2 =	sld [smem:$0x3FD9]  }
0x89: {  	s3 =	sld [smem:$0x3FFE];
	_ =	sdelay $0x1  }
0x8a: {  	s1 =	srdreg.scid  }
0x8b: {  	s0 =	sand.u32 $0x1, s1  }
0x8c: {  	s17 =	sshll.u32 s0, $0xA;
	s2 =	sadd.s32 s3, s2  }
0x8d: {  	s2 =	sadd.s32 s2, s17  }
0x8e: {  	[smem:$0x3FB5] =	sst s2  }
0x8f: {  	_ = 	snop  }
0x90: {  	(tm) =	ssettm $0x1  }
0x91: {  	s18 =	sld [smem:$0x3FFB];
	_ =	sdelay $0x3  }
0x92: {  	_ =	strace s18  }
0x93: {  	s2 =	sld [smem:$0x3FFC];
	_ =	sdelay $0x3  }
0x94: {  	_ =	strace s2  }
0x95: {  	s2 =	sld [smem:$0x3FFD];
	_ =	sdelay $0x3  }
0x96: {  	_ =	strace s2  }
0x97: {  	_ =	strace $0x8FFFFFFF  }
0x98: {  	s19 =	sld [smem:$0x3FDB];
	_ =	sdelay $0x1  }
0x99: {  	s20 =	simm.s32 $_scs_section_size  }
0x9a: {  	s4 =	simm.s32 $_size__tile_overlayer_lowered;
	s5 =	simm.s32 $_tile_overlayer_lowered  }
0x9b: {  	s6 =	simm.s32 $0x1BFF;
	s21 =	sshll.u32 s5, $0x1;
	s3 =	sadd.s32 s20, s19  }
0x9c: {  	s22 =	simm.s32 $0x0;
	s4 =	sshll.u32 s4, $0x1;
	s5 =	sadd.s32 s21, s3  }
0x9d: {  	[timem:s22], [sflag:s6] =	dma.local [hbm:s5], s4  }
0x9e: {  	_ =	swait.ge [sflag:s6], s4  }
0x9f: {  	s4 =	ssub.s32 $0x0, s4;
	[sflag:s6] =	ssyncset.done $0x0  }
0xa0: {  	[sflag:s6] =	ssyncadd.s32 s4;
	_ =	sdelay $0x1  }
0xa1: {  	s23 =	simm.s32 $0x1B8B  }
0xa2: {  	_ =	swait.ge [sflag:s23], $0x1  }
0xa3: {  	[sflag:s23] =	ssyncset.done $0x0  }
0xa4: {  	[sflag:s23] =	ssyncadd.s32 $0xFFFFFFFF  }
0xa5: {  	s4 =	sld [smem:$0x0]  }
0xa6: {  	s5 =	sand.u32 $0xFFFFFFFE, s1  }
0xa7: {  	p0 =	sne.s32 s1, s5  }
0xa8: {  	s5 =	sshll.u32 @p0 s5, $0xE  }
0xa9: {  	s5 =	sadd.s32 @p0 $0x11B8D, s5;
	s6 =	sshll.u32 @p0 s4, $0x11  }
0xaa: {  	s5 =	sor.u32 @p0 s6, s5  }
0xab: {  	[sflag:s5] =	ssyncadd.remote.s32 @p0 $0x1;
	_ =	sdelay $0x1  }
0xac: {  	s5 =	simm.s32 @p0 $0x1B8D  }
0xad: {  	_ =	swait.eq @p0 [sflag:s5], $0x1  }
0xae: {  	[sflag:s5] =	ssyncadd.s32 @p0 $0xFFFFFFFF  }
0xaf: {  	s6 =	sshll.u32 @!p0 s1, $0xE  }
0xb0: {  	s6 =	sor.u32 @!p0 $0x4000, s6;
	s5 =	simm.s32 @!p0 $0x1B8D  }
0xb1: {  	s4 =	sshll.u32 @!p0 s4, $0x11;
	s6 =	sadd.s32 @!p0 $0x11B8D, s6;
	_ =	swait.eq @!p0 [sflag:s5], $0x1  }
0xb2: {  	s4 =	sor.u32 @!p0 s4, s6;
	[sflag:s5] =	ssyncadd.s32 @!p0 $0xFFFFFFFF  }
0xb3: {  	s25 =	simm.s32 $0x1B8E;
	s24 =	sld [smem:$0x3FFE];
	[sflag:s4] =	ssyncadd.remote.s32 @!p0 $0x1  }
0xb4: {  	s26 =	simm.s32 $execute0_lowered;
	[smem:$0x3FD2] =	sst s25  }
0xb5: {  	s5 =	sshll.u32 s26, $0x1;
	_ =	strace $0x8000004F;
	[dreg:$0x1] =	wrdreg $0xFFFFFFFF  }
0xb6: {  	s28 =	simm.s32 $_size_execute0_lowered;
	s3 =	sadd.s32 s3, s5;
	[dreg:$0x0] =	wrdreg $0x0  }
0xb7: {  	s5 =	sshll.u32 s28, $0x1;
	[dreg:$0x2] =	wrdreg s3  }
0xb8: {  	[dreg:$0x3] =	wrdreg s5  }
0xb9: {  	[dreg:$0x4] =	wrdreg $0xC0  }
0xba: {  	_ =	task [dreg:s22], $0x5FFFF  }
0xbb: {  	[dreg:$0x1] =	wrdreg $0xFFFFFFFF  }
0xbc: {  	[dreg:$0x0] =	wrdreg $0x60  }
0xbd: {  	[dreg:$0x2] =	wrdreg s24  }
0xbe: {  	[dreg:$0x3] =	wrdreg $0x79000  }
0xbf: {  	[dreg:$0x4] =	wrdreg $0x9  }
0xc0: {  	_ =	task.clear_ibuf [dreg:s22], $0x5FFFF;
	_ =	strace $0x9000004F  }
0xc1: {  	s29 =	simm.s32 $0x9;
	_ =	strace $0x80000051  }
0xc2: {  	_ =	swait.ge [sflag:s29], $0x1  }
0xc3: {  	[sflag:s29] =	ssyncadd.s32 $0xFFFFFFFF  }
0xc4: {  	_ =	strace $0x90000051  }
0xc5: {  	_ =	sfence  }
0xc6: {  	s30 =	sld [smem:$0x0];
	_ =	sdelay $0x2  }
0xc7: {  	s31 =	sshll.u32 s1, $0xD;
	s1 =	sshrl.u32 s1, $0x2  }
0xc8: {  	s4 =	sand.u32 $0x4000, s31;
	s1 =	sadd.s32 s1, s30  }
0xc9: {  	s0 =	sor.u32 s4, s0;
	s1 =	sshll.u32 s1, $0x11  }
0xca: {  	s0 =	sor.u32 s1, s0  }
0xcb: {  	s0 =	sadd.s32 $0x8F2B, s0  }
0xcc: {  	[sflag:s0] =	ssyncadd.remote.s32 $0x1  }
0xcd: {  	_ =	sfence.sel $0xFFFF  }
0xce: {  	[dreg:$0x0] =	wrdreg $0xFFFFFFFF;
	(pc) =	sbr.abs _section_cstart, $3  }
0xcf: {  	[dreg:$0x1] =	wrdreg $0xFFFFFFFF  }
0xd0: {  	_ =	task.clear_ibuf [dreg:s22], $0x2FFFF;
	_ =	strace $0x9FFFFFFF  }
0xd1: {  	(tm) =	ssettm $0x7FFFFFFF  }
tec
execute0_lowered:
.L_overlay_start_1:
0x0: {  	(tag) =	ssettag $0x1  }
0x1: {  	s0 =	rddreg [dreg:$0x0]  }
0x2: {  	s1 =	rddreg [dreg:$0x1];
	s2 =	simm.s32 $0x0;
	s4 =	stileid.u32  }
0x3: {  	s8 =	srdreg.scid;
	s28 =	simm.s32 $0x5100;
	s29 =	simm.s32 $0x100  }
0x4: {  	s30 =	simm.s32 $0x1;
	s3 =	sadd.s32 $0xEC8C00, s0;
	s5 =	sadd.s32 $0x1120C00, s0  }
0x5: {  	s31 =	simm.s32 $0x3;
	s6 =	sadd.s32 $0x524E00, s0;
	s7 =	sadd.s32 $0x529A00, s0  }
0x6: {  	[smem:$0x7FF] =	sst s2;
	s9 =	smul.u32 $0x2780, s4;
	s10 =	sadd.s32 $0x9E2A00, s0  }
0x7: {  	s15 =	sadd.s32 $0x13A0400, s0;
	s8 =	sand.u32 $0x1, s8;
	s17 =	smul.u32 $0x4F000, s4  }
0x8: {  	s14 =	smul.u32 $0x25800, s4;
	_ =	strace $0x80000050;
	[dreg:$0x4] =	wrdreg s10  }
0x9: {  	s25 =	smul.u32 $0x4B0, s4;
	s26 =	sshll.u32 s4, $0x6;
	[dreg:$0x5] =	wrdreg s15  }
0xa: {  	s16 =	ssub.s32 $0x2, s8;
	s15 =	smul.u32 $0x2580, s4;
	p0 =	seq.s32 s8, $0x1  }
0xb: {  	[dreg:$0x3] =	wrdreg s9;
	s12 =	sadd.s32 s9, s0;
	s0 =	sadd.s32 $0xC98400, s0  }
0xc: {  	s18 =	sshrl.u32 s16, $0x1;
	s19 =	sshrl.u32 s17, $0x2;
	s11 =	sadd.s32 s3, s14  }
0xd: {  	s14 =	sadd.s32 s5, s14;
	[dreg:$0x6] =	wrdreg s0;
	s0 =	ssub.s32 s16, s18  }
0xe: {  	s20 =	sadd.s32 s19, s1;
	s13 =	sshrl.u32 s15, $0x3;
	s21 =	sadd.s32 $0x1378C00, s12  }
0xf: {  	s9 =	sadd.s32 $0x10E00, s12;
	s22 =	sadd.s32 $0xC70C00, s12;
	s23 =	sadd.s32 $0x2530, s15  }
0x10: {  	s12 =	simm.s32 $0x4;
	s15 =	simm.s32 $0x0;
	[dreg:$0x7] =	wrdreg s20  }
0x11: {  	s10 =	sadd.s32 s6, s13;
	[dreg:$0x8] =	wrdreg s21;
	s13 =	sadd.s32 s7, s13  }
0x12: {  	[dreg:$0x9] =	wrdreg s22;
	s16 =	smax.u32 s0, $0x1;
	s24 =	sshrl.u32 s23, $0x3  }
0x13: {  	s0 =	sshll.u32 s23, $0x4;
	s21 =	sadd.s32 s25, s6;
	s22 =	sor.u32 $0x1C05, s26  }
.Ltmp0:
0x14: {  	s26 =	simm.s32 $0x5;
	s17 =	sadd.s32 s6, s24;
	(pc) =	sbr.rel .LBB2_1-.Ltmp0, $4  }
0x15: {  	s3 =	sadd.s32 s3, s0;
	s19 =	sadd.s32 s7, s24;
	s0 =	sadd.s32 s5, s0  }
0x16: {  	s5 =	sadd.s32 $0x14, s21;
	s24 =	sadd.s32 s25, s7;
	[dreg:$0xa] =	wrdreg s3  }
0x17: {  	s6 =	simm.s32 $0x50;
	s7 =	simm.s32 $0x2;
	[dreg:$0xb] =	wrdreg s0  }
0x18: {  	s25 =	sadd.s32 $0x14, s24;
	s0 =	simm.s32 $0x80;
	s3 =	simm.s32 $0x2900  }
.LBB2_11:
0x19: {  	[sflag:s26] =	ssyncadd.s32 $0xFFFFD800;
	s23 =	smov.u32 s19;
	s20 =	rddreg [dreg:$0x6]  }
.LBB2_12:
0x1a: {  	_ =	swait.ge [sflag:s30], $0x50  }
0x1b: {  	[sflag:s30] =	ssyncset.done $0x0  }
0x1c: {  	[sflag:s30] =	ssyncadd.s32 $0xFFFFFFB0  }
0x1d: {  	[tilespmem:s0], [sflag:$0x2] =	stream.linear.gather [hbm4b:s23+s2], $0x50, $0x38;
	[tilespmem:$0x1B500] =	vst v63  }
0x1e: {  	_ = 	snop  }
0x1f: {  	[spmem:s1] =	stream.indirect.scatter.add.f32 [tilespmem:s28], [sflag:$0x5], $0x80, s2, s6, $0xb8;
	[tilespmem:$0x1B500] =	vst v63  }
0x20: {  	_ =	swait.ge [sflag:s26], $0x2800  }
0x21: {  	[sflag:s26] =	ssyncset.done $0x0  }
0x22: {  	[sflag:s26] =	ssyncadd.s32 $0xFFFFD800  }
0x23: {  	_ =	swait.ge [sflag:s7], $0x50  }
0x24: {  	[sflag:s7] =	ssyncset.done $0x0  }
0x25: {  	[sflag:s7] =	ssyncadd.s32 $0xFFFFFFB0  }
0x26: {  	[spmem:s1] =	stream.indirect.scatter.add.f32 [tilespmem:s28], [sflag:$0x5], $0x80, s0, s6, $0xb8;
	[tilespmem:$0x1B500] =	vst v63  }
0x27: {  	_ =	swait.ge [sflag:s26], $0x2800  }
0x28: {  	s15 =	sadd.s32 $0x1, s15;
	[sflag:s26] =	ssyncset.done $0x0  }
0x29: {  	p1 =	sne.s32 s15, s16;
	s4 =	rddreg [dreg:$0x3];
	[sflag:s26] =	ssyncadd.s32 $0xFFFFD800  }
.Ltmp1:
0x2a: {  	s4 =	sadd.s32 s20, s4;
	[bflag:$0x0] =	sbarrier.arrive $0xFFFF;
	(pc) =	sbr.rel @!p1 .LBB2_13-.Ltmp1, $4  }
0x2b: {  	[hbm:s4], [sflag:s22] =	dma.local [spmem:s18], $0x2780  }
0x2c: {  	_ =	swait.ge [sflag:s26], $0x2780  }
0x2d: {  	[sflag:s26] =	ssyncset.done $0x0  }
0x2e: {  	[sflag:s26] =	ssyncadd.s32 $0xFFFFD880  }
.LBB2_1:
0x2f: {  	s4 =	rddreg [dreg:$0x7]  }
0x30: {  	s18 =	sshrl.u32 s4, $0x3  }
0x31: {  	[spmem:s18], [sflag:s22] =	dma.local [hbm:s9], $0x2780  }
0x32: {  	_ =	swait.ge [sflag:s26], $0x2780  }
0x33: {  	[sflag:s26] =	ssyncset.done $0x0  }
0x34: {  	s23 =	rddreg [dreg:$0x4];
	[sflag:s26] =	ssyncadd.s32 $0xFFFFD880  }
0x35: {  	[tilespmem:s28], [sflag:$0x5] =	stream.linear.gather [hbm4b:s23+s2], $0x2800, $0x38;
	[tilespmem:$0x1B500] =	vst v63  }
.Ltmp2:
0x36: {  	_ =	swait.ge [sflag:s26], $0x2800;
	(pc) =	sbr.rel @!p0 .LBB2_2-.Ltmp2, $3  }
0x37: {  	[sflag:s26] =	ssyncset.done $0x0  }
0x38: {  	[sflag:s26] =	ssyncadd.s32 $0xFFFFD800  }
0x39: {  	[bflag:$0x0] =	sbarrier.arrive $0xFFFF;
	_ =	sdelay $0x1  }
0x3a: {  	s4 =	simm.s32 $0x0  }
0x3b: {  	[tilespmem:s4], [sflag:$0x1] =	stream.linear.gather [hbm4b:s13+s4], $0x50, $0x38;
	[tilespmem:$0x1B500] =	vst v63  }
0x3c: {  	_ = 	snop  }
0x3d: {  	[tilespmem:s29], [sflag:$0x3] =	stream.linear.gather [hbm4b:s14+s4], $0x2800, $0x38;
	[tilespmem:$0x1B500] =	vst v63  }
0x3e: {  	_ =	swait.ge [sflag:s30], $0x50  }
0x3f: {  	[sflag:s30] =	ssyncset.done $0x0  }
0x40: {  	[sflag:s30] =	ssyncadd.s32 $0xFFFFFFB0  }
0x41: {  	_ =	swait.ge [sflag:s31], $0x2800  }
0x42: {  	[sflag:s31] =	ssyncset.done $0x0  }
0x43: {  	s23 =	sadd.s32 $0xFFFFFFF6, s25;
	s8 =	sadd.s32 $0x0, s14;
	[sflag:s31] =	ssyncadd.s32 $0xFFFFD800  }
0x44: {  	[tilespmem:s0], [sflag:$0x2] =	stream.linear.gather [hbm4b:s23+s2], $0x50, $0x38;
	[tilespmem:$0x1B500] =	vst v63  }
0x45: {  	s20 =	sadd.s32 $0x500, s8  }
0x46: {  	[tilespmem:s3], [sflag:$0x4] =	stream.linear.gather [hbm4b:s20+s2], $0x2800, $0x38;
	[tilespmem:$0x1B500] =	vst v63  }
0x47: {  	_ = 	snop  }
0x48: {  	[spmem:s1] =	stream.indirect.scatter.add.f32 [tilespmem:s29], [sflag:$0x5], $0x80, s2, s6, $0xb8;
	[tilespmem:$0x1B500] =	vst v63  }
0x49: {  	_ =	swait.ge [sflag:s26], $0x2800  }
0x4a: {  	[sflag:s26] =	ssyncset.done $0x0  }
0x4b: {  	[sflag:s26] =	ssyncadd.s32 $0xFFFFD800  }
0x4c: {  	_ =	swait.ge [sflag:s7], $0x50  }
0x4d: {  	[sflag:s7] =	ssyncset.done $0x0  }
0x4e: {  	[sflag:s7] =	ssyncadd.s32 $0xFFFFFFB0  }
0x4f: {  	_ =	swait.ge [sflag:s12], $0x2800  }
0x50: {  	[sflag:s12] =	ssyncset.done $0x0  }
0x51: {  	[sflag:s12] =	ssyncadd.s32 $0xFFFFD800  }
0x52: {  	[tilespmem:s2], [sflag:$0x1] =	stream.linear.gather [hbm4b:s25+s2], $0x50, $0x38;
	[tilespmem:$0x1B500] =	vst v63  }
0x53: {  	s23 =	sadd.s32 $0xA00, s8  }
0x54: {  	[tilespmem:s29], [sflag:$0x3] =	stream.linear.gather [hbm4b:s23+s2], $0x2800, $0x38;
	[tilespmem:$0x1B500] =	vst v63  }
0x55: {  	_ = 	snop  }
0x56: {  	[spmem:s1] =	stream.indirect.scatter.add.f32 [tilespmem:s3], [sflag:$0x5], $0x80, s0, s6, $0xb8;
	[tilespmem:$0x1B500] =	vst v63  }
0x57: {  	_ =	swait.ge [sflag:s26], $0x2800  }
0x58: {  	s20 =	simm.s32 $0xA00;
	s23 =	smov.u32 s25;
	[sflag:s26] =	ssyncset.done $0x0  }
.LBB2_8:
0x59: {  	p1 =	sne.s32 s20, $0x24400;
	[sflag:s26] =	ssyncadd.s32 $0xFFFFD800;
	s23 =	sadd.s32 $0x14, s23  }
0x5a: {  	s4 =	smov.u32 s20;
	s20 =	sadd.s32 $0xA00, s20  }
0x5b: {  	_ =	swait.ge [sflag:s30], $0x50  }
0x5c: {  	[sflag:s30] =	ssyncset.done $0x0  }
0x5d: {  	[sflag:s30] =	ssyncadd.s32 $0xFFFFFFB0  }
0x5e: {  	_ =	swait.ge [sflag:s31], $0x2800  }
0x5f: {  	[sflag:s31] =	ssyncset.done $0x0  }
0x60: {  	s8 =	sadd.s32 $0xFFFFFFF6, s23;
	s4 =	sadd.s32 s4, s14;
	[sflag:s31] =	ssyncadd.s32 $0xFFFFD800  }
0x61: {  	[tilespmem:s0], [sflag:$0x2] =	stream.linear.gather [hbm4b:s8+s2], $0x50, $0x38;
	[tilespmem:$0x1B500] =	vst v63  }
0x62: {  	s8 =	sadd.s32 $0x500, s4  }
0x63: {  	[tilespmem:s3], [sflag:$0x4] =	stream.linear.gather [hbm4b:s8+s2], $0x2800, $0x38;
	[tilespmem:$0x1B500] =	vst v63  }
0x64: {  	_ = 	snop  }
0x65: {  	[spmem:s1] =	stream.indirect.scatter.add.f32 [tilespmem:s29], [sflag:$0x5], $0x80, s2, s6, $0xb8;
	[tilespmem:$0x1B500] =	vst v63  }
0x66: {  	_ =	swait.ge [sflag:s26], $0x2800  }
0x67: {  	[sflag:s26] =	ssyncset.done $0x0  }
0x68: {  	[sflag:s26] =	ssyncadd.s32 $0xFFFFD800  }
0x69: {  	_ =	swait.ge [sflag:s7], $0x50  }
0x6a: {  	[sflag:s7] =	ssyncset.done $0x0  }
0x6b: {  	[sflag:s7] =	ssyncadd.s32 $0xFFFFFFB0  }
0x6c: {  	_ =	swait.ge [sflag:s12], $0x2800  }
0x6d: {  	[sflag:s12] =	ssyncset.done $0x0  }
0x6e: {  	[sflag:s12] =	ssyncadd.s32 $0xFFFFD800  }
0x6f: {  	[tilespmem:s2], [sflag:$0x1] =	stream.linear.gather [hbm4b:s23+s2], $0x50, $0x38;
	[tilespmem:$0x1B500] =	vst v63  }
0x70: {  	s4 =	sadd.s32 $0xA00, s4  }
0x71: {  	[tilespmem:s29], [sflag:$0x3] =	stream.linear.gather [hbm4b:s4+s2], $0x2800, $0x38;
	[tilespmem:$0x1B500] =	vst v63  }
.Ltmp3:
0x72: {  	_ = 	snop;
	(pc) =	sbr.rel @p1 .LBB2_8-.Ltmp3, $4  }
0x73: {  	_ = 	snop  }
0x74: {  	[spmem:s1] =	stream.indirect.scatter.add.f32 [tilespmem:s3], [sflag:$0x5], $0x80, s0, s6, $0xb8;
	[tilespmem:$0x1B500] =	vst v63  }
0x75: {  	_ =	swait.ge [sflag:s26], $0x2800  }
0x76: {  	[sflag:s26] =	ssyncset.done $0x0  }
0x77: {  	[sflag:s26] =	ssyncadd.s32 $0xFFFFD800  }
0x78: {  	_ =	swait.ge [sflag:s30], $0x50  }
0x79: {  	[sflag:s30] =	ssyncset.done $0x0  }
0x7a: {  	[sflag:s30] =	ssyncadd.s32 $0xFFFFFFB0  }
0x7b: {  	_ =	swait.ge [sflag:s31], $0x2800  }
0x7c: {  	[sflag:s31] =	ssyncset.done $0x0  }
0x7d: {  	[sflag:s31] =	ssyncadd.s32 $0xFFFFD800  }
0x7e: {  	[tilespmem:s0], [sflag:$0x2] =	stream.linear.gather [hbm4b:s19+s2], $0x50, $0x38;
	[tilespmem:$0x1B500] =	vst v63  }
0x7f: {  	s4 =	rddreg [dreg:$0xb]  }
0x80: {  	[tilespmem:s3], [sflag:$0x4] =	stream.linear.gather [hbm4b:s4+s2], $0x2800, $0x38;
	[tilespmem:$0x1B500] =	vst v63  }
0x81: {  	_ = 	snop  }
0x82: {  	[spmem:s1] =	stream.indirect.scatter.add.f32 [tilespmem:s29], [sflag:$0x5], $0x80, s2, s6, $0xb8;
	[tilespmem:$0x1B500] =	vst v63  }
0x83: {  	_ =	swait.ge [sflag:s26], $0x2800  }
0x84: {  	[sflag:s26] =	ssyncset.done $0x0  }
0x85: {  	[sflag:s26] =	ssyncadd.s32 $0xFFFFD800  }
0x86: {  	_ =	swait.ge [sflag:s7], $0x50  }
0x87: {  	[sflag:s7] =	ssyncset.done $0x0  }
0x88: {  	[sflag:s7] =	ssyncadd.s32 $0xFFFFFFB0  }
0x89: {  	_ =	swait.ge [sflag:s12], $0x2800  }
0x8a: {  	[sflag:s12] =	ssyncset.done $0x0  }
0x8b: {  	[sflag:s12] =	ssyncadd.s32 $0xFFFFD800  }
0x8c: {  	[spmem:s1] =	stream.indirect.scatter.add.f32 [tilespmem:s3], [sflag:$0x5], $0x80, s0, s6, $0xb8;
	[tilespmem:$0x1B500] =	vst v63  }
0x8d: {  	_ =	swait.ge [sflag:s26], $0x2800  }
0x8e: {  	[sflag:s26] =	ssyncset.done $0x0  }
0x8f: {  	[sflag:s26] =	ssyncadd.s32 $0xFFFFD800  }
0x90: {  	[bflag:$0x0] =	sbarrier.arrive $0xFFFF  }
0x91: {  	s20 =	rddreg [dreg:$0x9]  }
0x92: {  	[hbm:s20], [sflag:s22] =	dma.local [spmem:s18], $0x2780  }
0x93: {  	_ =	swait.ge [sflag:s26], $0x2780  }
0x94: {  	[sflag:s26] =	ssyncset.done $0x0  }
0x95: {  	[sflag:s26] =	ssyncadd.s32 $0xFFFFD880  }
0x96: {  	[bflag:$0x0] =	sbarrier.arrive $0xFFFF  }
0x97: {  	[spmem:s18], [sflag:s22] =	dma.local [hbm:s9], $0x2780  }
0x98: {  	_ =	swait.ge [sflag:s26], $0x2780  }
0x99: {  	[sflag:s26] =	ssyncset.done $0x0  }
0x9a: {  	[sflag:s26] =	ssyncadd.s32 $0xFFFFD880  }
0x9b: {  	[bflag:$0x0] =	sbarrier.arrive $0xFFFF  }
0x9c: {  	[tilespmem:s2], [sflag:$0x1] =	stream.linear.gather [hbm4b:s13+s2], $0x50, $0x38;
	[tilespmem:$0x1B500] =	vst v63  }
0x9d: {  	_ =	swait.ge [sflag:s30], $0x50  }
0x9e: {  	s23 =	sadd.s32 $0xFFFFFB64, s24;
	[sflag:s30] =	ssyncset.done $0x0  }
0x9f: {  	s8 =	sadd.s32 $0x4A6, s23;
	[sflag:s30] =	ssyncadd.s32 $0xFFFFFFB0  }
0xa0: {  	[tilespmem:s0], [sflag:$0x2] =	stream.linear.gather [hbm4b:s8+s2], $0x50, $0x38;
	[tilespmem:$0x1B500] =	vst v63  }
0xa1: {  	_ = 	snop  }
0xa2: {  	[spmem:s1] =	stream.indirect.scatter.add.f32 [tilespmem:s28], [sflag:$0x5], $0x80, s2, s6, $0xb8;
	[tilespmem:$0x1B500] =	vst v63  }
0xa3: {  	_ =	swait.ge [sflag:s26], $0x2800  }
0xa4: {  	[sflag:s26] =	ssyncset.done $0x0  }
0xa5: {  	[sflag:s26] =	ssyncadd.s32 $0xFFFFD800  }
0xa6: {  	_ =	swait.ge [sflag:s7], $0x50  }
0xa7: {  	[sflag:s7] =	ssyncset.done $0x0  }
0xa8: {  	s4 =	sadd.s32 $0x4B0, s23;
	[sflag:s7] =	ssyncadd.s32 $0xFFFFFFB0  }
0xa9: {  	[tilespmem:s2], [sflag:$0x1] =	stream.linear.gather [hbm4b:s4+s2], $0x50, $0x38;
	[tilespmem:$0x1B500] =	vst v63  }
0xaa: {  	_ = 	snop  }
0xab: {  	[spmem:s1] =	stream.indirect.scatter.add.f32 [tilespmem:s28], [sflag:$0x5], $0x80, s0, s6, $0xb8;
	[tilespmem:$0x1B500] =	vst v63  }
0xac: {  	_ =	swait.ge [sflag:s26], $0x2800  }
0xad: {  	s20 =	simm.s32 $0xFFFFFB78;
	[sflag:s26] =	ssyncset.done $0x0  }
.LBB2_10:
0xae: {  	p1 =	sne.s32 s20, $0xFFFFFFEC  }
0xaf: {  	[sflag:s26] =	ssyncadd.s32 $0xFFFFD800;
	s4 =	smov.u32 s20;
	s20 =	sadd.s32 $0x14, s20  }
0xb0: {  	_ = 	snop  }
0xb1: {  	_ =	swait.ge [sflag:s30], $0x50  }
0xb2: {  	s4 =	sadd.s32 s4, s24;
	[sflag:s30] =	ssyncset.done $0x0  }
0xb3: {  	s8 =	sadd.s32 $0x4A6, s4;
	[sflag:s30] =	ssyncadd.s32 $0xFFFFFFB0  }
0xb4: {  	[tilespmem:s0], [sflag:$0x2] =	stream.linear.gather [hbm4b:s8+s2], $0x50, $0x38;
	[tilespmem:$0x1B500] =	vst v63  }
0xb5: {  	_ = 	snop  }
0xb6: {  	[spmem:s1] =	stream.indirect.scatter.add.f32 [tilespmem:s28], [sflag:$0x5], $0x80, s2, s6, $0xb8;
	[tilespmem:$0x1B500] =	vst v63  }
0xb7: {  	_ =	swait.ge [sflag:s26], $0x2800  }
0xb8: {  	[sflag:s26] =	ssyncset.done $0x0  }
0xb9: {  	[sflag:s26] =	ssyncadd.s32 $0xFFFFD800  }
0xba: {  	_ =	swait.ge [sflag:s7], $0x50  }
0xbb: {  	[sflag:s7] =	ssyncset.done $0x0  }
0xbc: {  	s4 =	sadd.s32 $0x4B0, s4;
	[sflag:s7] =	ssyncadd.s32 $0xFFFFFFB0  }
0xbd: {  	[tilespmem:s2], [sflag:$0x1] =	stream.linear.gather [hbm4b:s4+s2], $0x50, $0x38;
	[tilespmem:$0x1B500] =	vst v63  }
.Ltmp4:
0xbe: {  	_ = 	snop;
	(pc) =	sbr.rel @p1 .LBB2_10-.Ltmp4, $4  }
0xbf: {  	_ = 	snop  }
0xc0: {  	[spmem:s1] =	stream.indirect.scatter.add.f32 [tilespmem:s28], [sflag:$0x5], $0x80, s0, s6, $0xb8;
	[tilespmem:$0x1B500] =	vst v63  }
0xc1: {  	_ =	swait.ge [sflag:s26], $0x2800  }
0xc2: {  	[sflag:s26] =	ssyncset.done $0x0  }
.Ltmp5:
0xc3: {  	_ = 	snop;
	(pc) =	sbr.rel .LBB2_11-.Ltmp5, $1  }
0xc4: {  	_ =	sdelay $0x3  }
.LBB2_2:
0xc5: {  	s20 =	simm.s32 $0x0  }
0xc6: {  	[tilespmem:s20], [sflag:$0x1] =	stream.linear.gather [hbm4b:s10+s20], $0x50, $0x38;
	[tilespmem:$0x1B500] =	vst v63  }
0xc7: {  	_ = 	snop  }
0xc8: {  	[tilespmem:s29], [sflag:$0x3] =	stream.linear.gather [hbm4b:s11+s20], $0x2800, $0x38;
	[tilespmem:$0x1B500] =	vst v63  }
0xc9: {  	_ =	swait.ge [sflag:s30], $0x50  }
0xca: {  	[sflag:s30] =	ssyncset.done $0x0  }
0xcb: {  	[sflag:s30] =	ssyncadd.s32 $0xFFFFFFB0  }
0xcc: {  	_ =	swait.ge [sflag:s31], $0x2800  }
0xcd: {  	[sflag:s31] =	ssyncset.done $0x0  }
0xce: {  	s4 =	sadd.s32 $0xFFFFFFF6, s5;
	s23 =	sadd.s32 $0x0, s11;
	[sflag:s31] =	ssyncadd.s32 $0xFFFFD800  }
0xcf: {  	[tilespmem:s0], [sflag:$0x2] =	stream.linear.gather [hbm4b:s4+s2], $0x50, $0x38;
	[tilespmem:$0x1B500] =	vst v63  }
0xd0: {  	s8 =	sadd.s32 $0x500, s23  }
0xd1: {  	[tilespmem:s3], [sflag:$0x4] =	stream.linear.gather [hbm4b:s8+s2], $0x2800, $0x38;
	[tilespmem:$0x1B500] =	vst v63  }
0xd2: {  	_ = 	snop  }
0xd3: {  	[spmem:s1] =	stream.indirect.scatter.add.f32 [tilespmem:s29], [sflag:$0x5], $0x80, s2, s6, $0xb8;
	[tilespmem:$0x1B500] =	vst v63  }
0xd4: {  	_ =	swait.ge [sflag:s26], $0x2800  }
0xd5: {  	[sflag:s26] =	ssyncset.done $0x0  }
0xd6: {  	[sflag:s26] =	ssyncadd.s32 $0xFFFFD800  }
0xd7: {  	_ =	swait.ge [sflag:s7], $0x50  }
0xd8: {  	[sflag:s7] =	ssyncset.done $0x0  }
0xd9: {  	[sflag:s7] =	ssyncadd.s32 $0xFFFFFFB0  }
0xda: {  	_ =	swait.ge [sflag:s12], $0x2800  }
0xdb: {  	[sflag:s12] =	ssyncset.done $0x0  }
0xdc: {  	[sflag:s12] =	ssyncadd.s32 $0xFFFFD800  }
0xdd: {  	[tilespmem:s2], [sflag:$0x1] =	stream.linear.gather [hbm4b:s5+s2], $0x50, $0x38;
	[tilespmem:$0x1B500] =	vst v63  }
0xde: {  	s23 =	sadd.s32 $0xA00, s23  }
0xdf: {  	[tilespmem:s29], [sflag:$0x3] =	stream.linear.gather [hbm4b:s23+s2], $0x2800, $0x38;
	[tilespmem:$0x1B500] =	vst v63  }
0xe0: {  	_ = 	snop  }
0xe1: {  	[spmem:s1] =	stream.indirect.scatter.add.f32 [tilespmem:s3], [sflag:$0x5], $0x80, s0, s6, $0xb8;
	[tilespmem:$0x1B500] =	vst v63  }
0xe2: {  	_ =	swait.ge [sflag:s26], $0x2800  }
0xe3: {  	s20 =	simm.s32 $0xA00;
	s23 =	smov.u32 s5;
	[sflag:s26] =	ssyncset.done $0x0  }
.LBB2_3:
0xe4: {  	p1 =	sne.s32 s20, $0x24400;
	[sflag:s26] =	ssyncadd.s32 $0xFFFFD800;
	s23 =	sadd.s32 $0x14, s23  }
0xe5: {  	s8 =	smov.u32 s20;
	s20 =	sadd.s32 $0xA00, s20  }
0xe6: {  	_ =	swait.ge [sflag:s30], $0x50  }
0xe7: {  	[sflag:s30] =	ssyncset.done $0x0  }
0xe8: {  	[sflag:s30] =	ssyncadd.s32 $0xFFFFFFB0  }
0xe9: {  	_ =	swait.ge [sflag:s31], $0x2800  }
0xea: {  	[sflag:s31] =	ssyncset.done $0x0  }
0xeb: {  	s4 =	sadd.s32 $0xFFFFFFF6, s23;
	s8 =	sadd.s32 s8, s11;
	[sflag:s31] =	ssyncadd.s32 $0xFFFFD800  }
0xec: {  	[tilespmem:s0], [sflag:$0x2] =	stream.linear.gather [hbm4b:s4+s2], $0x50, $0x38;
	[tilespmem:$0x1B500] =	vst v63  }
0xed: {  	s4 =	sadd.s32 $0x500, s8  }
0xee: {  	[tilespmem:s3], [sflag:$0x4] =	stream.linear.gather [hbm4b:s4+s2], $0x2800, $0x38;
	[tilespmem:$0x1B500] =	vst v63  }
0xef: {  	_ = 	snop  }
0xf0: {  	[spmem:s1] =	stream.indirect.scatter.add.f32 [tilespmem:s29], [sflag:$0x5], $0x80, s2, s6, $0xb8;
	[tilespmem:$0x1B500] =	vst v63  }
0xf1: {  	_ =	swait.ge [sflag:s26], $0x2800  }
0xf2: {  	[sflag:s26] =	ssyncset.done $0x0  }
0xf3: {  	[sflag:s26] =	ssyncadd.s32 $0xFFFFD800  }
0xf4: {  	_ =	swait.ge [sflag:s7], $0x50  }
0xf5: {  	[sflag:s7] =	ssyncset.done $0x0  }
0xf6: {  	[sflag:s7] =	ssyncadd.s32 $0xFFFFFFB0  }
0xf7: {  	_ =	swait.ge [sflag:s12], $0x2800  }
0xf8: {  	[sflag:s12] =	ssyncset.done $0x0  }
0xf9: {  	[sflag:s12] =	ssyncadd.s32 $0xFFFFD800  }
0xfa: {  	[tilespmem:s2], [sflag:$0x1] =	stream.linear.gather [hbm4b:s23+s2], $0x50, $0x38;
	[tilespmem:$0x1B500] =	vst v63  }
0xfb: {  	s4 =	sadd.s32 $0xA00, s8  }
0xfc: {  	[tilespmem:s29], [sflag:$0x3] =	stream.linear.gather [hbm4b:s4+s2], $0x2800, $0x38;
	[tilespmem:$0x1B500] =	vst v63  }
.Ltmp6:
0xfd: {  	_ = 	snop;
	(pc) =	sbr.rel @p1 .LBB2_3-.Ltmp6, $4  }
0xfe: {  	_ = 	snop  }
0xff: {  	[spmem:s1] =	stream.indirect.scatter.add.f32 [tilespmem:s3], [sflag:$0x5], $0x80, s0, s6, $0xb8;
	[tilespmem:$0x1B500] =	vst v63  }
0x100: {  	_ =	swait.ge [sflag:s26], $0x2800  }
0x101: {  	[sflag:s26] =	ssyncset.done $0x0  }
0x102: {  	[sflag:s26] =	ssyncadd.s32 $0xFFFFD800  }
0x103: {  	_ =	swait.ge [sflag:s30], $0x50  }
0x104: {  	[sflag:s30] =	ssyncset.done $0x0  }
0x105: {  	[sflag:s30] =	ssyncadd.s32 $0xFFFFFFB0  }
0x106: {  	_ =	swait.ge [sflag:s31], $0x2800  }
0x107: {  	[sflag:s31] =	ssyncset.done $0x0  }
0x108: {  	[sflag:s31] =	ssyncadd.s32 $0xFFFFD800  }
0x109: {  	[tilespmem:s0], [sflag:$0x2] =	stream.linear.gather [hbm4b:s17+s2], $0x50, $0x38;
	[tilespmem:$0x1B500] =	vst v63  }
0x10a: {  	s4 =	rddreg [dreg:$0xa]  }
0x10b: {  	[tilespmem:s3], [sflag:$0x4] =	stream.linear.gather [hbm4b:s4+s2], $0x2800, $0x38;
	[tilespmem:$0x1B500] =	vst v63  }
0x10c: {  	_ = 	snop  }
0x10d: {  	[spmem:s1] =	stream.indirect.scatter.add.f32 [tilespmem:s29], [sflag:$0x5], $0x80, s2, s6, $0xb8;
	[tilespmem:$0x1B500] =	vst v63  }
0x10e: {  	_ =	swait.ge [sflag:s26], $0x2800  }
0x10f: {  	[sflag:s26] =	ssyncset.done $0x0  }
0x110: {  	[sflag:s26] =	ssyncadd.s32 $0xFFFFD800  }
0x111: {  	_ =	swait.ge [sflag:s7], $0x50  }
0x112: {  	[sflag:s7] =	ssyncset.done $0x0  }
0x113: {  	[sflag:s7] =	ssyncadd.s32 $0xFFFFFFB0  }
0x114: {  	_ =	swait.ge [sflag:s12], $0x2800  }
0x115: {  	[sflag:s12] =	ssyncset.done $0x0  }
0x116: {  	[sflag:s12] =	ssyncadd.s32 $0xFFFFD800  }
0x117: {  	[spmem:s1] =	stream.indirect.scatter.add.f32 [tilespmem:s3], [sflag:$0x5], $0x80, s0, s6, $0xb8;
	[tilespmem:$0x1B500] =	vst v63  }
0x118: {  	_ =	swait.ge [sflag:s26], $0x2800  }
0x119: {  	[sflag:s26] =	ssyncset.done $0x0  }
0x11a: {  	[sflag:s26] =	ssyncadd.s32 $0xFFFFD800  }
0x11b: {  	[bflag:$0x0] =	sbarrier.arrive $0xFFFF  }
0x11c: {  	s20 =	rddreg [dreg:$0x8]  }
0x11d: {  	[hbm:s20], [sflag:s22] =	dma.local [spmem:s18], $0x2780  }
0x11e: {  	_ =	swait.ge [sflag:s26], $0x2780  }
0x11f: {  	[sflag:s26] =	ssyncset.done $0x0  }
0x120: {  	[sflag:s26] =	ssyncadd.s32 $0xFFFFD880  }
0x121: {  	[bflag:$0x0] =	sbarrier.arrive $0xFFFF  }
0x122: {  	[spmem:s18], [sflag:s22] =	dma.local [hbm:s9], $0x2780  }
0x123: {  	_ =	swait.ge [sflag:s26], $0x2780  }
0x124: {  	[sflag:s26] =	ssyncset.done $0x0  }
0x125: {  	[sflag:s26] =	ssyncadd.s32 $0xFFFFD880  }
0x126: {  	[bflag:$0x0] =	sbarrier.arrive $0xFFFF  }
0x127: {  	[tilespmem:s2], [sflag:$0x1] =	stream.linear.gather [hbm4b:s10+s2], $0x50, $0x38;
	[tilespmem:$0x1B500] =	vst v63  }
0x128: {  	_ =	swait.ge [sflag:s30], $0x50  }
0x129: {  	s23 =	sadd.s32 $0xFFFFFB64, s21;
	[sflag:s30] =	ssyncset.done $0x0  }
0x12a: {  	s8 =	sadd.s32 $0x4A6, s23;
	[sflag:s30] =	ssyncadd.s32 $0xFFFFFFB0  }
0x12b: {  	[tilespmem:s0], [sflag:$0x2] =	stream.linear.gather [hbm4b:s8+s2], $0x50, $0x38;
	[tilespmem:$0x1B500] =	vst v63  }
0x12c: {  	_ = 	snop  }
0x12d: {  	[spmem:s1] =	stream.indirect.scatter.add.f32 [tilespmem:s28], [sflag:$0x5], $0x80, s2, s6, $0xb8;
	[tilespmem:$0x1B500] =	vst v63  }
0x12e: {  	_ =	swait.ge [sflag:s26], $0x2800  }
0x12f: {  	[sflag:s26] =	ssyncset.done $0x0  }
0x130: {  	[sflag:s26] =	ssyncadd.s32 $0xFFFFD800  }
0x131: {  	_ =	swait.ge [sflag:s7], $0x50  }
0x132: {  	[sflag:s7] =	ssyncset.done $0x0  }
0x133: {  	s4 =	sadd.s32 $0x4B0, s23;
	[sflag:s7] =	ssyncadd.s32 $0xFFFFFFB0  }
0x134: {  	[tilespmem:s2], [sflag:$0x1] =	stream.linear.gather [hbm4b:s4+s2], $0x50, $0x38;
	[tilespmem:$0x1B500] =	vst v63  }
0x135: {  	_ = 	snop  }
0x136: {  	[spmem:s1] =	stream.indirect.scatter.add.f32 [tilespmem:s28], [sflag:$0x5], $0x80, s0, s6, $0xb8;
	[tilespmem:$0x1B500] =	vst v63  }
0x137: {  	_ =	swait.ge [sflag:s26], $0x2800  }
0x138: {  	s20 =	simm.s32 $0xFFFFFB78;
	[sflag:s26] =	ssyncset.done $0x0  }
.LBB2_5:
0x139: {  	p1 =	seq.s32 s20, $0xFFFFFFEC  }
0x13a: {  	[sflag:s26] =	ssyncadd.s32 $0xFFFFD800;
	s4 =	smov.u32 s20;
	s20 =	sadd.s32 $0x14, s20  }
0x13b: {  	_ = 	snop  }
0x13c: {  	_ =	swait.ge [sflag:s30], $0x50  }
0x13d: {  	s4 =	sadd.s32 s4, s21;
	[sflag:s30] =	ssyncset.done $0x0  }
0x13e: {  	s8 =	sadd.s32 $0x4A6, s4;
	[sflag:s30] =	ssyncadd.s32 $0xFFFFFFB0  }
0x13f: {  	[tilespmem:s0], [sflag:$0x2] =	stream.linear.gather [hbm4b:s8+s2], $0x50, $0x38;
	[tilespmem:$0x1B500] =	vst v63  }
0x140: {  	_ = 	snop  }
0x141: {  	[spmem:s1] =	stream.indirect.scatter.add.f32 [tilespmem:s28], [sflag:$0x5], $0x80, s2, s6, $0xb8;
	[tilespmem:$0x1B500] =	vst v63  }
0x142: {  	_ =	swait.ge [sflag:s26], $0x2800  }
0x143: {  	[sflag:s26] =	ssyncset.done $0x0  }
0x144: {  	[sflag:s26] =	ssyncadd.s32 $0xFFFFD800  }
0x145: {  	_ =	swait.ge [sflag:s7], $0x50  }
0x146: {  	[sflag:s7] =	ssyncset.done $0x0  }
0x147: {  	s4 =	sadd.s32 $0x4B0, s4;
	[sflag:s7] =	ssyncadd.s32 $0xFFFFFFB0  }
0x148: {  	[tilespmem:s2], [sflag:$0x1] =	stream.linear.gather [hbm4b:s4+s2], $0x50, $0x38;
	[tilespmem:$0x1B500] =	vst v63  }
.Ltmp7:
0x149: {  	_ = 	snop;
	(pc) =	sbr.rel @!p1 .LBB2_5-.Ltmp7, $4  }
0x14a: {  	_ = 	snop  }
0x14b: {  	[spmem:s1] =	stream.indirect.scatter.add.f32 [tilespmem:s28], [sflag:$0x5], $0x80, s0, s6, $0xb8;
	[tilespmem:$0x1B500] =	vst v63  }
0x14c: {  	_ =	swait.ge [sflag:s26], $0x2800  }
0x14d: {  	[sflag:s26] =	ssyncset.done $0x0  }
.Ltmp8:
0x14e: {  	(pc) =	sbr.rel .LBB2_12-.Ltmp8, $2  }
0x14f: {  	_ =	sdelay $0x2  }
0x150: {  	[sflag:s26] =	ssyncadd.s32 $0xFFFFD800;
	s23 =	smov.u32 s17;
	s20 =	rddreg [dreg:$0x5]  }
.LBB2_13:
0x151: {  	_ =	sfence.sel $0x180000  }
0x152: {  	[bflag:$0x0] =	sbarrier.arrive $0xFFFF  }
0x153: {  	_ =	strace $0x90000050  }
0x154: {  	s0 =	stileid.u32;
	[bflag:$0x2] =	sbarrier.arrive $0xFFFF  }
0x155: {  	p0 =	sne.s32 s0, $0x0;
	s0 =	rddreg [dreg:$0x2]  }
0x156: {  	s0 =	sadd.s32 @!p0 $0x100000, s0  }
0x157: {  	[sflag:s0] =	ssyncadd.tile.s32 @!p0 $0x1;
	_ =	shalt  }
.Lfunc_end2:
_tile_overlayer_lowered:
.L_overlay_start_2:
0x158: {  	(tag) =	ssettag $0x2  }
0x159: {  	s0 =	rddreg [dreg:$0x0];
	s2 =	stileid.u32  }
0x15a: {  	s1 =	rddreg [dreg:$0x1];
	p0 =	sne.s32 s2, $0x0  }
0x15b: {  	s3 =	rddreg [dreg:$0x2];
	[bflag:$0x3] =	sbarrier.arrive $0xFFFF;
	s2 =	simm.s32 @!p0 $0x1C05  }
0x15c: {  	[timem:s3], [sflag:s2] =	dma.local @!p0 [hbm:s0], s1  }
0x15d: {  	s0 =	simm.s32 @!p0 $0x5  }
0x15e: {  	_ =	swait.ge @!p0 [sflag:s0], s1  }
0x15f: {  	s1 =	ssub.s32 @!p0 $0x0, s1;
	[sflag:s0] =	ssyncset.done @!p0 $0x0  }
0x160: {  	[sflag:s0] =	ssyncadd.s32 @!p0 s1  }
0x161: {  	[bflag:$0x3] =	sbarrier.arrive $0xFFFF  }
0x162: {  	_ =	shalt  }

// kernel: kernel.16.cloned.1.call-start
scs
__scs_entry_jumppad:
0x0: {  	(pc) =	sbr.rel $0x88, $3  }
0x1: {  	(tag) =	ssettag $0x0;
	lr =	simm.s32 $0x1  }
0x2: {  	[smem:$0x3F8E] =	sst lr;
	_ =	strace $0xD0000000  }
0x3: {  	_ = 	snop  }
0x4: {  	_ = 	snop  }
0x5: {  	_ = 	snop  }
0x6: {  	_ = 	snop  }
0x7: {  	_ = 	snop  }
__scs_overlays_trampoline_lowered:
0x8: {  	[smem:$0x3F9D] =	sst s0  }
0x9: {  	[smem:$0x3F9E] =	sst s1  }
0xa: {  	[smem:$0x3F9F] =	sst s2  }
0xb: {  	[smem:$0x3FA0] =	sst s3  }
0xc: {  	[smem:$0x3FA1] =	sst s4  }
0xd: {  	[smem:$0x3FA2] =	sst s5  }
0xe: {  	[smem:$0x3FA3] =	sst s6  }
0xf: {  	[smem:$0x3FA4] =	sst s7  }
0x10: {  	[smem:$0x3FA5] =	sst s8  }
0x11: {  	[smem:$0x3FA6] =	sst s9;
	s0 =	simm.s32 @!p0 $0x0  }
0x12: {  	s1 =	sld [smem:$0x3F8C];
	s0 =	simm.s32 @p0 $0x1  }
0x13: {  	[smem:$0x3FA7] =	sst s0;
	s0 =	simm.s32 @!p1 $0x0  }
0x14: {  	s2 =	sld [smem:$0x3F8B];
	s0 =	simm.s32 @p1 $0x1  }
0x15: {  	[smem:$0x3FA8] =	sst s0;
	s0 =	simm.s32 @!p2 $0x0  }
0x16: {  	s3 =	sld [smem:$0x3FDB];
	s0 =	simm.s32 @p2 $0x1  }
0x17: {  	s4 =	simm.s32 $0x1BF5;
	[smem:$0x3FAA] =	sst s0  }
0x18: {  	s0 =	sld [smem:$0x3F8D];
	_ =	swait.ge [sflag:s4], $0x0  }
0x19: {  	s7 =	sld [smem:$0x3F8E]  }
0x1a: {  	s8 =	sadd.s32 $0xFFFFE003, lr  }
0x1b: {  	s9 =	sadd.s32 $0xFFFFFEF7, lr;
	s5 =	simm.s32 $0xFFFFFFFF;
	p2 =	slt.u32 s8, $0xFFFFF086  }
0x1c: {  	p1 =	slt.u32 s9, $0xF7A;
	s5 =	simm.s32 @!p2 $0x0  }
0x1d: {  	s5 =	simm.s32 @p1 $0x1;
	p0 =	seq.s32 s7, s2  }
0x1e: {  	s7 =	smul.u32 @!p0 $0xF7A, s2;
	p2 =	seq.s32 @!p0 s5, $0x0  }
0x1f: {  	s9 =	smul.u32 $0xF7A, s1;
	s8 =	simm.s32 @!p0 $0x1BF5;
	p2 =	por !p2, p0  }
0x20: {  	[sflag:s8] =	ssyncset.s32 @!p0 $0xFFFFF086;
	s6 =	sadd.s32 @!p0 s3, s7;
	s7 =	simm.s32 @!p0 $0x108  }
0x21: {  	s3 =	sadd.s32 s3, s9;
	s6 =	sadd.s32 @!p0 $0x88, s6;
	s7 =	simm.s32 @p2 $0x1082  }
0x22: {  	[simem:s7], [sflag:s8] =	dma.local @!p0 [hbm:s6], $0xF7A  }
0x23: {  	s9 =	sor.u32 $0xD0000000, s2;
	s6 =	simm.s32 $0x108;
	_ =	swait.ge @!p0 [sflag:s8], $0x0  }
0x24: {  	s3 =	sadd.s32 $0x88, s3;
	s6 =	simm.s32 @!p1 $0x1082;
	[sflag:s4] =	ssyncset.s32 $0xFFFFF086  }
0x25: {  	[simem:s6], [sflag:s4] =	dma.local [hbm:s3], $0xF7A  }
0x26: {  	[smem:$0x3F8E] =	sst s1;
	(tag) =	ssettag s2;
	_ =	strace s9  }
0x27: {  	s1 =	sld [smem:$0x3F9E]  }
0x28: {  	s2 =	sld [smem:$0x3F9F]  }
0x29: {  	s4 =	sld [smem:$0x3FA1]  }
0x2a: {  	p0 =	seq.s32 s5, $0x0;
	s5 =	sld [smem:$0x3FA2]  }
0x2b: {  	s6 =	sld [smem:$0x3FA3]  }
0x2c: {  	s7 =	sld [smem:$0x3FA4]  }
0x2d: {  	s3 =	simm.s32 $0x108;
	s8 =	sld [smem:$0x3FA5]  }
0x2e: {  	s3 =	simm.s32 @!p0 $0x1082;
	s9 =	sld [smem:$0x3FA6]  }
0x2f: {  	lr =	sadd.s32 s0, s3;
	s0 =	sld [smem:$0x3F9D]  }
0x30: {  	s3 =	sld [smem:$0x3FA0]  }
0x31: {  	[smem:$0x3FA9] =	sst s10  }
0x32: {  	s10 =	sld [smem:$0x3FA7];
	_ =	sdelay $0x3  }
0x33: {  	p0 =	seq.s32 s10, $0x1;
	s10 =	sld [smem:$0x3FA9];
	_ =	sdelay $0x3  }
0x34: {  	[smem:$0x3FA9] =	sst s10  }
0x35: {  	s10 =	sld [smem:$0x3FA8];
	_ =	sdelay $0x3  }
0x36: {  	p1 =	seq.s32 s10, $0x1;
	s10 =	sld [smem:$0x3FA9];
	_ =	sdelay $0x3  }
0x37: {  	[smem:$0x3FA9] =	sst s10  }
0x38: {  	s10 =	sld [smem:$0x3FAA]  }
0x39: {  	_ = 	snop;
	(pc) =	sbr.ind lr, $3  }
0x3a: {  	_ = 	snop  }
0x3b: {  	_ = 	snop  }
0x3c: {  	p2 =	seq.s32 s10, $0x1;
	s10 =	sld [smem:$0x3FA9]  }
0x3d: {  	_ =	shalt  }
0x3e: {  	_ =	shalt  }
0x3f: {  	_ =	shalt  }
0x40: {  	_ =	shalt  }
0x41: {  	_ =	shalt  }
0x42: {  	_ =	shalt  }
0x43: {  	_ =	shalt  }
0x44: {  	_ =	shalt  }
0x45: {  	_ =	shalt  }
0x46: {  	_ =	shalt  }
0x47: {  	_ =	shalt  }
0x48: {  	_ =	shalt  }
0x49: {  	_ =	shalt  }
0x4a: {  	_ =	shalt  }
0x4b: {  	_ =	shalt  }
0x4c: {  	_ =	shalt  }
0x4d: {  	_ =	shalt  }
0x4e: {  	_ =	shalt  }
0x4f: {  	_ =	shalt  }
0x50: {  	_ =	shalt  }
0x51: {  	_ =	shalt  }
0x52: {  	_ =	shalt  }
0x53: {  	_ =	shalt  }
0x54: {  	_ =	shalt  }
0x55: {  	_ =	shalt  }
0x56: {  	_ =	shalt  }
0x57: {  	_ =	shalt  }
0x58: {  	_ =	shalt  }
0x59: {  	_ =	shalt  }
0x5a: {  	_ =	shalt  }
0x5b: {  	_ =	shalt  }
0x5c: {  	_ =	shalt  }
0x5d: {  	_ =	shalt  }
0x5e: {  	_ =	shalt  }
0x5f: {  	_ =	shalt  }
0x60: {  	_ =	shalt  }
0x61: {  	_ =	shalt  }
0x62: {  	_ =	shalt  }
0x63: {  	_ =	shalt  }
0x64: {  	_ =	shalt  }
0x65: {  	_ =	shalt  }
0x66: {  	_ =	shalt  }
0x67: {  	_ =	shalt  }
0x68: {  	_ =	shalt  }
0x69: {  	_ =	shalt  }
0x6a: {  	_ =	shalt  }
0x6b: {  	_ =	shalt  }
0x6c: {  	_ =	shalt  }
0x6d: {  	_ =	shalt  }
0x6e: {  	_ =	shalt  }
0x6f: {  	_ =	shalt  }
0x70: {  	_ =	shalt  }
0x71: {  	_ =	shalt  }
0x72: {  	_ =	shalt  }
0x73: {  	_ =	shalt  }
0x74: {  	_ =	shalt  }
0x75: {  	_ =	shalt  }
0x76: {  	_ =	shalt  }
0x77: {  	_ =	shalt  }
0x78: {  	_ =	shalt  }
0x79: {  	_ =	shalt  }
0x7a: {  	_ =	shalt  }
0x7b: {  	_ =	shalt  }
0x7c: {  	_ =	shalt  }
0x7d: {  	_ =	shalt  }
0x7e: {  	_ =	shalt  }
0x7f: {  	_ =	shalt  }
0x80: {  	_ =	shalt  }
0x81: {  	_ =	shalt  }
0x82: {  	_ =	shalt  }
0x83: {  	_ =	shalt  }
0x84: {  	_ =	shalt  }
0x85: {  	_ =	shalt  }
0x86: {  	_ =	shalt  }
0x87: {  	_ =	shalt  }
.Lfunc_end0:
.L_simem_size_0:
called_computation.2_lowered:
.L_overlay_start_0:
0x88: {  	s2 =	sld [smem:$0x3FD9]  }
0x89: {  	s3 =	sld [smem:$0x3FFE];
	_ =	sdelay $0x1  }
0x8a: {  	s1 =	srdreg.scid  }
0x8b: {  	s0 =	sand.u32 $0x1, s1  }
0x8c: {  	s17 =	sshll.u32 s0, $0xA;
	s2 =	sadd.s32 s3, s2  }
0x8d: {  	s2 =	sadd.s32 s2, s17  }
0x8e: {  	[smem:$0x3FB5] =	sst s2  }
0x8f: {  	_ = 	snop  }
0x90: {  	s2 =	sld [smem:$0x3FD0];
	(tm) =	ssettm $0x1  }
0x91: {  	s18 =	sld [smem:$0x3FFB];
	_ =	sdelay $0x3  }
0x92: {  	_ =	strace s18  }
0x93: {  	s3 =	sld [smem:$0x3FFC];
	_ =	sdelay $0x3  }
0x94: {  	_ =	strace s3  }
0x95: {  	s3 =	sld [smem:$0x3FFD];
	_ =	sdelay $0x3  }
0x96: {  	_ =	strace s3  }
0x97: {  	_ =	strace $0x8FFFFFFF  }
0x98: {  	s19 =	sld [smem:$0x3FDB];
	_ =	sdelay $0x1  }
0x99: {  	s4 =	simm.s32 $_scs_section_size  }
0x9a: {  	s5 =	simm.s32 $_size__tile_overlayer_lowered;
	s6 =	simm.s32 $_tile_overlayer_lowered  }
0x9b: {  	s22 =	simm.s32 $0x1BFF;
	s21 =	sshll.u32 s6, $0x1;
	s3 =	sadd.s32 s4, s19  }
0x9c: {  	s7 =	simm.s32 $0x0;
	s20 =	sshll.u32 s5, $0x1;
	s5 =	sadd.s32 s21, s3  }
0x9d: {  	[timem:s7], [sflag:s22] =	dma.local [hbm:s5], s20  }
0x9e: {  	_ =	swait.ge [sflag:s22], s20  }
0x9f: {  	s4 =	ssub.s32 $0x0, s20;
	[sflag:s22] =	ssyncset.done $0x0  }
0xa0: {  	[sflag:s22] =	ssyncadd.s32 s4;
	_ =	sdelay $0x1  }
0xa1: {  	s23 =	simm.s32 $0x1B8B  }
0xa2: {  	_ =	swait.ge [sflag:s23], $0x1  }
0xa3: {  	[sflag:s23] =	ssyncset.done $0x0  }
0xa4: {  	s25 =	simm.s32 $0x1B8E;
	s24 =	sld [smem:$0x3FFE];
	[sflag:s23] =	ssyncadd.s32 $0xFFFFFFFF  }
0xa5: {  	s26 =	simm.s32 $execute0_lowered;
	[smem:$0x3FD2] =	sst s25  }
0xa6: {  	s5 =	sshll.u32 s26, $0x1;
	_ =	strace $0x80000046;
	[dreg:$0x1] =	wrdreg $0xFFFFFFFF  }
0xa7: {  	s28 =	simm.s32 $_size_execute0_lowered;
	s3 =	sadd.s32 s3, s5;
	[dreg:$0x0] =	wrdreg $0x0  }
0xa8: {  	s5 =	sshll.u32 s28, $0x1;
	[dreg:$0x2] =	wrdreg s3  }
0xa9: {  	[dreg:$0x3] =	wrdreg s5  }
0xaa: {  	[dreg:$0x4] =	wrdreg $0xC0  }
0xab: {  	_ =	task [dreg:s7], $0x5FFFF  }
0xac: {  	[dreg:$0x1] =	wrdreg $0xFFFFFFFF  }
0xad: {  	[dreg:$0x0] =	wrdreg $0x60  }
0xae: {  	[dreg:$0x2] =	wrdreg s2  }
0xaf: {  	[dreg:$0x3] =	wrdreg s24  }
0xb0: {  	[dreg:$0x4] =	wrdreg $0xA  }
0xb1: {  	_ =	task.clear_ibuf [dreg:s7], $0x5FFFF;
	_ =	strace $0x90000046  }
0xb2: {  	s29 =	simm.s32 $0xA;
	_ =	strace $0x80000048  }
0xb3: {  	_ =	swait.ge [sflag:s29], $0x1  }
0xb4: {  	[sflag:s29] =	ssyncadd.s32 $0xFFFFFFFF  }
0xb5: {  	_ =	strace $0x90000048  }
0xb6: {  	_ =	sfence  }
0xb7: {  	s30 =	sld [smem:$0x0];
	_ =	sdelay $0x2  }
0xb8: {  	s31 =	sshll.u32 s1, $0xD;
	s1 =	sshrl.u32 s1, $0x2  }
0xb9: {  	s3 =	sand.u32 $0x4000, s31;
	s1 =	sadd.s32 s1, s30  }
0xba: {  	s0 =	sor.u32 s3, s0;
	s1 =	sshll.u32 s1, $0x11  }
0xbb: {  	s0 =	sor.u32 s1, s0  }
0xbc: {  	s0 =	sadd.s32 $0x8F2B, s0  }
0xbd: {  	[sflag:s0] =	ssyncadd.remote.s32 $0x1  }
0xbe: {  	_ =	sfence.sel $0xFFFF  }
0xbf: {  	[dreg:$0x0] =	wrdreg $0xFFFFFFFF;
	(pc) =	sbr.abs _section_cstart, $3  }
0xc0: {  	[dreg:$0x1] =	wrdreg $0xFFFFFFFF  }
0xc1: {  	_ =	task.clear_ibuf [dreg:s7], $0x2FFFF;
	_ =	strace $0x9FFFFFFF  }
0xc2: {  	(tm) =	ssettm $0x7FFFFFFF  }
0xc3: {  	_ =	shalt  }
tec
execute0_lowered:
.L_overlay_start_1:
0x0: {  	(tag) =	ssettag $0x1  }
0x1: {  	s2 =	rddreg [dreg:$0x0]  }
0x2: {  	s4 =	rddreg [dreg:$0x1]  }
0x3: {  	s3 =	srdreg.scid;
	s0 =	rddreg [dreg:$0x2]  }
0x4: {  	s1 =	stileid.u32;
	s11 =	simm.s32 $0x180;
	s12 =	simm.s32 $0x200  }
0x5: {  	s13 =	simm.s32 $0x1;
	s14 =	simm.s32 $0x50;
	s15 =	simm.s32 $0x280  }
0x6: {  	s16 =	simm.s32 $0x2A80;
	s17 =	simm.s32 $0x5280;
	s18 =	simm.s32 $0x7A80  }
0x7: {  	s19 =	simm.s32 $0xA280;
	s20 =	simm.s32 $0x2;
	s21 =	simm.s32 $0x3  }
0x8: {  	s22 =	simm.s32 $0x0;
	s5 =	sand.u32 $0x1, s3;
	s6 =	smul.u32 $0x514, s1  }
0x9: {  	s3 =	simm.s32 $0x0;
	s8 =	smul.u32 $0x28A00, s1;
	s7 =	ssub.s32 $0x2, s5  }
.Ltmp0:
0xa: {  	[smem:$0x7FF] =	sst s3;
	p0 =	seq.s32 s5, $0x1;
	(pc) =	sbr.rel .LBB2_1-.Ltmp0, $4  }
0xb: {  	s9 =	sshrl.u32 s7, $0x1;
	_ =	strace $0x80000047;
	s31 =	sadd.s32 s8, s4  }
0xc: {  	s10 =	sadd.s32 s6, s4;
	s30 =	ssub.s32 s7, s9;
	s5 =	sadd.s32 $0x10E00, s31  }
0xd: {  	s6 =	sadd.s32 $0x6A00, s10;
	s7 =	sadd.s32 $0x29AE00, s31;
	s8 =	sadd.s32 $0xBC00, s10  }
0xe: {  	s9 =	simm.s32 $0x80;
	s10 =	simm.s32 $0x100;
	s4 =	smax.u32 s30, $0x1  }
.LBB2_7:
0xf: {  	s24 =	sadd.s32 s24, s8;
	[sflag:s21] =	ssyncadd.s32 $0xFFFF3800  }
0x10: {  	[tilespmem:s3], [sflag:$0x1] =	stream.linear.gather [hbm4b:s24+s3], $0x50, $0x38;
	[tilespmem:$0xCA80] =	vst v63  }
0x11: {  	s25 =	sadd.s32 $0xA, s24  }
0x12: {  	[tilespmem:s9], [sflag:$0x1] =	stream.linear.gather [hbm4b:s25+s3], $0x50, $0x38;
	[tilespmem:$0xCA80] =	vst v63  }
0x13: {  	s30 =	sadd.s32 $0x14, s24  }
0x14: {  	[tilespmem:s10], [sflag:$0x1] =	stream.linear.gather [hbm4b:s30+s3], $0x50, $0x38;
	[tilespmem:$0xCA80] =	vst v63  }
0x15: {  	s31 =	sadd.s32 $0x1E, s24  }
0x16: {  	[tilespmem:s11], [sflag:$0x1] =	stream.linear.gather [hbm4b:s31+s3], $0x50, $0x38;
	[tilespmem:$0xCA80] =	vst v63  }
0x17: {  	s24 =	sadd.s32 $0x28, s24  }
0x18: {  	[tilespmem:s12], [sflag:$0x1] =	stream.linear.gather [hbm4b:s24+s3], $0x50, $0x38;
	[tilespmem:$0xCA80] =	vst v63  }
0x19: {  	_ =	swait.ge [sflag:s13], $0x50  }
0x1a: {  	[sflag:s13] =	ssyncset.done $0x0  }
0x1b: {  	[sflag:s13] =	ssyncadd.s32 $0xFFFFFFB0  }
0x1c: {  	_ =	swait.ge [sflag:s13], $0x50  }
0x1d: {  	[sflag:s13] =	ssyncset.done $0x0  }
0x1e: {  	[sflag:s13] =	ssyncadd.s32 $0xFFFFFFB0  }
0x1f: {  	_ =	swait.ge [sflag:s13], $0x50  }
0x20: {  	[sflag:s13] =	ssyncset.done $0x0  }
0x21: {  	[sflag:s13] =	ssyncadd.s32 $0xFFFFFFB0  }
0x22: {  	_ =	swait.ge [sflag:s13], $0x50  }
0x23: {  	[sflag:s13] =	ssyncset.done $0x0  }
0x24: {  	[sflag:s13] =	ssyncadd.s32 $0xFFFFFFB0  }
0x25: {  	_ =	swait.ge [sflag:s13], $0x50  }
0x26: {  	[sflag:s13] =	ssyncset.done $0x0  }
0x27: {  	[sflag:s13] =	ssyncadd.s32 $0xFFFFFFB0  }
0x28: {  	[tilespmem:s15], [sflag:$0x2] =	stream.indirect.gather [hbm4b:s2+s14], $0x80, s3, s14, $0xb8;
	[tilespmem:$0xCA80] =	vst v63  }
0x29: {  	_ = 	snop  }
0x2a: {  	[tilespmem:s16], [sflag:$0x2] =	stream.indirect.gather [hbm4b:s2+s14], $0x80, s9, s14, $0xb8;
	[tilespmem:$0xCA80] =	vst v63  }
0x2b: {  	_ = 	snop  }
0x2c: {  	[tilespmem:s17], [sflag:$0x2] =	stream.indirect.gather [hbm4b:s2+s14], $0x80, s10, s14, $0xb8;
	[tilespmem:$0xCA80] =	vst v63  }
0x2d: {  	_ = 	snop  }
0x2e: {  	[tilespmem:s18], [sflag:$0x2] =	stream.indirect.gather [hbm4b:s2+s14], $0x80, s11, s14, $0xb8;
	[tilespmem:$0xCA80] =	vst v63  }
0x2f: {  	_ = 	snop  }
0x30: {  	[tilespmem:s19], [sflag:$0x2] =	stream.indirect.gather [hbm4b:s2+s14], $0x80, s12, s14, $0xb8;
	[tilespmem:$0xCA80] =	vst v63  }
0x31: {  	_ =	swait.ge [sflag:s20], $0x2800  }
0x32: {  	[sflag:s20] =	ssyncset.done $0x0  }
0x33: {  	[sflag:s20] =	ssyncadd.s32 $0xFFFFD800  }
0x34: {  	_ =	swait.ge [sflag:s20], $0x2800  }
0x35: {  	[sflag:s20] =	ssyncset.done $0x0  }
0x36: {  	[sflag:s20] =	ssyncadd.s32 $0xFFFFD800  }
0x37: {  	_ =	swait.ge [sflag:s20], $0x2800  }
0x38: {  	[sflag:s20] =	ssyncset.done $0x0  }
0x39: {  	[sflag:s20] =	ssyncadd.s32 $0xFFFFD800  }
0x3a: {  	_ =	swait.ge [sflag:s20], $0x2800  }
0x3b: {  	[sflag:s20] =	ssyncset.done $0x0  }
0x3c: {  	[sflag:s20] =	ssyncadd.s32 $0xFFFFD800  }
0x3d: {  	_ =	swait.ge [sflag:s20], $0x2800  }
0x3e: {  	[sflag:s20] =	ssyncset.done $0x0  }
0x3f: {  	[sflag:s20] =	ssyncadd.s32 $0xFFFFD800  }
0x40: {  	[hbm4b:s23+s3] =	stream.linear.scatter [tilespmem:s15], [sflag:$0x3], $0xC800, $0x38;
	[tilespmem:$0xCA80] =	vst v63  }
0x41: {  	_ =	swait.ge [sflag:s21], $0xC800  }
0x42: {  	[sflag:s21] =	ssyncset.done $0x0  }
0x43: {  	[sflag:s21] =	ssyncadd.s32 $0xFFFF3800  }
.LBB2_8:
0x44: {  	s22 =	sadd.s32 $0x1, s22  }
0x45: {  	p1 =	sne.s32 s22, s4  }
.Ltmp1:
0x46: {  	_ = 	snop;
	(pc) =	sbr.rel @!p1 .LBB2_9-.Ltmp1, $1  }
0x47: {  	_ =	sdelay $0x3  }
.LBB2_1:
.Ltmp2:
0x48: {  	(pc) =	sbr.rel @!p0 .LBB2_2-.Ltmp2, $1  }
0x49: {  	_ =	sdelay $0x3  }
0x4a: {  	s23 =	sadd.s32 $0x0, s8  }
0x4b: {  	[tilespmem:s3], [sflag:$0x1] =	stream.linear.gather [hbm4b:s23+s3], $0x50, $0x38;
	[tilespmem:$0xCA80] =	vst v63  }
0x4c: {  	s24 =	sadd.s32 $0xA, s23  }
0x4d: {  	[tilespmem:s9], [sflag:$0x1] =	stream.linear.gather [hbm4b:s24+s3], $0x50, $0x38;
	[tilespmem:$0xCA80] =	vst v63  }
0x4e: {  	s30 =	sadd.s32 $0x14, s23  }
0x4f: {  	[tilespmem:s10], [sflag:$0x1] =	stream.linear.gather [hbm4b:s30+s3], $0x50, $0x38;
	[tilespmem:$0xCA80] =	vst v63  }
0x50: {  	s31 =	sadd.s32 $0x1E, s23  }
0x51: {  	[tilespmem:s11], [sflag:$0x1] =	stream.linear.gather [hbm4b:s31+s3], $0x50, $0x38;
	[tilespmem:$0xCA80] =	vst v63  }
0x52: {  	s23 =	sadd.s32 $0x28, s23  }
0x53: {  	[tilespmem:s12], [sflag:$0x1] =	stream.linear.gather [hbm4b:s23+s3], $0x50, $0x38;
	[tilespmem:$0xCA80] =	vst v63  }
0x54: {  	_ =	swait.ge [sflag:s13], $0x50  }
0x55: {  	[sflag:s13] =	ssyncset.done $0x0  }
0x56: {  	[sflag:s13] =	ssyncadd.s32 $0xFFFFFFB0  }
0x57: {  	_ =	swait.ge [sflag:s13], $0x50  }
0x58: {  	[sflag:s13] =	ssyncset.done $0x0  }
0x59: {  	[sflag:s13] =	ssyncadd.s32 $0xFFFFFFB0  }
0x5a: {  	_ =	swait.ge [sflag:s13], $0x50  }
0x5b: {  	[sflag:s13] =	ssyncset.done $0x0  }
0x5c: {  	[sflag:s13] =	ssyncadd.s32 $0xFFFFFFB0  }
0x5d: {  	_ =	swait.ge [sflag:s13], $0x50  }
0x5e: {  	[sflag:s13] =	ssyncset.done $0x0  }
0x5f: {  	[sflag:s13] =	ssyncadd.s32 $0xFFFFFFB0  }
0x60: {  	_ =	swait.ge [sflag:s13], $0x50  }
0x61: {  	[sflag:s13] =	ssyncset.done $0x0  }
0x62: {  	[sflag:s13] =	ssyncadd.s32 $0xFFFFFFB0  }
0x63: {  	[tilespmem:s15], [sflag:$0x2] =	stream.indirect.gather [hbm4b:s2+s14], $0x80, s3, s14, $0xb8;
	[tilespmem:$0xCA80] =	vst v63  }
0x64: {  	_ = 	snop  }
0x65: {  	[tilespmem:s16], [sflag:$0x2] =	stream.indirect.gather [hbm4b:s2+s14], $0x80, s9, s14, $0xb8;
	[tilespmem:$0xCA80] =	vst v63  }
0x66: {  	_ = 	snop  }
0x67: {  	[tilespmem:s17], [sflag:$0x2] =	stream.indirect.gather [hbm4b:s2+s14], $0x80, s10, s14, $0xb8;
	[tilespmem:$0xCA80] =	vst v63  }
0x68: {  	_ = 	snop  }
0x69: {  	[tilespmem:s18], [sflag:$0x2] =	stream.indirect.gather [hbm4b:s2+s14], $0x80, s11, s14, $0xb8;
	[tilespmem:$0xCA80] =	vst v63  }
0x6a: {  	_ = 	snop  }
0x6b: {  	[tilespmem:s19], [sflag:$0x2] =	stream.indirect.gather [hbm4b:s2+s14], $0x80, s12, s14, $0xb8;
	[tilespmem:$0xCA80] =	vst v63  }
0x6c: {  	_ =	swait.ge [sflag:s20], $0x2800  }
0x6d: {  	[sflag:s20] =	ssyncset.done $0x0  }
0x6e: {  	[sflag:s20] =	ssyncadd.s32 $0xFFFFD800  }
0x6f: {  	_ =	swait.ge [sflag:s20], $0x2800  }
0x70: {  	[sflag:s20] =	ssyncset.done $0x0  }
0x71: {  	[sflag:s20] =	ssyncadd.s32 $0xFFFFD800  }
0x72: {  	_ =	swait.ge [sflag:s20], $0x2800  }
0x73: {  	[sflag:s20] =	ssyncset.done $0x0  }
0x74: {  	[sflag:s20] =	ssyncadd.s32 $0xFFFFD800  }
0x75: {  	_ =	swait.ge [sflag:s20], $0x2800  }
0x76: {  	[sflag:s20] =	ssyncset.done $0x0  }
0x77: {  	[sflag:s20] =	ssyncadd.s32 $0xFFFFD800  }
0x78: {  	_ =	swait.ge [sflag:s20], $0x2800  }
0x79: {  	[sflag:s20] =	ssyncset.done $0x0  }
0x7a: {  	[sflag:s20] =	ssyncadd.s32 $0xFFFFD800  }
0x7b: {  	[hbm4b:s7+s3] =	stream.linear.scatter [tilespmem:s15], [sflag:$0x3], $0xC800, $0x38;
	[tilespmem:$0xCA80] =	vst v63  }
0x7c: {  	s26 =	simm.s32 $0x64;
	_ =	swait.ge [sflag:s21], $0xC800  }
0x7d: {  	s24 =	simm.s32 $0x32;
	s23 =	sadd.s32 $0x1900, s7;
	[sflag:s21] =	ssyncset.done $0x0  }
.LBB2_6:
0x7e: {  	s28 =	sadd.s32 s24, s8  }
0x7f: {  	[sflag:s21] =	ssyncadd.s32 $0xFFFF3800;
	s24 =	smov.u32 s26;
	s25 =	sadd.s32 $0x32, s26  }
0x80: {  	[tilespmem:s3], [sflag:$0x1] =	stream.linear.gather [hbm4b:s28+s3], $0x50, $0x38;
	[tilespmem:$0xCA80] =	vst v63  }
0x81: {  	p1 =	sne.s32 s26, $0x4E2;
	s26 =	sadd.s32 $0xA, s28  }
0x82: {  	[tilespmem:s9], [sflag:$0x1] =	stream.linear.gather [hbm4b:s26+s3], $0x50, $0x38;
	[tilespmem:$0xCA80] =	vst v63  }
0x83: {  	s26 =	sadd.s32 $0x14, s28  }
0x84: {  	[tilespmem:s10], [sflag:$0x1] =	stream.linear.gather [hbm4b:s26+s3], $0x50, $0x38;
	[tilespmem:$0xCA80] =	vst v63  }
0x85: {  	s26 =	sadd.s32 $0x1E, s28  }
0x86: {  	[tilespmem:s11], [sflag:$0x1] =	stream.linear.gather [hbm4b:s26+s3], $0x50, $0x38;
	[tilespmem:$0xCA80] =	vst v63  }
0x87: {  	s26 =	sadd.s32 $0x28, s28  }
0x88: {  	[tilespmem:s12], [sflag:$0x1] =	stream.linear.gather [hbm4b:s26+s3], $0x50, $0x38;
	[tilespmem:$0xCA80] =	vst v63  }
0x89: {  	_ =	swait.ge [sflag:s13], $0x50  }
0x8a: {  	[sflag:s13] =	ssyncset.done $0x0  }
0x8b: {  	[sflag:s13] =	ssyncadd.s32 $0xFFFFFFB0  }
0x8c: {  	_ =	swait.ge [sflag:s13], $0x50  }
0x8d: {  	[sflag:s13] =	ssyncset.done $0x0  }
0x8e: {  	[sflag:s13] =	ssyncadd.s32 $0xFFFFFFB0  }
0x8f: {  	_ =	swait.ge [sflag:s13], $0x50  }
0x90: {  	[sflag:s13] =	ssyncset.done $0x0  }
0x91: {  	[sflag:s13] =	ssyncadd.s32 $0xFFFFFFB0  }
0x92: {  	_ =	swait.ge [sflag:s13], $0x50  }
0x93: {  	[sflag:s13] =	ssyncset.done $0x0  }
0x94: {  	[sflag:s13] =	ssyncadd.s32 $0xFFFFFFB0  }
0x95: {  	_ =	swait.ge [sflag:s13], $0x50  }
0x96: {  	[sflag:s13] =	ssyncset.done $0x0  }
0x97: {  	[sflag:s13] =	ssyncadd.s32 $0xFFFFFFB0  }
0x98: {  	[tilespmem:s15], [sflag:$0x2] =	stream.indirect.gather [hbm4b:s2+s14], $0x80, s3, s14, $0xb8;
	[tilespmem:$0xCA80] =	vst v63  }
0x99: {  	_ = 	snop  }
0x9a: {  	[tilespmem:s16], [sflag:$0x2] =	stream.indirect.gather [hbm4b:s2+s14], $0x80, s9, s14, $0xb8;
	[tilespmem:$0xCA80] =	vst v63  }
0x9b: {  	_ = 	snop  }
0x9c: {  	[tilespmem:s17], [sflag:$0x2] =	stream.indirect.gather [hbm4b:s2+s14], $0x80, s10, s14, $0xb8;
	[tilespmem:$0xCA80] =	vst v63  }
0x9d: {  	_ = 	snop  }
0x9e: {  	[tilespmem:s18], [sflag:$0x2] =	stream.indirect.gather [hbm4b:s2+s14], $0x80, s11, s14, $0xb8;
	[tilespmem:$0xCA80] =	vst v63  }
0x9f: {  	_ = 	snop  }
0xa0: {  	[tilespmem:s19], [sflag:$0x2] =	stream.indirect.gather [hbm4b:s2+s14], $0x80, s12, s14, $0xb8;
	[tilespmem:$0xCA80] =	vst v63  }
0xa1: {  	_ =	swait.ge [sflag:s20], $0x2800  }
0xa2: {  	[sflag:s20] =	ssyncset.done $0x0  }
0xa3: {  	[sflag:s20] =	ssyncadd.s32 $0xFFFFD800  }
0xa4: {  	_ =	swait.ge [sflag:s20], $0x2800  }
0xa5: {  	[sflag:s20] =	ssyncset.done $0x0  }
0xa6: {  	[sflag:s20] =	ssyncadd.s32 $0xFFFFD800  }
0xa7: {  	_ =	swait.ge [sflag:s20], $0x2800  }
0xa8: {  	[sflag:s20] =	ssyncset.done $0x0  }
0xa9: {  	[sflag:s20] =	ssyncadd.s32 $0xFFFFD800  }
0xaa: {  	_ =	swait.ge [sflag:s20], $0x2800  }
0xab: {  	[sflag:s20] =	ssyncset.done $0x0  }
0xac: {  	[sflag:s20] =	ssyncadd.s32 $0xFFFFD800  }
0xad: {  	_ =	swait.ge [sflag:s20], $0x2800  }
.Ltmp3:
0xae: {  	[sflag:s20] =	ssyncset.done $0x0;
	(pc) =	sbr.rel @p1 .LBB2_6-.Ltmp3, $4  }
0xaf: {  	[sflag:s20] =	ssyncadd.s32 $0xFFFFD800  }
0xb0: {  	[hbm4b:s23+s3] =	stream.linear.scatter [tilespmem:s15], [sflag:$0x3], $0xC800, $0x38;
	[tilespmem:$0xCA80] =	vst v63  }
0xb1: {  	_ =	swait.ge [sflag:s21], $0xC800  }
0xb2: {  	s26 =	smov.u32 s25;
	s23 =	sadd.s32 $0x1900, s23;
	[sflag:s21] =	ssyncset.done $0x0  }
.Ltmp4:
0xb3: {  	_ = 	snop;
	(pc) =	sbr.rel .LBB2_7-.Ltmp4, $1  }
0xb4: {  	_ =	sdelay $0x3  }
.LBB2_2:
0xb5: {  	s23 =	sadd.s32 $0x0, s6  }
0xb6: {  	[tilespmem:s3], [sflag:$0x1] =	stream.linear.gather [hbm4b:s23+s3], $0x50, $0x38;
	[tilespmem:$0xCA80] =	vst v63  }
0xb7: {  	s24 =	sadd.s32 $0xA, s23  }
0xb8: {  	[tilespmem:s9], [sflag:$0x1] =	stream.linear.gather [hbm4b:s24+s3], $0x50, $0x38;
	[tilespmem:$0xCA80] =	vst v63  }
0xb9: {  	s30 =	sadd.s32 $0x14, s23  }
0xba: {  	[tilespmem:s10], [sflag:$0x1] =	stream.linear.gather [hbm4b:s30+s3], $0x50, $0x38;
	[tilespmem:$0xCA80] =	vst v63  }
0xbb: {  	s31 =	sadd.s32 $0x1E, s23  }
0xbc: {  	[tilespmem:s11], [sflag:$0x1] =	stream.linear.gather [hbm4b:s31+s3], $0x50, $0x38;
	[tilespmem:$0xCA80] =	vst v63  }
0xbd: {  	s23 =	sadd.s32 $0x28, s23  }
0xbe: {  	[tilespmem:s12], [sflag:$0x1] =	stream.linear.gather [hbm4b:s23+s3], $0x50, $0x38;
	[tilespmem:$0xCA80] =	vst v63  }
0xbf: {  	_ =	swait.ge [sflag:s13], $0x50  }
0xc0: {  	[sflag:s13] =	ssyncset.done $0x0  }
0xc1: {  	[sflag:s13] =	ssyncadd.s32 $0xFFFFFFB0  }
0xc2: {  	_ =	swait.ge [sflag:s13], $0x50  }
0xc3: {  	[sflag:s13] =	ssyncset.done $0x0  }
0xc4: {  	[sflag:s13] =	ssyncadd.s32 $0xFFFFFFB0  }
0xc5: {  	_ =	swait.ge [sflag:s13], $0x50  }
0xc6: {  	[sflag:s13] =	ssyncset.done $0x0  }
0xc7: {  	[sflag:s13] =	ssyncadd.s32 $0xFFFFFFB0  }
0xc8: {  	_ =	swait.ge [sflag:s13], $0x50  }
0xc9: {  	[sflag:s13] =	ssyncset.done $0x0  }
0xca: {  	[sflag:s13] =	ssyncadd.s32 $0xFFFFFFB0  }
0xcb: {  	_ =	swait.ge [sflag:s13], $0x50  }
0xcc: {  	[sflag:s13] =	ssyncset.done $0x0  }
0xcd: {  	[sflag:s13] =	ssyncadd.s32 $0xFFFFFFB0  }
0xce: {  	[tilespmem:s15], [sflag:$0x2] =	stream.indirect.gather [hbm4b:s2+s14], $0x80, s3, s14, $0xb8;
	[tilespmem:$0xCA80] =	vst v63  }
0xcf: {  	_ = 	snop  }
0xd0: {  	[tilespmem:s16], [sflag:$0x2] =	stream.indirect.gather [hbm4b:s2+s14], $0x80, s9, s14, $0xb8;
	[tilespmem:$0xCA80] =	vst v63  }
0xd1: {  	_ = 	snop  }
0xd2: {  	[tilespmem:s17], [sflag:$0x2] =	stream.indirect.gather [hbm4b:s2+s14], $0x80, s10, s14, $0xb8;
	[tilespmem:$0xCA80] =	vst v63  }
0xd3: {  	_ = 	snop  }
0xd4: {  	[tilespmem:s18], [sflag:$0x2] =	stream.indirect.gather [hbm4b:s2+s14], $0x80, s11, s14, $0xb8;
	[tilespmem:$0xCA80] =	vst v63  }
0xd5: {  	_ = 	snop  }
0xd6: {  	[tilespmem:s19], [sflag:$0x2] =	stream.indirect.gather [hbm4b:s2+s14], $0x80, s12, s14, $0xb8;
	[tilespmem:$0xCA80] =	vst v63  }
0xd7: {  	_ =	swait.ge [sflag:s20], $0x2800  }
0xd8: {  	[sflag:s20] =	ssyncset.done $0x0  }
0xd9: {  	[sflag:s20] =	ssyncadd.s32 $0xFFFFD800  }
0xda: {  	_ =	swait.ge [sflag:s20], $0x2800  }
0xdb: {  	[sflag:s20] =	ssyncset.done $0x0  }
0xdc: {  	[sflag:s20] =	ssyncadd.s32 $0xFFFFD800  }
0xdd: {  	_ =	swait.ge [sflag:s20], $0x2800  }
0xde: {  	[sflag:s20] =	ssyncset.done $0x0  }
0xdf: {  	[sflag:s20] =	ssyncadd.s32 $0xFFFFD800  }
0xe0: {  	_ =	swait.ge [sflag:s20], $0x2800  }
0xe1: {  	[sflag:s20] =	ssyncset.done $0x0  }
0xe2: {  	[sflag:s20] =	ssyncadd.s32 $0xFFFFD800  }
0xe3: {  	_ =	swait.ge [sflag:s20], $0x2800  }
0xe4: {  	[sflag:s20] =	ssyncset.done $0x0  }
0xe5: {  	[sflag:s20] =	ssyncadd.s32 $0xFFFFD800  }
0xe6: {  	[hbm4b:s5+s3] =	stream.linear.scatter [tilespmem:s15], [sflag:$0x3], $0xC800, $0x38;
	[tilespmem:$0xCA80] =	vst v63  }
0xe7: {  	s26 =	simm.s32 $0x64;
	_ =	swait.ge [sflag:s21], $0xC800  }
0xe8: {  	s24 =	simm.s32 $0x32;
	s23 =	sadd.s32 $0x1900, s5;
	[sflag:s21] =	ssyncset.done $0x0  }
.LBB2_3:
0xe9: {  	s28 =	sadd.s32 s24, s6  }
0xea: {  	[sflag:s21] =	ssyncadd.s32 $0xFFFF3800;
	s24 =	smov.u32 s26;
	s25 =	sadd.s32 $0x32, s26  }
0xeb: {  	[tilespmem:s3], [sflag:$0x1] =	stream.linear.gather [hbm4b:s28+s3], $0x50, $0x38;
	[tilespmem:$0xCA80] =	vst v63  }
0xec: {  	p1 =	seq.s32 s26, $0x4E2;
	s26 =	sadd.s32 $0xA, s28  }
0xed: {  	[tilespmem:s9], [sflag:$0x1] =	stream.linear.gather [hbm4b:s26+s3], $0x50, $0x38;
	[tilespmem:$0xCA80] =	vst v63  }
0xee: {  	s26 =	sadd.s32 $0x14, s28  }
0xef: {  	[tilespmem:s10], [sflag:$0x1] =	stream.linear.gather [hbm4b:s26+s3], $0x50, $0x38;
	[tilespmem:$0xCA80] =	vst v63  }
0xf0: {  	s26 =	sadd.s32 $0x1E, s28  }
0xf1: {  	[tilespmem:s11], [sflag:$0x1] =	stream.linear.gather [hbm4b:s26+s3], $0x50, $0x38;
	[tilespmem:$0xCA80] =	vst v63  }
0xf2: {  	s26 =	sadd.s32 $0x28, s28  }
0xf3: {  	[tilespmem:s12], [sflag:$0x1] =	stream.linear.gather [hbm4b:s26+s3], $0x50, $0x38;
	[tilespmem:$0xCA80] =	vst v63  }
0xf4: {  	_ =	swait.ge [sflag:s13], $0x50  }
0xf5: {  	[sflag:s13] =	ssyncset.done $0x0  }
0xf6: {  	[sflag:s13] =	ssyncadd.s32 $0xFFFFFFB0  }
0xf7: {  	_ =	swait.ge [sflag:s13], $0x50  }
0xf8: {  	[sflag:s13] =	ssyncset.done $0x0  }
0xf9: {  	[sflag:s13] =	ssyncadd.s32 $0xFFFFFFB0  }
0xfa: {  	_ =	swait.ge [sflag:s13], $0x50  }
0xfb: {  	[sflag:s13] =	ssyncset.done $0x0  }
0xfc: {  	[sflag:s13] =	ssyncadd.s32 $0xFFFFFFB0  }
0xfd: {  	_ =	swait.ge [sflag:s13], $0x50  }
0xfe: {  	[sflag:s13] =	ssyncset.done $0x0  }
0xff: {  	[sflag:s13] =	ssyncadd.s32 $0xFFFFFFB0  }
0x100: {  	_ =	swait.ge [sflag:s13], $0x50  }
0x101: {  	[sflag:s13] =	ssyncset.done $0x0  }
0x102: {  	[sflag:s13] =	ssyncadd.s32 $0xFFFFFFB0  }
0x103: {  	[tilespmem:s15], [sflag:$0x2] =	stream.indirect.gather [hbm4b:s2+s14], $0x80, s3, s14, $0xb8;
	[tilespmem:$0xCA80] =	vst v63  }
0x104: {  	_ = 	snop  }
0x105: {  	[tilespmem:s16], [sflag:$0x2] =	stream.indirect.gather [hbm4b:s2+s14], $0x80, s9, s14, $0xb8;
	[tilespmem:$0xCA80] =	vst v63  }
0x106: {  	_ = 	snop  }
0x107: {  	[tilespmem:s17], [sflag:$0x2] =	stream.indirect.gather [hbm4b:s2+s14], $0x80, s10, s14, $0xb8;
	[tilespmem:$0xCA80] =	vst v63  }
0x108: {  	_ = 	snop  }
0x109: {  	[tilespmem:s18], [sflag:$0x2] =	stream.indirect.gather [hbm4b:s2+s14], $0x80, s11, s14, $0xb8;
	[tilespmem:$0xCA80] =	vst v63  }
0x10a: {  	_ = 	snop  }
0x10b: {  	[tilespmem:s19], [sflag:$0x2] =	stream.indirect.gather [hbm4b:s2+s14], $0x80, s12, s14, $0xb8;
	[tilespmem:$0xCA80] =	vst v63  }
0x10c: {  	_ =	swait.ge [sflag:s20], $0x2800  }
0x10d: {  	[sflag:s20] =	ssyncset.done $0x0  }
0x10e: {  	[sflag:s20] =	ssyncadd.s32 $0xFFFFD800  }
0x10f: {  	_ =	swait.ge [sflag:s20], $0x2800  }
0x110: {  	[sflag:s20] =	ssyncset.done $0x0  }
0x111: {  	[sflag:s20] =	ssyncadd.s32 $0xFFFFD800  }
0x112: {  	_ =	swait.ge [sflag:s20], $0x2800  }
0x113: {  	[sflag:s20] =	ssyncset.done $0x0  }
0x114: {  	[sflag:s20] =	ssyncadd.s32 $0xFFFFD800  }
0x115: {  	_ =	swait.ge [sflag:s20], $0x2800  }
0x116: {  	[sflag:s20] =	ssyncset.done $0x0  }
0x117: {  	[sflag:s20] =	ssyncadd.s32 $0xFFFFD800  }
0x118: {  	_ =	swait.ge [sflag:s20], $0x2800  }
.Ltmp5:
0x119: {  	[sflag:s20] =	ssyncset.done $0x0;
	(pc) =	sbr.rel @!p1 .LBB2_3-.Ltmp5, $4  }
0x11a: {  	[sflag:s20] =	ssyncadd.s32 $0xFFFFD800  }
0x11b: {  	[hbm4b:s23+s3] =	stream.linear.scatter [tilespmem:s15], [sflag:$0x3], $0xC800, $0x38;
	[tilespmem:$0xCA80] =	vst v63  }
0x11c: {  	_ =	swait.ge [sflag:s21], $0xC800  }
0x11d: {  	s26 =	smov.u32 s25;
	s23 =	sadd.s32 $0x1900, s23;
	[sflag:s21] =	ssyncset.done $0x0  }
0x11e: {  	s24 =	sadd.s32 s24, s6;
	[sflag:s21] =	ssyncadd.s32 $0xFFFF3800  }
0x11f: {  	[tilespmem:s3], [sflag:$0x1] =	stream.linear.gather [hbm4b:s24+s3], $0x50, $0x38;
	[tilespmem:$0xCA80] =	vst v63  }
0x120: {  	s25 =	sadd.s32 $0xA, s24  }
0x121: {  	[tilespmem:s9], [sflag:$0x1] =	stream.linear.gather [hbm4b:s25+s3], $0x50, $0x38;
	[tilespmem:$0xCA80] =	vst v63  }
0x122: {  	s30 =	sadd.s32 $0x14, s24  }
0x123: {  	[tilespmem:s10], [sflag:$0x1] =	stream.linear.gather [hbm4b:s30+s3], $0x50, $0x38;
	[tilespmem:$0xCA80] =	vst v63  }
0x124: {  	s31 =	sadd.s32 $0x1E, s24  }
0x125: {  	[tilespmem:s11], [sflag:$0x1] =	stream.linear.gather [hbm4b:s31+s3], $0x50, $0x38;
	[tilespmem:$0xCA80] =	vst v63  }
0x126: {  	s24 =	sadd.s32 $0x28, s24  }
0x127: {  	[tilespmem:s12], [sflag:$0x1] =	stream.linear.gather [hbm4b:s24+s3], $0x50, $0x38;
	[tilespmem:$0xCA80] =	vst v63  }
0x128: {  	_ =	swait.ge [sflag:s13], $0x50  }
0x129: {  	[sflag:s13] =	ssyncset.done $0x0  }
0x12a: {  	[sflag:s13] =	ssyncadd.s32 $0xFFFFFFB0  }
0x12b: {  	_ =	swait.ge [sflag:s13], $0x50  }
0x12c: {  	[sflag:s13] =	ssyncset.done $0x0  }
0x12d: {  	[sflag:s13] =	ssyncadd.s32 $0xFFFFFFB0  }
0x12e: {  	_ =	swait.ge [sflag:s13], $0x50  }
0x12f: {  	[sflag:s13] =	ssyncset.done $0x0  }
0x130: {  	[sflag:s13] =	ssyncadd.s32 $0xFFFFFFB0  }
0x131: {  	_ =	swait.ge [sflag:s13], $0x50  }
0x132: {  	[sflag:s13] =	ssyncset.done $0x0  }
0x133: {  	[sflag:s13] =	ssyncadd.s32 $0xFFFFFFB0  }
0x134: {  	_ =	swait.ge [sflag:s13], $0x50  }
0x135: {  	[sflag:s13] =	ssyncset.done $0x0  }
0x136: {  	[sflag:s13] =	ssyncadd.s32 $0xFFFFFFB0  }
0x137: {  	[tilespmem:s15], [sflag:$0x2] =	stream.indirect.gather [hbm4b:s2+s14], $0x80, s3, s14, $0xb8;
	[tilespmem:$0xCA80] =	vst v63  }
0x138: {  	_ = 	snop  }
0x139: {  	[tilespmem:s16], [sflag:$0x2] =	stream.indirect.gather [hbm4b:s2+s14], $0x80, s9, s14, $0xb8;
	[tilespmem:$0xCA80] =	vst v63  }
0x13a: {  	_ = 	snop  }
0x13b: {  	[tilespmem:s17], [sflag:$0x2] =	stream.indirect.gather [hbm4b:s2+s14], $0x80, s10, s14, $0xb8;
	[tilespmem:$0xCA80] =	vst v63  }
0x13c: {  	_ = 	snop  }
0x13d: {  	[tilespmem:s18], [sflag:$0x2] =	stream.indirect.gather [hbm4b:s2+s14], $0x80, s11, s14, $0xb8;
	[tilespmem:$0xCA80] =	vst v63  }
0x13e: {  	_ = 	snop  }
0x13f: {  	[tilespmem:s19], [sflag:$0x2] =	stream.indirect.gather [hbm4b:s2+s14], $0x80, s12, s14, $0xb8;
	[tilespmem:$0xCA80] =	vst v63  }
0x140: {  	_ =	swait.ge [sflag:s20], $0x2800  }
0x141: {  	[sflag:s20] =	ssyncset.done $0x0  }
0x142: {  	[sflag:s20] =	ssyncadd.s32 $0xFFFFD800  }
0x143: {  	_ =	swait.ge [sflag:s20], $0x2800  }
0x144: {  	[sflag:s20] =	ssyncset.done $0x0  }
0x145: {  	[sflag:s20] =	ssyncadd.s32 $0xFFFFD800  }
0x146: {  	_ =	swait.ge [sflag:s20], $0x2800  }
0x147: {  	[sflag:s20] =	ssyncset.done $0x0  }
0x148: {  	[sflag:s20] =	ssyncadd.s32 $0xFFFFD800  }
0x149: {  	_ =	swait.ge [sflag:s20], $0x2800  }
0x14a: {  	[sflag:s20] =	ssyncset.done $0x0  }
0x14b: {  	[sflag:s20] =	ssyncadd.s32 $0xFFFFD800  }
0x14c: {  	_ =	swait.ge [sflag:s20], $0x2800  }
0x14d: {  	[sflag:s20] =	ssyncset.done $0x0  }
.Ltmp6:
0x14e: {  	[sflag:s20] =	ssyncadd.s32 $0xFFFFD800;
	(pc) =	sbr.rel .LBB2_8-.Ltmp6, $4  }
0x14f: {  	[hbm4b:s23+s3] =	stream.linear.scatter [tilespmem:s15], [sflag:$0x3], $0xC800, $0x38;
	[tilespmem:$0xCA80] =	vst v63  }
0x150: {  	_ =	swait.ge [sflag:s21], $0xC800  }
0x151: {  	[sflag:s21] =	ssyncset.done $0x0  }
0x152: {  	[sflag:s21] =	ssyncadd.s32 $0xFFFF3800  }
.LBB2_9:
0x153: {  	_ =	sfence.sel $0x180000  }
0x154: {  	[bflag:$0x0] =	sbarrier.arrive $0xFFFF  }
0x155: {  	p0 =	sne.s32 s1, $0x0;
	_ =	strace $0x90000047  }
0x156: {  	s0 =	sadd.s32 @!p0 $0x100000, s0;
	[bflag:$0x2] =	sbarrier.arrive $0xFFFF  }
0x157: {  	[sflag:s0] =	ssyncadd.tile.s32 @!p0 $0x1;
	_ =	shalt  }
.Lfunc_end2:
_tile_overlayer_lowered:
.L_overlay_start_2:
0x158: {  	(tag) =	ssettag $0x2  }
0x159: {  	s0 =	rddreg [dreg:$0x0];
	s2 =	stileid.u32  }
0x15a: {  	s1 =	rddreg [dreg:$0x1];
	p0 =	sne.s32 s2, $0x0  }
0x15b: {  	s3 =	rddreg [dreg:$0x2];
	[bflag:$0x3] =	sbarrier.arrive $0xFFFF;
	s2 =	simm.s32 @!p0 $0x1C03  }
0x15c: {  	[timem:s3], [sflag:s2] =	dma.local @!p0 [hbm:s0], s1  }
0x15d: {  	s0 =	simm.s32 @!p0 $0x3  }
0x15e: {  	_ =	swait.ge @!p0 [sflag:s0], s1  }
0x15f: {  	s1 =	ssub.s32 @!p0 $0x0, s1;
	[sflag:s0] =	ssyncset.done @!p0 $0x0  }
0x160: {  	[sflag:s0] =	ssyncadd.s32 @!p0 s1  }
0x161: {  	[bflag:$0x3] =	sbarrier.arrive $0xFFFF  }
0x162: {  	_ =	shalt  }

// kernel: kernel.19.cloned.1.call-start
scs
__scs_entry_jumppad:
0x0: {  	(pc) =	sbr.rel $0x88, $3  }
0x1: {  	(tag) =	ssettag $0x0;
	lr =	simm.s32 $0x1  }
0x2: {  	[smem:$0x3F8E] =	sst lr;
	_ =	strace $0xD0000000  }
0x3: {  	_ = 	snop  }
0x4: {  	_ = 	snop  }
0x5: {  	_ = 	snop  }
0x6: {  	_ = 	snop  }
0x7: {  	_ = 	snop  }
__scs_overlays_trampoline_lowered:
0x8: {  	[smem:$0x3F9D] =	sst s0  }
0x9: {  	[smem:$0x3F9E] =	sst s1  }
0xa: {  	[smem:$0x3F9F] =	sst s2  }
0xb: {  	[smem:$0x3FA0] =	sst s3  }
0xc: {  	[smem:$0x3FA1] =	sst s4  }
0xd: {  	[smem:$0x3FA2] =	sst s5  }
0xe: {  	[smem:$0x3FA3] =	sst s6  }
0xf: {  	[smem:$0x3FA4] =	sst s7  }
0x10: {  	[smem:$0x3FA5] =	sst s8  }
0x11: {  	[smem:$0x3FA6] =	sst s9;
	s0 =	simm.s32 @!p0 $0x0  }
0x12: {  	s1 =	sld [smem:$0x3F8C];
	s0 =	simm.s32 @p0 $0x1  }
0x13: {  	[smem:$0x3FA7] =	sst s0;
	s0 =	simm.s32 @!p1 $0x0  }
0x14: {  	s2 =	sld [smem:$0x3F8B];
	s0 =	simm.s32 @p1 $0x1  }
0x15: {  	[smem:$0x3FA8] =	sst s0;
	s0 =	simm.s32 @!p2 $0x0  }
0x16: {  	s3 =	sld [smem:$0x3FDB];
	s0 =	simm.s32 @p2 $0x1  }
0x17: {  	s4 =	simm.s32 $0x1BF5;
	[smem:$0x3FAA] =	sst s0  }
0x18: {  	s0 =	sld [smem:$0x3F8D];
	_ =	swait.ge [sflag:s4], $0x0  }
0x19: {  	s7 =	sld [smem:$0x3F8E]  }
0x1a: {  	s8 =	sadd.s32 $0xFFFFE003, lr  }
0x1b: {  	s9 =	sadd.s32 $0xFFFFFEF7, lr;
	s5 =	simm.s32 $0xFFFFFFFF;
	p2 =	slt.u32 s8, $0xFFFFF086  }
0x1c: {  	p1 =	slt.u32 s9, $0xF7A;
	s5 =	simm.s32 @!p2 $0x0  }
0x1d: {  	s5 =	simm.s32 @p1 $0x1;
	p0 =	seq.s32 s7, s2  }
0x1e: {  	s7 =	smul.u32 @!p0 $0xF7A, s2;
	p2 =	seq.s32 @!p0 s5, $0x0  }
0x1f: {  	s9 =	smul.u32 $0xF7A, s1;
	s8 =	simm.s32 @!p0 $0x1BF5;
	p2 =	por !p2, p0  }
0x20: {  	[sflag:s8] =	ssyncset.s32 @!p0 $0xFFFFF086;
	s6 =	sadd.s32 @!p0 s3, s7;
	s7 =	simm.s32 @!p0 $0x108  }
0x21: {  	s3 =	sadd.s32 s3, s9;
	s6 =	sadd.s32 @!p0 $0x88, s6;
	s7 =	simm.s32 @p2 $0x1082  }
0x22: {  	[simem:s7], [sflag:s8] =	dma.local @!p0 [hbm:s6], $0xF7A  }
0x23: {  	s9 =	sor.u32 $0xD0000000, s2;
	s6 =	simm.s32 $0x108;
	_ =	swait.ge @!p0 [sflag:s8], $0x0  }
0x24: {  	s3 =	sadd.s32 $0x88, s3;
	s6 =	simm.s32 @!p1 $0x1082;
	[sflag:s4] =	ssyncset.s32 $0xFFFFF086  }
0x25: {  	[simem:s6], [sflag:s4] =	dma.local [hbm:s3], $0xF7A  }
0x26: {  	[smem:$0x3F8E] =	sst s1;
	(tag) =	ssettag s2;
	_ =	strace s9  }
0x27: {  	s1 =	sld [smem:$0x3F9E]  }
0x28: {  	s2 =	sld [smem:$0x3F9F]  }
0x29: {  	s4 =	sld [smem:$0x3FA1]  }
0x2a: {  	p0 =	seq.s32 s5, $0x0;
	s5 =	sld [smem:$0x3FA2]  }
0x2b: {  	s6 =	sld [smem:$0x3FA3]  }
0x2c: {  	s7 =	sld [smem:$0x3FA4]  }
0x2d: {  	s3 =	simm.s32 $0x108;
	s8 =	sld [smem:$0x3FA5]  }
0x2e: {  	s3 =	simm.s32 @!p0 $0x1082;
	s9 =	sld [smem:$0x3FA6]  }
0x2f: {  	lr =	sadd.s32 s0, s3;
	s0 =	sld [smem:$0x3F9D]  }
0x30: {  	s3 =	sld [smem:$0x3FA0]  }
0x31: {  	[smem:$0x3FA9] =	sst s10  }
0x32: {  	s10 =	sld [smem:$0x3FA7];
	_ =	sdelay $0x3  }
0x33: {  	p0 =	seq.s32 s10, $0x1;
	s10 =	sld [smem:$0x3FA9];
	_ =	sdelay $0x3  }
0x34: {  	[smem:$0x3FA9] =	sst s10  }
0x35: {  	s10 =	sld [smem:$0x3FA8];
	_ =	sdelay $0x3  }
0x36: {  	p1 =	seq.s32 s10, $0x1;
	s10 =	sld [smem:$0x3FA9];
	_ =	sdelay $0x3  }
0x37: {  	[smem:$0x3FA9] =	sst s10  }
0x38: {  	s10 =	sld [smem:$0x3FAA]  }
0x39: {  	_ = 	snop;
	(pc) =	sbr.ind lr, $3  }
0x3a: {  	_ = 	snop  }
0x3b: {  	_ = 	snop  }
0x3c: {  	p2 =	seq.s32 s10, $0x1;
	s10 =	sld [smem:$0x3FA9]  }
0x3d: {  	_ =	shalt  }
0x3e: {  	_ =	shalt  }
0x3f: {  	_ =	shalt  }
0x40: {  	_ =	shalt  }
0x41: {  	_ =	shalt  }
0x42: {  	_ =	shalt  }
0x43: {  	_ =	shalt  }
0x44: {  	_ =	shalt  }
0x45: {  	_ =	shalt  }
0x46: {  	_ =	shalt  }
0x47: {  	_ =	shalt  }
0x48: {  	_ =	shalt  }
0x49: {  	_ =	shalt  }
0x4a: {  	_ =	shalt  }
0x4b: {  	_ =	shalt  }
0x4c: {  	_ =	shalt  }
0x4d: {  	_ =	shalt  }
0x4e: {  	_ =	shalt  }
0x4f: {  	_ =	shalt  }
0x50: {  	_ =	shalt  }
0x51: {  	_ =	shalt  }
0x52: {  	_ =	shalt  }
0x53: {  	_ =	shalt  }
0x54: {  	_ =	shalt  }
0x55: {  	_ =	shalt  }
0x56: {  	_ =	shalt  }
0x57: {  	_ =	shalt  }
0x58: {  	_ =	shalt  }
0x59: {  	_ =	shalt  }
0x5a: {  	_ =	shalt  }
0x5b: {  	_ =	shalt  }
0x5c: {  	_ =	shalt  }
0x5d: {  	_ =	shalt  }
0x5e: {  	_ =	shalt  }
0x5f: {  	_ =	shalt  }
0x60: {  	_ =	shalt  }
0x61: {  	_ =	shalt  }
0x62: {  	_ =	shalt  }
0x63: {  	_ =	shalt  }
0x64: {  	_ =	shalt  }
0x65: {  	_ =	shalt  }
0x66: {  	_ =	shalt  }
0x67: {  	_ =	shalt  }
0x68: {  	_ =	shalt  }
0x69: {  	_ =	shalt  }
0x6a: {  	_ =	shalt  }
0x6b: {  	_ =	shalt  }
0x6c: {  	_ =	shalt  }
0x6d: {  	_ =	shalt  }
0x6e: {  	_ =	shalt  }
0x6f: {  	_ =	shalt  }
0x70: {  	_ =	shalt  }
0x71: {  	_ =	shalt  }
0x72: {  	_ =	shalt  }
0x73: {  	_ =	shalt  }
0x74: {  	_ =	shalt  }
0x75: {  	_ =	shalt  }
0x76: {  	_ =	shalt  }
0x77: {  	_ =	shalt  }
0x78: {  	_ =	shalt  }
0x79: {  	_ =	shalt  }
0x7a: {  	_ =	shalt  }
0x7b: {  	_ =	shalt  }
0x7c: {  	_ =	shalt  }
0x7d: {  	_ =	shalt  }
0x7e: {  	_ =	shalt  }
0x7f: {  	_ =	shalt  }
0x80: {  	_ =	shalt  }
0x81: {  	_ =	shalt  }
0x82: {  	_ =	shalt  }
0x83: {  	_ =	shalt  }
0x84: {  	_ =	shalt  }
0x85: {  	_ =	shalt  }
0x86: {  	_ =	shalt  }
0x87: {  	_ =	shalt  }
.Lfunc_end0:
.L_simem_size_0:
called_computation.3_lowered:
.L_overlay_start_0:
0x88: {  	s2 =	sld [smem:$0x3FD9]  }
0x89: {  	s3 =	sld [smem:$0x3FFE];
	_ =	sdelay $0x1  }
0x8a: {  	s1 =	srdreg.scid  }
0x8b: {  	s0 =	sand.u32 $0x1, s1  }
0x8c: {  	s17 =	sshll.u32 s0, $0xA;
	s2 =	sadd.s32 s3, s2  }
0x8d: {  	s2 =	sadd.s32 s2, s17  }
0x8e: {  	[smem:$0x3FB5] =	sst s2  }
0x8f: {  	_ = 	snop  }
0x90: {  	(tm) =	ssettm $0x1  }
0x91: {  	s18 =	sld [smem:$0x3FFB];
	_ =	sdelay $0x3  }
0x92: {  	_ =	strace s18  }
0x93: {  	s2 =	sld [smem:$0x3FFC];
	_ =	sdelay $0x3  }
0x94: {  	_ =	strace s2  }
0x95: {  	s2 =	sld [smem:$0x3FFD];
	_ =	sdelay $0x3  }
0x96: {  	_ =	strace s2  }
0x97: {  	_ =	strace $0x8FFFFFFF  }
0x98: {  	s19 =	sld [smem:$0x3FDB];
	_ =	sdelay $0x1  }
0x99: {  	s20 =	simm.s32 $_scs_section_size  }
0x9a: {  	s4 =	simm.s32 $_size__tile_overlayer_lowered;
	s5 =	simm.s32 $_tile_overlayer_lowered  }
0x9b: {  	s6 =	simm.s32 $0x1BFF;
	s21 =	sshll.u32 s5, $0x1;
	s3 =	sadd.s32 s20, s19  }
0x9c: {  	s22 =	simm.s32 $0x0;
	s4 =	sshll.u32 s4, $0x1;
	s5 =	sadd.s32 s21, s3  }
0x9d: {  	[timem:s22], [sflag:s6] =	dma.local [hbm:s5], s4  }
0x9e: {  	_ =	swait.ge [sflag:s6], s4  }
0x9f: {  	s4 =	ssub.s32 $0x0, s4;
	[sflag:s6] =	ssyncset.done $0x0  }
0xa0: {  	[sflag:s6] =	ssyncadd.s32 s4;
	_ =	sdelay $0x1  }
0xa1: {  	s23 =	simm.s32 $0x1B8B  }
0xa2: {  	_ =	swait.ge [sflag:s23], $0x1  }
0xa3: {  	[sflag:s23] =	ssyncset.done $0x0  }
0xa4: {  	[sflag:s23] =	ssyncadd.s32 $0xFFFFFFFF  }
0xa5: {  	s4 =	sld [smem:$0x0]  }
0xa6: {  	s5 =	sand.u32 $0xFFFFFFFE, s1  }
0xa7: {  	p0 =	sne.s32 s1, s5  }
0xa8: {  	s5 =	sshll.u32 @p0 s5, $0xE  }
0xa9: {  	s5 =	sadd.s32 @p0 $0x11B8D, s5;
	s6 =	sshll.u32 @p0 s4, $0x11  }
0xaa: {  	s5 =	sor.u32 @p0 s6, s5  }
0xab: {  	[sflag:s5] =	ssyncadd.remote.s32 @p0 $0x1;
	_ =	sdelay $0x1  }
0xac: {  	s5 =	simm.s32 @p0 $0x1B8D  }
0xad: {  	_ =	swait.eq @p0 [sflag:s5], $0x1  }
0xae: {  	[sflag:s5] =	ssyncadd.s32 @p0 $0xFFFFFFFF  }
0xaf: {  	s6 =	sshll.u32 @!p0 s1, $0xE  }
0xb0: {  	s6 =	sor.u32 @!p0 $0x4000, s6;
	s5 =	simm.s32 @!p0 $0x1B8D  }
0xb1: {  	s4 =	sshll.u32 @!p0 s4, $0x11;
	s6 =	sadd.s32 @!p0 $0x11B8D, s6;
	_ =	swait.eq @!p0 [sflag:s5], $0x1  }
0xb2: {  	s4 =	sor.u32 @!p0 s4, s6;
	[sflag:s5] =	ssyncadd.s32 @!p0 $0xFFFFFFFF  }
0xb3: {  	s25 =	simm.s32 $0x1B8E;
	s24 =	sld [smem:$0x3FFE];
	[sflag:s4] =	ssyncadd.remote.s32 @!p0 $0x1  }
0xb4: {  	s26 =	simm.s32 $execute0_lowered;
	[smem:$0x3FD2] =	sst s25  }
0xb5: {  	s5 =	sshll.u32 s26, $0x1;
	_ =	strace $0x8000004C;
	[dreg:$0x1] =	wrdreg $0xFFFFFFFF  }
0xb6: {  	s28 =	simm.s32 $_size_execute0_lowered;
	s3 =	sadd.s32 s3, s5;
	[dreg:$0x0] =	wrdreg $0x0  }
0xb7: {  	s5 =	sshll.u32 s28, $0x1;
	[dreg:$0x2] =	wrdreg s3  }
0xb8: {  	[dreg:$0x3] =	wrdreg s5  }
0xb9: {  	[dreg:$0x4] =	wrdreg $0xC0  }
0xba: {  	_ =	task [dreg:s22], $0x5FFFF  }
0xbb: {  	[dreg:$0x1] =	wrdreg $0xFFFFFFFF  }
0xbc: {  	[dreg:$0x0] =	wrdreg $0x60  }
0xbd: {  	[dreg:$0x2] =	wrdreg s24  }
0xbe: {  	[dreg:$0x3] =	wrdreg $0x79000  }
0xbf: {  	[dreg:$0x4] =	wrdreg $0xA  }
0xc0: {  	_ =	task.clear_ibuf [dreg:s22], $0x5FFFF;
	_ =	strace $0x9000004C  }
0xc1: {  	s29 =	simm.s32 $0xA;
	_ =	strace $0x8000004E  }
0xc2: {  	_ =	swait.ge [sflag:s29], $0x1  }
0xc3: {  	[sflag:s29] =	ssyncadd.s32 $0xFFFFFFFF  }
0xc4: {  	_ =	strace $0x9000004E  }
0xc5: {  	_ =	sfence  }
0xc6: {  	s30 =	sld [smem:$0x0];
	_ =	sdelay $0x2  }
0xc7: {  	s31 =	sshll.u32 s1, $0xD;
	s1 =	sshrl.u32 s1, $0x2  }
0xc8: {  	s4 =	sand.u32 $0x4000, s31;
	s1 =	sadd.s32 s1, s30  }
0xc9: {  	s0 =	sor.u32 s4, s0;
	s1 =	sshll.u32 s1, $0x11  }
0xca: {  	s0 =	sor.u32 s1, s0  }
0xcb: {  	s0 =	sadd.s32 $0x8F2B, s0  }
0xcc: {  	[sflag:s0] =	ssyncadd.remote.s32 $0x1  }
0xcd: {  	_ =	sfence.sel $0xFFFF  }
0xce: {  	[dreg:$0x0] =	wrdreg $0xFFFFFFFF;
	(pc) =	sbr.abs _section_cstart, $3  }
0xcf: {  	[dreg:$0x1] =	wrdreg $0xFFFFFFFF  }
0xd0: {  	_ =	task.clear_ibuf [dreg:s22], $0x2FFFF;
	_ =	strace $0x9FFFFFFF  }
0xd1: {  	(tm) =	ssettm $0x7FFFFFFF  }
tec
execute0_lowered:
.L_overlay_start_1:
0x0: {  	(tag) =	ssettag $0x1  }
0x1: {  	s0 =	rddreg [dreg:$0x0]  }
0x2: {  	s1 =	rddreg [dreg:$0x1];
	s2 =	simm.s32 $0x0;
	s4 =	stileid.u32  }
0x3: {  	s8 =	srdreg.scid;
	s28 =	simm.s32 $0x5100;
	s29 =	simm.s32 $0x100  }
0x4: {  	s30 =	simm.s32 $0x1;
	s31 =	simm.s32 $0x3;
	s3 =	sadd.s32 $0x9E6C00, s0  }
0x5: {  	[smem:$0x7FF] =	sst s2;
	s5 =	sadd.s32 $0x13DCC00, s0;
	s6 =	sadd.s32 $0x6A00, s0  }
0x6: {  	s7 =	sadd.s32 $0xBC00, s0;
	s9 =	smul.u32 $0x2780, s4;
	s10 =	sadd.s32 $0x9E2A00, s0  }
0x7: {  	s15 =	sadd.s32 $0x5FE00, s0;
	s8 =	sand.u32 $0x1, s8;
	s17 =	smul.u32 $0x4F000, s4  }
0x8: {  	s14 =	smul.u32 $0x28A00, s4;
	_ =	strace $0x8000004D;
	[dreg:$0x4] =	wrdreg s10  }
0x9: {  	s25 =	smul.u32 $0x514, s4;
	s26 =	sshll.u32 s4, $0x6;
	[dreg:$0x5] =	wrdreg s15  }
0xa: {  	s16 =	ssub.s32 $0x2, s8;
	s15 =	smul.u32 $0x28A0, s4;
	p0 =	seq.s32 s8, $0x1  }
0xb: {  	[dreg:$0x3] =	wrdreg s9;
	s12 =	sadd.s32 s9, s0;
	s0 =	sadd.s32 $0xAEE00, s0  }
0xc: {  	s18 =	sshrl.u32 s16, $0x1;
	s19 =	sshrl.u32 s17, $0x2;
	s11 =	sadd.s32 s3, s14  }
0xd: {  	s14 =	sadd.s32 s5, s14;
	[dreg:$0x6] =	wrdreg s0;
	s0 =	ssub.s32 s16, s18  }
0xe: {  	s20 =	sadd.s32 s19, s1;
	s13 =	sshrl.u32 s15, $0x3;
	s9 =	sadd.s32 $0x10E00, s12  }
0xf: {  	s21 =	sadd.s32 $0x38600, s12;
	s22 =	sadd.s32 $0x87600, s12;
	s23 =	sadd.s32 $0x2850, s15  }
0x10: {  	s12 =	simm.s32 $0x4;
	s15 =	simm.s32 $0x0;
	[dreg:$0x7] =	wrdreg s20  }
0x11: {  	s10 =	sadd.s32 s6, s13;
	[dreg:$0x8] =	wrdreg s21;
	s13 =	sadd.s32 s7, s13  }
0x12: {  	[dreg:$0x9] =	wrdreg s22;
	s16 =	smax.u32 s0, $0x1;
	s24 =	sshrl.u32 s23, $0x3  }
0x13: {  	s0 =	sshll.u32 s23, $0x4;
	s21 =	sadd.s32 s25, s6;
	s22 =	sor.u32 $0x1C05, s26  }
.Ltmp0:
0x14: {  	s26 =	simm.s32 $0x5;
	s17 =	sadd.s32 s6, s24;
	(pc) =	sbr.rel .LBB2_1-.Ltmp0, $4  }
0x15: {  	s3 =	sadd.s32 s3, s0;
	s19 =	sadd.s32 s7, s24;
	s0 =	sadd.s32 s5, s0  }
0x16: {  	s5 =	sadd.s32 $0x14, s21;
	s24 =	sadd.s32 s25, s7;
	[dreg:$0xa] =	wrdreg s3  }
0x17: {  	s6 =	simm.s32 $0x50;
	s7 =	simm.s32 $0x2;
	[dreg:$0xb] =	wrdreg s0  }
0x18: {  	s25 =	sadd.s32 $0x14, s24;
	s0 =	simm.s32 $0x80;
	s3 =	simm.s32 $0x2900  }
.LBB2_11:
0x19: {  	[sflag:s26] =	ssyncadd.s32 $0xFFFFD800;
	s23 =	smov.u32 s19;
	s20 =	rddreg [dreg:$0x6]  }
.LBB2_12:
0x1a: {  	_ =	swait.ge [sflag:s30], $0x50  }
0x1b: {  	[sflag:s30] =	ssyncset.done $0x0  }
0x1c: {  	[sflag:s30] =	ssyncadd.s32 $0xFFFFFFB0  }
0x1d: {  	[tilespmem:s0], [sflag:$0x2] =	stream.linear.gather [hbm4b:s23+s2], $0x50, $0x38;
	[tilespmem:$0x1B500] =	vst v63  }
0x1e: {  	_ = 	snop  }
0x1f: {  	[spmem:s1] =	stream.indirect.scatter.add.f32 [tilespmem:s28], [sflag:$0x5], $0x80, s2, s6, $0xb8;
	[tilespmem:$0x1B500] =	vst v63  }
0x20: {  	_ =	swait.ge [sflag:s26], $0x2800  }
0x21: {  	[sflag:s26] =	ssyncset.done $0x0  }
0x22: {  	[sflag:s26] =	ssyncadd.s32 $0xFFFFD800  }
0x23: {  	_ =	swait.ge [sflag:s7], $0x50  }
0x24: {  	[sflag:s7] =	ssyncset.done $0x0  }
0x25: {  	[sflag:s7] =	ssyncadd.s32 $0xFFFFFFB0  }
0x26: {  	[spmem:s1] =	stream.indirect.scatter.add.f32 [tilespmem:s28], [sflag:$0x5], $0x80, s0, s6, $0xb8;
	[tilespmem:$0x1B500] =	vst v63  }
0x27: {  	_ =	swait.ge [sflag:s26], $0x2800  }
0x28: {  	s15 =	sadd.s32 $0x1, s15;
	[sflag:s26] =	ssyncset.done $0x0  }
0x29: {  	p1 =	sne.s32 s15, s16;
	s4 =	rddreg [dreg:$0x3];
	[sflag:s26] =	ssyncadd.s32 $0xFFFFD800  }
.Ltmp1:
0x2a: {  	s4 =	sadd.s32 s20, s4;
	[bflag:$0x0] =	sbarrier.arrive $0xFFFF;
	(pc) =	sbr.rel @!p1 .LBB2_13-.Ltmp1, $4  }
0x2b: {  	[hbm:s4], [sflag:s22] =	dma.local [spmem:s18], $0x2780  }
0x2c: {  	_ =	swait.ge [sflag:s26], $0x2780  }
0x2d: {  	[sflag:s26] =	ssyncset.done $0x0  }
0x2e: {  	[sflag:s26] =	ssyncadd.s32 $0xFFFFD880  }
.LBB2_1:
0x2f: {  	s4 =	rddreg [dreg:$0x7]  }
0x30: {  	s18 =	sshrl.u32 s4, $0x3  }
0x31: {  	[spmem:s18], [sflag:s22] =	dma.local [hbm:s9], $0x2780  }
0x32: {  	_ =	swait.ge [sflag:s26], $0x2780  }
0x33: {  	[sflag:s26] =	ssyncset.done $0x0  }
0x34: {  	s23 =	rddreg [dreg:$0x4];
	[sflag:s26] =	ssyncadd.s32 $0xFFFFD880  }
0x35: {  	[tilespmem:s28], [sflag:$0x5] =	stream.linear.gather [hbm4b:s23+s2], $0x2800, $0x38;
	[tilespmem:$0x1B500] =	vst v63  }
.Ltmp2:
0x36: {  	_ =	swait.ge [sflag:s26], $0x2800;
	(pc) =	sbr.rel @!p0 .LBB2_2-.Ltmp2, $3  }
0x37: {  	[sflag:s26] =	ssyncset.done $0x0  }
0x38: {  	[sflag:s26] =	ssyncadd.s32 $0xFFFFD800  }
0x39: {  	[bflag:$0x0] =	sbarrier.arrive $0xFFFF;
	_ =	sdelay $0x1  }
0x3a: {  	s4 =	simm.s32 $0x0  }
0x3b: {  	[tilespmem:s4], [sflag:$0x1] =	stream.linear.gather [hbm4b:s13+s4], $0x50, $0x38;
	[tilespmem:$0x1B500] =	vst v63  }
0x3c: {  	_ = 	snop  }
0x3d: {  	[tilespmem:s29], [sflag:$0x3] =	stream.linear.gather [hbm4b:s14+s4], $0x2800, $0x38;
	[tilespmem:$0x1B500] =	vst v63  }
0x3e: {  	_ =	swait.ge [sflag:s30], $0x50  }
0x3f: {  	[sflag:s30] =	ssyncset.done $0x0  }
0x40: {  	[sflag:s30] =	ssyncadd.s32 $0xFFFFFFB0  }
0x41: {  	_ =	swait.ge [sflag:s31], $0x2800  }
0x42: {  	[sflag:s31] =	ssyncset.done $0x0  }
0x43: {  	s23 =	sadd.s32 $0xFFFFFFF6, s25;
	s8 =	sadd.s32 $0x0, s14;
	[sflag:s31] =	ssyncadd.s32 $0xFFFFD800  }
0x44: {  	[tilespmem:s0], [sflag:$0x2] =	stream.linear.gather [hbm4b:s23+s2], $0x50, $0x38;
	[tilespmem:$0x1B500] =	vst v63  }
0x45: {  	s20 =	sadd.s32 $0x500, s8  }
0x46: {  	[tilespmem:s3], [sflag:$0x4] =	stream.linear.gather [hbm4b:s20+s2], $0x2800, $0x38;
	[tilespmem:$0x1B500] =	vst v63  }
0x47: {  	_ = 	snop  }
0x48: {  	[spmem:s1] =	stream.indirect.scatter.add.f32 [tilespmem:s29], [sflag:$0x5], $0x80, s2, s6, $0xb8;
	[tilespmem:$0x1B500] =	vst v63  }
0x49: {  	_ =	swait.ge [sflag:s26], $0x2800  }
0x4a: {  	[sflag:s26] =	ssyncset.done $0x0  }
0x4b: {  	[sflag:s26] =	ssyncadd.s32 $0xFFFFD800  }
0x4c: {  	_ =	swait.ge [sflag:s7], $0x50  }
0x4d: {  	[sflag:s7] =	ssyncset.done $0x0  }
0x4e: {  	[sflag:s7] =	ssyncadd.s32 $0xFFFFFFB0  }
0x4f: {  	_ =	swait.ge [sflag:s12], $0x2800  }
0x50: {  	[sflag:s12] =	ssyncset.done $0x0  }
0x51: {  	[sflag:s12] =	ssyncadd.s32 $0xFFFFD800  }
0x52: {  	[tilespmem:s2], [sflag:$0x1] =	stream.linear.gather [hbm4b:s25+s2], $0x50, $0x38;
	[tilespmem:$0x1B500] =	vst v63  }
0x53: {  	s23 =	sadd.s32 $0xA00, s8  }
0x54: {  	[tilespmem:s29], [sflag:$0x3] =	stream.linear.gather [hbm4b:s23+s2], $0x2800, $0x38;
	[tilespmem:$0x1B500] =	vst v63  }
0x55: {  	_ = 	snop  }
0x56: {  	[spmem:s1] =	stream.indirect.scatter.add.f32 [tilespmem:s3], [sflag:$0x5], $0x80, s0, s6, $0xb8;
	[tilespmem:$0x1B500] =	vst v63  }
0x57: {  	_ =	swait.ge [sflag:s26], $0x2800  }
0x58: {  	s20 =	simm.s32 $0xA00;
	s23 =	smov.u32 s25;
	[sflag:s26] =	ssyncset.done $0x0  }
.LBB2_8:
0x59: {  	p1 =	sne.s32 s20, $0x27600;
	[sflag:s26] =	ssyncadd.s32 $0xFFFFD800;
	s23 =	sadd.s32 $0x14, s23  }
0x5a: {  	s4 =	smov.u32 s20;
	s20 =	sadd.s32 $0xA00, s20  }
0x5b: {  	_ =	swait.ge [sflag:s30], $0x50  }
0x5c: {  	[sflag:s30] =	ssyncset.done $0x0  }
0x5d: {  	[sflag:s30] =	ssyncadd.s32 $0xFFFFFFB0  }
0x5e: {  	_ =	swait.ge [sflag:s31], $0x2800  }
0x5f: {  	[sflag:s31] =	ssyncset.done $0x0  }
0x60: {  	s8 =	sadd.s32 $0xFFFFFFF6, s23;
	s4 =	sadd.s32 s4, s14;
	[sflag:s31] =	ssyncadd.s32 $0xFFFFD800  }
0x61: {  	[tilespmem:s0], [sflag:$0x2] =	stream.linear.gather [hbm4b:s8+s2], $0x50, $0x38;
	[tilespmem:$0x1B500] =	vst v63  }
0x62: {  	s8 =	sadd.s32 $0x500, s4  }
0x63: {  	[tilespmem:s3], [sflag:$0x4] =	stream.linear.gather [hbm4b:s8+s2], $0x2800, $0x38;
	[tilespmem:$0x1B500] =	vst v63  }
0x64: {  	_ = 	snop  }
0x65: {  	[spmem:s1] =	stream.indirect.scatter.add.f32 [tilespmem:s29], [sflag:$0x5], $0x80, s2, s6, $0xb8;
	[tilespmem:$0x1B500] =	vst v63  }
0x66: {  	_ =	swait.ge [sflag:s26], $0x2800  }
0x67: {  	[sflag:s26] =	ssyncset.done $0x0  }
0x68: {  	[sflag:s26] =	ssyncadd.s32 $0xFFFFD800  }
0x69: {  	_ =	swait.ge [sflag:s7], $0x50  }
0x6a: {  	[sflag:s7] =	ssyncset.done $0x0  }
0x6b: {  	[sflag:s7] =	ssyncadd.s32 $0xFFFFFFB0  }
0x6c: {  	_ =	swait.ge [sflag:s12], $0x2800  }
0x6d: {  	[sflag:s12] =	ssyncset.done $0x0  }
0x6e: {  	[sflag:s12] =	ssyncadd.s32 $0xFFFFD800  }
0x6f: {  	[tilespmem:s2], [sflag:$0x1] =	stream.linear.gather [hbm4b:s23+s2], $0x50, $0x38;
	[tilespmem:$0x1B500] =	vst v63  }
0x70: {  	s4 =	sadd.s32 $0xA00, s4  }
0x71: {  	[tilespmem:s29], [sflag:$0x3] =	stream.linear.gather [hbm4b:s4+s2], $0x2800, $0x38;
	[tilespmem:$0x1B500] =	vst v63  }
.Ltmp3:
0x72: {  	_ = 	snop;
	(pc) =	sbr.rel @p1 .LBB2_8-.Ltmp3, $4  }
0x73: {  	_ = 	snop  }
0x74: {  	[spmem:s1] =	stream.indirect.scatter.add.f32 [tilespmem:s3], [sflag:$0x5], $0x80, s0, s6, $0xb8;
	[tilespmem:$0x1B500] =	vst v63  }
0x75: {  	_ =	swait.ge [sflag:s26], $0x2800  }
0x76: {  	[sflag:s26] =	ssyncset.done $0x0  }
0x77: {  	[sflag:s26] =	ssyncadd.s32 $0xFFFFD800  }
0x78: {  	_ =	swait.ge [sflag:s30], $0x50  }
0x79: {  	[sflag:s30] =	ssyncset.done $0x0  }
0x7a: {  	[sflag:s30] =	ssyncadd.s32 $0xFFFFFFB0  }
0x7b: {  	_ =	swait.ge [sflag:s31], $0x2800  }
0x7c: {  	[sflag:s31] =	ssyncset.done $0x0  }
0x7d: {  	[sflag:s31] =	ssyncadd.s32 $0xFFFFD800  }
0x7e: {  	[tilespmem:s0], [sflag:$0x2] =	stream.linear.gather [hbm4b:s19+s2], $0x50, $0x38;
	[tilespmem:$0x1B500] =	vst v63  }
0x7f: {  	s4 =	rddreg [dreg:$0xb]  }
0x80: {  	[tilespmem:s3], [sflag:$0x4] =	stream.linear.gather [hbm4b:s4+s2], $0x2800, $0x38;
	[tilespmem:$0x1B500] =	vst v63  }
0x81: {  	_ = 	snop  }
0x82: {  	[spmem:s1] =	stream.indirect.scatter.add.f32 [tilespmem:s29], [sflag:$0x5], $0x80, s2, s6, $0xb8;
	[tilespmem:$0x1B500] =	vst v63  }
0x83: {  	_ =	swait.ge [sflag:s26], $0x2800  }
0x84: {  	[sflag:s26] =	ssyncset.done $0x0  }
0x85: {  	[sflag:s26] =	ssyncadd.s32 $0xFFFFD800  }
0x86: {  	_ =	swait.ge [sflag:s7], $0x50  }
0x87: {  	[sflag:s7] =	ssyncset.done $0x0  }
0x88: {  	[sflag:s7] =	ssyncadd.s32 $0xFFFFFFB0  }
0x89: {  	_ =	swait.ge [sflag:s12], $0x2800  }
0x8a: {  	[sflag:s12] =	ssyncset.done $0x0  }
0x8b: {  	[sflag:s12] =	ssyncadd.s32 $0xFFFFD800  }
0x8c: {  	[spmem:s1] =	stream.indirect.scatter.add.f32 [tilespmem:s3], [sflag:$0x5], $0x80, s0, s6, $0xb8;
	[tilespmem:$0x1B500] =	vst v63  }
0x8d: {  	_ =	swait.ge [sflag:s26], $0x2800  }
0x8e: {  	[sflag:s26] =	ssyncset.done $0x0  }
0x8f: {  	[sflag:s26] =	ssyncadd.s32 $0xFFFFD800  }
0x90: {  	[bflag:$0x0] =	sbarrier.arrive $0xFFFF  }
0x91: {  	s20 =	rddreg [dreg:$0x9]  }
0x92: {  	[hbm:s20], [sflag:s22] =	dma.local [spmem:s18], $0x2780  }
0x93: {  	_ =	swait.ge [sflag:s26], $0x2780  }
0x94: {  	[sflag:s26] =	ssyncset.done $0x0  }
0x95: {  	[sflag:s26] =	ssyncadd.s32 $0xFFFFD880  }
0x96: {  	[bflag:$0x0] =	sbarrier.arrive $0xFFFF  }
0x97: {  	[spmem:s18], [sflag:s22] =	dma.local [hbm:s9], $0x2780  }
0x98: {  	_ =	swait.ge [sflag:s26], $0x2780  }
0x99: {  	[sflag:s26] =	ssyncset.done $0x0  }
0x9a: {  	[sflag:s26] =	ssyncadd.s32 $0xFFFFD880  }
0x9b: {  	[bflag:$0x0] =	sbarrier.arrive $0xFFFF  }
0x9c: {  	[tilespmem:s2], [sflag:$0x1] =	stream.linear.gather [hbm4b:s13+s2], $0x50, $0x38;
	[tilespmem:$0x1B500] =	vst v63  }
0x9d: {  	_ =	swait.ge [sflag:s30], $0x50  }
0x9e: {  	s23 =	sadd.s32 $0xFFFFFB00, s24;
	[sflag:s30] =	ssyncset.done $0x0  }
0x9f: {  	s8 =	sadd.s32 $0x50A, s23;
	[sflag:s30] =	ssyncadd.s32 $0xFFFFFFB0  }
0xa0: {  	[tilespmem:s0], [sflag:$0x2] =	stream.linear.gather [hbm4b:s8+s2], $0x50, $0x38;
	[tilespmem:$0x1B500] =	vst v63  }
0xa1: {  	_ = 	snop  }
0xa2: {  	[spmem:s1] =	stream.indirect.scatter.add.f32 [tilespmem:s28], [sflag:$0x5], $0x80, s2, s6, $0xb8;
	[tilespmem:$0x1B500] =	vst v63  }
0xa3: {  	_ =	swait.ge [sflag:s26], $0x2800  }
0xa4: {  	[sflag:s26] =	ssyncset.done $0x0  }
0xa5: {  	[sflag:s26] =	ssyncadd.s32 $0xFFFFD800  }
0xa6: {  	_ =	swait.ge [sflag:s7], $0x50  }
0xa7: {  	[sflag:s7] =	ssyncset.done $0x0  }
0xa8: {  	s4 =	sadd.s32 $0x514, s23;
	[sflag:s7] =	ssyncadd.s32 $0xFFFFFFB0  }
0xa9: {  	[tilespmem:s2], [sflag:$0x1] =	stream.linear.gather [hbm4b:s4+s2], $0x50, $0x38;
	[tilespmem:$0x1B500] =	vst v63  }
0xaa: {  	_ = 	snop  }
0xab: {  	[spmem:s1] =	stream.indirect.scatter.add.f32 [tilespmem:s28], [sflag:$0x5], $0x80, s0, s6, $0xb8;
	[tilespmem:$0x1B500] =	vst v63  }
0xac: {  	_ =	swait.ge [sflag:s26], $0x2800  }
0xad: {  	s20 =	simm.s32 $0xFFFFFB14;
	[sflag:s26] =	ssyncset.done $0x0  }
.LBB2_10:
0xae: {  	p1 =	sne.s32 s20, $0xFFFFFFEC  }
0xaf: {  	[sflag:s26] =	ssyncadd.s32 $0xFFFFD800;
	s4 =	smov.u32 s20;
	s20 =	sadd.s32 $0x14, s20  }
0xb0: {  	_ = 	snop  }
0xb1: {  	_ =	swait.ge [sflag:s30], $0x50  }
0xb2: {  	s4 =	sadd.s32 s4, s24;
	[sflag:s30] =	ssyncset.done $0x0  }
0xb3: {  	s8 =	sadd.s32 $0x50A, s4;
	[sflag:s30] =	ssyncadd.s32 $0xFFFFFFB0  }
0xb4: {  	[tilespmem:s0], [sflag:$0x2] =	stream.linear.gather [hbm4b:s8+s2], $0x50, $0x38;
	[tilespmem:$0x1B500] =	vst v63  }
0xb5: {  	_ = 	snop  }
0xb6: {  	[spmem:s1] =	stream.indirect.scatter.add.f32 [tilespmem:s28], [sflag:$0x5], $0x80, s2, s6, $0xb8;
	[tilespmem:$0x1B500] =	vst v63  }
0xb7: {  	_ =	swait.ge [sflag:s26], $0x2800  }
0xb8: {  	[sflag:s26] =	ssyncset.done $0x0  }
0xb9: {  	[sflag:s26] =	ssyncadd.s32 $0xFFFFD800  }
0xba: {  	_ =	swait.ge [sflag:s7], $0x50  }
0xbb: {  	[sflag:s7] =	ssyncset.done $0x0  }
0xbc: {  	s4 =	sadd.s32 $0x514, s4;
	[sflag:s7] =	ssyncadd.s32 $0xFFFFFFB0  }
0xbd: {  	[tilespmem:s2], [sflag:$0x1] =	stream.linear.gather [hbm4b:s4+s2], $0x50, $0x38;
	[tilespmem:$0x1B500] =	vst v63  }
.Ltmp4:
0xbe: {  	_ = 	snop;
	(pc) =	sbr.rel @p1 .LBB2_10-.Ltmp4, $4  }
0xbf: {  	_ = 	snop  }
0xc0: {  	[spmem:s1] =	stream.indirect.scatter.add.f32 [tilespmem:s28], [sflag:$0x5], $0x80, s0, s6, $0xb8;
	[tilespmem:$0x1B500] =	vst v63  }
0xc1: {  	_ =	swait.ge [sflag:s26], $0x2800  }
0xc2: {  	[sflag:s26] =	ssyncset.done $0x0  }
.Ltmp5:
0xc3: {  	_ = 	snop;
	(pc) =	sbr.rel .LBB2_11-.Ltmp5, $1  }
0xc4: {  	_ =	sdelay $0x3  }
.LBB2_2:
0xc5: {  	s20 =	simm.s32 $0x0  }
0xc6: {  	[tilespmem:s20], [sflag:$0x1] =	stream.linear.gather [hbm4b:s10+s20], $0x50, $0x38;
	[tilespmem:$0x1B500] =	vst v63  }
0xc7: {  	_ = 	snop  }
0xc8: {  	[tilespmem:s29], [sflag:$0x3] =	stream.linear.gather [hbm4b:s11+s20], $0x2800, $0x38;
	[tilespmem:$0x1B500] =	vst v63  }
0xc9: {  	_ =	swait.ge [sflag:s30], $0x50  }
0xca: {  	[sflag:s30] =	ssyncset.done $0x0  }
0xcb: {  	[sflag:s30] =	ssyncadd.s32 $0xFFFFFFB0  }
0xcc: {  	_ =	swait.ge [sflag:s31], $0x2800  }
0xcd: {  	[sflag:s31] =	ssyncset.done $0x0  }
0xce: {  	s4 =	sadd.s32 $0xFFFFFFF6, s5;
	s23 =	sadd.s32 $0x0, s11;
	[sflag:s31] =	ssyncadd.s32 $0xFFFFD800  }
0xcf: {  	[tilespmem:s0], [sflag:$0x2] =	stream.linear.gather [hbm4b:s4+s2], $0x50, $0x38;
	[tilespmem:$0x1B500] =	vst v63  }
0xd0: {  	s8 =	sadd.s32 $0x500, s23  }
0xd1: {  	[tilespmem:s3], [sflag:$0x4] =	stream.linear.gather [hbm4b:s8+s2], $0x2800, $0x38;
	[tilespmem:$0x1B500] =	vst v63  }
0xd2: {  	_ = 	snop  }
0xd3: {  	[spmem:s1] =	stream.indirect.scatter.add.f32 [tilespmem:s29], [sflag:$0x5], $0x80, s2, s6, $0xb8;
	[tilespmem:$0x1B500] =	vst v63  }
0xd4: {  	_ =	swait.ge [sflag:s26], $0x2800  }
0xd5: {  	[sflag:s26] =	ssyncset.done $0x0  }
0xd6: {  	[sflag:s26] =	ssyncadd.s32 $0xFFFFD800  }
0xd7: {  	_ =	swait.ge [sflag:s7], $0x50  }
0xd8: {  	[sflag:s7] =	ssyncset.done $0x0  }
0xd9: {  	[sflag:s7] =	ssyncadd.s32 $0xFFFFFFB0  }
0xda: {  	_ =	swait.ge [sflag:s12], $0x2800  }
0xdb: {  	[sflag:s12] =	ssyncset.done $0x0  }
0xdc: {  	[sflag:s12] =	ssyncadd.s32 $0xFFFFD800  }
0xdd: {  	[tilespmem:s2], [sflag:$0x1] =	stream.linear.gather [hbm4b:s5+s2], $0x50, $0x38;
	[tilespmem:$0x1B500] =	vst v63  }
0xde: {  	s23 =	sadd.s32 $0xA00, s23  }
0xdf: {  	[tilespmem:s29], [sflag:$0x3] =	stream.linear.gather [hbm4b:s23+s2], $0x2800, $0x38;
	[tilespmem:$0x1B500] =	vst v63  }
0xe0: {  	_ = 	snop  }
0xe1: {  	[spmem:s1] =	stream.indirect.scatter.add.f32 [tilespmem:s3], [sflag:$0x5], $0x80, s0, s6, $0xb8;
	[tilespmem:$0x1B500] =	vst v63  }
0xe2: {  	_ =	swait.ge [sflag:s26], $0x2800  }
0xe3: {  	s20 =	simm.s32 $0xA00;
	s23 =	smov.u32 s5;
	[sflag:s26] =	ssyncset.done $0x0  }
.LBB2_3:
0xe4: {  	p1 =	sne.s32 s20, $0x27600;
	[sflag:s26] =	ssyncadd.s32 $0xFFFFD800;
	s23 =	sadd.s32 $0x14, s23  }
0xe5: {  	s8 =	smov.u32 s20;
	s20 =	sadd.s32 $0xA00, s20  }
0xe6: {  	_ =	swait.ge [sflag:s30], $0x50  }
0xe7: {  	[sflag:s30] =	ssyncset.done $0x0  }
0xe8: {  	[sflag:s30] =	ssyncadd.s32 $0xFFFFFFB0  }
0xe9: {  	_ =	swait.ge [sflag:s31], $0x2800  }
0xea: {  	[sflag:s31] =	ssyncset.done $0x0  }
0xeb: {  	s4 =	sadd.s32 $0xFFFFFFF6, s23;
	s8 =	sadd.s32 s8, s11;
	[sflag:s31] =	ssyncadd.s32 $0xFFFFD800  }
0xec: {  	[tilespmem:s0], [sflag:$0x2] =	stream.linear.gather [hbm4b:s4+s2], $0x50, $0x38;
	[tilespmem:$0x1B500] =	vst v63  }
0xed: {  	s4 =	sadd.s32 $0x500, s8  }
0xee: {  	[tilespmem:s3], [sflag:$0x4] =	stream.linear.gather [hbm4b:s4+s2], $0x2800, $0x38;
	[tilespmem:$0x1B500] =	vst v63  }
0xef: {  	_ = 	snop  }
0xf0: {  	[spmem:s1] =	stream.indirect.scatter.add.f32 [tilespmem:s29], [sflag:$0x5], $0x80, s2, s6, $0xb8;
	[tilespmem:$0x1B500] =	vst v63  }
0xf1: {  	_ =	swait.ge [sflag:s26], $0x2800  }
0xf2: {  	[sflag:s26] =	ssyncset.done $0x0  }
0xf3: {  	[sflag:s26] =	ssyncadd.s32 $0xFFFFD800  }
0xf4: {  	_ =	swait.ge [sflag:s7], $0x50  }
0xf5: {  	[sflag:s7] =	ssyncset.done $0x0  }
0xf6: {  	[sflag:s7] =	ssyncadd.s32 $0xFFFFFFB0  }
0xf7: {  	_ =	swait.ge [sflag:s12], $0x2800  }
0xf8: {  	[sflag:s12] =	ssyncset.done $0x0  }
0xf9: {  	[sflag:s12] =	ssyncadd.s32 $0xFFFFD800  }
0xfa: {  	[tilespmem:s2], [sflag:$0x1] =	stream.linear.gather [hbm4b:s23+s2], $0x50, $0x38;
	[tilespmem:$0x1B500] =	vst v63  }
0xfb: {  	s4 =	sadd.s32 $0xA00, s8  }
0xfc: {  	[tilespmem:s29], [sflag:$0x3] =	stream.linear.gather [hbm4b:s4+s2], $0x2800, $0x38;
	[tilespmem:$0x1B500] =	vst v63  }
.Ltmp6:
0xfd: {  	_ = 	snop;
	(pc) =	sbr.rel @p1 .LBB2_3-.Ltmp6, $4  }
0xfe: {  	_ = 	snop  }
0xff: {  	[spmem:s1] =	stream.indirect.scatter.add.f32 [tilespmem:s3], [sflag:$0x5], $0x80, s0, s6, $0xb8;
	[tilespmem:$0x1B500] =	vst v63  }
0x100: {  	_ =	swait.ge [sflag:s26], $0x2800  }
0x101: {  	[sflag:s26] =	ssyncset.done $0x0  }
0x102: {  	[sflag:s26] =	ssyncadd.s32 $0xFFFFD800  }
0x103: {  	_ =	swait.ge [sflag:s30], $0x50  }
0x104: {  	[sflag:s30] =	ssyncset.done $0x0  }
0x105: {  	[sflag:s30] =	ssyncadd.s32 $0xFFFFFFB0  }
0x106: {  	_ =	swait.ge [sflag:s31], $0x2800  }
0x107: {  	[sflag:s31] =	ssyncset.done $0x0  }
0x108: {  	[sflag:s31] =	ssyncadd.s32 $0xFFFFD800  }
0x109: {  	[tilespmem:s0], [sflag:$0x2] =	stream.linear.gather [hbm4b:s17+s2], $0x50, $0x38;
	[tilespmem:$0x1B500] =	vst v63  }
0x10a: {  	s4 =	rddreg [dreg:$0xa]  }
0x10b: {  	[tilespmem:s3], [sflag:$0x4] =	stream.linear.gather [hbm4b:s4+s2], $0x2800, $0x38;
	[tilespmem:$0x1B500] =	vst v63  }
0x10c: {  	_ = 	snop  }
0x10d: {  	[spmem:s1] =	stream.indirect.scatter.add.f32 [tilespmem:s29], [sflag:$0x5], $0x80, s2, s6, $0xb8;
	[tilespmem:$0x1B500] =	vst v63  }
0x10e: {  	_ =	swait.ge [sflag:s26], $0x2800  }
0x10f: {  	[sflag:s26] =	ssyncset.done $0x0  }
0x110: {  	[sflag:s26] =	ssyncadd.s32 $0xFFFFD800  }
0x111: {  	_ =	swait.ge [sflag:s7], $0x50  }
0x112: {  	[sflag:s7] =	ssyncset.done $0x0  }
0x113: {  	[sflag:s7] =	ssyncadd.s32 $0xFFFFFFB0  }
0x114: {  	_ =	swait.ge [sflag:s12], $0x2800  }
0x115: {  	[sflag:s12] =	ssyncset.done $0x0  }
0x116: {  	[sflag:s12] =	ssyncadd.s32 $0xFFFFD800  }
0x117: {  	[spmem:s1] =	stream.indirect.scatter.add.f32 [tilespmem:s3], [sflag:$0x5], $0x80, s0, s6, $0xb8;
	[tilespmem:$0x1B500] =	vst v63  }
0x118: {  	_ =	swait.ge [sflag:s26], $0x2800  }
0x119: {  	[sflag:s26] =	ssyncset.done $0x0  }
0x11a: {  	[sflag:s26] =	ssyncadd.s32 $0xFFFFD800  }
0x11b: {  	[bflag:$0x0] =	sbarrier.arrive $0xFFFF  }
0x11c: {  	s20 =	rddreg [dreg:$0x8]  }
0x11d: {  	[hbm:s20], [sflag:s22] =	dma.local [spmem:s18], $0x2780  }
0x11e: {  	_ =	swait.ge [sflag:s26], $0x2780  }
0x11f: {  	[sflag:s26] =	ssyncset.done $0x0  }
0x120: {  	[sflag:s26] =	ssyncadd.s32 $0xFFFFD880  }
0x121: {  	[bflag:$0x0] =	sbarrier.arrive $0xFFFF  }
0x122: {  	[spmem:s18], [sflag:s22] =	dma.local [hbm:s9], $0x2780  }
0x123: {  	_ =	swait.ge [sflag:s26], $0x2780  }
0x124: {  	[sflag:s26] =	ssyncset.done $0x0  }
0x125: {  	[sflag:s26] =	ssyncadd.s32 $0xFFFFD880  }
0x126: {  	[bflag:$0x0] =	sbarrier.arrive $0xFFFF  }
0x127: {  	[tilespmem:s2], [sflag:$0x1] =	stream.linear.gather [hbm4b:s10+s2], $0x50, $0x38;
	[tilespmem:$0x1B500] =	vst v63  }
0x128: {  	_ =	swait.ge [sflag:s30], $0x50  }
0x129: {  	s23 =	sadd.s32 $0xFFFFFB00, s21;
	[sflag:s30] =	ssyncset.done $0x0  }
0x12a: {  	s8 =	sadd.s32 $0x50A, s23;
	[sflag:s30] =	ssyncadd.s32 $0xFFFFFFB0  }
0x12b: {  	[tilespmem:s0], [sflag:$0x2] =	stream.linear.gather [hbm4b:s8+s2], $0x50, $0x38;
	[tilespmem:$0x1B500] =	vst v63  }
0x12c: {  	_ = 	snop  }
0x12d: {  	[spmem:s1] =	stream.indirect.scatter.add.f32 [tilespmem:s28], [sflag:$0x5], $0x80, s2, s6, $0xb8;
	[tilespmem:$0x1B500] =	vst v63  }
0x12e: {  	_ =	swait.ge [sflag:s26], $0x2800  }
0x12f: {  	[sflag:s26] =	ssyncset.done $0x0  }
0x130: {  	[sflag:s26] =	ssyncadd.s32 $0xFFFFD800  }
0x131: {  	_ =	swait.ge [sflag:s7], $0x50  }
0x132: {  	[sflag:s7] =	ssyncset.done $0x0  }
0x133: {  	s4 =	sadd.s32 $0x514, s23;
	[sflag:s7] =	ssyncadd.s32 $0xFFFFFFB0  }
0x134: {  	[tilespmem:s2], [sflag:$0x1] =	stream.linear.gather [hbm4b:s4+s2], $0x50, $0x38;
	[tilespmem:$0x1B500] =	vst v63  }
0x135: {  	_ = 	snop  }
0x136: {  	[spmem:s1] =	stream.indirect.scatter.add.f32 [tilespmem:s28], [sflag:$0x5], $0x80, s0, s6, $0xb8;
	[tilespmem:$0x1B500] =	vst v63  }
0x137: {  	_ =	swait.ge [sflag:s26], $0x2800  }
0x138: {  	s20 =	simm.s32 $0xFFFFFB14;
	[sflag:s26] =	ssyncset.done $0x0  }
.LBB2_5:
0x139: {  	p1 =	seq.s32 s20, $0xFFFFFFEC  }
0x13a: {  	[sflag:s26] =	ssyncadd.s32 $0xFFFFD800;
	s4 =	smov.u32 s20;
	s20 =	sadd.s32 $0x14, s20  }
0x13b: {  	_ = 	snop  }
0x13c: {  	_ =	swait.ge [sflag:s30], $0x50  }
0x13d: {  	s4 =	sadd.s32 s4, s21;
	[sflag:s30] =	ssyncset.done $0x0  }
0x13e: {  	s8 =	sadd.s32 $0x50A, s4;
	[sflag:s30] =	ssyncadd.s32 $0xFFFFFFB0  }
0x13f: {  	[tilespmem:s0], [sflag:$0x2] =	stream.linear.gather [hbm4b:s8+s2], $0x50, $0x38;
	[tilespmem:$0x1B500] =	vst v63  }
0x140: {  	_ = 	snop  }
0x141: {  	[spmem:s1] =	stream.indirect.scatter.add.f32 [tilespmem:s28], [sflag:$0x5], $0x80, s2, s6, $0xb8;
	[tilespmem:$0x1B500] =	vst v63  }
0x142: {  	_ =	swait.ge [sflag:s26], $0x2800  }
0x143: {  	[sflag:s26] =	ssyncset.done $0x0  }
0x144: {  	[sflag:s26] =	ssyncadd.s32 $0xFFFFD800  }
0x145: {  	_ =	swait.ge [sflag:s7], $0x50  }
0x146: {  	[sflag:s7] =	ssyncset.done $0x0  }
0x147: {  	s4 =	sadd.s32 $0x514, s4;
	[sflag:s7] =	ssyncadd.s32 $0xFFFFFFB0  }
0x148: {  	[tilespmem:s2], [sflag:$0x1] =	stream.linear.gather [hbm4b:s4+s2], $0x50, $0x38;
	[tilespmem:$0x1B500] =	vst v63  }
.Ltmp7:
0x149: {  	_ = 	snop;
	(pc) =	sbr.rel @!p1 .LBB2_5-.Ltmp7, $4  }
0x14a: {  	_ = 	snop  }
0x14b: {  	[spmem:s1] =	stream.indirect.scatter.add.f32 [tilespmem:s28], [sflag:$0x5], $0x80, s0, s6, $0xb8;
	[tilespmem:$0x1B500] =	vst v63  }
0x14c: {  	_ =	swait.ge [sflag:s26], $0x2800  }
0x14d: {  	[sflag:s26] =	ssyncset.done $0x0  }
.Ltmp8:
0x14e: {  	(pc) =	sbr.rel .LBB2_12-.Ltmp8, $2  }
0x14f: {  	_ =	sdelay $0x2  }
0x150: {  	[sflag:s26] =	ssyncadd.s32 $0xFFFFD800;
	s23 =	smov.u32 s17;
	s20 =	rddreg [dreg:$0x5]  }
.LBB2_13:
0x151: {  	_ =	sfence.sel $0x180000  }
0x152: {  	[bflag:$0x0] =	sbarrier.arrive $0xFFFF  }
0x153: {  	_ =	strace $0x9000004D  }
0x154: {  	s0 =	stileid.u32;
	[bflag:$0x2] =	sbarrier.arrive $0xFFFF  }
0x155: {  	p0 =	sne.s32 s0, $0x0;
	s0 =	rddreg [dreg:$0x2]  }
0x156: {  	s0 =	sadd.s32 @!p0 $0x100000, s0  }
0x157: {  	[sflag:s0] =	ssyncadd.tile.s32 @!p0 $0x1;
	_ =	shalt  }
.Lfunc_end2:
_tile_overlayer_lowered:
.L_overlay_start_2:
0x158: {  	(tag) =	ssettag $0x2  }
0x159: {  	s0 =	rddreg [dreg:$0x0];
	s2 =	stileid.u32  }
0x15a: {  	s1 =	rddreg [dreg:$0x1];
	p0 =	sne.s32 s2, $0x0  }
0x15b: {  	s3 =	rddreg [dreg:$0x2];
	[bflag:$0x3] =	sbarrier.arrive $0xFFFF;
	s2 =	simm.s32 @!p0 $0x1C05  }
0x15c: {  	[timem:s3], [sflag:s2] =	dma.local @!p0 [hbm:s0], s1  }
0x15d: {  	s0 =	simm.s32 @!p0 $0x5  }
0x15e: {  	_ =	swait.ge @!p0 [sflag:s0], s1  }
0x15f: {  	s1 =	ssub.s32 @!p0 $0x0, s1;
	[sflag:s0] =	ssyncset.done @!p0 $0x0  }
0x160: {  	[sflag:s0] =	ssyncadd.s32 @!p0 s1  }
0x161: {  	[bflag:$0x3] =	sbarrier.arrive $0xFFFF  }
0x162: {  	_ =	shalt  }

</sc_bundles>
